<compile_context>
chip_gen: v7x
topology: tpu7x:2x2x1
jax: 0.10.2.dev20260603
libtpu: 0.0.44.dev20260713+nightly
codegen_flags: <defaults>
</compile_context>

<pallas_src>
import jax
import jax.numpy as jnp
from jax import lax
from jax.experimental import pallas as pl
from jax.experimental.pallas import tpu as pltpu
from jax.experimental.pallas import tpu_sc as plsc

N = 10000
D_IN = 256
D_H = 512

NC = 2
NS = 16

NP = 10112
TPW = NP // NS
DUMMY = N

E = 160000
E2 = 163840
BE = 128
NBT = E2 // BE
NB0 = 1024
NB1 = NBT - NB0
NB_T0 = NB0 // NS
NB_T1 = NB1 // NS


def _sc_segment_sum(C, W, with_counts):
  mesh = plsc.VectorSubcoreMesh(core_axis_name="c", subcore_axis_name="s")
  out_type = [jax.ShapeDtypeStruct((NC, C, NP, W), jnp.float32)]
  if with_counts:
    assert W == 128
    out_type.append(jax.ShapeDtypeStruct((NC, NP, 128), jnp.float32))

  scratch = [
      pltpu.VMEM((NB_T0, BE), jnp.int32),
      pltpu.VMEM((NB_T0, BE), jnp.int32),
      pltpu.VMEM((2, BE, W), jnp.float32),
      pltpu.VMEM_SHARED((NP, W), jnp.float32),
      pltpu.SemaphoreType.DMA,
      pltpu.SemaphoreType.DMA,
  ]

  def body(table, src_h, dst_h, zeros_w, *rest):
    if with_counts:
      out, cnt_out, src_all, dst_all, rows, acc, sem0, sem1 = rest
    else:
      out, src_all, dst_all, rows, acc, sem0, sem1 = rest
    cid = lax.axis_index("c")
    sid = lax.axis_index("s")
    b0 = jnp.where(cid == 0, sid * NB_T0, NB0 + sid * NB_T1)
    nb = jnp.where(cid == 0, NB_T0, NB_T1)
    np2 = jnp.where(cid == 0, NB_T0 // 2, NB_T1 // 2)
    row0 = sid * TPW

    @pl.when(cid == 0)
    def _():
      pltpu.sync_copy(src_h.at[pl.ds(b0, NB_T0)], src_all)
      pltpu.sync_copy(dst_h.at[pl.ds(b0, NB_T0)], dst_all)

    @pl.when(cid == 1)
    def _():
      pltpu.sync_copy(src_h.at[pl.ds(b0, NB_T1)],
                      src_all.at[pl.ds(0, NB_T1)])
      pltpu.sync_copy(dst_h.at[pl.ds(b0, NB_T1)],
                      dst_all.at[pl.ds(0, NB_T1)])

    def zero_acc():
      pltpu.sync_copy(zeros_w.at[pl.ds(row0, TPW)], acc.at[pl.ds(row0, TPW)])

    if with_counts:
      def init_ones(r, carry):
        for kk in range(W // 16):
          rows[0, r, pl.ds(kk * 16, 16)] = jnp.ones((16,), jnp.float32)
        return carry
      lax.fori_loop(0, BE, init_ones, 0)
      zero_acc()
      plsc.subcore_barrier()

      def cnt_step(j, carry):
        pltpu.sync_copy(rows.at[0], acc.at[dst_all.at[j]], add=True)
        return carry
      lax.fori_loop(0, nb, cnt_step, 0)
      plsc.subcore_barrier()
      pltpu.sync_copy(acc.at[pl.ds(row0, TPW)],
                      cnt_out.at[cid, pl.ds(row0, TPW)])
      plsc.subcore_barrier()

    for c in range(C):
      if c > 0:
        def shift_row(j, carry):
          for kk in range(BE // 16):
            src_all[j, pl.ds(kk * 16, 16)] = (
                src_all[j, pl.ds(kk * 16, 16)] + jnp.int32(N))
          return carry
        lax.fori_loop(0, nb, shift_row, 0)

      with jax.named_scope("zero"):
        zero_acc()
        plsc.subcore_barrier()

      def pair_step(i, carry):
        j0 = 2 * i
        j1 = 2 * i + 1
        d0 = pltpu.async_copy(table.at[src_all.at[j0]], rows.at[0], sem0)
        d1 = pltpu.async_copy(table.at[src_all.at[j1]], rows.at[1], sem1)
        d0.wait()
        pltpu.sync_copy(rows.at[0], acc.at[dst_all.at[j0]], add=True)
        d1.wait()
        pltpu.sync_copy(rows.at[1], acc.at[dst_all.at[j1]], add=True)
        return carry

      with jax.named_scope("edges"):
        lax.fori_loop(0, np2, pair_step, 0)
        plsc.subcore_barrier()
      with jax.named_scope("writeout"):
        pltpu.sync_copy(acc.at[pl.ds(row0, TPW)],
                        out.at[cid, c, pl.ds(row0, TPW)])
      if c + 1 < C:
        plsc.subcore_barrier()

  return pl.kernel(body, out_type=out_type, mesh=mesh, scratch_types=scratch)


BN = 400


def _tc_sage_layer(parts, cnt_parts, x_chunks, wl_t, wr_t, b, c_in, relu):
  d_in = c_in * 128
  c_out = wl_t.shape[1] // 128

  def body(parts_ref, cnt_ref, x_ref, wl_ref, wr_ref, b_ref, o_ref):
    agg = parts_ref[0] + parts_ref[1]
    aggf = jnp.concatenate([agg[i] for i in range(c_in)], axis=1)
    cnt = cnt_ref[0, :, 0:1] + cnt_ref[1, :, 0:1]
    mean = aggf / jnp.maximum(cnt, 1.0)
    xf = jnp.concatenate([x_ref[i] for i in range(c_in)], axis=1)
    h = (jnp.dot(mean, wl_ref[...], preferred_element_type=jnp.float32)
         + jnp.dot(xf, wr_ref[...], preferred_element_type=jnp.float32)
         + b_ref[0, 0])
    if relu:
      h = jnp.maximum(h, 0.0)
    o_ref[0] = h

  return pl.pallas_call(
      body,
      grid=(c_out, N // BN),
      in_specs=[
          pl.BlockSpec((NC, c_in, BN, 128), lambda c, i: (0, 0, i, 0)),
          pl.BlockSpec((NC, BN, 128), lambda c, i: (0, i, 0)),
          pl.BlockSpec((c_in, BN, 128), lambda c, i: (0, i, 0)),
          pl.BlockSpec((d_in, 128), lambda c, i: (0, c)),
          pl.BlockSpec((d_in, 128), lambda c, i: (0, c)),
          pl.BlockSpec((1, 1, 128), lambda c, i: (c, 0, 0)),
      ],
      out_specs=pl.BlockSpec((1, BN, 128), lambda c, i: (c, i, 0)),
      out_shape=jax.ShapeDtypeStruct((c_out, N, 128), jnp.float32),
  )(parts, cnt_parts, x_chunks, wl_t, wr_t, b)


def _tc_project(h_chunks, wl2_t128, wr2_t16):
  def body(h_ref, wl_ref, wr_ref, zl_ref, zr_ref):
    hf = jnp.concatenate([h_ref[i] for i in range(4)], axis=1)
    zl_ref[...] = jnp.dot(hf, wl_ref[...], preferred_element_type=jnp.float32)
    zr_ref[...] = jnp.dot(hf, wr_ref[...], preferred_element_type=jnp.float32)

  return pl.pallas_call(
      body,
      grid=(N // BN,),
      in_specs=[
          pl.BlockSpec((4, BN, 128), lambda i: (0, i, 0)),
          pl.BlockSpec((D_H, 128), lambda i: (0, 0)),
          pl.BlockSpec((D_H, 16), lambda i: (0, 0)),
      ],
      out_specs=[
          pl.BlockSpec((BN, 128), lambda i: (i, 0)),
          pl.BlockSpec((BN, 16), lambda i: (i, 0)),
      ],
      out_shape=[
          jax.ShapeDtypeStruct((N, 128), jnp.float32),
          jax.ShapeDtypeStruct((N, 16), jnp.float32),
      ],
  )(h_chunks, wl2_t128, wr2_t16)


def _tc_final(z_parts, cnt_parts, zr, b2_16):
  def body(zp_ref, cnt_ref, zr_ref, b_ref, o_ref):
    zagg = (zp_ref[0, 0] + zp_ref[1, 0])[:, 0:16]
    cnt = (cnt_ref[0] + cnt_ref[1])[:, 0:16]
    mean = zagg / jnp.maximum(cnt, 1.0)
    o_ref[...] = jax.nn.sigmoid(mean + zr_ref[...] + b_ref[0])

  return pl.pallas_call(
      body,
      grid=(N // BN,),
      in_specs=[
          pl.BlockSpec((NC, 1, BN, 128), lambda i: (0, 0, i, 0)),
          pl.BlockSpec((NC, BN, 128), lambda i: (0, i, 0)),
          pl.BlockSpec((BN, 16), lambda i: (i, 0)),
          pl.BlockSpec((1, 16), lambda i: (0, 0)),
      ],
      out_specs=pl.BlockSpec((BN, 16), lambda i: (i, 0)),
      out_shape=jax.ShapeDtypeStruct((N, 16), jnp.float32),
  )(z_parts, cnt_parts, zr, b2_16)


def kernel(x, edge_index, Wl0, Wr0, b0, Wl1, Wr1, b1, Wl2, Wr2, b2):
  pad = E2 - E
  src = jnp.concatenate(
      [edge_index[0], jnp.zeros((pad,), jnp.int32)]).reshape(NBT, BE)
  dst = jnp.concatenate(
      [edge_index[1], jnp.full((pad,), DUMMY, jnp.int32)]).reshape(NBT, BE)
  x_flat = x.reshape(N, 2, 128).transpose(1, 0, 2).reshape(2 * N, 128)
  x_chunks = x_flat.reshape(2, N, 128)
  zeros128 = jnp.zeros((NP, 128), jnp.float32)
  wl0_t = Wl0.T
  wr0_t = Wr0.T
  b0_r = b0.reshape(4, 1, 128)
  wl1_t = Wl1.T
  wr1_t = Wr1.T
  b1_r = b1.reshape(4, 1, 128)
  wl2_t128 = jnp.pad(Wl2.T, ((0, 0), (0, 127)))
  wr2_t16 = jnp.pad(Wr2.T, ((0, 0), (0, 15)))
  b2_16 = jnp.broadcast_to(b2.reshape(1, 1), (1, 16))

  agg0_parts, cnt_parts = _sc_segment_sum(2, 128, True)(
      x_flat, src, dst, zeros128)
  h0 = _tc_sage_layer(agg0_parts, cnt_parts, x_chunks, wl0_t, wr0_t, b0_r,
                      c_in=2, relu=True)

  (agg1_parts,) = _sc_segment_sum(4, 128, False)(
      h0.reshape(4 * N, 128), src, dst, zeros128)
  h1 = _tc_sage_layer(agg1_parts, cnt_parts, h0, wl1_t, wr1_t, b1_r,
                      c_in=4, relu=True)

  zl, zr = _tc_project(h1, wl2_t128, wr2_t16)
  (z_parts,) = _sc_segment_sum(1, 128, False)(zl, src, dst, zeros128)
  out16 = _tc_final(z_parts, cnt_parts, zr, b2_16)
  return out16[:, 0:1]

# --- scband reference (transcript-rebuilt; emitter-appended) ---
"""Pipeline reference for scband-gig-guard-graph-sage-56839597195649 (READ-ONLY COPY).

The authoritative reference and input builder live on the scoring server;
editing this copy changes nothing except your own understanding.
"""

import jax, jax.numpy as jnp
import numpy as np

N = 10000
E = 160000
D_IN = 256
D_H = 512
D_OUT = 1


def setup_inputs(seed: int = 0) -> dict:
    key = jax.random.key(seed)
    ks = jax.random.split(key, 12)
    x = jax.random.normal(ks[0], (N, D_IN), dtype=jnp.float32)
    edge_index = jax.random.randint(ks[1], (2, E), 0, N, dtype=jnp.int32)
    def lin(k, out_d, in_d):
        return jax.random.normal(k, (out_d, in_d), dtype=jnp.float32) * (1.0 / np.sqrt(in_d))
    inp = {
        "x": x,
        "edge_index": edge_index,
        "Wl0": lin(ks[2], D_H, D_IN),
        "Wr0": lin(ks[3], D_H, D_IN),
        "b0": jnp.zeros((D_H,), dtype=jnp.float32),
        "Wl1": lin(ks[4], D_H, D_H),
        "Wr1": lin(ks[5], D_H, D_H),
        "b1": jnp.zeros((D_H,), dtype=jnp.float32),
        "Wl2": lin(ks[6], D_OUT, D_H),
        "Wr2": lin(ks[7], D_OUT, D_H),
        "b2": jnp.zeros((D_OUT,), dtype=jnp.float32),
    }
    return inp


def _sage_conv(x, edge_index, Wl, Wr, b):
    # PyG SAGEConv (aggr='mean', root_weight=True): out = lin_l(mean_j x_j) + lin_r(x)
    src = edge_index[0]
    dst = edge_index[1]
    msgs = jnp.take(x, src, axis=0)
    agg = jax.ops.segment_sum(msgs, dst, num_segments=N)
    cnt = jax.ops.segment_sum(jnp.ones((edge_index.shape[1], 1), dtype=x.dtype), dst, num_segments=N)
    mean = agg / jnp.maximum(cnt, 1.0)
    return mean @ Wl.T + b + x @ Wr.T


def reference(x, edge_index, Wl0, Wr0, b0, Wl1, Wr1, b1, Wl2, Wr2, b2):
    h = jax.nn.relu(_sage_conv(x, edge_index, Wl0, Wr0, b0))
    h = jax.nn.relu(_sage_conv(h, edge_index, Wl1, Wr1, b1))
    logits = _sage_conv(h, edge_index, Wl2, Wr2, b2)
    return jax.nn.sigmoid(logits)

if __name__ == "__main__":
    import jax
    _d = setup_inputs()
    print(jax.jit(kernel)(*tuple(_d.values())))

</pallas_src>

<mosaic_0001>
#map = affine_map<(d0, d1) -> (0, 0)>
#map1 = affine_map<(d0, d1) -> (0, 0, 0, 0)>
module attributes {stable_mosaic.version = 14 : i64} {
  func.func @body(%arg0: i32, %arg1: i32, %arg2: memref<10000x128xf32, #tpu.memory_space<hbm>>, %arg3: memref<1280x128xi32, #tpu.memory_space<hbm>>, %arg4: memref<1280x128xi32, #tpu.memory_space<hbm>>, %arg5: memref<10112x128xf32, #tpu.memory_space<hbm>>, %arg6: memref<2x1x10112x128xf32, #tpu.memory_space<hbm>>, %arg7: memref<64x128xi32, #tpu.memory_space<vmem>>, %arg8: memref<64x128xi32, #tpu.memory_space<vmem>>, %arg9: memref<2x128x128xf32, #tpu.memory_space<vmem>>, %arg10: memref<10112x128xf32, #tpu.memory_space<vmem_shared>>, %arg11: memref<!tpu.dma_semaphore, #tpu.memory_space<semaphore_mem>>, %arg12: memref<!tpu.dma_semaphore, #tpu.memory_space<semaphore_mem>>) attributes {dimension_semantics = [#tpu.dimension_semantics<core_parallel>, #tpu.dimension_semantics<subcore_parallel>], iteration_bounds = array<i64: 2, 16>, scalar_prefetch = 0 : i64, scratch_operands = 6 : i64, tpu.core_type = #tpu.core_type<sc_vector_subcore>, window_params = [{transform_indices = #map}, {transform_indices = #map}, {transform_indices = #map}, {transform_indices = #map}, {transform_indices = #map1}]} {
    %eq3A = arith.constant 0 : i32
    %eq3A_0 = arith.cmpi eq, %arg0, %eq3A : i32
    %mul3A = arith.constant 64 : i32
    %mul3A_1 = arith.muli %arg1, %mul3A : i32
    %mul3A_2 = arith.constant 16 : i32
    %mul3A_3 = arith.muli %arg1, %mul3A_2 : i32
    %add3A = arith.constant 1024 : i32
    %add3A_4 = arith.addi %add3A, %mul3A_3 : i32
    %select_n3A = arith.select %eq3A_0, %mul3A_1, %add3A_4 : i32
    %eq3A_5 = arith.constant 0 : i32
    %eq3A_6 = arith.cmpi eq, %arg0, %eq3A_5 : i32
    %jit3A = arith.constant 64 : i32
    %jit3A_7 = arith.constant 16 : i32
    %select_n3A_8 = arith.select %eq3A_6, %jit3A, %jit3A_7 : i32
    %eq3A_9 = arith.constant 0 : i32
    %eq3A_10 = arith.cmpi eq, %arg0, %eq3A_9 : i32
    %jit3A_11 = arith.constant 32 : i32
    %jit3A_12 = arith.constant 8 : i32
    %select_n3A_13 = arith.select %eq3A_10, %jit3A_11, %jit3A_12 : i32
    %mul3A_14 = arith.constant 632 : i32
    %mul3A_15 = arith.muli %arg1, %mul3A_14 : i32
    %eq3A_16 = arith.constant 0 : i32
    %eq3A_17 = arith.cmpi eq, %arg0, %eq3A_16 : i32
    %convert_element_type3A = arith.extui %eq3A_17 : i1 to i32
    %cond3A = arith.constant 0 : i32
    %cond3A_18 = arith.cmpi ne, %convert_element_type3A, %cond3A : i32
    scf.if %cond3A_18 {
      "tpu.region"() ({
        %run_scoped3A_34 = tpu.sem_alloc : memref<!tpu.dma_semaphore, #tpu.memory_space<semaphore_mem>>
        %dma_start3A = arith.constant 0 : i32
        %dma_start3A_35 = tpu.memref_slice %arg3[%select_n3A, %dma_start3A] : memref<1280x128xi32, #tpu.memory_space<hbm>> -> memref<64x128xi32, #tpu.memory_space<hbm>>
        %dma_start3A_36 = arith.constant 0 : i32
        %dma_start3A_37 = tpu.memref_slice %arg3[%select_n3A, %dma_start3A_36] : memref<1280x128xi32, #tpu.memory_space<hbm>> -> memref<64x128xi32, #tpu.memory_space<hbm>>
        tpu.enqueue_dma source(%dma_start3A_37 : memref<64x128xi32, #tpu.memory_space<hbm>>) target(%arg7 : memref<64x128xi32, #tpu.memory_space<vmem>>) target_semaphore(%run_scoped3A_34 : memref<!tpu.dma_semaphore, #tpu.memory_space<semaphore_mem>>)
        %dma_wait3A = arith.constant 0 : i32
        %dma_wait3A_38 = tpu.memref_slice %arg3[%select_n3A, %dma_wait3A] : memref<1280x128xi32, #tpu.memory_space<hbm>> -> memref<64x128xi32, #tpu.memory_space<hbm>>
        %dma_wait3A_39 = arith.constant 0 : i32
        %dma_wait3A_40 = tpu.memref_slice %arg3[%select_n3A, %dma_wait3A_39] : memref<1280x128xi32, #tpu.memory_space<hbm>> -> memref<64x128xi32, #tpu.memory_space<hbm>>
        tpu.wait_dma2 semaphore(%run_scoped3A_34 : memref<!tpu.dma_semaphore, #tpu.memory_space<semaphore_mem>>) src(%dma_wait3A_40 : memref<64x128xi32, #tpu.memory_space<hbm>>) dst(%arg7 : memref<64x128xi32, #tpu.memory_space<vmem>>)
        tpu.yield
      }) : () -> ()
      "tpu.region"() ({
        %run_scoped3A_34 = tpu.sem_alloc : memref<!tpu.dma_semaphore, #tpu.memory_space<semaphore_mem>>
        %dma_start3A = arith.constant 0 : i32
        %dma_start3A_35 = tpu.memref_slice %arg4[%select_n3A, %dma_start3A] : memref<1280x128xi32, #tpu.memory_space<hbm>> -> memref<64x128xi32, #tpu.memory_space<hbm>>
        %dma_start3A_36 = arith.constant 0 : i32
        %dma_start3A_37 = tpu.memref_slice %arg4[%select_n3A, %dma_start3A_36] : memref<1280x128xi32, #tpu.memory_space<hbm>> -> memref<64x128xi32, #tpu.memory_space<hbm>>
        tpu.enqueue_dma source(%dma_start3A_37 : memref<64x128xi32, #tpu.memory_space<hbm>>) target(%arg8 : memref<64x128xi32, #tpu.memory_space<vmem>>) target_semaphore(%run_scoped3A_34 : memref<!tpu.dma_semaphore, #tpu.memory_space<semaphore_mem>>)
        %dma_wait3A = arith.constant 0 : i32
        %dma_wait3A_38 = tpu.memref_slice %arg4[%select_n3A, %dma_wait3A] : memref<1280x128xi32, #tpu.memory_space<hbm>> -> memref<64x128xi32, #tpu.memory_space<hbm>>
        %dma_wait3A_39 = arith.constant 0 : i32
        %dma_wait3A_40 = tpu.memref_slice %arg4[%select_n3A, %dma_wait3A_39] : memref<1280x128xi32, #tpu.memory_space<hbm>> -> memref<64x128xi32, #tpu.memory_space<hbm>>
        tpu.wait_dma2 semaphore(%run_scoped3A_34 : memref<!tpu.dma_semaphore, #tpu.memory_space<semaphore_mem>>) src(%dma_wait3A_40 : memref<64x128xi32, #tpu.memory_space<hbm>>) dst(%arg8 : memref<64x128xi32, #tpu.memory_space<vmem>>)
        tpu.yield
      }) : () -> ()
    } else {
    }
    %eq3A_19 = arith.constant 1 : i32
    %eq3A_20 = arith.cmpi eq, %arg0, %eq3A_19 : i32
    %convert_element_type3A_21 = arith.extui %eq3A_20 : i1 to i32
    %cond3A_22 = arith.constant 0 : i32
    %cond3A_23 = arith.cmpi ne, %convert_element_type3A_21, %cond3A_22 : i32
    scf.if %cond3A_23 {
      "tpu.region"() ({
        %run_scoped3A_34 = tpu.sem_alloc : memref<!tpu.dma_semaphore, #tpu.memory_space<semaphore_mem>>
        %dma_start3A = arith.constant 0 : i32
        %dma_start3A_35 = arith.constant 0 : i32
        %dma_start3A_36 = tpu.memref_slice %arg7[%dma_start3A, %dma_start3A_35] : memref<64x128xi32, #tpu.memory_space<vmem>> -> memref<16x128xi32, #tpu.memory_space<vmem>>
        %dma_start3A_37 = arith.constant 0 : i32
        %dma_start3A_38 = tpu.memref_slice %arg3[%select_n3A, %dma_start3A_37] : memref<1280x128xi32, #tpu.memory_space<hbm>> -> memref<16x128xi32, #tpu.memory_space<hbm>>
        %dma_start3A_39 = arith.constant 0 : i32
        %dma_start3A_40 = arith.constant 0 : i32
        %dma_start3A_41 = tpu.memref_slice %arg7[%dma_start3A_39, %dma_start3A_40] : memref<64x128xi32, #tpu.memory_space<vmem>> -> memref<16x128xi32, #tpu.memory_space<vmem>>
        %dma_start3A_42 = arith.constant 0 : i32
        %dma_start3A_43 = tpu.memref_slice %arg3[%select_n3A, %dma_start3A_42] : memref<1280x128xi32, #tpu.memory_space<hbm>> -> memref<16x128xi32, #tpu.memory_space<hbm>>
        tpu.enqueue_dma source(%dma_start3A_43 : memref<16x128xi32, #tpu.memory_space<hbm>>) target(%dma_start3A_41 : memref<16x128xi32, #tpu.memory_space<vmem>>) target_semaphore(%run_scoped3A_34 : memref<!tpu.dma_semaphore, #tpu.memory_space<semaphore_mem>>)
        %dma_wait3A = arith.constant 0 : i32
        %dma_wait3A_44 = arith.constant 0 : i32
        %dma_wait3A_45 = tpu.memref_slice %arg7[%dma_wait3A, %dma_wait3A_44] : memref<64x128xi32, #tpu.memory_space<vmem>> -> memref<16x128xi32, #tpu.memory_space<vmem>>
        %dma_wait3A_46 = arith.constant 0 : i32
        %dma_wait3A_47 = tpu.memref_slice %arg3[%select_n3A, %dma_wait3A_46] : memref<1280x128xi32, #tpu.memory_space<hbm>> -> memref<16x128xi32, #tpu.memory_space<hbm>>
        %dma_wait3A_48 = arith.constant 0 : i32
        %dma_wait3A_49 = arith.constant 0 : i32
        %dma_wait3A_50 = tpu.memref_slice %arg7[%dma_wait3A_48, %dma_wait3A_49] : memref<64x128xi32, #tpu.memory_space<vmem>> -> memref<16x128xi32, #tpu.memory_space<vmem>>
        %dma_wait3A_51 = arith.constant 0 : i32
        %dma_wait3A_52 = tpu.memref_slice %arg3[%select_n3A, %dma_wait3A_51] : memref<1280x128xi32, #tpu.memory_space<hbm>> -> memref<16x128xi32, #tpu.memory_space<hbm>>
        tpu.wait_dma2 semaphore(%run_scoped3A_34 : memref<!tpu.dma_semaphore, #tpu.memory_space<semaphore_mem>>) src(%dma_wait3A_52 : memref<16x128xi32, #tpu.memory_space<hbm>>) dst(%dma_wait3A_50 : memref<16x128xi32, #tpu.memory_space<vmem>>)
        tpu.yield
      }) : () -> ()
      "tpu.region"() ({
        %run_scoped3A_34 = tpu.sem_alloc : memref<!tpu.dma_semaphore, #tpu.memory_space<semaphore_mem>>
        %dma_start3A = arith.constant 0 : i32
        %dma_start3A_35 = arith.constant 0 : i32
        %dma_start3A_36 = tpu.memref_slice %arg8[%dma_start3A, %dma_start3A_35] : memref<64x128xi32, #tpu.memory_space<vmem>> -> memref<16x128xi32, #tpu.memory_space<vmem>>
        %dma_start3A_37 = arith.constant 0 : i32
        %dma_start3A_38 = tpu.memref_slice %arg4[%select_n3A, %dma_start3A_37] : memref<1280x128xi32, #tpu.memory_space<hbm>> -> memref<16x128xi32, #tpu.memory_space<hbm>>
        %dma_start3A_39 = arith.constant 0 : i32
        %dma_start3A_40 = arith.constant 0 : i32
        %dma_start3A_41 = tpu.memref_slice %arg8[%dma_start3A_39, %dma_start3A_40] : memref<64x128xi32, #tpu.memory_space<vmem>> -> memref<16x128xi32, #tpu.memory_space<vmem>>
        %dma_start3A_42 = arith.constant 0 : i32
        %dma_start3A_43 = tpu.memref_slice %arg4[%select_n3A, %dma_start3A_42] : memref<1280x128xi32, #tpu.memory_space<hbm>> -> memref<16x128xi32, #tpu.memory_space<hbm>>
        tpu.enqueue_dma source(%dma_start3A_43 : memref<16x128xi32, #tpu.memory_space<hbm>>) target(%dma_start3A_41 : memref<16x128xi32, #tpu.memory_space<vmem>>) target_semaphore(%run_scoped3A_34 : memref<!tpu.dma_semaphore, #tpu.memory_space<semaphore_mem>>)
        %dma_wait3A = arith.constant 0 : i32
        %dma_wait3A_44 = arith.constant 0 : i32
        %dma_wait3A_45 = tpu.memref_slice %arg8[%dma_wait3A, %dma_wait3A_44] : memref<64x128xi32, #tpu.memory_space<vmem>> -> memref<16x128xi32, #tpu.memory_space<vmem>>
        %dma_wait3A_46 = arith.constant 0 : i32
        %dma_wait3A_47 = tpu.memref_slice %arg4[%select_n3A, %dma_wait3A_46] : memref<1280x128xi32, #tpu.memory_space<hbm>> -> memref<16x128xi32, #tpu.memory_space<hbm>>
        %dma_wait3A_48 = arith.constant 0 : i32
        %dma_wait3A_49 = arith.constant 0 : i32
        %dma_wait3A_50 = tpu.memref_slice %arg8[%dma_wait3A_48, %dma_wait3A_49] : memref<64x128xi32, #tpu.memory_space<vmem>> -> memref<16x128xi32, #tpu.memory_space<vmem>>
        %dma_wait3A_51 = arith.constant 0 : i32
        %dma_wait3A_52 = tpu.memref_slice %arg4[%select_n3A, %dma_wait3A_51] : memref<1280x128xi32, #tpu.memory_space<hbm>> -> memref<16x128xi32, #tpu.memory_space<hbm>>
        tpu.wait_dma2 semaphore(%run_scoped3A_34 : memref<!tpu.dma_semaphore, #tpu.memory_space<semaphore_mem>>) src(%dma_wait3A_52 : memref<16x128xi32, #tpu.memory_space<hbm>>) dst(%dma_wait3A_50 : memref<16x128xi32, #tpu.memory_space<vmem>>)
        tpu.yield
      }) : () -> ()
    } else {
    }
    "tpu.trace_start"() <{level = 10 : i32, message = "zero"}> : () -> ()
    "tpu.region"() ({
      %run_scoped3A_34 = tpu.sem_alloc : memref<!tpu.dma_semaphore, #tpu.memory_space<semaphore_mem>>
      %dma_start3A = arith.constant 0 : i32
      %dma_start3A_35 = tpu.memref_slice %arg10[%mul3A_15, %dma_start3A] : memref<10112x128xf32, #tpu.memory_space<vmem_shared>> -> memref<632x128xf32, #tpu.memory_space<vmem_shared>>
      %dma_start3A_36 = arith.constant 0 : i32
      %dma_start3A_37 = tpu.memref_slice %arg5[%mul3A_15, %dma_start3A_36] : memref<10112x128xf32, #tpu.memory_space<hbm>> -> memref<632x128xf32, #tpu.memory_space<hbm>>
      tpu.enqueue_dma source(%dma_start3A_37 : memref<632x128xf32, #tpu.memory_space<hbm>>) target(%dma_start3A_35 : memref<632x128xf32, #tpu.memory_space<vmem_shared>>) target_semaphore(%run_scoped3A_34 : memref<!tpu.dma_semaphore, #tpu.memory_space<semaphore_mem>>)
      %dma_wait3A = arith.constant 0 : i32
      %dma_wait3A_38 = tpu.memref_slice %arg10[%mul3A_15, %dma_wait3A] : memref<10112x128xf32, #tpu.memory_space<vmem_shared>> -> memref<632x128xf32, #tpu.memory_space<vmem_shared>>
      %dma_wait3A_39 = arith.constant 0 : i32
      %dma_wait3A_40 = tpu.memref_slice %arg5[%mul3A_15, %dma_wait3A_39] : memref<10112x128xf32, #tpu.memory_space<hbm>> -> memref<632x128xf32, #tpu.memory_space<hbm>>
      tpu.wait_dma2 semaphore(%run_scoped3A_34 : memref<!tpu.dma_semaphore, #tpu.memory_space<semaphore_mem>>) src(%dma_wait3A_40 : memref<632x128xf32, #tpu.memory_space<hbm>>) dst(%dma_wait3A_38 : memref<632x128xf32, #tpu.memory_space<vmem_shared>>)
      tpu.yield
    }) : () -> ()
    %barrier3A = arith.constant 0 : index
    tpu.barrier barrier_id(%barrier3A)
    %while3A = arith.constant 0 : i32
    %while3A_24 = arith.constant 0 : i32
    "tpu.trace_stop"() : () -> ()
    "tpu.trace_start"() <{level = 10 : i32, message = "edges"}> : () -> ()
    %while3A_25 = arith.subi %select_n3A_13, %while3A_24 : i32
    %while3A_26 = arith.addi %while3A_24, %while3A_25 : i32
    %while3A_27 = arith.constant 1 : i32
    %while3A_28 = arith.divsi %while3A_25, %while3A_27 : i32
    %while3A_29 = arith.muli %while3A_28, %while3A_27 : i32
    %while3A_30 = arith.addi %while3A_24, %while3A_29 : i32
    %while3A_31 = arith.constant 1 : i32
    scf.for %while3A_34 = %while3A_24 to %while3A_30 step %while3A_31  : i32 {
      %mul3A_35 = arith.constant 2 : i32
      %mul3A_36 = arith.muli %mul3A_35, %while3A_34 : i32
      %mul3A_37 = arith.constant 2 : i32
      %mul3A_38 = arith.muli %mul3A_37, %while3A_34 : i32
      %add3A_39 = arith.constant 1 : i32
      %add3A_40 = arith.addi %mul3A_38, %add3A_39 : i32
      %dma_start3A = arith.constant 0 : i32
      %dma_start3A_41 = arith.constant 0 : i32
      %dma_start3A_42 = arith.constant 0 : i32
      %dma_start3A_43 = tpu.memref_slice %arg9[%dma_start3A, %dma_start3A_41, %dma_start3A_42] : memref<2x128x128xf32, #tpu.memory_space<vmem>> -> memref<1x128x128xf32, #tpu.memory_space<vmem>>
      %dma_start3A_44 = tpu.memref_squeeze %dma_start3A_43 : memref<1x128x128xf32, #tpu.memory_space<vmem>> -> memref<128x128xf32, #tpu.memory_space<vmem>>
      %dma_start3A_45 = arith.constant 0 : i32
      %dma_start3A_46 = tpu.memref_slice %arg7[%mul3A_36, %dma_start3A_45] : memref<64x128xi32, #tpu.memory_space<vmem>> -> memref<1x128xi32, #tpu.memory_space<vmem>>
      %dma_start3A_47 = tpu.memref_squeeze %dma_start3A_46 : memref<1x128xi32, #tpu.memory_space<vmem>> -> memref<128xi32, #tpu.memory_space<vmem>>
      %dma_start3A_48 = arith.constant 0 : i32
      %dma_start3A_49 = arith.constant 0 : i32
      %dma_start3A_50 = tpu.memref_slice %arg2[%dma_start3A_48, %dma_start3A_49] : memref<10000x128xf32, #tpu.memory_space<hbm>> -> memref<10000x128xf32, #tpu.memory_space<hbm>>
      tpu.enqueue_indirect_dma source(%dma_start3A_50 : memref<10000x128xf32, #tpu.memory_space<hbm>>) target(%dma_start3A_44 : memref<128x128xf32, #tpu.memory_space<vmem>>) offsets(%dma_start3A_47 : memref<128xi32, #tpu.memory_space<vmem>>) semaphore(%arg11 : memref<!tpu.dma_semaphore, #tpu.memory_space<semaphore_mem>>)
      %dma_start3A_51 = arith.constant 1 : i32
      %dma_start3A_52 = arith.constant 0 : i32
      %dma_start3A_53 = arith.constant 0 : i32
      %dma_start3A_54 = tpu.memref_slice %arg9[%dma_start3A_51, %dma_start3A_52, %dma_start3A_53] : memref<2x128x128xf32, #tpu.memory_space<vmem>> -> memref<1x128x128xf32, #tpu.memory_space<vmem>>
      %dma_start3A_55 = tpu.memref_squeeze %dma_start3A_54 : memref<1x128x128xf32, #tpu.memory_space<vmem>> -> memref<128x128xf32, #tpu.memory_space<vmem>>
      %dma_start3A_56 = arith.constant 0 : i32
      %dma_start3A_57 = tpu.memref_slice %arg7[%add3A_40, %dma_start3A_56] : memref<64x128xi32, #tpu.memory_space<vmem>> -> memref<1x128xi32, #tpu.memory_space<vmem>>
      %dma_start3A_58 = tpu.memref_squeeze %dma_start3A_57 : memref<1x128xi32, #tpu.memory_space<vmem>> -> memref<128xi32, #tpu.memory_space<vmem>>
      %dma_start3A_59 = arith.constant 0 : i32
      %dma_start3A_60 = arith.constant 0 : i32
      %dma_start3A_61 = tpu.memref_slice %arg2[%dma_start3A_59, %dma_start3A_60] : memref<10000x128xf32, #tpu.memory_space<hbm>> -> memref<10000x128xf32, #tpu.memory_space<hbm>>
      tpu.enqueue_indirect_dma source(%dma_start3A_61 : memref<10000x128xf32, #tpu.memory_space<hbm>>) target(%dma_start3A_55 : memref<128x128xf32, #tpu.memory_space<vmem>>) offsets(%dma_start3A_58 : memref<128xi32, #tpu.memory_space<vmem>>) semaphore(%arg12 : memref<!tpu.dma_semaphore, #tpu.memory_space<semaphore_mem>>)
      %dma_wait3A = arith.constant 0 : i32
      %dma_wait3A_62 = arith.constant 0 : i32
      %dma_wait3A_63 = arith.constant 0 : i32
      %dma_wait3A_64 = tpu.memref_slice %arg9[%dma_wait3A, %dma_wait3A_62, %dma_wait3A_63] : memref<2x128x128xf32, #tpu.memory_space<vmem>> -> memref<1x128x128xf32, #tpu.memory_space<vmem>>
      %dma_wait3A_65 = tpu.memref_squeeze %dma_wait3A_64 : memref<1x128x128xf32, #tpu.memory_space<vmem>> -> memref<128x128xf32, #tpu.memory_space<vmem>>
      %dma_wait3A_66 = arith.constant 0 : i32
      %dma_wait3A_67 = tpu.memref_slice %arg7[%mul3A_36, %dma_wait3A_66] : memref<64x128xi32, #tpu.memory_space<vmem>> -> memref<1x128xi32, #tpu.memory_space<vmem>>
      %dma_wait3A_68 = tpu.memref_squeeze %dma_wait3A_67 : memref<1x128xi32, #tpu.memory_space<vmem>> -> memref<128xi32, #tpu.memory_space<vmem>>
      %dma_wait3A_69 = arith.constant 0 : i32
      %dma_wait3A_70 = arith.constant 0 : i32
      %dma_wait3A_71 = tpu.memref_slice %arg2[%dma_wait3A_69, %dma_wait3A_70] : memref<10000x128xf32, #tpu.memory_space<hbm>> -> memref<10000x128xf32, #tpu.memory_space<hbm>>
      tpu.wait_indirect_dma semaphore(%arg11 : memref<!tpu.dma_semaphore, #tpu.memory_space<semaphore_mem>>) src(%dma_wait3A_71 : memref<10000x128xf32, #tpu.memory_space<hbm>>) dst(%dma_wait3A_65 : memref<128x128xf32, #tpu.memory_space<vmem>>)
      %run_scoped3A_72 = arith.constant 0 : i32
      "tpu.region"() ({
        %run_scoped3A_85 = tpu.sem_alloc : memref<!tpu.dma_semaphore, #tpu.memory_space<semaphore_mem>>
        %dma_start3A_86 = arith.constant 0 : i32
        %dma_start3A_87 = arith.constant 0 : i32
        %dma_start3A_88 = tpu.memref_slice %arg9[%run_scoped3A_72, %dma_start3A_86, %dma_start3A_87] : memref<2x128x128xf32, #tpu.memory_space<vmem>> -> memref<1x128x128xf32, #tpu.memory_space<vmem>>
        %dma_start3A_89 = tpu.memref_squeeze %dma_start3A_88 : memref<1x128x128xf32, #tpu.memory_space<vmem>> -> memref<128x128xf32, #tpu.memory_space<vmem>>
        %dma_start3A_90 = arith.constant 0 : i32
        %dma_start3A_91 = tpu.memref_slice %arg8[%mul3A_36, %dma_start3A_90] : memref<64x128xi32, #tpu.memory_space<vmem>> -> memref<1x128xi32, #tpu.memory_space<vmem>>
        %dma_start3A_92 = tpu.memref_squeeze %dma_start3A_91 : memref<1x128xi32, #tpu.memory_space<vmem>> -> memref<128xi32, #tpu.memory_space<vmem>>
        %dma_start3A_93 = arith.constant 0 : i32
        %dma_start3A_94 = arith.constant 0 : i32
        %dma_start3A_95 = tpu.memref_slice %arg10[%dma_start3A_93, %dma_start3A_94] : memref<10112x128xf32, #tpu.memory_space<vmem_shared>> -> memref<10112x128xf32, #tpu.memory_space<vmem_shared>>
        tpu.enqueue_indirect_dma source(%dma_start3A_89 : memref<128x128xf32, #tpu.memory_space<vmem>>) target(%dma_start3A_95 : memref<10112x128xf32, #tpu.memory_space<vmem_shared>>) offsets(%dma_start3A_92 : memref<128xi32, #tpu.memory_space<vmem>>) semaphore(%run_scoped3A_85 : memref<!tpu.dma_semaphore, #tpu.memory_space<semaphore_mem>>) {add = true}
        %dma_wait3A_96 = arith.constant 0 : i32
        %dma_wait3A_97 = arith.constant 0 : i32
        %dma_wait3A_98 = tpu.memref_slice %arg9[%run_scoped3A_72, %dma_wait3A_96, %dma_wait3A_97] : memref<2x128x128xf32, #tpu.memory_space<vmem>> -> memref<1x128x128xf32, #tpu.memory_space<vmem>>
        %dma_wait3A_99 = tpu.memref_squeeze %dma_wait3A_98 : memref<1x128x128xf32, #tpu.memory_space<vmem>> -> memref<128x128xf32, #tpu.memory_space<vmem>>
        %dma_wait3A_100 = arith.constant 0 : i32
        %dma_wait3A_101 = tpu.memref_slice %arg8[%mul3A_36, %dma_wait3A_100] : memref<64x128xi32, #tpu.memory_space<vmem>> -> memref<1x128xi32, #tpu.memory_space<vmem>>
        %dma_wait3A_102 = tpu.memref_squeeze %dma_wait3A_101 : memref<1x128xi32, #tpu.memory_space<vmem>> -> memref<128xi32, #tpu.memory_space<vmem>>
        %dma_wait3A_103 = arith.constant 0 : i32
        %dma_wait3A_104 = arith.constant 0 : i32
        %dma_wait3A_105 = tpu.memref_slice %arg10[%dma_wait3A_103, %dma_wait3A_104] : memref<10112x128xf32, #tpu.memory_space<vmem_shared>> -> memref<10112x128xf32, #tpu.memory_space<vmem_shared>>
        tpu.wait_indirect_dma semaphore(%run_scoped3A_85 : memref<!tpu.dma_semaphore, #tpu.memory_space<semaphore_mem>>) src(%dma_wait3A_99 : memref<128x128xf32, #tpu.memory_space<vmem>>) dst(%dma_wait3A_105 : memref<10112x128xf32, #tpu.memory_space<vmem_shared>>)
        tpu.yield
      }) : () -> ()
      %dma_wait3A_73 = arith.constant 1 : i32
      %dma_wait3A_74 = arith.constant 0 : i32
      %dma_wait3A_75 = arith.constant 0 : i32
      %dma_wait3A_76 = tpu.memref_slice %arg9[%dma_wait3A_73, %dma_wait3A_74, %dma_wait3A_75] : memref<2x128x128xf32, #tpu.memory_space<vmem>> -> memref<1x128x128xf32, #tpu.memory_space<vmem>>
      %dma_wait3A_77 = tpu.memref_squeeze %dma_wait3A_76 : memref<1x128x128xf32, #tpu.memory_space<vmem>> -> memref<128x128xf32, #tpu.memory_space<vmem>>
      %dma_wait3A_78 = arith.constant 0 : i32
      %dma_wait3A_79 = tpu.memref_slice %arg7[%add3A_40, %dma_wait3A_78] : memref<64x128xi32, #tpu.memory_space<vmem>> -> memref<1x128xi32, #tpu.memory_space<vmem>>
      %dma_wait3A_80 = tpu.memref_squeeze %dma_wait3A_79 : memref<1x128xi32, #tpu.memory_space<vmem>> -> memref<128xi32, #tpu.memory_space<vmem>>
      %dma_wait3A_81 = arith.constant 0 : i32
      %dma_wait3A_82 = arith.constant 0 : i32
      %dma_wait3A_83 = tpu.memref_slice %arg2[%dma_wait3A_81, %dma_wait3A_82] : memref<10000x128xf32, #tpu.memory_space<hbm>> -> memref<10000x128xf32, #tpu.memory_space<hbm>>
      tpu.wait_indirect_dma semaphore(%arg12 : memref<!tpu.dma_semaphore, #tpu.memory_space<semaphore_mem>>) src(%dma_wait3A_83 : memref<10000x128xf32, #tpu.memory_space<hbm>>) dst(%dma_wait3A_77 : memref<128x128xf32, #tpu.memory_space<vmem>>)
      %run_scoped3A_84 = arith.constant 1 : i32
      "tpu.region"() ({
        %run_scoped3A_85 = tpu.sem_alloc : memref<!tpu.dma_semaphore, #tpu.memory_space<semaphore_mem>>
        %dma_start3A_86 = arith.constant 0 : i32
        %dma_start3A_87 = arith.constant 0 : i32
        %dma_start3A_88 = tpu.memref_slice %arg9[%run_scoped3A_84, %dma_start3A_86, %dma_start3A_87] : memref<2x128x128xf32, #tpu.memory_space<vmem>> -> memref<1x128x128xf32, #tpu.memory_space<vmem>>
        %dma_start3A_89 = tpu.memref_squeeze %dma_start3A_88 : memref<1x128x128xf32, #tpu.memory_space<vmem>> -> memref<128x128xf32, #tpu.memory_space<vmem>>
        %dma_start3A_90 = arith.constant 0 : i32
        %dma_start3A_91 = tpu.memref_slice %arg8[%add3A_40, %dma_start3A_90] : memref<64x128xi32, #tpu.memory_space<vmem>> -> memref<1x128xi32, #tpu.memory_space<vmem>>
        %dma_start3A_92 = tpu.memref_squeeze %dma_start3A_91 : memref<1x128xi32, #tpu.memory_space<vmem>> -> memref<128xi32, #tpu.memory_space<vmem>>
        %dma_start3A_93 = arith.constant 0 : i32
        %dma_start3A_94 = arith.constant 0 : i32
        %dma_start3A_95 = tpu.memref_slice %arg10[%dma_start3A_93, %dma_start3A_94] : memref<10112x128xf32, #tpu.memory_space<vmem_shared>> -> memref<10112x128xf32, #tpu.memory_space<vmem_shared>>
        tpu.enqueue_indirect_dma source(%dma_start3A_89 : memref<128x128xf32, #tpu.memory_space<vmem>>) target(%dma_start3A_95 : memref<10112x128xf32, #tpu.memory_space<vmem_shared>>) offsets(%dma_start3A_92 : memref<128xi32, #tpu.memory_space<vmem>>) semaphore(%run_scoped3A_85 : memref<!tpu.dma_semaphore, #tpu.memory_space<semaphore_mem>>) {add = true}
        %dma_wait3A_96 = arith.constant 0 : i32
        %dma_wait3A_97 = arith.constant 0 : i32
        %dma_wait3A_98 = tpu.memref_slice %arg9[%run_scoped3A_84, %dma_wait3A_96, %dma_wait3A_97] : memref<2x128x128xf32, #tpu.memory_space<vmem>> -> memref<1x128x128xf32, #tpu.memory_space<vmem>>
        %dma_wait3A_99 = tpu.memref_squeeze %dma_wait3A_98 : memref<1x128x128xf32, #tpu.memory_space<vmem>> -> memref<128x128xf32, #tpu.memory_space<vmem>>
        %dma_wait3A_100 = arith.constant 0 : i32
        %dma_wait3A_101 = tpu.memref_slice %arg8[%add3A_40, %dma_wait3A_100] : memref<64x128xi32, #tpu.memory_space<vmem>> -> memref<1x128xi32, #tpu.memory_space<vmem>>
        %dma_wait3A_102 = tpu.memref_squeeze %dma_wait3A_101 : memref<1x128xi32, #tpu.memory_space<vmem>> -> memref<128xi32, #tpu.memory_space<vmem>>
        %dma_wait3A_103 = arith.constant 0 : i32
        %dma_wait3A_104 = arith.constant 0 : i32
        %dma_wait3A_105 = tpu.memref_slice %arg10[%dma_wait3A_103, %dma_wait3A_104] : memref<10112x128xf32, #tpu.memory_space<vmem_shared>> -> memref<10112x128xf32, #tpu.memory_space<vmem_shared>>
        tpu.wait_indirect_dma semaphore(%run_scoped3A_85 : memref<!tpu.dma_semaphore, #tpu.memory_space<semaphore_mem>>) src(%dma_wait3A_99 : memref<128x128xf32, #tpu.memory_space<vmem>>) dst(%dma_wait3A_105 : memref<10112x128xf32, #tpu.memory_space<vmem_shared>>)
        tpu.yield
      }) : () -> ()
    }
    %while3A_32 = arith.constant 1 : i32
    scf.for %while3A_34 = %while3A_30 to %while3A_26 step %while3A_32  : i32 {
      %mul3A_35 = arith.constant 2 : i32
      %mul3A_36 = arith.muli %mul3A_35, %while3A_34 : i32
      %mul3A_37 = arith.constant 2 : i32
      %mul3A_38 = arith.muli %mul3A_37, %while3A_34 : i32
      %add3A_39 = arith.constant 1 : i32
      %add3A_40 = arith.addi %mul3A_38, %add3A_39 : i32
      %dma_start3A = arith.constant 0 : i32
      %dma_start3A_41 = arith.constant 0 : i32
      %dma_start3A_42 = arith.constant 0 : i32
      %dma_start3A_43 = tpu.memref_slice %arg9[%dma_start3A, %dma_start3A_41, %dma_start3A_42] : memref<2x128x128xf32, #tpu.memory_space<vmem>> -> memref<1x128x128xf32, #tpu.memory_space<vmem>>
      %dma_start3A_44 = tpu.memref_squeeze %dma_start3A_43 : memref<1x128x128xf32, #tpu.memory_space<vmem>> -> memref<128x128xf32, #tpu.memory_space<vmem>>
      %dma_start3A_45 = arith.constant 0 : i32
      %dma_start3A_46 = tpu.memref_slice %arg7[%mul3A_36, %dma_start3A_45] : memref<64x128xi32, #tpu.memory_space<vmem>> -> memref<1x128xi32, #tpu.memory_space<vmem>>
      %dma_start3A_47 = tpu.memref_squeeze %dma_start3A_46 : memref<1x128xi32, #tpu.memory_space<vmem>> -> memref<128xi32, #tpu.memory_space<vmem>>
      %dma_start3A_48 = arith.constant 0 : i32
      %dma_start3A_49 = arith.constant 0 : i32
      %dma_start3A_50 = tpu.memref_slice %arg2[%dma_start3A_48, %dma_start3A_49] : memref<10000x128xf32, #tpu.memory_space<hbm>> -> memref<10000x128xf32, #tpu.memory_space<hbm>>
      tpu.enqueue_indirect_dma source(%dma_start3A_50 : memref<10000x128xf32, #tpu.memory_space<hbm>>) target(%dma_start3A_44 : memref<128x128xf32, #tpu.memory_space<vmem>>) offsets(%dma_start3A_47 : memref<128xi32, #tpu.memory_space<vmem>>) semaphore(%arg11 : memref<!tpu.dma_semaphore, #tpu.memory_space<semaphore_mem>>)
      %dma_start3A_51 = arith.constant 1 : i32
      %dma_start3A_52 = arith.constant 0 : i32
      %dma_start3A_53 = arith.constant 0 : i32
      %dma_start3A_54 = tpu.memref_slice %arg9[%dma_start3A_51, %dma_start3A_52, %dma_start3A_53] : memref<2x128x128xf32, #tpu.memory_space<vmem>> -> memref<1x128x128xf32, #tpu.memory_space<vmem>>
      %dma_start3A_55 = tpu.memref_squeeze %dma_start3A_54 : memref<1x128x128xf32, #tpu.memory_space<vmem>> -> memref<128x128xf32, #tpu.memory_space<vmem>>
      %dma_start3A_56 = arith.constant 0 : i32
      %dma_start3A_57 = tpu.memref_slice %arg7[%add3A_40, %dma_start3A_56] : memref<64x128xi32, #tpu.memory_space<vmem>> -> memref<1x128xi32, #tpu.memory_space<vmem>>
      %dma_start3A_58 = tpu.memref_squeeze %dma_start3A_57 : memref<1x128xi32, #tpu.memory_space<vmem>> -> memref<128xi32, #tpu.memory_space<vmem>>
      %dma_start3A_59 = arith.constant 0 : i32
      %dma_start3A_60 = arith.constant 0 : i32
      %dma_start3A_61 = tpu.memref_slice %arg2[%dma_start3A_59, %dma_start3A_60] : memref<10000x128xf32, #tpu.memory_space<hbm>> -> memref<10000x128xf32, #tpu.memory_space<hbm>>
      tpu.enqueue_indirect_dma source(%dma_start3A_61 : memref<10000x128xf32, #tpu.memory_space<hbm>>) target(%dma_start3A_55 : memref<128x128xf32, #tpu.memory_space<vmem>>) offsets(%dma_start3A_58 : memref<128xi32, #tpu.memory_space<vmem>>) semaphore(%arg12 : memref<!tpu.dma_semaphore, #tpu.memory_space<semaphore_mem>>)
      %dma_wait3A = arith.constant 0 : i32
      %dma_wait3A_62 = arith.constant 0 : i32
      %dma_wait3A_63 = arith.constant 0 : i32
      %dma_wait3A_64 = tpu.memref_slice %arg9[%dma_wait3A, %dma_wait3A_62, %dma_wait3A_63] : memref<2x128x128xf32, #tpu.memory_space<vmem>> -> memref<1x128x128xf32, #tpu.memory_space<vmem>>
      %dma_wait3A_65 = tpu.memref_squeeze %dma_wait3A_64 : memref<1x128x128xf32, #tpu.memory_space<vmem>> -> memref<128x128xf32, #tpu.memory_space<vmem>>
      %dma_wait3A_66 = arith.constant 0 : i32
      %dma_wait3A_67 = tpu.memref_slice %arg7[%mul3A_36, %dma_wait3A_66] : memref<64x128xi32, #tpu.memory_space<vmem>> -> memref<1x128xi32, #tpu.memory_space<vmem>>
      %dma_wait3A_68 = tpu.memref_squeeze %dma_wait3A_67 : memref<1x128xi32, #tpu.memory_space<vmem>> -> memref<128xi32, #tpu.memory_space<vmem>>
      %dma_wait3A_69 = arith.constant 0 : i32
      %dma_wait3A_70 = arith.constant 0 : i32
      %dma_wait3A_71 = tpu.memref_slice %arg2[%dma_wait3A_69, %dma_wait3A_70] : memref<10000x128xf32, #tpu.memory_space<hbm>> -> memref<10000x128xf32, #tpu.memory_space<hbm>>
      tpu.wait_indirect_dma semaphore(%arg11 : memref<!tpu.dma_semaphore, #tpu.memory_space<semaphore_mem>>) src(%dma_wait3A_71 : memref<10000x128xf32, #tpu.memory_space<hbm>>) dst(%dma_wait3A_65 : memref<128x128xf32, #tpu.memory_space<vmem>>)
      %run_scoped3A_72 = arith.constant 0 : i32
      "tpu.region"() ({
        %run_scoped3A_85 = tpu.sem_alloc : memref<!tpu.dma_semaphore, #tpu.memory_space<semaphore_mem>>
        %dma_start3A_86 = arith.constant 0 : i32
        %dma_start3A_87 = arith.constant 0 : i32
        %dma_start3A_88 = tpu.memref_slice %arg9[%run_scoped3A_72, %dma_start3A_86, %dma_start3A_87] : memref<2x128x128xf32, #tpu.memory_space<vmem>> -> memref<1x128x128xf32, #tpu.memory_space<vmem>>
        %dma_start3A_89 = tpu.memref_squeeze %dma_start3A_88 : memref<1x128x128xf32, #tpu.memory_space<vmem>> -> memref<128x128xf32, #tpu.memory_space<vmem>>
        %dma_start3A_90 = arith.constant 0 : i32
        %dma_start3A_91 = tpu.memref_slice %arg8[%mul3A_36, %dma_start3A_90] : memref<64x128xi32, #tpu.memory_space<vmem>> -> memref<1x128xi32, #tpu.memory_space<vmem>>
        %dma_start3A_92 = tpu.memref_squeeze %dma_start3A_91 : memref<1x128xi32, #tpu.memory_space<vmem>> -> memref<128xi32, #tpu.memory_space<vmem>>
        %dma_start3A_93 = arith.constant 0 : i32
        %dma_start3A_94 = arith.constant 0 : i32
        %dma_start3A_95 = tpu.memref_slice %arg10[%dma_start3A_93, %dma_start3A_94] : memref<10112x128xf32, #tpu.memory_space<vmem_shared>> -> memref<10112x128xf32, #tpu.memory_space<vmem_shared>>
        tpu.enqueue_indirect_dma source(%dma_start3A_89 : memref<128x128xf32, #tpu.memory_space<vmem>>) target(%dma_start3A_95 : memref<10112x128xf32, #tpu.memory_space<vmem_shared>>) offsets(%dma_start3A_92 : memref<128xi32, #tpu.memory_space<vmem>>) semaphore(%run_scoped3A_85 : memref<!tpu.dma_semaphore, #tpu.memory_space<semaphore_mem>>) {add = true}
        %dma_wait3A_96 = arith.constant 0 : i32
        %dma_wait3A_97 = arith.constant 0 : i32
        %dma_wait3A_98 = tpu.memref_slice %arg9[%run_scoped3A_72, %dma_wait3A_96, %dma_wait3A_97] : memref<2x128x128xf32, #tpu.memory_space<vmem>> -> memref<1x128x128xf32, #tpu.memory_space<vmem>>
        %dma_wait3A_99 = tpu.memref_squeeze %dma_wait3A_98 : memref<1x128x128xf32, #tpu.memory_space<vmem>> -> memref<128x128xf32, #tpu.memory_space<vmem>>
        %dma_wait3A_100 = arith.constant 0 : i32
        %dma_wait3A_101 = tpu.memref_slice %arg8[%mul3A_36, %dma_wait3A_100] : memref<64x128xi32, #tpu.memory_space<vmem>> -> memref<1x128xi32, #tpu.memory_space<vmem>>
        %dma_wait3A_102 = tpu.memref_squeeze %dma_wait3A_101 : memref<1x128xi32, #tpu.memory_space<vmem>> -> memref<128xi32, #tpu.memory_space<vmem>>
        %dma_wait3A_103 = arith.constant 0 : i32
        %dma_wait3A_104 = arith.constant 0 : i32
        %dma_wait3A_105 = tpu.memref_slice %arg10[%dma_wait3A_103, %dma_wait3A_104] : memref<10112x128xf32, #tpu.memory_space<vmem_shared>> -> memref<10112x128xf32, #tpu.memory_space<vmem_shared>>
        tpu.wait_indirect_dma semaphore(%run_scoped3A_85 : memref<!tpu.dma_semaphore, #tpu.memory_space<semaphore_mem>>) src(%dma_wait3A_99 : memref<128x128xf32, #tpu.memory_space<vmem>>) dst(%dma_wait3A_105 : memref<10112x128xf32, #tpu.memory_space<vmem_shared>>)
        tpu.yield
      }) : () -> ()
      %dma_wait3A_73 = arith.constant 1 : i32
      %dma_wait3A_74 = arith.constant 0 : i32
      %dma_wait3A_75 = arith.constant 0 : i32
      %dma_wait3A_76 = tpu.memref_slice %arg9[%dma_wait3A_73, %dma_wait3A_74, %dma_wait3A_75] : memref<2x128x128xf32, #tpu.memory_space<vmem>> -> memref<1x128x128xf32, #tpu.memory_space<vmem>>
      %dma_wait3A_77 = tpu.memref_squeeze %dma_wait3A_76 : memref<1x128x128xf32, #tpu.memory_space<vmem>> -> memref<128x128xf32, #tpu.memory_space<vmem>>
      %dma_wait3A_78 = arith.constant 0 : i32
      %dma_wait3A_79 = tpu.memref_slice %arg7[%add3A_40, %dma_wait3A_78] : memref<64x128xi32, #tpu.memory_space<vmem>> -> memref<1x128xi32, #tpu.memory_space<vmem>>
      %dma_wait3A_80 = tpu.memref_squeeze %dma_wait3A_79 : memref<1x128xi32, #tpu.memory_space<vmem>> -> memref<128xi32, #tpu.memory_space<vmem>>
      %dma_wait3A_81 = arith.constant 0 : i32
      %dma_wait3A_82 = arith.constant 0 : i32
      %dma_wait3A_83 = tpu.memref_slice %arg2[%dma_wait3A_81, %dma_wait3A_82] : memref<10000x128xf32, #tpu.memory_space<hbm>> -> memref<10000x128xf32, #tpu.memory_space<hbm>>
      tpu.wait_indirect_dma semaphore(%arg12 : memref<!tpu.dma_semaphore, #tpu.memory_space<semaphore_mem>>) src(%dma_wait3A_83 : memref<10000x128xf32, #tpu.memory_space<hbm>>) dst(%dma_wait3A_77 : memref<128x128xf32, #tpu.memory_space<vmem>>)
      %run_scoped3A_84 = arith.constant 1 : i32
      "tpu.region"() ({
        %run_scoped3A_85 = tpu.sem_alloc : memref<!tpu.dma_semaphore, #tpu.memory_space<semaphore_mem>>
        %dma_start3A_86 = arith.constant 0 : i32
        %dma_start3A_87 = arith.constant 0 : i32
        %dma_start3A_88 = tpu.memref_slice %arg9[%run_scoped3A_84, %dma_start3A_86, %dma_start3A_87] : memref<2x128x128xf32, #tpu.memory_space<vmem>> -> memref<1x128x128xf32, #tpu.memory_space<vmem>>
        %dma_start3A_89 = tpu.memref_squeeze %dma_start3A_88 : memref<1x128x128xf32, #tpu.memory_space<vmem>> -> memref<128x128xf32, #tpu.memory_space<vmem>>
        %dma_start3A_90 = arith.constant 0 : i32
        %dma_start3A_91 = tpu.memref_slice %arg8[%add3A_40, %dma_start3A_90] : memref<64x128xi32, #tpu.memory_space<vmem>> -> memref<1x128xi32, #tpu.memory_space<vmem>>
        %dma_start3A_92 = tpu.memref_squeeze %dma_start3A_91 : memref<1x128xi32, #tpu.memory_space<vmem>> -> memref<128xi32, #tpu.memory_space<vmem>>
        %dma_start3A_93 = arith.constant 0 : i32
        %dma_start3A_94 = arith.constant 0 : i32
        %dma_start3A_95 = tpu.memref_slice %arg10[%dma_start3A_93, %dma_start3A_94] : memref<10112x128xf32, #tpu.memory_space<vmem_shared>> -> memref<10112x128xf32, #tpu.memory_space<vmem_shared>>
        tpu.enqueue_indirect_dma source(%dma_start3A_89 : memref<128x128xf32, #tpu.memory_space<vmem>>) target(%dma_start3A_95 : memref<10112x128xf32, #tpu.memory_space<vmem_shared>>) offsets(%dma_start3A_92 : memref<128xi32, #tpu.memory_space<vmem>>) semaphore(%run_scoped3A_85 : memref<!tpu.dma_semaphore, #tpu.memory_space<semaphore_mem>>) {add = true}
        %dma_wait3A_96 = arith.constant 0 : i32
        %dma_wait3A_97 = arith.constant 0 : i32
        %dma_wait3A_98 = tpu.memref_slice %arg9[%run_scoped3A_84, %dma_wait3A_96, %dma_wait3A_97] : memref<2x128x128xf32, #tpu.memory_space<vmem>> -> memref<1x128x128xf32, #tpu.memory_space<vmem>>
        %dma_wait3A_99 = tpu.memref_squeeze %dma_wait3A_98 : memref<1x128x128xf32, #tpu.memory_space<vmem>> -> memref<128x128xf32, #tpu.memory_space<vmem>>
        %dma_wait3A_100 = arith.constant 0 : i32
        %dma_wait3A_101 = tpu.memref_slice %arg8[%add3A_40, %dma_wait3A_100] : memref<64x128xi32, #tpu.memory_space<vmem>> -> memref<1x128xi32, #tpu.memory_space<vmem>>
        %dma_wait3A_102 = tpu.memref_squeeze %dma_wait3A_101 : memref<1x128xi32, #tpu.memory_space<vmem>> -> memref<128xi32, #tpu.memory_space<vmem>>
        %dma_wait3A_103 = arith.constant 0 : i32
        %dma_wait3A_104 = arith.constant 0 : i32
        %dma_wait3A_105 = tpu.memref_slice %arg10[%dma_wait3A_103, %dma_wait3A_104] : memref<10112x128xf32, #tpu.memory_space<vmem_shared>> -> memref<10112x128xf32, #tpu.memory_space<vmem_shared>>
        tpu.wait_indirect_dma semaphore(%run_scoped3A_85 : memref<!tpu.dma_semaphore, #tpu.memory_space<semaphore_mem>>) src(%dma_wait3A_99 : memref<128x128xf32, #tpu.memory_space<vmem>>) dst(%dma_wait3A_105 : memref<10112x128xf32, #tpu.memory_space<vmem_shared>>)
        tpu.yield
      }) : () -> ()
    }
    %barrier3A_33 = arith.constant 0 : index
    tpu.barrier barrier_id(%barrier3A_33)
    %run_scoped3A = arith.constant 0 : i32
    "tpu.trace_stop"() : () -> ()
    "tpu.trace_start"() <{level = 10 : i32, message = "writeout"}> : () -> ()
    "tpu.region"() ({
      %run_scoped3A_34 = tpu.sem_alloc : memref<!tpu.dma_semaphore, #tpu.memory_space<semaphore_mem>>
      %dma_start3A = arith.constant 0 : i32
      %dma_start3A_35 = tpu.memref_slice %arg6[%arg0, %run_scoped3A, %mul3A_15, %dma_start3A] : memref<2x1x10112x128xf32, #tpu.memory_space<hbm>> -> memref<1x1x632x128xf32, #tpu.memory_space<hbm>>
      %dma_start3A_36 = tpu.memref_squeeze %dma_start3A_35 : memref<1x1x632x128xf32, #tpu.memory_space<hbm>> -> memref<632x128xf32, #tpu.memory_space<hbm>>
      %dma_start3A_37 = arith.constant 0 : i32
      %dma_start3A_38 = tpu.memref_slice %arg10[%mul3A_15, %dma_start3A_37] : memref<10112x128xf32, #tpu.memory_space<vmem_shared>> -> memref<632x128xf32, #tpu.memory_space<vmem_shared>>
      tpu.enqueue_dma source(%dma_start3A_38 : memref<632x128xf32, #tpu.memory_space<vmem_shared>>) target(%dma_start3A_36 : memref<632x128xf32, #tpu.memory_space<hbm>>) target_semaphore(%run_scoped3A_34 : memref<!tpu.dma_semaphore, #tpu.memory_space<semaphore_mem>>)
      %dma_wait3A = arith.constant 0 : i32
      %dma_wait3A_39 = tpu.memref_slice %arg6[%arg0, %run_scoped3A, %mul3A_15, %dma_wait3A] : memref<2x1x10112x128xf32, #tpu.memory_space<hbm>> -> memref<1x1x632x128xf32, #tpu.memory_space<hbm>>
      %dma_wait3A_40 = tpu.memref_squeeze %dma_wait3A_39 : memref<1x1x632x128xf32, #tpu.memory_space<hbm>> -> memref<632x128xf32, #tpu.memory_space<hbm>>
      %dma_wait3A_41 = arith.constant 0 : i32
      %dma_wait3A_42 = tpu.memref_slice %arg10[%mul3A_15, %dma_wait3A_41] : memref<10112x128xf32, #tpu.memory_space<vmem_shared>> -> memref<632x128xf32, #tpu.memory_space<vmem_shared>>
      tpu.wait_dma2 semaphore(%run_scoped3A_34 : memref<!tpu.dma_semaphore, #tpu.memory_space<semaphore_mem>>) src(%dma_wait3A_42 : memref<632x128xf32, #tpu.memory_space<vmem_shared>>) dst(%dma_wait3A_40 : memref<632x128xf32, #tpu.memory_space<hbm>>)
      tpu.yield
    }) : () -> ()
    "tpu.trace_stop"() : () -> ()
    return
  }
}

#map = affine_map<(d0, d1) -> (0, 0)>
#map1 = affine_map<(d0, d1) -> (0, 0, 0, 0)>
module attributes {stable_mosaic.version = 14 : i64} {
  func.func @body(%arg0: i32, %arg1: i32, %arg2: memref<40000x128xf32, #tpu.memory_space<hbm>>, %arg3: memref<1280x128xi32, #tpu.memory_space<hbm>>, %arg4: memref<1280x128xi32, #tpu.memory_space<hbm>>, %arg5: memref<10112x128xf32, #tpu.memory_space<hbm>>, %arg6: memref<2x4x10112x128xf32, #tpu.memory_space<hbm>>, %arg7: memref<64x128xi32, #tpu.memory_space<vmem>>, %arg8: memref<64x128xi32, #tpu.memory_space<vmem>>, %arg9: memref<2x128x128xf32, #tpu.memory_space<vmem>>, %arg10: memref<10112x128xf32, #tpu.memory_space<vmem_shared>>, %arg11: memref<!tpu.dma_semaphore, #tpu.memory_space<semaphore_mem>>, %arg12: memref<!tpu.dma_semaphore, #tpu.memory_space<semaphore_mem>>) attributes {dimension_semantics = [#tpu.dimension_semantics<core_parallel>, #tpu.dimension_semantics<subcore_parallel>], iteration_bounds = array<i64: 2, 16>, scalar_prefetch = 0 : i64, scratch_operands = 6 : i64, tpu.core_type = #tpu.core_type<sc_vector_subcore>, window_params = [{transform_indices = #map}, {transform_indices = #map}, {transform_indices = #map}, {transform_indices = #map}, {transform_indices = #map1}]} {
    %eq3A = arith.constant 0 : i32
    %eq3A_0 = arith.cmpi eq, %arg0, %eq3A : i32
    %mul3A = arith.constant 64 : i32
    %mul3A_1 = arith.muli %arg1, %mul3A : i32
    %mul3A_2 = arith.constant 16 : i32
    %mul3A_3 = arith.muli %arg1, %mul3A_2 : i32
    %add3A = arith.constant 1024 : i32
    %add3A_4 = arith.addi %add3A, %mul3A_3 : i32
    %select_n3A = arith.select %eq3A_0, %mul3A_1, %add3A_4 : i32
    %eq3A_5 = arith.constant 0 : i32
    %eq3A_6 = arith.cmpi eq, %arg0, %eq3A_5 : i32
    %jit3A = arith.constant 64 : i32
    %jit3A_7 = arith.constant 16 : i32
    %select_n3A_8 = arith.select %eq3A_6, %jit3A, %jit3A_7 : i32
    %eq3A_9 = arith.constant 0 : i32
    %eq3A_10 = arith.cmpi eq, %arg0, %eq3A_9 : i32
    %jit3A_11 = arith.constant 32 : i32
    %jit3A_12 = arith.constant 8 : i32
    %select_n3A_13 = arith.select %eq3A_10, %jit3A_11, %jit3A_12 : i32
    %mul3A_14 = arith.constant 632 : i32
    %mul3A_15 = arith.muli %arg1, %mul3A_14 : i32
    %eq3A_16 = arith.constant 0 : i32
    %eq3A_17 = arith.cmpi eq, %arg0, %eq3A_16 : i32
    %convert_element_type3A = arith.extui %eq3A_17 : i1 to i32
    %cond3A = arith.constant 0 : i32
    %cond3A_18 = arith.cmpi ne, %convert_element_type3A, %cond3A : i32
    scf.if %cond3A_18 {
      "tpu.region"() ({
        %run_scoped3A_106 = tpu.sem_alloc : memref<!tpu.dma_semaphore, #tpu.memory_space<semaphore_mem>>
        %dma_start3A = arith.constant 0 : i32
        %dma_start3A_107 = tpu.memref_slice %arg3[%select_n3A, %dma_start3A] : memref<1280x128xi32, #tpu.memory_space<hbm>> -> memref<64x128xi32, #tpu.memory_space<hbm>>
        %dma_start3A_108 = arith.constant 0 : i32
        %dma_start3A_109 = tpu.memref_slice %arg3[%select_n3A, %dma_start3A_108] : memref<1280x128xi32, #tpu.memory_space<hbm>> -> memref<64x128xi32, #tpu.memory_space<hbm>>
        tpu.enqueue_dma source(%dma_start3A_109 : memref<64x128xi32, #tpu.memory_space<hbm>>) target(%arg7 : memref<64x128xi32, #tpu.memory_space<vmem>>) target_semaphore(%run_scoped3A_106 : memref<!tpu.dma_semaphore, #tpu.memory_space<semaphore_mem>>)
        %dma_wait3A = arith.constant 0 : i32
        %dma_wait3A_110 = tpu.memref_slice %arg3[%select_n3A, %dma_wait3A] : memref<1280x128xi32, #tpu.memory_space<hbm>> -> memref<64x128xi32, #tpu.memory_space<hbm>>
        %dma_wait3A_111 = arith.constant 0 : i32
        %dma_wait3A_112 = tpu.memref_slice %arg3[%select_n3A, %dma_wait3A_111] : memref<1280x128xi32, #tpu.memory_space<hbm>> -> memref<64x128xi32, #tpu.memory_space<hbm>>
        tpu.wait_dma2 semaphore(%run_scoped3A_106 : memref<!tpu.dma_semaphore, #tpu.memory_space<semaphore_mem>>) src(%dma_wait3A_112 : memref<64x128xi32, #tpu.memory_space<hbm>>) dst(%arg7 : memref<64x128xi32, #tpu.memory_space<vmem>>)
        tpu.yield
      }) : () -> ()
      "tpu.region"() ({
        %run_scoped3A_106 = tpu.sem_alloc : memref<!tpu.dma_semaphore, #tpu.memory_space<semaphore_mem>>
        %dma_start3A = arith.constant 0 : i32
        %dma_start3A_107 = tpu.memref_slice %arg4[%select_n3A, %dma_start3A] : memref<1280x128xi32, #tpu.memory_space<hbm>> -> memref<64x128xi32, #tpu.memory_space<hbm>>
        %dma_start3A_108 = arith.constant 0 : i32
        %dma_start3A_109 = tpu.memref_slice %arg4[%select_n3A, %dma_start3A_108] : memref<1280x128xi32, #tpu.memory_space<hbm>> -> memref<64x128xi32, #tpu.memory_space<hbm>>
        tpu.enqueue_dma source(%dma_start3A_109 : memref<64x128xi32, #tpu.memory_space<hbm>>) target(%arg8 : memref<64x128xi32, #tpu.memory_space<vmem>>) target_semaphore(%run_scoped3A_106 : memref<!tpu.dma_semaphore, #tpu.memory_space<semaphore_mem>>)
        %dma_wait3A = arith.constant 0 : i32
        %dma_wait3A_110 = tpu.memref_slice %arg4[%select_n3A, %dma_wait3A] : memref<1280x128xi32, #tpu.memory_space<hbm>> -> memref<64x128xi32, #tpu.memory_space<hbm>>
        %dma_wait3A_111 = arith.constant 0 : i32
        %dma_wait3A_112 = tpu.memref_slice %arg4[%select_n3A, %dma_wait3A_111] : memref<1280x128xi32, #tpu.memory_space<hbm>> -> memref<64x128xi32, #tpu.memory_space<hbm>>
        tpu.wait_dma2 semaphore(%run_scoped3A_106 : memref<!tpu.dma_semaphore, #tpu.memory_space<semaphore_mem>>) src(%dma_wait3A_112 : memref<64x128xi32, #tpu.memory_space<hbm>>) dst(%arg8 : memref<64x128xi32, #tpu.memory_space<vmem>>)
        tpu.yield
      }) : () -> ()
    } else {
    }
    %eq3A_19 = arith.constant 1 : i32
    %eq3A_20 = arith.cmpi eq, %arg0, %eq3A_19 : i32
    %convert_element_type3A_21 = arith.extui %eq3A_20 : i1 to i32
    %cond3A_22 = arith.constant 0 : i32
    %cond3A_23 = arith.cmpi ne, %convert_element_type3A_21, %cond3A_22 : i32
    scf.if %cond3A_23 {
      "tpu.region"() ({
        %run_scoped3A_106 = tpu.sem_alloc : memref<!tpu.dma_semaphore, #tpu.memory_space<semaphore_mem>>
        %dma_start3A = arith.constant 0 : i32
        %dma_start3A_107 = arith.constant 0 : i32
        %dma_start3A_108 = tpu.memref_slice %arg7[%dma_start3A, %dma_start3A_107] : memref<64x128xi32, #tpu.memory_space<vmem>> -> memref<16x128xi32, #tpu.memory_space<vmem>>
        %dma_start3A_109 = arith.constant 0 : i32
        %dma_start3A_110 = tpu.memref_slice %arg3[%select_n3A, %dma_start3A_109] : memref<1280x128xi32, #tpu.memory_space<hbm>> -> memref<16x128xi32, #tpu.memory_space<hbm>>
        %dma_start3A_111 = arith.constant 0 : i32
        %dma_start3A_112 = arith.constant 0 : i32
        %dma_start3A_113 = tpu.memref_slice %arg7[%dma_start3A_111, %dma_start3A_112] : memref<64x128xi32, #tpu.memory_space<vmem>> -> memref<16x128xi32, #tpu.memory_space<vmem>>
        %dma_start3A_114 = arith.constant 0 : i32
        %dma_start3A_115 = tpu.memref_slice %arg3[%select_n3A, %dma_start3A_114] : memref<1280x128xi32, #tpu.memory_space<hbm>> -> memref<16x128xi32, #tpu.memory_space<hbm>>
        tpu.enqueue_dma source(%dma_start3A_115 : memref<16x128xi32, #tpu.memory_space<hbm>>) target(%dma_start3A_113 : memref<16x128xi32, #tpu.memory_space<vmem>>) target_semaphore(%run_scoped3A_106 : memref<!tpu.dma_semaphore, #tpu.memory_space<semaphore_mem>>)
        %dma_wait3A = arith.constant 0 : i32
        %dma_wait3A_116 = arith.constant 0 : i32
        %dma_wait3A_117 = tpu.memref_slice %arg7[%dma_wait3A, %dma_wait3A_116] : memref<64x128xi32, #tpu.memory_space<vmem>> -> memref<16x128xi32, #tpu.memory_space<vmem>>
        %dma_wait3A_118 = arith.constant 0 : i32
        %dma_wait3A_119 = tpu.memref_slice %arg3[%select_n3A, %dma_wait3A_118] : memref<1280x128xi32, #tpu.memory_space<hbm>> -> memref<16x128xi32, #tpu.memory_space<hbm>>
        %dma_wait3A_120 = arith.constant 0 : i32
        %dma_wait3A_121 = arith.constant 0 : i32
        %dma_wait3A_122 = tpu.memref_slice %arg7[%dma_wait3A_120, %dma_wait3A_121] : memref<64x128xi32, #tpu.memory_space<vmem>> -> memref<16x128xi32, #tpu.memory_space<vmem>>
        %dma_wait3A_123 = arith.constant 0 : i32
        %dma_wait3A_124 = tpu.memref_slice %arg3[%select_n3A, %dma_wait3A_123] : memref<1280x128xi32, #tpu.memory_space<hbm>> -> memref<16x128xi32, #tpu.memory_space<hbm>>
        tpu.wait_dma2 semaphore(%run_scoped3A_106 : memref<!tpu.dma_semaphore, #tpu.memory_space<semaphore_mem>>) src(%dma_wait3A_124 : memref<16x128xi32, #tpu.memory_space<hbm>>) dst(%dma_wait3A_122 : memref<16x128xi32, #tpu.memory_space<vmem>>)
        tpu.yield
      }) : () -> ()
      "tpu.region"() ({
        %run_scoped3A_106 = tpu.sem_alloc : memref<!tpu.dma_semaphore, #tpu.memory_space<semaphore_mem>>
        %dma_start3A = arith.constant 0 : i32
        %dma_start3A_107 = arith.constant 0 : i32
        %dma_start3A_108 = tpu.memref_slice %arg8[%dma_start3A, %dma_start3A_107] : memref<64x128xi32, #tpu.memory_space<vmem>> -> memref<16x128xi32, #tpu.memory_space<vmem>>
        %dma_start3A_109 = arith.constant 0 : i32
        %dma_start3A_110 = tpu.memref_slice %arg4[%select_n3A, %dma_start3A_109] : memref<1280x128xi32, #tpu.memory_space<hbm>> -> memref<16x128xi32, #tpu.memory_space<hbm>>
        %dma_start3A_111 = arith.constant 0 : i32
        %dma_start3A_112 = arith.constant 0 : i32
        %dma_start3A_113 = tpu.memref_slice %arg8[%dma_start3A_111, %dma_start3A_112] : memref<64x128xi32, #tpu.memory_space<vmem>> -> memref<16x128xi32, #tpu.memory_space<vmem>>
        %dma_start3A_114 = arith.constant 0 : i32
        %dma_start3A_115 = tpu.memref_slice %arg4[%select_n3A, %dma_start3A_114] : memref<1280x128xi32, #tpu.memory_space<hbm>> -> memref<16x128xi32, #tpu.memory_space<hbm>>
        tpu.enqueue_dma source(%dma_start3A_115 : memref<16x128xi32, #tpu.memory_space<hbm>>) target(%dma_start3A_113 : memref<16x128xi32, #tpu.memory_space<vmem>>) target_semaphore(%run_scoped3A_106 : memref<!tpu.dma_semaphore, #tpu.memory_space<semaphore_mem>>)
        %dma_wait3A = arith.constant 0 : i32
        %dma_wait3A_116 = arith.constant 0 : i32
        %dma_wait3A_117 = tpu.memref_slice %arg8[%dma_wait3A, %dma_wait3A_116] : memref<64x128xi32, #tpu.memory_space<vmem>> -> memref<16x128xi32, #tpu.memory_space<vmem>>
        %dma_wait3A_118 = arith.constant 0 : i32
        %dma_wait3A_119 = tpu.memref_slice %arg4[%select_n3A, %dma_wait3A_118] : memref<1280x128xi32, #tpu.memory_space<hbm>> -> memref<16x128xi32, #tpu.memory_space<hbm>>
        %dma_wait3A_120 = arith.constant 0 : i32
        %dma_wait3A_121 = arith.constant 0 : i32
        %dma_wait3A_122 = tpu.memref_slice %arg8[%dma_wait3A_120, %dma_wait3A_121] : memref<64x128xi32, #tpu.memory_space<vmem>> -> memref<16x128xi32, #tpu.memory_space<vmem>>
        %dma_wait3A_123 = arith.constant 0 : i32
        %dma_wait3A_124 = tpu.memref_slice %arg4[%select_n3A, %dma_wait3A_123] : memref<1280x128xi32, #tpu.memory_space<hbm>> -> memref<16x128xi32, #tpu.memory_space<hbm>>
        tpu.wait_dma2 semaphore(%run_scoped3A_106 : memref<!tpu.dma_semaphore, #tpu.memory_space<semaphore_mem>>) src(%dma_wait3A_124 : memref<16x128xi32, #tpu.memory_space<hbm>>) dst(%dma_wait3A_122 : memref<16x128xi32, #tpu.memory_space<vmem>>)
        tpu.yield
      }) : () -> ()
    } else {
    }
    "tpu.trace_start"() <{level = 10 : i32, message = "zero"}> : () -> ()
    "tpu.region"() ({
      %run_scoped3A_106 = tpu.sem_alloc : memref<!tpu.dma_semaphore, #tpu.memory_space<semaphore_mem>>
      %dma_start3A = arith.constant 0 : i32
      %dma_start3A_107 = tpu.memref_slice %arg10[%mul3A_15, %dma_start3A] : memref<10112x128xf32, #tpu.memory_space<vmem_shared>> -> memref<632x128xf32, #tpu.memory_space<vmem_shared>>
      %dma_start3A_108 = arith.constant 0 : i32
      %dma_start3A_109 = tpu.memref_slice %arg5[%mul3A_15, %dma_start3A_108] : memref<10112x128xf32, #tpu.memory_space<hbm>> -> memref<632x128xf32, #tpu.memory_space<hbm>>
      tpu.enqueue_dma source(%dma_start3A_109 : memref<632x128xf32, #tpu.memory_space<hbm>>) target(%dma_start3A_107 : memref<632x128xf32, #tpu.memory_space<vmem_shared>>) target_semaphore(%run_scoped3A_106 : memref<!tpu.dma_semaphore, #tpu.memory_space<semaphore_mem>>)
      %dma_wait3A = arith.constant 0 : i32
      %dma_wait3A_110 = tpu.memref_slice %arg10[%mul3A_15, %dma_wait3A] : memref<10112x128xf32, #tpu.memory_space<vmem_shared>> -> memref<632x128xf32, #tpu.memory_space<vmem_shared>>
      %dma_wait3A_111 = arith.constant 0 : i32
      %dma_wait3A_112 = tpu.memref_slice %arg5[%mul3A_15, %dma_wait3A_111] : memref<10112x128xf32, #tpu.memory_space<hbm>> -> memref<632x128xf32, #tpu.memory_space<hbm>>
      tpu.wait_dma2 semaphore(%run_scoped3A_106 : memref<!tpu.dma_semaphore, #tpu.memory_space<semaphore_mem>>) src(%dma_wait3A_112 : memref<632x128xf32, #tpu.memory_space<hbm>>) dst(%dma_wait3A_110 : memref<632x128xf32, #tpu.memory_space<vmem_shared>>)
      tpu.yield
    }) : () -> ()
    %barrier3A = arith.constant 0 : index
    tpu.barrier barrier_id(%barrier3A)
    %while3A = arith.constant 0 : i32
    %while3A_24 = arith.constant 0 : i32
    "tpu.trace_stop"() : () -> ()
    "tpu.trace_start"() <{level = 10 : i32, message = "edges"}> : () -> ()
    %while3A_25 = arith.subi %select_n3A_13, %while3A_24 : i32
    %while3A_26 = arith.addi %while3A_24, %while3A_25 : i32
    %while3A_27 = arith.constant 1 : i32
    %while3A_28 = arith.divsi %while3A_25, %while3A_27 : i32
    %while3A_29 = arith.muli %while3A_28, %while3A_27 : i32
    %while3A_30 = arith.addi %while3A_24, %while3A_29 : i32
    %while3A_31 = arith.constant 1 : i32
    scf.for %while3A_106 = %while3A_24 to %while3A_30 step %while3A_31  : i32 {
      %mul3A_107 = arith.constant 2 : i32
      %mul3A_108 = arith.muli %mul3A_107, %while3A_106 : i32
      %mul3A_109 = arith.constant 2 : i32
      %mul3A_110 = arith.muli %mul3A_109, %while3A_106 : i32
      %add3A_111 = arith.constant 1 : i32
      %add3A_112 = arith.addi %mul3A_110, %add3A_111 : i32
      %dma_start3A = arith.constant 0 : i32
      %dma_start3A_113 = arith.constant 0 : i32
      %dma_start3A_114 = arith.constant 0 : i32
      %dma_start3A_115 = tpu.memref_slice %arg9[%dma_start3A, %dma_start3A_113, %dma_start3A_114] : memref<2x128x128xf32, #tpu.memory_space<vmem>> -> memref<1x128x128xf32, #tpu.memory_space<vmem>>
      %dma_start3A_116 = tpu.memref_squeeze %dma_start3A_115 : memref<1x128x128xf32, #tpu.memory_space<vmem>> -> memref<128x128xf32, #tpu.memory_space<vmem>>
      %dma_start3A_117 = arith.constant 0 : i32
      %dma_start3A_118 = tpu.memref_slice %arg7[%mul3A_108, %dma_start3A_117] : memref<64x128xi32, #tpu.memory_space<vmem>> -> memref<1x128xi32, #tpu.memory_space<vmem>>
      %dma_start3A_119 = tpu.memref_squeeze %dma_start3A_118 : memref<1x128xi32, #tpu.memory_space<vmem>> -> memref<128xi32, #tpu.memory_space<vmem>>
      %dma_start3A_120 = arith.constant 0 : i32
      %dma_start3A_121 = arith.constant 0 : i32
      %dma_start3A_122 = tpu.memref_slice %arg2[%dma_start3A_120, %dma_start3A_121] : memref<40000x128xf32, #tpu.memory_space<hbm>> -> memref<40000x128xf32, #tpu.memory_space<hbm>>
      tpu.enqueue_indirect_dma source(%dma_start3A_122 : memref<40000x128xf32, #tpu.memory_space<hbm>>) target(%dma_start3A_116 : memref<128x128xf32, #tpu.memory_space<vmem>>) offsets(%dma_start3A_119 : memref<128xi32, #tpu.memory_space<vmem>>) semaphore(%arg11 : memref<!tpu.dma_semaphore, #tpu.memory_space<semaphore_mem>>)
      %dma_start3A_123 = arith.constant 1 : i32
      %dma_start3A_124 = arith.constant 0 : i32
      %dma_start3A_125 = arith.constant 0 : i32
      %dma_start3A_126 = tpu.memref_slice %arg9[%dma_start3A_123, %dma_start3A_124, %dma_start3A_125] : memref<2x128x128xf32, #tpu.memory_space<vmem>> -> memref<1x128x128xf32, #tpu.memory_space<vmem>>
      %dma_start3A_127 = tpu.memref_squeeze %dma_start3A_126 : memref<1x128x128xf32, #tpu.memory_space<vmem>> -> memref<128x128xf32, #tpu.memory_space<vmem>>
      %dma_start3A_128 = arith.constant 0 : i32
      %dma_start3A_129 = tpu.memref_slice %arg7[%add3A_112, %dma_start3A_128] : memref<64x128xi32, #tpu.memory_space<vmem>> -> memref<1x128xi32, #tpu.memory_space<vmem>>
      %dma_start3A_130 = tpu.memref_squeeze %dma_start3A_129 : memref<1x128xi32, #tpu.memory_space<vmem>> -> memref<128xi32, #tpu.memory_space<vmem>>
      %dma_start3A_131 = arith.constant 0 : i32
      %dma_start3A_132 = arith.constant 0 : i32
      %dma_start3A_133 = tpu.memref_slice %arg2[%dma_start3A_131, %dma_start3A_132] : memref<40000x128xf32, #tpu.memory_space<hbm>> -> memref<40000x128xf32, #tpu.memory_space<hbm>>
      tpu.enqueue_indirect_dma source(%dma_start3A_133 : memref<40000x128xf32, #tpu.memory_space<hbm>>) target(%dma_start3A_127 : memref<128x128xf32, #tpu.memory_space<vmem>>) offsets(%dma_start3A_130 : memref<128xi32, #tpu.memory_space<vmem>>) semaphore(%arg12 : memref<!tpu.dma_semaphore, #tpu.memory_space<semaphore_mem>>)
      %dma_wait3A = arith.constant 0 : i32
      %dma_wait3A_134 = arith.constant 0 : i32
      %dma_wait3A_135 = arith.constant 0 : i32
      %dma_wait3A_136 = tpu.memref_slice %arg9[%dma_wait3A, %dma_wait3A_134, %dma_wait3A_135] : memref<2x128x128xf32, #tpu.memory_space<vmem>> -> memref<1x128x128xf32, #tpu.memory_space<vmem>>
      %dma_wait3A_137 = tpu.memref_squeeze %dma_wait3A_136 : memref<1x128x128xf32, #tpu.memory_space<vmem>> -> memref<128x128xf32, #tpu.memory_space<vmem>>
      %dma_wait3A_138 = arith.constant 0 : i32
      %dma_wait3A_139 = tpu.memref_slice %arg7[%mul3A_108, %dma_wait3A_138] : memref<64x128xi32, #tpu.memory_space<vmem>> -> memref<1x128xi32, #tpu.memory_space<vmem>>
      %dma_wait3A_140 = tpu.memref_squeeze %dma_wait3A_139 : memref<1x128xi32, #tpu.memory_space<vmem>> -> memref<128xi32, #tpu.memory_space<vmem>>
      %dma_wait3A_141 = arith.constant 0 : i32
      %dma_wait3A_142 = arith.constant 0 : i32
      %dma_wait3A_143 = tpu.memref_slice %arg2[%dma_wait3A_141, %dma_wait3A_142] : memref<40000x128xf32, #tpu.memory_space<hbm>> -> memref<40000x128xf32, #tpu.memory_space<hbm>>
      tpu.wait_indirect_dma semaphore(%arg11 : memref<!tpu.dma_semaphore, #tpu.memory_space<semaphore_mem>>) src(%dma_wait3A_143 : memref<40000x128xf32, #tpu.memory_space<hbm>>) dst(%dma_wait3A_137 : memref<128x128xf32, #tpu.memory_space<vmem>>)
      %run_scoped3A_144 = arith.constant 0 : i32
      "tpu.region"() ({
        %run_scoped3A_157 = tpu.sem_alloc : memref<!tpu.dma_semaphore, #tpu.memory_space<semaphore_mem>>
        %dma_start3A_158 = arith.constant 0 : i32
        %dma_start3A_159 = arith.constant 0 : i32
        %dma_start3A_160 = tpu.memref_slice %arg9[%run_scoped3A_144, %dma_start3A_158, %dma_start3A_159] : memref<2x128x128xf32, #tpu.memory_space<vmem>> -> memref<1x128x128xf32, #tpu.memory_space<vmem>>
        %dma_start3A_161 = tpu.memref_squeeze %dma_start3A_160 : memref<1x128x128xf32, #tpu.memory_space<vmem>> -> memref<128x128xf32, #tpu.memory_space<vmem>>
        %dma_start3A_162 = arith.constant 0 : i32
        %dma_start3A_163 = tpu.memref_slice %arg8[%mul3A_108, %dma_start3A_162] : memref<64x128xi32, #tpu.memory_space<vmem>> -> memref<1x128xi32, #tpu.memory_space<vmem>>
        %dma_start3A_164 = tpu.memref_squeeze %dma_start3A_163 : memref<1x128xi32, #tpu.memory_space<vmem>> -> memref<128xi32, #tpu.memory_space<vmem>>
        %dma_start3A_165 = arith.constant 0 : i32
        %dma_start3A_166 = arith.constant 0 : i32
        %dma_start3A_167 = tpu.memref_slice %arg10[%dma_start3A_165, %dma_start3A_166] : memref<10112x128xf32, #tpu.memory_space<vmem_shared>> -> memref<10112x128xf32, #tpu.memory_space<vmem_shared>>
        tpu.enqueue_indirect_dma source(%dma_start3A_161 : memref<128x128xf32, #tpu.memory_space<vmem>>) target(%dma_start3A_167 : memref<10112x128xf32, #tpu.memory_space<vmem_shared>>) offsets(%dma_start3A_164 : memref<128xi32, #tpu.memory_space<vmem>>) semaphore(%run_scoped3A_157 : memref<!tpu.dma_semaphore, #tpu.memory_space<semaphore_mem>>) {add = true}
        %dma_wait3A_168 = arith.constant 0 : i32
        %dma_wait3A_169 = arith.constant 0 : i32
        %dma_wait3A_170 = tpu.memref_slice %arg9[%run_scoped3A_144, %dma_wait3A_168, %dma_wait3A_169] : memref<2x128x128xf32, #tpu.memory_space<vmem>> -> memref<1x128x128xf32, #tpu.memory_space<vmem>>
        %dma_wait3A_171 = tpu.memref_squeeze %dma_wait3A_170 : memref<1x128x128xf32, #tpu.memory_space<vmem>> -> memref<128x128xf32, #tpu.memory_space<vmem>>
        %dma_wait3A_172 = arith.constant 0 : i32
        %dma_wait3A_173 = tpu.memref_slice %arg8[%mul3A_108, %dma_wait3A_172] : memref<64x128xi32, #tpu.memory_space<vmem>> -> memref<1x128xi32, #tpu.memory_space<vmem>>
        %dma_wait3A_174 = tpu.memref_squeeze %dma_wait3A_173 : memref<1x128xi32, #tpu.memory_space<vmem>> -> memref<128xi32, #tpu.memory_space<vmem>>
        %dma_wait3A_175 = arith.constant 0 : i32
        %dma_wait3A_176 = arith.constant 0 : i32
        %dma_wait3A_177 = tpu.memref_slice %arg10[%dma_wait3A_175, %dma_wait3A_176] : memref<10112x128xf32, #tpu.memory_space<vmem_shared>> -> memref<10112x128xf32, #tpu.memory_space<vmem_shared>>
        tpu.wait_indirect_dma semaphore(%run_scoped3A_157 : memref<!tpu.dma_semaphore, #tpu.memory_space<semaphore_mem>>) src(%dma_wait3A_171 : memref<128x128xf32, #tpu.memory_space<vmem>>) dst(%dma_wait3A_177 : memref<10112x128xf32, #tpu.memory_space<vmem_shared>>)
        tpu.yield
      }) : () -> ()
      %dma_wait3A_145 = arith.constant 1 : i32
      %dma_wait3A_146 = arith.constant 0 : i32
      %dma_wait3A_147 = arith.constant 0 : i32
      %dma_wait3A_148 = tpu.memref_slice %arg9[%dma_wait3A_145, %dma_wait3A_146, %dma_wait3A_147] : memref<2x128x128xf32, #tpu.memory_space<vmem>> -> memref<1x128x128xf32, #tpu.memory_space<vmem>>
      %dma_wait3A_149 = tpu.memref_squeeze %dma_wait3A_148 : memref<1x128x128xf32, #tpu.memory_space<vmem>> -> memref<128x128xf32, #tpu.memory_space<vmem>>
      %dma_wait3A_150 = arith.constant 0 : i32
      %dma_wait3A_151 = tpu.memref_slice %arg7[%add3A_112, %dma_wait3A_150] : memref<64x128xi32, #tpu.memory_space<vmem>> -> memref<1x128xi32, #tpu.memory_space<vmem>>
      %dma_wait3A_152 = tpu.memref_squeeze %dma_wait3A_151 : memref<1x128xi32, #tpu.memory_space<vmem>> -> memref<128xi32, #tpu.memory_space<vmem>>
      %dma_wait3A_153 = arith.constant 0 : i32
      %dma_wait3A_154 = arith.constant 0 : i32
      %dma_wait3A_155 = tpu.memref_slice %arg2[%dma_wait3A_153, %dma_wait3A_154] : memref<40000x128xf32, #tpu.memory_space<hbm>> -> memref<40000x128xf32, #tpu.memory_space<hbm>>
      tpu.wait_indirect_dma semaphore(%arg12 : memref<!tpu.dma_semaphore, #tpu.memory_space<semaphore_mem>>) src(%dma_wait3A_155 : memref<40000x128xf32, #tpu.memory_space<hbm>>) dst(%dma_wait3A_149 : memref<128x128xf32, #tpu.memory_space<vmem>>)
      %run_scoped3A_156 = arith.constant 1 : i32
      "tpu.region"() ({
        %run_scoped3A_157 = tpu.sem_alloc : memref<!tpu.dma_semaphore, #tpu.memory_space<semaphore_mem>>
        %dma_start3A_158 = arith.constant 0 : i32
        %dma_start3A_159 = arith.constant 0 : i32
        %dma_start3A_160 = tpu.memref_slice %arg9[%run_scoped3A_156, %dma_start3A_158, %dma_start3A_159] : memref<2x128x128xf32, #tpu.memory_space<vmem>> -> memref<1x128x128xf32, #tpu.memory_space<vmem>>
        %dma_start3A_161 = tpu.memref_squeeze %dma_start3A_160 : memref<1x128x128xf32, #tpu.memory_space<vmem>> -> memref<128x128xf32, #tpu.memory_space<vmem>>
        %dma_start3A_162 = arith.constant 0 : i32
        %dma_start3A_163 = tpu.memref_slice %arg8[%add3A_112, %dma_start3A_162] : memref<64x128xi32, #tpu.memory_space<vmem>> -> memref<1x128xi32, #tpu.memory_space<vmem>>
        %dma_start3A_164 = tpu.memref_squeeze %dma_start3A_163 : memref<1x128xi32, #tpu.memory_space<vmem>> -> memref<128xi32, #tpu.memory_space<vmem>>
        %dma_start3A_165 = arith.constant 0 : i32
        %dma_start3A_166 = arith.constant 0 : i32
        %dma_start3A_167 = tpu.memref_slice %arg10[%dma_start3A_165, %dma_start3A_166] : memref<10112x128xf32, #tpu.memory_space<vmem_shared>> -> memref<10112x128xf32, #tpu.memory_space<vmem_shared>>
        tpu.enqueue_indirect_dma source(%dma_start3A_161 : memref<128x128xf32, #tpu.memory_space<vmem>>) target(%dma_start3A_167 : memref<10112x128xf32, #tpu.memory_space<vmem_shared>>) offsets(%dma_start3A_164 : memref<128xi32, #tpu.memory_space<vmem>>) semaphore(%run_scoped3A_157 : memref<!tpu.dma_semaphore, #tpu.memory_space<semaphore_mem>>) {add = true}
        %dma_wait3A_168 = arith.constant 0 : i32
        %dma_wait3A_169 = arith.constant 0 : i32
        %dma_wait3A_170 = tpu.memref_slice %arg9[%run_scoped3A_156, %dma_wait3A_168, %dma_wait3A_169] : memref<2x128x128xf32, #tpu.memory_space<vmem>> -> memref<1x128x128xf32, #tpu.memory_space<vmem>>
        %dma_wait3A_171 = tpu.memref_squeeze %dma_wait3A_170 : memref<1x128x128xf32, #tpu.memory_space<vmem>> -> memref<128x128xf32, #tpu.memory_space<vmem>>
        %dma_wait3A_172 = arith.constant 0 : i32
        %dma_wait3A_173 = tpu.memref_slice %arg8[%add3A_112, %dma_wait3A_172] : memref<64x128xi32, #tpu.memory_space<vmem>> -> memref<1x128xi32, #tpu.memory_space<vmem>>
        %dma_wait3A_174 = tpu.memref_squeeze %dma_wait3A_173 : memref<1x128xi32, #tpu.memory_space<vmem>> -> memref<128xi32, #tpu.memory_space<vmem>>
        %dma_wait3A_175 = arith.constant 0 : i32
        %dma_wait3A_176 = arith.constant 0 : i32
        %dma_wait3A_177 = tpu.memref_slice %arg10[%dma_wait3A_175, %dma_wait3A_176] : memref<10112x128xf32, #tpu.memory_space<vmem_shared>> -> memref<10112x128xf32, #tpu.memory_space<vmem_shared>>
        tpu.wait_indirect_dma semaphore(%run_scoped3A_157 : memref<!tpu.dma_semaphore, #tpu.memory_space<semaphore_mem>>) src(%dma_wait3A_171 : memref<128x128xf32, #tpu.memory_space<vmem>>) dst(%dma_wait3A_177 : memref<10112x128xf32, #tpu.memory_space<vmem_shared>>)
        tpu.yield
      }) : () -> ()
    }
    %while3A_32 = arith.constant 1 : i32
    scf.for %while3A_106 = %while3A_30 to %while3A_26 step %while3A_32  : i32 {
      %mul3A_107 = arith.constant 2 : i32
      %mul3A_108 = arith.muli %mul3A_107, %while3A_106 : i32
      %mul3A_109 = arith.constant 2 : i32
      %mul3A_110 = arith.muli %mul3A_109, %while3A_106 : i32
      %add3A_111 = arith.constant 1 : i32
      %add3A_112 = arith.addi %mul3A_110, %add3A_111 : i32
      %dma_start3A = arith.constant 0 : i32
      %dma_start3A_113 = arith.constant 0 : i32
      %dma_start3A_114 = arith.constant 0 : i32
      %dma_start3A_115 = tpu.memref_slice %arg9[%dma_start3A, %dma_start3A_113, %dma_start3A_114] : memref<2x128x128xf32, #tpu.memory_space<vmem>> -> memref<1x128x128xf32, #tpu.memory_space<vmem>>
      %dma_start3A_116 = tpu.memref_squeeze %dma_start3A_115 : memref<1x128x128xf32, #tpu.memory_space<vmem>> -> memref<128x128xf32, #tpu.memory_space<vmem>>
      %dma_start3A_117 = arith.constant 0 : i32
      %dma_start3A_118 = tpu.memref_slice %arg7[%mul3A_108, %dma_start3A_117] : memref<64x128xi32, #tpu.memory_space<vmem>> -> memref<1x128xi32, #tpu.memory_space<vmem>>
      %dma_start3A_119 = tpu.memref_squeeze %dma_start3A_118 : memref<1x128xi32, #tpu.memory_space<vmem>> -> memref<128xi32, #tpu.memory_space<vmem>>
      %dma_start3A_120 = arith.constant 0 : i32
      %dma_start3A_121 = arith.constant 0 : i32
      %dma_start3A_122 = tpu.memref_slice %arg2[%dma_start3A_120, %dma_start3A_121] : memref<40000x128xf32, #tpu.memory_space<hbm>> -> memref<40000x128xf32, #tpu.memory_space<hbm>>
      tpu.enqueue_indirect_dma source(%dma_start3A_122 : memref<40000x128xf32, #tpu.memory_space<hbm>>) target(%dma_start3A_116 : memref<128x128xf32, #tpu.memory_space<vmem>>) offsets(%dma_start3A_119 : memref<128xi32, #tpu.memory_space<vmem>>) semaphore(%arg11 : memref<!tpu.dma_semaphore, #tpu.memory_space<semaphore_mem>>)
      %dma_start3A_123 = arith.constant 1 : i32
      %dma_start3A_124 = arith.constant 0 : i32
      %dma_start3A_125 = arith.constant 0 : i32
      %dma_start3A_126 = tpu.memref_slice %arg9[%dma_start3A_123, %dma_start3A_124, %dma_start3A_125] : memref<2x128x128xf32, #tpu.memory_space<vmem>> -> memref<1x128x128xf32, #tpu.memory_space<vmem>>
      %dma_start3A_127 = tpu.memref_squeeze %dma_start3A_126 : memref<1x128x128xf32, #tpu.memory_space<vmem>> -> memref<128x128xf32, #tpu.memory_space<vmem>>
      %dma_start3A_128 = arith.constant 0 : i32
      %dma_start3A_129 = tpu.memref_slice %arg7[%add3A_112, %dma_start3A_128] : memref<64x128xi32, #tpu.memory_space<vmem>> -> memref<1x128xi32, #tpu.memory_space<vmem>>
      %dma_start3A_130 = tpu.memref_squeeze %dma_start3A_129 : memref<1x128xi32, #tpu.memory_space<vmem>> -> memref<128xi32, #tpu.memory_space<vmem>>
      %dma_start3A_131 = arith.constant 0 : i32
      %dma_start3A_132 = arith.constant 0 : i32
      %dma_start3A_133 = tpu.memref_slice %arg2[%dma_start3A_131, %dma_start3A_132] : memref<40000x128xf32, #tpu.memory_space<hbm>> -> memref<40000x128xf32, #tpu.memory_space<hbm>>
      tpu.enqueue_indirect_dma source(%dma_start3A_133 : memref<40000x128xf32, #tpu.memory_space<hbm>>) target(%dma_start3A_127 : memref<128x128xf32, #tpu.memory_space<vmem>>) offsets(%dma_start3A_130 : memref<128xi32, #tpu.memory_space<vmem>>) semaphore(%arg12 : memref<!tpu.dma_semaphore, #tpu.memory_space<semaphore_mem>>)
      %dma_wait3A = arith.constant 0 : i32
      %dma_wait3A_134 = arith.constant 0 : i32
      %dma_wait3A_135 = arith.constant 0 : i32
      %dma_wait3A_136 = tpu.memref_slice %arg9[%dma_wait3A, %dma_wait3A_134, %dma_wait3A_135] : memref<2x128x128xf32, #tpu.memory_space<vmem>> -> memref<1x128x128xf32, #tpu.memory_space<vmem>>
      %dma_wait3A_137 = tpu.memref_squeeze %dma_wait3A_136 : memref<1x128x128xf32, #tpu.memory_space<vmem>> -> memref<128x128xf32, #tpu.memory_space<vmem>>
      %dma_wait3A_138 = arith.constant 0 : i32
      %dma_wait3A_139 = tpu.memref_slice %arg7[%mul3A_108, %dma_wait3A_138] : memref<64x128xi32, #tpu.memory_space<vmem>> -> memref<1x128xi32, #tpu.memory_space<vmem>>
      %dma_wait3A_140 = tpu.memref_squeeze %dma_wait3A_139 : memref<1x128xi32, #tpu.memory_space<vmem>> -> memref<128xi32, #tpu.memory_space<vmem>>
      %dma_wait3A_141 = arith.constant 0 : i32
      %dma_wait3A_142 = arith.constant 0 : i32
      %dma_wait3A_143 = tpu.memref_slice %arg2[%dma_wait3A_141, %dma_wait3A_142] : memref<40000x128xf32, #tpu.memory_space<hbm>> -> memref<40000x128xf32, #tpu.memory_space<hbm>>
      tpu.wait_indirect_dma semaphore(%arg11 : memref<!tpu.dma_semaphore, #tpu.memory_space<semaphore_mem>>) src(%dma_wait3A_143 : memref<40000x128xf32, #tpu.memory_space<hbm>>) dst(%dma_wait3A_137 : memref<128x128xf32, #tpu.memory_space<vmem>>)
      %run_scoped3A_144 = arith.constant 0 : i32
      "tpu.region"() ({
        %run_scoped3A_157 = tpu.sem_alloc : memref<!tpu.dma_semaphore, #tpu.memory_space<semaphore_mem>>
        %dma_start3A_158 = arith.constant 0 : i32
        %dma_start3A_159 = arith.constant 0 : i32
        %dma_start3A_160 = tpu.memref_slice %arg9[%run_scoped3A_144, %dma_start3A_158, %dma_start3A_159] : memref<2x128x128xf32, #tpu.memory_space<vmem>> -> memref<1x128x128xf32, #tpu.memory_space<vmem>>
        %dma_start3A_161 = tpu.memref_squeeze %dma_start3A_160 : memref<1x128x128xf32, #tpu.memory_space<vmem>> -> memref<128x128xf32, #tpu.memory_space<vmem>>
        %dma_start3A_162 = arith.constant 0 : i32
        %dma_start3A_163 = tpu.memref_slice %arg8[%mul3A_108, %dma_start3A_162] : memref<64x128xi32, #tpu.memory_space<vmem>> -> memref<1x128xi32, #tpu.memory_space<vmem>>
        %dma_start3A_164 = tpu.memref_squeeze %dma_start3A_163 : memref<1x128xi32, #tpu.memory_space<vmem>> -> memref<128xi32, #tpu.memory_space<vmem>>
        %dma_start3A_165 = arith.constant 0 : i32
        %dma_start3A_166 = arith.constant 0 : i32
        %dma_start3A_167 = tpu.memref_slice %arg10[%dma_start3A_165, %dma_start3A_166] : memref<10112x128xf32, #tpu.memory_space<vmem_shared>> -> memref<10112x128xf32, #tpu.memory_space<vmem_shared>>
        tpu.enqueue_indirect_dma source(%dma_start3A_161 : memref<128x128xf32, #tpu.memory_space<vmem>>) target(%dma_start3A_167 : memref<10112x128xf32, #tpu.memory_space<vmem_shared>>) offsets(%dma_start3A_164 : memref<128xi32, #tpu.memory_space<vmem>>) semaphore(%run_scoped3A_157 : memref<!tpu.dma_semaphore, #tpu.memory_space<semaphore_mem>>) {add = true}
        %dma_wait3A_168 = arith.constant 0 : i32
        %dma_wait3A_169 = arith.constant 0 : i32
        %dma_wait3A_170 = tpu.memref_slice %arg9[%run_scoped3A_144, %dma_wait3A_168, %dma_wait3A_169] : memref<2x128x128xf32, #tpu.memory_space<vmem>> -> memref<1x128x128xf32, #tpu.memory_space<vmem>>
        %dma_wait3A_171 = tpu.memref_squeeze %dma_wait3A_170 : memref<1x128x128xf32, #tpu.memory_space<vmem>> -> memref<128x128xf32, #tpu.memory_space<vmem>>
        %dma_wait3A_172 = arith.constant 0 : i32
        %dma_wait3A_173 = tpu.memref_slice %arg8[%mul3A_108, %dma_wait3A_172] : memref<64x128xi32, #tpu.memory_space<vmem>> -> memref<1x128xi32, #tpu.memory_space<vmem>>
        %dma_wait3A_174 = tpu.memref_squeeze %dma_wait3A_173 : memref<1x128xi32, #tpu.memory_space<vmem>> -> memref<128xi32, #tpu.memory_space<vmem>>
        %dma_wait3A_175 = arith.constant 0 : i32
        %dma_wait3A_176 = arith.constant 0 : i32
        %dma_wait3A_177 = tpu.memref_slice %arg10[%dma_wait3A_175, %dma_wait3A_176] : memref<10112x128xf32, #tpu.memory_space<vmem_shared>> -> memref<10112x128xf32, #tpu.memory_space<vmem_shared>>
        tpu.wait_indirect_dma semaphore(%run_scoped3A_157 : memref<!tpu.dma_semaphore, #tpu.memory_space<semaphore_mem>>) src(%dma_wait3A_171 : memref<128x128xf32, #tpu.memory_space<vmem>>) dst(%dma_wait3A_177 : memref<10112x128xf32, #tpu.memory_space<vmem_shared>>)
        tpu.yield
      }) : () -> ()
      %dma_wait3A_145 = arith.constant 1 : i32
      %dma_wait3A_146 = arith.constant 0 : i32
      %dma_wait3A_147 = arith.constant 0 : i32
      %dma_wait3A_148 = tpu.memref_slice %arg9[%dma_wait3A_145, %dma_wait3A_146, %dma_wait3A_147] : memref<2x128x128xf32, #tpu.memory_space<vmem>> -> memref<1x128x128xf32, #tpu.memory_space<vmem>>
      %dma_wait3A_149 = tpu.memref_squeeze %dma_wait3A_148 : memref<1x128x128xf32, #tpu.memory_space<vmem>> -> memref<128x128xf32, #tpu.memory_space<vmem>>
      %dma_wait3A_150 = arith.constant 0 : i32
      %dma_wait3A_151 = tpu.memref_slice %arg7[%add3A_112, %dma_wait3A_150] : memref<64x128xi32, #tpu.memory_space<vmem>> -> memref<1x128xi32, #tpu.memory_space<vmem>>
      %dma_wait3A_152 = tpu.memref_squeeze %dma_wait3A_151 : memref<1x128xi32, #tpu.memory_space<vmem>> -> memref<128xi32, #tpu.memory_space<vmem>>
      %dma_wait3A_153 = arith.constant 0 : i32
      %dma_wait3A_154 = arith.constant 0 : i32
      %dma_wait3A_155 = tpu.memref_slice %arg2[%dma_wait3A_153, %dma_wait3A_154] : memref<40000x128xf32, #tpu.memory_space<hbm>> -> memref<40000x128xf32, #tpu.memory_space<hbm>>
      tpu.wait_indirect_dma semaphore(%arg12 : memref<!tpu.dma_semaphore, #tpu.memory_space<semaphore_mem>>) src(%dma_wait3A_155 : memref<40000x128xf32, #tpu.memory_space<hbm>>) dst(%dma_wait3A_149 : memref<128x128xf32, #tpu.memory_space<vmem>>)
      %run_scoped3A_156 = arith.constant 1 : i32
      "tpu.region"() ({
        %run_scoped3A_157 = tpu.sem_alloc : memref<!tpu.dma_semaphore, #tpu.memory_space<semaphore_mem>>
        %dma_start3A_158 = arith.constant 0 : i32
        %dma_start3A_159 = arith.constant 0 : i32
        %dma_start3A_160 = tpu.memref_slice %arg9[%run_scoped3A_156, %dma_start3A_158, %dma_start3A_159] : memref<2x128x128xf32, #tpu.memory_space<vmem>> -> memref<1x128x128xf32, #tpu.memory_space<vmem>>
        %dma_start3A_161 = tpu.memref_squeeze %dma_start3A_160 : memref<1x128x128xf32, #tpu.memory_space<vmem>> -> memref<128x128xf32, #tpu.memory_space<vmem>>
        %dma_start3A_162 = arith.constant 0 : i32
        %dma_start3A_163 = tpu.memref_slice %arg8[%add3A_112, %dma_start3A_162] : memref<64x128xi32, #tpu.memory_space<vmem>> -> memref<1x128xi32, #tpu.memory_space<vmem>>
        %dma_start3A_164 = tpu.memref_squeeze %dma_start3A_163 : memref<1x128xi32, #tpu.memory_space<vmem>> -> memref<128xi32, #tpu.memory_space<vmem>>
        %dma_start3A_165 = arith.constant 0 : i32
        %dma_start3A_166 = arith.constant 0 : i32
        %dma_start3A_167 = tpu.memref_slice %arg10[%dma_start3A_165, %dma_start3A_166] : memref<10112x128xf32, #tpu.memory_space<vmem_shared>> -> memref<10112x128xf32, #tpu.memory_space<vmem_shared>>
        tpu.enqueue_indirect_dma source(%dma_start3A_161 : memref<128x128xf32, #tpu.memory_space<vmem>>) target(%dma_start3A_167 : memref<10112x128xf32, #tpu.memory_space<vmem_shared>>) offsets(%dma_start3A_164 : memref<128xi32, #tpu.memory_space<vmem>>) semaphore(%run_scoped3A_157 : memref<!tpu.dma_semaphore, #tpu.memory_space<semaphore_mem>>) {add = true}
        %dma_wait3A_168 = arith.constant 0 : i32
        %dma_wait3A_169 = arith.constant 0 : i32
        %dma_wait3A_170 = tpu.memref_slice %arg9[%run_scoped3A_156, %dma_wait3A_168, %dma_wait3A_169] : memref<2x128x128xf32, #tpu.memory_space<vmem>> -> memref<1x128x128xf32, #tpu.memory_space<vmem>>
        %dma_wait3A_171 = tpu.memref_squeeze %dma_wait3A_170 : memref<1x128x128xf32, #tpu.memory_space<vmem>> -> memref<128x128xf32, #tpu.memory_space<vmem>>
        %dma_wait3A_172 = arith.constant 0 : i32
        %dma_wait3A_173 = tpu.memref_slice %arg8[%add3A_112, %dma_wait3A_172] : memref<64x128xi32, #tpu.memory_space<vmem>> -> memref<1x128xi32, #tpu.memory_space<vmem>>
        %dma_wait3A_174 = tpu.memref_squeeze %dma_wait3A_173 : memref<1x128xi32, #tpu.memory_space<vmem>> -> memref<128xi32, #tpu.memory_space<vmem>>
        %dma_wait3A_175 = arith.constant 0 : i32
        %dma_wait3A_176 = arith.constant 0 : i32
        %dma_wait3A_177 = tpu.memref_slice %arg10[%dma_wait3A_175, %dma_wait3A_176] : memref<10112x128xf32, #tpu.memory_space<vmem_shared>> -> memref<10112x128xf32, #tpu.memory_space<vmem_shared>>
        tpu.wait_indirect_dma semaphore(%run_scoped3A_157 : memref<!tpu.dma_semaphore, #tpu.memory_space<semaphore_mem>>) src(%dma_wait3A_171 : memref<128x128xf32, #tpu.memory_space<vmem>>) dst(%dma_wait3A_177 : memref<10112x128xf32, #tpu.memory_space<vmem_shared>>)
        tpu.yield
      }) : () -> ()
    }
    %barrier3A_33 = arith.constant 0 : index
    tpu.barrier barrier_id(%barrier3A_33)
    %run_scoped3A = arith.constant 0 : i32
    "tpu.trace_stop"() : () -> ()
    "tpu.trace_start"() <{level = 10 : i32, message = "writeout"}> : () -> ()
    "tpu.region"() ({
      %run_scoped3A_106 = tpu.sem_alloc : memref<!tpu.dma_semaphore, #tpu.memory_space<semaphore_mem>>
      %dma_start3A = arith.constant 0 : i32
      %dma_start3A_107 = tpu.memref_slice %arg6[%arg0, %run_scoped3A, %mul3A_15, %dma_start3A] : memref<2x4x10112x128xf32, #tpu.memory_space<hbm>> -> memref<1x1x632x128xf32, #tpu.memory_space<hbm>>
      %dma_start3A_108 = tpu.memref_squeeze %dma_start3A_107 : memref<1x1x632x128xf32, #tpu.memory_space<hbm>> -> memref<632x128xf32, #tpu.memory_space<hbm>>
      %dma_start3A_109 = arith.constant 0 : i32
      %dma_start3A_110 = tpu.memref_slice %arg10[%mul3A_15, %dma_start3A_109] : memref<10112x128xf32, #tpu.memory_space<vmem_shared>> -> memref<632x128xf32, #tpu.memory_space<vmem_shared>>
      tpu.enqueue_dma source(%dma_start3A_110 : memref<632x128xf32, #tpu.memory_space<vmem_shared>>) target(%dma_start3A_108 : memref<632x128xf32, #tpu.memory_space<hbm>>) target_semaphore(%run_scoped3A_106 : memref<!tpu.dma_semaphore, #tpu.memory_space<semaphore_mem>>)
      %dma_wait3A = arith.constant 0 : i32
      %dma_wait3A_111 = tpu.memref_slice %arg6[%arg0, %run_scoped3A, %mul3A_15, %dma_wait3A] : memref<2x4x10112x128xf32, #tpu.memory_space<hbm>> -> memref<1x1x632x128xf32, #tpu.memory_space<hbm>>
      %dma_wait3A_112 = tpu.memref_squeeze %dma_wait3A_111 : memref<1x1x632x128xf32, #tpu.memory_space<hbm>> -> memref<632x128xf32, #tpu.memory_space<hbm>>
      %dma_wait3A_113 = arith.constant 0 : i32
      %dma_wait3A_114 = tpu.memref_slice %arg10[%mul3A_15, %dma_wait3A_113] : memref<10112x128xf32, #tpu.memory_space<vmem_shared>> -> memref<632x128xf32, #tpu.memory_space<vmem_shared>>
      tpu.wait_dma2 semaphore(%run_scoped3A_106 : memref<!tpu.dma_semaphore, #tpu.memory_space<semaphore_mem>>) src(%dma_wait3A_114 : memref<632x128xf32, #tpu.memory_space<vmem_shared>>) dst(%dma_wait3A_112 : memref<632x128xf32, #tpu.memory_space<hbm>>)
      tpu.yield
    }) : () -> ()
    "tpu.trace_stop"() : () -> ()
    %barrier3A_34 = arith.constant 0 : index
    tpu.barrier barrier_id(%barrier3A_34)
    %while3A_35 = arith.constant 0 : i32
    %while3A_36 = arith.constant 0 : i32
    %while3A_37 = arith.subi %select_n3A_8, %while3A_36 : i32
    %while3A_38 = arith.addi %while3A_36, %while3A_37 : i32
    %while3A_39 = arith.constant 1 : i32
    %while3A_40 = arith.divsi %while3A_37, %while3A_39 : i32
    %while3A_41 = arith.muli %while3A_40, %while3A_39 : i32
    %while3A_42 = arith.addi %while3A_36, %while3A_41 : i32
    %while3A_43 = arith.constant 1 : i32
    scf.for %while3A_106 = %while3A_36 to %while3A_42 step %while3A_43  : i32 {
      %get3A = arith.index_cast %while3A_106 : i32 to index
      %get3A_107 = arith.constant 0 : index
      %get3A_108 = tpu.vector_load %arg7[%get3A, %get3A_107] {strides = array<i32>} : memref<64x128xi32, #tpu.memory_space<vmem>>, vector<1x16xi32>,
      %get3A_109 = vector.shape_cast %get3A_108 : vector<1x16xi32> to vector<16xi32>
      %add3A_110 = arith.constant 10000 : i32
      %add3A_111 = vector.broadcast %add3A_110 : i32 to vector<16xi32>
      %add3A_112 = arith.addi %get3A_109, %add3A_111 : vector<16xi32>
      %swap3A = arith.index_cast %while3A_106 : i32 to index
      %swap3A_113 = arith.constant 0 : index
      %swap3A_114 = tpu.vector_load %arg7[%swap3A, %swap3A_113] {strides = array<i32>} : memref<64x128xi32, #tpu.memory_space<vmem>>, vector<1x16xi32>,
      %swap3A_115 = vector.shape_cast %swap3A_114 : vector<1x16xi32> to vector<16xi32>
      %swap3A_116 = vector.shape_cast %add3A_112 : vector<16xi32> to vector<1x16xi32>
      tpu.vector_store %arg7[%swap3A, %swap3A_113], %swap3A_116 {strides = array<i32>} : memref<64x128xi32, #tpu.memory_space<vmem>>, vector<1x16xi32>,
      %get3A_117 = arith.index_cast %while3A_106 : i32 to index
      %get3A_118 = arith.constant 16 : index
      %get3A_119 = tpu.vector_load %arg7[%get3A_117, %get3A_118] {strides = array<i32>} : memref<64x128xi32, #tpu.memory_space<vmem>>, vector<1x16xi32>,
      %get3A_120 = vector.shape_cast %get3A_119 : vector<1x16xi32> to vector<16xi32>
      %add3A_121 = arith.constant 10000 : i32
      %add3A_122 = vector.broadcast %add3A_121 : i32 to vector<16xi32>
      %add3A_123 = arith.addi %get3A_120, %add3A_122 : vector<16xi32>
      %swap3A_124 = arith.index_cast %while3A_106 : i32 to index
      %swap3A_125 = arith.constant 16 : index
      %swap3A_126 = tpu.vector_load %arg7[%swap3A_124, %swap3A_125] {strides = array<i32>} : memref<64x128xi32, #tpu.memory_space<vmem>>, vector<1x16xi32>,
      %swap3A_127 = vector.shape_cast %swap3A_126 : vector<1x16xi32> to vector<16xi32>
      %swap3A_128 = vector.shape_cast %add3A_123 : vector<16xi32> to vector<1x16xi32>
      tpu.vector_store %arg7[%swap3A_124, %swap3A_125], %swap3A_128 {strides = array<i32>} : memref<64x128xi32, #tpu.memory_space<vmem>>, vector<1x16xi32>,
      %get3A_129 = arith.index_cast %while3A_106 : i32 to index
      %get3A_130 = arith.constant 32 : index
      %get3A_131 = tpu.vector_load %arg7[%get3A_129, %get3A_130] {strides = array<i32>} : memref<64x128xi32, #tpu.memory_space<vmem>>, vector<1x16xi32>,
      %get3A_132 = vector.shape_cast %get3A_131 : vector<1x16xi32> to vector<16xi32>
      %add3A_133 = arith.constant 10000 : i32
      %add3A_134 = vector.broadcast %add3A_133 : i32 to vector<16xi32>
      %add3A_135 = arith.addi %get3A_132, %add3A_134 : vector<16xi32>
      %swap3A_136 = arith.index_cast %while3A_106 : i32 to index
      %swap3A_137 = arith.constant 32 : index
      %swap3A_138 = tpu.vector_load %arg7[%swap3A_136, %swap3A_137] {strides = array<i32>} : memref<64x128xi32, #tpu.memory_space<vmem>>, vector<1x16xi32>,
      %swap3A_139 = vector.shape_cast %swap3A_138 : vector<1x16xi32> to vector<16xi32>
      %swap3A_140 = vector.shape_cast %add3A_135 : vector<16xi32> to vector<1x16xi32>
      tpu.vector_store %arg7[%swap3A_136, %swap3A_137], %swap3A_140 {strides = array<i32>} : memref<64x128xi32, #tpu.memory_space<vmem>>, vector<1x16xi32>,
      %get3A_141 = arith.index_cast %while3A_106 : i32 to index
      %get3A_142 = arith.constant 48 : index
      %get3A_143 = tpu.vector_load %arg7[%get3A_141, %get3A_142] {strides = array<i32>} : memref<64x128xi32, #tpu.memory_space<vmem>>, vector<1x16xi32>,
      %get3A_144 = vector.shape_cast %get3A_143 : vector<1x16xi32> to vector<16xi32>
      %add3A_145 = arith.constant 10000 : i32
      %add3A_146 = vector.broadcast %add3A_145 : i32 to vector<16xi32>
      %add3A_147 = arith.addi %get3A_144, %add3A_146 : vector<16xi32>
      %swap3A_148 = arith.index_cast %while3A_106 : i32 to index
      %swap3A_149 = arith.constant 48 : index
      %swap3A_150 = tpu.vector_load %arg7[%swap3A_148, %swap3A_149] {strides = array<i32>} : memref<64x128xi32, #tpu.memory_space<vmem>>, vector<1x16xi32>,
      %swap3A_151 = vector.shape_cast %swap3A_150 : vector<1x16xi32> to vector<16xi32>
      %swap3A_152 = vector.shape_cast %add3A_147 : vector<16xi32> to vector<1x16xi32>
      tpu.vector_store %arg7[%swap3A_148, %swap3A_149], %swap3A_152 {strides = array<i32>} : memref<64x128xi32, #tpu.memory_space<vmem>>, vector<1x16xi32>,
      %get3A_153 = arith.index_cast %while3A_106 : i32 to index
      %get3A_154 = arith.constant 64 : index
      %get3A_155 = tpu.vector_load %arg7[%get3A_153, %get3A_154] {strides = array<i32>} : memref<64x128xi32, #tpu.memory_space<vmem>>, vector<1x16xi32>,
      %get3A_156 = vector.shape_cast %get3A_155 : vector<1x16xi32> to vector<16xi32>
      %add3A_157 = arith.constant 10000 : i32
      %add3A_158 = vector.broadcast %add3A_157 : i32 to vector<16xi32>
      %add3A_159 = arith.addi %get3A_156, %add3A_158 : vector<16xi32>
      %swap3A_160 = arith.index_cast %while3A_106 : i32 to index
      %swap3A_161 = arith.constant 64 : index
      %swap3A_162 = tpu.vector_load %arg7[%swap3A_160, %swap3A_161] {strides = array<i32>} : memref<64x128xi32, #tpu.memory_space<vmem>>, vector<1x16xi32>,
      %swap3A_163 = vector.shape_cast %swap3A_162 : vector<1x16xi32> to vector<16xi32>
      %swap3A_164 = vector.shape_cast %add3A_159 : vector<16xi32> to vector<1x16xi32>
      tpu.vector_store %arg7[%swap3A_160, %swap3A_161], %swap3A_164 {strides = array<i32>} : memref<64x128xi32, #tpu.memory_space<vmem>>, vector<1x16xi32>,
      %get3A_165 = arith.index_cast %while3A_106 : i32 to index
      %get3A_166 = arith.constant 80 : index
      %get3A_167 = tpu.vector_load %arg7[%get3A_165, %get3A_166] {strides = array<i32>} : memref<64x128xi32, #tpu.memory_space<vmem>>, vector<1x16xi32>,
      %get3A_168 = vector.shape_cast %get3A_167 : vector<1x16xi32> to vector<16xi32>
      %add3A_169 = arith.constant 10000 : i32
      %add3A_170 = vector.broadcast %add3A_169 : i32 to vector<16xi32>
      %add3A_171 = arith.addi %get3A_168, %add3A_170 : vector<16xi32>
      %swap3A_172 = arith.index_cast %while3A_106 : i32 to index
      %swap3A_173 = arith.constant 80 : index
      %swap3A_174 = tpu.vector_load %arg7[%swap3A_172, %swap3A_173] {strides = array<i32>} : memref<64x128xi32, #tpu.memory_space<vmem>>, vector<1x16xi32>,
      %swap3A_175 = vector.shape_cast %swap3A_174 : vector<1x16xi32> to vector<16xi32>
      %swap3A_176 = vector.shape_cast %add3A_171 : vector<16xi32> to vector<1x16xi32>
      tpu.vector_store %arg7[%swap3A_172, %swap3A_173], %swap3A_176 {strides = array<i32>} : memref<64x128xi32, #tpu.memory_space<vmem>>, vector<1x16xi32>,
      %get3A_177 = arith.index_cast %while3A_106 : i32 to index
      %get3A_178 = arith.constant 96 : index
      %get3A_179 = tpu.vector_load %arg7[%get3A_177, %get3A_178] {strides = array<i32>} : memref<64x128xi32, #tpu.memory_space<vmem>>, vector<1x16xi32>,
      %get3A_180 = vector.shape_cast %get3A_179 : vector<1x16xi32> to vector<16xi32>
      %add3A_181 = arith.constant 10000 : i32
      %add3A_182 = vector.broadcast %add3A_181 : i32 to vector<16xi32>
      %add3A_183 = arith.addi %get3A_180, %add3A_182 : vector<16xi32>
      %swap3A_184 = arith.index_cast %while3A_106 : i32 to index
      %swap3A_185 = arith.constant 96 : index
      %swap3A_186 = tpu.vector_load %arg7[%swap3A_184, %swap3A_185] {strides = array<i32>} : memref<64x128xi32, #tpu.memory_space<vmem>>, vector<1x16xi32>,
      %swap3A_187 = vector.shape_cast %swap3A_186 : vector<1x16xi32> to vector<16xi32>
      %swap3A_188 = vector.shape_cast %add3A_183 : vector<16xi32> to vector<1x16xi32>
      tpu.vector_store %arg7[%swap3A_184, %swap3A_185], %swap3A_188 {strides = array<i32>} : memref<64x128xi32, #tpu.memory_space<vmem>>, vector<1x16xi32>,
      %get3A_189 = arith.index_cast %while3A_106 : i32 to index
      %get3A_190 = arith.constant 112 : index
      %get3A_191 = tpu.vector_load %arg7[%get3A_189, %get3A_190] {strides = array<i32>} : memref<64x128xi32, #tpu.memory_space<vmem>>, vector<1x16xi32>,
      %get3A_192 = vector.shape_cast %get3A_191 : vector<1x16xi32> to vector<16xi32>
      %add3A_193 = arith.constant 10000 : i32
      %add3A_194 = vector.broadcast %add3A_193 : i32 to vector<16xi32>
      %add3A_195 = arith.addi %get3A_192, %add3A_194 : vector<16xi32>
      %swap3A_196 = arith.index_cast %while3A_106 : i32 to index
      %swap3A_197 = arith.constant 112 : index
      %swap3A_198 = tpu.vector_load %arg7[%swap3A_196, %swap3A_197] {strides = array<i32>} : memref<64x128xi32, #tpu.memory_space<vmem>>, vector<1x16xi32>,
      %swap3A_199 = vector.shape_cast %swap3A_198 : vector<1x16xi32> to vector<16xi32>
      %swap3A_200 = vector.shape_cast %add3A_195 : vector<16xi32> to vector<1x16xi32>
      tpu.vector_store %arg7[%swap3A_196, %swap3A_197], %swap3A_200 {strides = array<i32>} : memref<64x128xi32, #tpu.memory_space<vmem>>, vector<1x16xi32>,
    }
    %while3A_44 = arith.constant 1 : i32
    scf.for %while3A_106 = %while3A_42 to %while3A_38 step %while3A_44  : i32 {
      %get3A = arith.index_cast %while3A_106 : i32 to index
      %get3A_107 = arith.constant 0 : index
      %get3A_108 = tpu.vector_load %arg7[%get3A, %get3A_107] {strides = array<i32>} : memref<64x128xi32, #tpu.memory_space<vmem>>, vector<1x16xi32>,
      %get3A_109 = vector.shape_cast %get3A_108 : vector<1x16xi32> to vector<16xi32>
      %add3A_110 = arith.constant 10000 : i32
      %add3A_111 = vector.broadcast %add3A_110 : i32 to vector<16xi32>
      %add3A_112 = arith.addi %get3A_109, %add3A_111 : vector<16xi32>
      %swap3A = arith.index_cast %while3A_106 : i32 to index
      %swap3A_113 = arith.constant 0 : index
      %swap3A_114 = tpu.vector_load %arg7[%swap3A, %swap3A_113] {strides = array<i32>} : memref<64x128xi32, #tpu.memory_space<vmem>>, vector<1x16xi32>,
      %swap3A_115 = vector.shape_cast %swap3A_114 : vector<1x16xi32> to vector<16xi32>
      %swap3A_116 = vector.shape_cast %add3A_112 : vector<16xi32> to vector<1x16xi32>
      tpu.vector_store %arg7[%swap3A, %swap3A_113], %swap3A_116 {strides = array<i32>} : memref<64x128xi32, #tpu.memory_space<vmem>>, vector<1x16xi32>,
      %get3A_117 = arith.index_cast %while3A_106 : i32 to index
      %get3A_118 = arith.constant 16 : index
      %get3A_119 = tpu.vector_load %arg7[%get3A_117, %get3A_118] {strides = array<i32>} : memref<64x128xi32, #tpu.memory_space<vmem>>, vector<1x16xi32>,
      %get3A_120 = vector.shape_cast %get3A_119 : vector<1x16xi32> to vector<16xi32>
      %add3A_121 = arith.constant 10000 : i32
      %add3A_122 = vector.broadcast %add3A_121 : i32 to vector<16xi32>
      %add3A_123 = arith.addi %get3A_120, %add3A_122 : vector<16xi32>
      %swap3A_124 = arith.index_cast %while3A_106 : i32 to index
      %swap3A_125 = arith.constant 16 : index
      %swap3A_126 = tpu.vector_load %arg7[%swap3A_124, %swap3A_125] {strides = array<i32>} : memref<64x128xi32, #tpu.memory_space<vmem>>, vector<1x16xi32>,
      %swap3A_127 = vector.shape_cast %swap3A_126 : vector<1x16xi32> to vector<16xi32>
      %swap3A_128 = vector.shape_cast %add3A_123 : vector<16xi32> to vector<1x16xi32>
      tpu.vector_store %arg7[%swap3A_124, %swap3A_125], %swap3A_128 {strides = array<i32>} : memref<64x128xi32, #tpu.memory_space<vmem>>, vector<1x16xi32>,
      %get3A_129 = arith.index_cast %while3A_106 : i32 to index
      %get3A_130 = arith.constant 32 : index
      %get3A_131 = tpu.vector_load %arg7[%get3A_129, %get3A_130] {strides = array<i32>} : memref<64x128xi32, #tpu.memory_space<vmem>>, vector<1x16xi32>,
      %get3A_132 = vector.shape_cast %get3A_131 : vector<1x16xi32> to vector<16xi32>
      %add3A_133 = arith.constant 10000 : i32
      %add3A_134 = vector.broadcast %add3A_133 : i32 to vector<16xi32>
      %add3A_135 = arith.addi %get3A_132, %add3A_134 : vector<16xi32>
      %swap3A_136 = arith.index_cast %while3A_106 : i32 to index
      %swap3A_137 = arith.constant 32 : index
      %swap3A_138 = tpu.vector_load %arg7[%swap3A_136, %swap3A_137] {strides = array<i32>} : memref<64x128xi32, #tpu.memory_space<vmem>>, vector<1x16xi32>,
      %swap3A_139 = vector.shape_cast %swap3A_138 : vector<1x16xi32> to vector<16xi32>
      %swap3A_140 = vector.shape_cast %add3A_135 : vector<16xi32> to vector<1x16xi32>
      tpu.vector_store %arg7[%swap3A_136, %swap3A_137], %swap3A_140 {strides = array<i32>} : memref<64x128xi32, #tpu.memory_space<vmem>>, vector<1x16xi32>,
      %get3A_141 = arith.index_cast %while3A_106 : i32 to index
      %get3A_142 = arith.constant 48 : index
      %get3A_143 = tpu.vector_load %arg7[%get3A_141, %get3A_142] {strides = array<i32>} : memref<64x128xi32, #tpu.memory_space<vmem>>, vector<1x16xi32>,
      %get3A_144 = vector.shape_cast %get3A_143 : vector<1x16xi32> to vector<16xi32>
      %add3A_145 = arith.constant 10000 : i32
      %add3A_146 = vector.broadcast %add3A_145 : i32 to vector<16xi32>
      %add3A_147 = arith.addi %get3A_144, %add3A_146 : vector<16xi32>
      %swap3A_148 = arith.index_cast %while3A_106 : i32 to index
      %swap3A_149 = arith.constant 48 : index
      %swap3A_150 = tpu.vector_load %arg7[%swap3A_148, %swap3A_149] {strides = array<i32>} : memref<64x128xi32, #tpu.memory_space<vmem>>, vector<1x16xi32>,
      %swap3A_151 = vector.shape_cast %swap3A_150 : vector<1x16xi32> to vector<16xi32>
      %swap3A_152 = vector.shape_cast %add3A_147 : vector<16xi32> to vector<1x16xi32>
      tpu.vector_store %arg7[%swap3A_148, %swap3A_149], %swap3A_152 {strides = array<i32>} : memref<64x128xi32, #tpu.memory_space<vmem>>, vector<1x16xi32>,
      %get3A_153 = arith.index_cast %while3A_106 : i32 to index
      %get3A_154 = arith.constant 64 : index
      %get3A_155 = tpu.vector_load %arg7[%get3A_153, %get3A_154] {strides = array<i32>} : memref<64x128xi32, #tpu.memory_space<vmem>>, vector<1x16xi32>,
      %get3A_156 = vector.shape_cast %get3A_155 : vector<1x16xi32> to vector<16xi32>
      %add3A_157 = arith.constant 10000 : i32
      %add3A_158 = vector.broadcast %add3A_157 : i32 to vector<16xi32>
      %add3A_159 = arith.addi %get3A_156, %add3A_158 : vector<16xi32>
      %swap3A_160 = arith.index_cast %while3A_106 : i32 to index
      %swap3A_161 = arith.constant 64 : index
      %swap3A_162 = tpu.vector_load %arg7[%swap3A_160, %swap3A_161] {strides = array<i32>} : memref<64x128xi32, #tpu.memory_space<vmem>>, vector<1x16xi32>,
      %swap3A_163 = vector.shape_cast %swap3A_162 : vector<1x16xi32> to vector<16xi32>
      %swap3A_164 = vector.shape_cast %add3A_159 : vector<16xi32> to vector<1x16xi32>
      tpu.vector_store %arg7[%swap3A_160, %swap3A_161], %swap3A_164 {strides = array<i32>} : memref<64x128xi32, #tpu.memory_space<vmem>>, vector<1x16xi32>,
      %get3A_165 = arith.index_cast %while3A_106 : i32 to index
      %get3A_166 = arith.constant 80 : index
      %get3A_167 = tpu.vector_load %arg7[%get3A_165, %get3A_166] {strides = array<i32>} : memref<64x128xi32, #tpu.memory_space<vmem>>, vector<1x16xi32>,
      %get3A_168 = vector.shape_cast %get3A_167 : vector<1x16xi32> to vector<16xi32>
      %add3A_169 = arith.constant 10000 : i32
      %add3A_170 = vector.broadcast %add3A_169 : i32 to vector<16xi32>
      %add3A_171 = arith.addi %get3A_168, %add3A_170 : vector<16xi32>
      %swap3A_172 = arith.index_cast %while3A_106 : i32 to index
      %swap3A_173 = arith.constant 80 : index
      %swap3A_174 = tpu.vector_load %arg7[%swap3A_172, %swap3A_173] {strides = array<i32>} : memref<64x128xi32, #tpu.memory_space<vmem>>, vector<1x16xi32>,
      %swap3A_175 = vector.shape_cast %swap3A_174 : vector<1x16xi32> to vector<16xi32>
      %swap3A_176 = vector.shape_cast %add3A_171 : vector<16xi32> to vector<1x16xi32>
      tpu.vector_store %arg7[%swap3A_172, %swap3A_173], %swap3A_176 {strides = array<i32>} : memref<64x128xi32, #tpu.memory_space<vmem>>, vector<1x16xi32>,
      %get3A_177 = arith.index_cast %while3A_106 : i32 to index
      %get3A_178 = arith.constant 96 : index
      %get3A_179 = tpu.vector_load %arg7[%get3A_177, %get3A_178] {strides = array<i32>} : memref<64x128xi32, #tpu.memory_space<vmem>>, vector<1x16xi32>,
      %get3A_180 = vector.shape_cast %get3A_179 : vector<1x16xi32> to vector<16xi32>
      %add3A_181 = arith.constant 10000 : i32
      %add3A_182 = vector.broadcast %add3A_181 : i32 to vector<16xi32>
      %add3A_183 = arith.addi %get3A_180, %add3A_182 : vector<16xi32>
      %swap3A_184 = arith.index_cast %while3A_106 : i32 to index
      %swap3A_185 = arith.constant 96 : index
      %swap3A_186 = tpu.vector_load %arg7[%swap3A_184, %swap3A_185] {strides = array<i32>} : memref<64x128xi32, #tpu.memory_space<vmem>>, vector<1x16xi32>,
      %swap3A_187 = vector.shape_cast %swap3A_186 : vector<1x16xi32> to vector<16xi32>
      %swap3A_188 = vector.shape_cast %add3A_183 : vector<16xi32> to vector<1x16xi32>
      tpu.vector_store %arg7[%swap3A_184, %swap3A_185], %swap3A_188 {strides = array<i32>} : memref<64x128xi32, #tpu.memory_space<vmem>>, vector<1x16xi32>,
      %get3A_189 = arith.index_cast %while3A_106 : i32 to index
      %get3A_190 = arith.constant 112 : index
      %get3A_191 = tpu.vector_load %arg7[%get3A_189, %get3A_190] {strides = array<i32>} : memref<64x128xi32, #tpu.memory_space<vmem>>, vector<1x16xi32>,
      %get3A_192 = vector.shape_cast %get3A_191 : vector<1x16xi32> to vector<16xi32>
      %add3A_193 = arith.constant 10000 : i32
      %add3A_194 = vector.broadcast %add3A_193 : i32 to vector<16xi32>
      %add3A_195 = arith.addi %get3A_192, %add3A_194 : vector<16xi32>
      %swap3A_196 = arith.index_cast %while3A_106 : i32 to index
      %swap3A_197 = arith.constant 112 : index
      %swap3A_198 = tpu.vector_load %arg7[%swap3A_196, %swap3A_197] {strides = array<i32>} : memref<64x128xi32, #tpu.memory_space<vmem>>, vector<1x16xi32>,
      %swap3A_199 = vector.shape_cast %swap3A_198 : vector<1x16xi32> to vector<16xi32>
      %swap3A_200 = vector.shape_cast %add3A_195 : vector<16xi32> to vector<1x16xi32>
      tpu.vector_store %arg7[%swap3A_196, %swap3A_197], %swap3A_200 {strides = array<i32>} : memref<64x128xi32, #tpu.memory_space<vmem>>, vector<1x16xi32>,
    }
    "tpu.trace_start"() <{level = 10 : i32, message = "zero"}> : () -> ()
    "tpu.region"() ({
      %run_scoped3A_106 = tpu.sem_alloc : memref<!tpu.dma_semaphore, #tpu.memory_space<semaphore_mem>>
      %dma_start3A = arith.constant 0 : i32
      %dma_start3A_107 = tpu.memref_slice %arg10[%mul3A_15, %dma_start3A] : memref<10112x128xf32, #tpu.memory_space<vmem_shared>> -> memref<632x128xf32, #tpu.memory_space<vmem_shared>>
      %dma_start3A_108 = arith.constant 0 : i32
      %dma_start3A_109 = tpu.memref_slice %arg5[%mul3A_15, %dma_start3A_108] : memref<10112x128xf32, #tpu.memory_space<hbm>> -> memref<632x128xf32, #tpu.memory_space<hbm>>
      tpu.enqueue_dma source(%dma_start3A_109 : memref<632x128xf32, #tpu.memory_space<hbm>>) target(%dma_start3A_107 : memref<632x128xf32, #tpu.memory_space<vmem_shared>>) target_semaphore(%run_scoped3A_106 : memref<!tpu.dma_semaphore, #tpu.memory_space<semaphore_mem>>)
      %dma_wait3A = arith.constant 0 : i32
      %dma_wait3A_110 = tpu.memref_slice %arg10[%mul3A_15, %dma_wait3A] : memref<10112x128xf32, #tpu.memory_space<vmem_shared>> -> memref<632x128xf32, #tpu.memory_space<vmem_shared>>
      %dma_wait3A_111 = arith.constant 0 : i32
      %dma_wait3A_112 = tpu.memref_slice %arg5[%mul3A_15, %dma_wait3A_111] : memref<10112x128xf32, #tpu.memory_space<hbm>> -> memref<632x128xf32, #tpu.memory_space<hbm>>
      tpu.wait_dma2 semaphore(%run_scoped3A_106 : memref<!tpu.dma_semaphore, #tpu.memory_space<semaphore_mem>>) src(%dma_wait3A_112 : memref<632x128xf32, #tpu.memory_space<hbm>>) dst(%dma_wait3A_110 : memref<632x128xf32, #tpu.memory_space<vmem_shared>>)
      tpu.yield
    }) : () -> ()
    %barrier3A_45 = arith.constant 0 : index
    tpu.barrier barrier_id(%barrier3A_45)
    %while3A_46 = arith.constant 0 : i32
    %while3A_47 = arith.constant 0 : i32
    "tpu.trace_stop"() : () -> ()
    "tpu.trace_start"() <{level = 10 : i32, message = "edges"}> : () -> ()
    %while3A_48 = arith.subi %select_n3A_13, %while3A_47 : i32
    %while3A_49 = arith.addi %while3A_47, %while3A_48 : i32
    %while3A_50 = arith.constant 1 : i32
    %while3A_51 = arith.divsi %while3A_48, %while3A_50 : i32
    %while3A_52 = arith.muli %while3A_51, %while3A_50 : i32
    %while3A_53 = arith.addi %while3A_47, %while3A_52 : i32
    %while3A_54 = arith.constant 1 : i32
    scf.for %while3A_106 = %while3A_47 to %while3A_53 step %while3A_54  : i32 {
      %mul3A_107 = arith.constant 2 : i32
      %mul3A_108 = arith.muli %mul3A_107, %while3A_106 : i32
      %mul3A_109 = arith.constant 2 : i32
      %mul3A_110 = arith.muli %mul3A_109, %while3A_106 : i32
      %add3A_111 = arith.constant 1 : i32
      %add3A_112 = arith.addi %mul3A_110, %add3A_111 : i32
      %dma_start3A = arith.constant 0 : i32
      %dma_start3A_113 = arith.constant 0 : i32
      %dma_start3A_114 = arith.constant 0 : i32
      %dma_start3A_115 = tpu.memref_slice %arg9[%dma_start3A, %dma_start3A_113, %dma_start3A_114] : memref<2x128x128xf32, #tpu.memory_space<vmem>> -> memref<1x128x128xf32, #tpu.memory_space<vmem>>
      %dma_start3A_116 = tpu.memref_squeeze %dma_start3A_115 : memref<1x128x128xf32, #tpu.memory_space<vmem>> -> memref<128x128xf32, #tpu.memory_space<vmem>>
      %dma_start3A_117 = arith.constant 0 : i32
      %dma_start3A_118 = tpu.memref_slice %arg7[%mul3A_108, %dma_start3A_117] : memref<64x128xi32, #tpu.memory_space<vmem>> -> memref<1x128xi32, #tpu.memory_space<vmem>>
      %dma_start3A_119 = tpu.memref_squeeze %dma_start3A_118 : memref<1x128xi32, #tpu.memory_space<vmem>> -> memref<128xi32, #tpu.memory_space<vmem>>
      %dma_start3A_120 = arith.constant 0 : i32
      %dma_start3A_121 = arith.constant 0 : i32
      %dma_start3A_122 = tpu.memref_slice %arg2[%dma_start3A_120, %dma_start3A_121] : memref<40000x128xf32, #tpu.memory_space<hbm>> -> memref<40000x128xf32, #tpu.memory_space<hbm>>
      tpu.enqueue_indirect_dma source(%dma_start3A_122 : memref<40000x128xf32, #tpu.memory_space<hbm>>) target(%dma_start3A_116 : memref<128x128xf32, #tpu.memory_space<vmem>>) offsets(%dma_start3A_119 : memref<128xi32, #tpu.memory_space<vmem>>) semaphore(%arg11 : memref<!tpu.dma_semaphore, #tpu.memory_space<semaphore_mem>>)
      %dma_start3A_123 = arith.constant 1 : i32
      %dma_start3A_124 = arith.constant 0 : i32
      %dma_start3A_125 = arith.constant 0 : i32
      %dma_start3A_126 = tpu.memref_slice %arg9[%dma_start3A_123, %dma_start3A_124, %dma_start3A_125] : memref<2x128x128xf32, #tpu.memory_space<vmem>> -> memref<1x128x128xf32, #tpu.memory_space<vmem>>
      %dma_start3A_127 = tpu.memref_squeeze %dma_start3A_126 : memref<1x128x128xf32, #tpu.memory_space<vmem>> -> memref<128x128xf32, #tpu.memory_space<vmem>>
      %dma_start3A_128 = arith.constant 0 : i32
      %dma_start3A_129 = tpu.memref_slice %arg7[%add3A_112, %dma_start3A_128] : memref<64x128xi32, #tpu.memory_space<vmem>> -> memref<1x128xi32, #tpu.memory_space<vmem>>
      %dma_start3A_130 = tpu.memref_squeeze %dma_start3A_129 : memref<1x128xi32, #tpu.memory_space<vmem>> -> memref<128xi32, #tpu.memory_space<vmem>>
      %dma_start3A_131 = arith.constant 0 : i32
      %dma_start3A_132 = arith.constant 0 : i32
      %dma_start3A_133 = tpu.memref_slice %arg2[%dma_start3A_131, %dma_start3A_132] : memref<40000x128xf32, #tpu.memory_space<hbm>> -> memref<40000x128xf32, #tpu.memory_space<hbm>>
      tpu.enqueue_indirect_dma source(%dma_start3A_133 : memref<40000x128xf32, #tpu.memory_space<hbm>>) target(%dma_start3A_127 : memref<128x128xf32, #tpu.memory_space<vmem>>) offsets(%dma_start3A_130 : memref<128xi32, #tpu.memory_space<vmem>>) semaphore(%arg12 : memref<!tpu.dma_semaphore, #tpu.memory_space<semaphore_mem>>)
      %dma_wait3A = arith.constant 0 : i32
      %dma_wait3A_134 = arith.constant 0 : i32
      %dma_wait3A_135 = arith.constant 0 : i32
      %dma_wait3A_136 = tpu.memref_slice %arg9[%dma_wait3A, %dma_wait3A_134, %dma_wait3A_135] : memref<2x128x128xf32, #tpu.memory_space<vmem>> -> memref<1x128x128xf32, #tpu.memory_space<vmem>>
      %dma_wait3A_137 = tpu.memref_squeeze %dma_wait3A_136 : memref<1x128x128xf32, #tpu.memory_space<vmem>> -> memref<128x128xf32, #tpu.memory_space<vmem>>
      %dma_wait3A_138 = arith.constant 0 : i32
      %dma_wait3A_139 = tpu.memref_slice %arg7[%mul3A_108, %dma_wait3A_138] : memref<64x128xi32, #tpu.memory_space<vmem>> -> memref<1x128xi32, #tpu.memory_space<vmem>>
      %dma_wait3A_140 = tpu.memref_squeeze %dma_wait3A_139 : memref<1x128xi32, #tpu.memory_space<vmem>> -> memref<128xi32, #tpu.memory_space<vmem>>
      %dma_wait3A_141 = arith.constant 0 : i32
      %dma_wait3A_142 = arith.constant 0 : i32
      %dma_wait3A_143 = tpu.memref_slice %arg2[%dma_wait3A_141, %dma_wait3A_142] : memref<40000x128xf32, #tpu.memory_space<hbm>> -> memref<40000x128xf32, #tpu.memory_space<hbm>>
      tpu.wait_indirect_dma semaphore(%arg11 : memref<!tpu.dma_semaphore, #tpu.memory_space<semaphore_mem>>) src(%dma_wait3A_143 : memref<40000x128xf32, #tpu.memory_space<hbm>>) dst(%dma_wait3A_137 : memref<128x128xf32, #tpu.memory_space<vmem>>)
      %run_scoped3A_144 = arith.constant 0 : i32
      "tpu.region"() ({
        %run_scoped3A_157 = tpu.sem_alloc : memref<!tpu.dma_semaphore, #tpu.memory_space<semaphore_mem>>
        %dma_start3A_158 = arith.constant 0 : i32
        %dma_start3A_159 = arith.constant 0 : i32
        %dma_start3A_160 = tpu.memref_slice %arg9[%run_scoped3A_144, %dma_start3A_158, %dma_start3A_159] : memref<2x128x128xf32, #tpu.memory_space<vmem>> -> memref<1x128x128xf32, #tpu.memory_space<vmem>>
        %dma_start3A_161 = tpu.memref_squeeze %dma_start3A_160 : memref<1x128x128xf32, #tpu.memory_space<vmem>> -> memref<128x128xf32, #tpu.memory_space<vmem>>
        %dma_start3A_162 = arith.constant 0 : i32
        %dma_start3A_163 = tpu.memref_slice %arg8[%mul3A_108, %dma_start3A_162] : memref<64x128xi32, #tpu.memory_space<vmem>> -> memref<1x128xi32, #tpu.memory_space<vmem>>
        %dma_start3A_164 = tpu.memref_squeeze %dma_start3A_163 : memref<1x128xi32, #tpu.memory_space<vmem>> -> memref<128xi32, #tpu.memory_space<vmem>>
        %dma_start3A_165 = arith.constant 0 : i32
        %dma_start3A_166 = arith.constant 0 : i32
        %dma_start3A_167 = tpu.memref_slice %arg10[%dma_start3A_165, %dma_start3A_166] : memref<10112x128xf32, #tpu.memory_space<vmem_shared>> -> memref<10112x128xf32, #tpu.memory_space<vmem_shared>>
        tpu.enqueue_indirect_dma source(%dma_start3A_161 : memref<128x128xf32, #tpu.memory_space<vmem>>) target(%dma_start3A_167 : memref<10112x128xf32, #tpu.memory_space<vmem_shared>>) offsets(%dma_start3A_164 : memref<128xi32, #tpu.memory_space<vmem>>) semaphore(%run_scoped3A_157 : memref<!tpu.dma_semaphore, #tpu.memory_space<semaphore_mem>>) {add = true}
        %dma_wait3A_168 = arith.constant 0 : i32
        %dma_wait3A_169 = arith.constant 0 : i32
        %dma_wait3A_170 = tpu.memref_slice %arg9[%run_scoped3A_144, %dma_wait3A_168, %dma_wait3A_169] : memref<2x128x128xf32, #tpu.memory_space<vmem>> -> memref<1x128x128xf32, #tpu.memory_space<vmem>>
        %dma_wait3A_171 = tpu.memref_squeeze %dma_wait3A_170 : memref<1x128x128xf32, #tpu.memory_space<vmem>> -> memref<128x128xf32, #tpu.memory_space<vmem>>
        %dma_wait3A_172 = arith.constant 0 : i32
        %dma_wait3A_173 = tpu.memref_slice %arg8[%mul3A_108, %dma_wait3A_172] : memref<64x128xi32, #tpu.memory_space<vmem>> -> memref<1x128xi32, #tpu.memory_space<vmem>>
        %dma_wait3A_174 = tpu.memref_squeeze %dma_wait3A_173 : memref<1x128xi32, #tpu.memory_space<vmem>> -> memref<128xi32, #tpu.memory_space<vmem>>
        %dma_wait3A_175 = arith.constant 0 : i32
        %dma_wait3A_176 = arith.constant 0 : i32
        %dma_wait3A_177 = tpu.memref_slice %arg10[%dma_wait3A_175, %dma_wait3A_176] : memref<10112x128xf32, #tpu.memory_space<vmem_shared>> -> memref<10112x128xf32, #tpu.memory_space<vmem_shared>>
        tpu.wait_indirect_dma semaphore(%run_scoped3A_157 : memref<!tpu.dma_semaphore, #tpu.memory_space<semaphore_mem>>) src(%dma_wait3A_171 : memref<128x128xf32, #tpu.memory_space<vmem>>) dst(%dma_wait3A_177 : memref<10112x128xf32, #tpu.memory_space<vmem_shared>>)
        tpu.yield
      }) : () -> ()
      %dma_wait3A_145 = arith.constant 1 : i32
      %dma_wait3A_146 = arith.constant 0 : i32
      %dma_wait3A_147 = arith.constant 0 : i32
      %dma_wait3A_148 = tpu.memref_slice %arg9[%dma_wait3A_145, %dma_wait3A_146, %dma_wait3A_147] : memref<2x128x128xf32, #tpu.memory_space<vmem>> -> memref<1x128x128xf32, #tpu.memory_space<vmem>>
      %dma_wait3A_149 = tpu.memref_squeeze %dma_wait3A_148 : memref<1x128x128xf32, #tpu.memory_space<vmem>> -> memref<128x128xf32, #tpu.memory_space<vmem>>
      %dma_wait3A_150 = arith.constant 0 : i32
      %dma_wait3A_151 = tpu.memref_slice %arg7[%add3A_112, %dma_wait3A_150] : memref<64x128xi32, #tpu.memory_space<vmem>> -> memref<1x128xi32, #tpu.memory_space<vmem>>
      %dma_wait3A_152 = tpu.memref_squeeze %dma_wait3A_151 : memref<1x128xi32, #tpu.memory_space<vmem>> -> memref<128xi32, #tpu.memory_space<vmem>>
      %dma_wait3A_153 = arith.constant 0 : i32
      %dma_wait3A_154 = arith.constant 0 : i32
      %dma_wait3A_155 = tpu.memref_slice %arg2[%dma_wait3A_153, %dma_wait3A_154] : memref<40000x128xf32, #tpu.memory_space<hbm>> -> memref<40000x128xf32, #tpu.memory_space<hbm>>
      tpu.wait_indirect_dma semaphore(%arg12 : memref<!tpu.dma_semaphore, #tpu.memory_space<semaphore_mem>>) src(%dma_wait3A_155 : memref<40000x128xf32, #tpu.memory_space<hbm>>) dst(%dma_wait3A_149 : memref<128x128xf32, #tpu.memory_space<vmem>>)
      %run_scoped3A_156 = arith.constant 1 : i32
      "tpu.region"() ({
        %run_scoped3A_157 = tpu.sem_alloc : memref<!tpu.dma_semaphore, #tpu.memory_space<semaphore_mem>>
        %dma_start3A_158 = arith.constant 0 : i32
        %dma_start3A_159 = arith.constant 0 : i32
        %dma_start3A_160 = tpu.memref_slice %arg9[%run_scoped3A_156, %dma_start3A_158, %dma_start3A_159] : memref<2x128x128xf32, #tpu.memory_space<vmem>> -> memref<1x128x128xf32, #tpu.memory_space<vmem>>
        %dma_start3A_161 = tpu.memref_squeeze %dma_start3A_160 : memref<1x128x128xf32, #tpu.memory_space<vmem>> -> memref<128x128xf32, #tpu.memory_space<vmem>>
        %dma_start3A_162 = arith.constant 0 : i32
        %dma_start3A_163 = tpu.memref_slice %arg8[%add3A_112, %dma_start3A_162] : memref<64x128xi32, #tpu.memory_space<vmem>> -> memref<1x128xi32, #tpu.memory_space<vmem>>
        %dma_start3A_164 = tpu.memref_squeeze %dma_start3A_163 : memref<1x128xi32, #tpu.memory_space<vmem>> -> memref<128xi32, #tpu.memory_space<vmem>>
        %dma_start3A_165 = arith.constant 0 : i32
        %dma_start3A_166 = arith.constant 0 : i32
        %dma_start3A_167 = tpu.memref_slice %arg10[%dma_start3A_165, %dma_start3A_166] : memref<10112x128xf32, #tpu.memory_space<vmem_shared>> -> memref<10112x128xf32, #tpu.memory_space<vmem_shared>>
        tpu.enqueue_indirect_dma source(%dma_start3A_161 : memref<128x128xf32, #tpu.memory_space<vmem>>) target(%dma_start3A_167 : memref<10112x128xf32, #tpu.memory_space<vmem_shared>>) offsets(%dma_start3A_164 : memref<128xi32, #tpu.memory_space<vmem>>) semaphore(%run_scoped3A_157 : memref<!tpu.dma_semaphore, #tpu.memory_space<semaphore_mem>>) {add = true}
        %dma_wait3A_168 = arith.constant 0 : i32
        %dma_wait3A_169 = arith.constant 0 : i32
        %dma_wait3A_170 = tpu.memref_slice %arg9[%run_scoped3A_156, %dma_wait3A_168, %dma_wait3A_169] : memref<2x128x128xf32, #tpu.memory_space<vmem>> -> memref<1x128x128xf32, #tpu.memory_space<vmem>>
        %dma_wait3A_171 = tpu.memref_squeeze %dma_wait3A_170 : memref<1x128x128xf32, #tpu.memory_space<vmem>> -> memref<128x128xf32, #tpu.memory_space<vmem>>
        %dma_wait3A_172 = arith.constant 0 : i32
        %dma_wait3A_173 = tpu.memref_slice %arg8[%add3A_112, %dma_wait3A_172] : memref<64x128xi32, #tpu.memory_space<vmem>> -> memref<1x128xi32, #tpu.memory_space<vmem>>
        %dma_wait3A_174 = tpu.memref_squeeze %dma_wait3A_173 : memref<1x128xi32, #tpu.memory_space<vmem>> -> memref<128xi32, #tpu.memory_space<vmem>>
        %dma_wait3A_175 = arith.constant 0 : i32
        %dma_wait3A_176 = arith.constant 0 : i32
        %dma_wait3A_177 = tpu.memref_slice %arg10[%dma_wait3A_175, %dma_wait3A_176] : memref<10112x128xf32, #tpu.memory_space<vmem_shared>> -> memref<10112x128xf32, #tpu.memory_space<vmem_shared>>
        tpu.wait_indirect_dma semaphore(%run_scoped3A_157 : memref<!tpu.dma_semaphore, #tpu.memory_space<semaphore_mem>>) src(%dma_wait3A_171 : memref<128x128xf32, #tpu.memory_space<vmem>>) dst(%dma_wait3A_177 : memref<10112x128xf32, #tpu.memory_space<vmem_shared>>)
        tpu.yield
      }) : () -> ()
    }
    %while3A_55 = arith.constant 1 : i32
    scf.for %while3A_106 = %while3A_53 to %while3A_49 step %while3A_55  : i32 {
      %mul3A_107 = arith.constant 2 : i32
      %mul3A_108 = arith.muli %mul3A_107, %while3A_106 : i32
      %mul3A_109 = arith.constant 2 : i32
      %mul3A_110 = arith.muli %mul3A_109, %while3A_106 : i32
      %add3A_111 = arith.constant 1 : i32
      %add3A_112 = arith.addi %mul3A_110, %add3A_111 : i32
      %dma_start3A = arith.constant 0 : i32
      %dma_start3A_113 = arith.constant 0 : i32
      %dma_start3A_114 = arith.constant 0 : i32
      %dma_start3A_115 = tpu.memref_slice %arg9[%dma_start3A, %dma_start3A_113, %dma_start3A_114] : memref<2x128x128xf32, #tpu.memory_space<vmem>> -> memref<1x128x128xf32, #tpu.memory_space<vmem>>
      %dma_start3A_116 = tpu.memref_squeeze %dma_start3A_115 : memref<1x128x128xf32, #tpu.memory_space<vmem>> -> memref<128x128xf32, #tpu.memory_space<vmem>>
      %dma_start3A_117 = arith.constant 0 : i32
      %dma_start3A_118 = tpu.memref_slice %arg7[%mul3A_108, %dma_start3A_117] : memref<64x128xi32, #tpu.memory_space<vmem>> -> memref<1x128xi32, #tpu.memory_space<vmem>>
      %dma_start3A_119 = tpu.memref_squeeze %dma_start3A_118 : memref<1x128xi32, #tpu.memory_space<vmem>> -> memref<128xi32, #tpu.memory_space<vmem>>
      %dma_start3A_120 = arith.constant 0 : i32
      %dma_start3A_121 = arith.constant 0 : i32
      %dma_start3A_122 = tpu.memref_slice %arg2[%dma_start3A_120, %dma_start3A_121] : memref<40000x128xf32, #tpu.memory_space<hbm>> -> memref<40000x128xf32, #tpu.memory_space<hbm>>
      tpu.enqueue_indirect_dma source(%dma_start3A_122 : memref<40000x128xf32, #tpu.memory_space<hbm>>) target(%dma_start3A_116 : memref<128x128xf32, #tpu.memory_space<vmem>>) offsets(%dma_start3A_119 : memref<128xi32, #tpu.memory_space<vmem>>) semaphore(%arg11 : memref<!tpu.dma_semaphore, #tpu.memory_space<semaphore_mem>>)
      %dma_start3A_123 = arith.constant 1 : i32
      %dma_start3A_124 = arith.constant 0 : i32
      %dma_start3A_125 = arith.constant 0 : i32
      %dma_start3A_126 = tpu.memref_slice %arg9[%dma_start3A_123, %dma_start3A_124, %dma_start3A_125] : memref<2x128x128xf32, #tpu.memory_space<vmem>> -> memref<1x128x128xf32, #tpu.memory_space<vmem>>
      %dma_start3A_127 = tpu.memref_squeeze %dma_start3A_126 : memref<1x128x128xf32, #tpu.memory_space<vmem>> -> memref<128x128xf32, #tpu.memory_space<vmem>>
      %dma_start3A_128 = arith.constant 0 : i32
      %dma_start3A_129 = tpu.memref_slice %arg7[%add3A_112, %dma_start3A_128] : memref<64x128xi32, #tpu.memory_space<vmem>> -> memref<1x128xi32, #tpu.memory_space<vmem>>
      %dma_start3A_130 = tpu.memref_squeeze %dma_start3A_129 : memref<1x128xi32, #tpu.memory_space<vmem>> -> memref<128xi32, #tpu.memory_space<vmem>>
      %dma_start3A_131 = arith.constant 0 : i32
      %dma_start3A_132 = arith.constant 0 : i32
      %dma_start3A_133 = tpu.memref_slice %arg2[%dma_start3A_131, %dma_start3A_132] : memref<40000x128xf32, #tpu.memory_space<hbm>> -> memref<40000x128xf32, #tpu.memory_space<hbm>>
      tpu.enqueue_indirect_dma source(%dma_start3A_133 : memref<40000x128xf32, #tpu.memory_space<hbm>>) target(%dma_start3A_127 : memref<128x128xf32, #tpu.memory_space<vmem>>) offsets(%dma_start3A_130 : memref<128xi32, #tpu.memory_space<vmem>>) semaphore(%arg12 : memref<!tpu.dma_semaphore, #tpu.memory_space<semaphore_mem>>)
      %dma_wait3A = arith.constant 0 : i32
      %dma_wait3A_134 = arith.constant 0 : i32
      %dma_wait3A_135 = arith.constant 0 : i32
      %dma_wait3A_136 = tpu.memref_slice %arg9[%dma_wait3A, %dma_wait3A_134, %dma_wait3A_135] : memref<2x128x128xf32, #tpu.memory_space<vmem>> -> memref<1x128x128xf32, #tpu.memory_space<vmem>>
      %dma_wait3A_137 = tpu.memref_squeeze %dma_wait3A_136 : memref<1x128x128xf32, #tpu.memory_space<vmem>> -> memref<128x128xf32, #tpu.memory_space<vmem>>
      %dma_wait3A_138 = arith.constant 0 : i32
      %dma_wait3A_139 = tpu.memref_slice %arg7[%mul3A_108, %dma_wait3A_138] : memref<64x128xi32, #tpu.memory_space<vmem>> -> memref<1x128xi32, #tpu.memory_space<vmem>>
      %dma_wait3A_140 = tpu.memref_squeeze %dma_wait3A_139 : memref<1x128xi32, #tpu.memory_space<vmem>> -> memref<128xi32, #tpu.memory_space<vmem>>
      %dma_wait3A_141 = arith.constant 0 : i32
      %dma_wait3A_142 = arith.constant 0 : i32
      %dma_wait3A_143 = tpu.memref_slice %arg2[%dma_wait3A_141, %dma_wait3A_142] : memref<40000x128xf32, #tpu.memory_space<hbm>> -> memref<40000x128xf32, #tpu.memory_space<hbm>>
      tpu.wait_indirect_dma semaphore(%arg11 : memref<!tpu.dma_semaphore, #tpu.memory_space<semaphore_mem>>) src(%dma_wait3A_143 : memref<40000x128xf32, #tpu.memory_space<hbm>>) dst(%dma_wait3A_137 : memref<128x128xf32, #tpu.memory_space<vmem>>)
      %run_scoped3A_144 = arith.constant 0 : i32
      "tpu.region"() ({
        %run_scoped3A_157 = tpu.sem_alloc : memref<!tpu.dma_semaphore, #tpu.memory_space<semaphore_mem>>
        %dma_start3A_158 = arith.constant 0 : i32
        %dma_start3A_159 = arith.constant 0 : i32
        %dma_start3A_160 = tpu.memref_slice %arg9[%run_scoped3A_144, %dma_start3A_158, %dma_start3A_159] : memref<2x128x128xf32, #tpu.memory_space<vmem>> -> memref<1x128x128xf32, #tpu.memory_space<vmem>>
        %dma_start3A_161 = tpu.memref_squeeze %dma_start3A_160 : memref<1x128x128xf32, #tpu.memory_space<vmem>> -> memref<128x128xf32, #tpu.memory_space<vmem>>
        %dma_start3A_162 = arith.constant 0 : i32
        %dma_start3A_163 = tpu.memref_slice %arg8[%mul3A_108, %dma_start3A_162] : memref<64x128xi32, #tpu.memory_space<vmem>> -> memref<1x128xi32, #tpu.memory_space<vmem>>
        %dma_start3A_164 = tpu.memref_squeeze %dma_start3A_163 : memref<1x128xi32, #tpu.memory_space<vmem>> -> memref<128xi32, #tpu.memory_space<vmem>>
        %dma_start3A_165 = arith.constant 0 : i32
        %dma_start3A_166 = arith.constant 0 : i32
        %dma_start3A_167 = tpu.memref_slice %arg10[%dma_start3A_165, %dma_start3A_166] : memref<10112x128xf32, #tpu.memory_space<vmem_shared>> -> memref<10112x128xf32, #tpu.memory_space<vmem_shared>>
        tpu.enqueue_indirect_dma source(%dma_start3A_161 : memref<128x128xf32, #tpu.memory_space<vmem>>) target(%dma_start3A_167 : memref<10112x128xf32, #tpu.memory_space<vmem_shared>>) offsets(%dma_start3A_164 : memref<128xi32, #tpu.memory_space<vmem>>) semaphore(%run_scoped3A_157 : memref<!tpu.dma_semaphore, #tpu.memory_space<semaphore_mem>>) {add = true}
        %dma_wait3A_168 = arith.constant 0 : i32
        %dma_wait3A_169 = arith.constant 0 : i32
        %dma_wait3A_170 = tpu.memref_slice %arg9[%run_scoped3A_144, %dma_wait3A_168, %dma_wait3A_169] : memref<2x128x128xf32, #tpu.memory_space<vmem>> -> memref<1x128x128xf32, #tpu.memory_space<vmem>>
        %dma_wait3A_171 = tpu.memref_squeeze %dma_wait3A_170 : memref<1x128x128xf32, #tpu.memory_space<vmem>> -> memref<128x128xf32, #tpu.memory_space<vmem>>
        %dma_wait3A_172 = arith.constant 0 : i32
        %dma_wait3A_173 = tpu.memref_slice %arg8[%mul3A_108, %dma_wait3A_172] : memref<64x128xi32, #tpu.memory_space<vmem>> -> memref<1x128xi32, #tpu.memory_space<vmem>>
        %dma_wait3A_174 = tpu.memref_squeeze %dma_wait3A_173 : memref<1x128xi32, #tpu.memory_space<vmem>> -> memref<128xi32, #tpu.memory_space<vmem>>
        %dma_wait3A_175 = arith.constant 0 : i32
        %dma_wait3A_176 = arith.constant 0 : i32
        %dma_wait3A_177 = tpu.memref_slice %arg10[%dma_wait3A_175, %dma_wait3A_176] : memref<10112x128xf32, #tpu.memory_space<vmem_shared>> -> memref<10112x128xf32, #tpu.memory_space<vmem_shared>>
        tpu.wait_indirect_dma semaphore(%run_scoped3A_157 : memref<!tpu.dma_semaphore, #tpu.memory_space<semaphore_mem>>) src(%dma_wait3A_171 : memref<128x128xf32, #tpu.memory_space<vmem>>) dst(%dma_wait3A_177 : memref<10112x128xf32, #tpu.memory_space<vmem_shared>>)
        tpu.yield
      }) : () -> ()
      %dma_wait3A_145 = arith.constant 1 : i32
      %dma_wait3A_146 = arith.constant 0 : i32
      %dma_wait3A_147 = arith.constant 0 : i32
      %dma_wait3A_148 = tpu.memref_slice %arg9[%dma_wait3A_145, %dma_wait3A_146, %dma_wait3A_147] : memref<2x128x128xf32, #tpu.memory_space<vmem>> -> memref<1x128x128xf32, #tpu.memory_space<vmem>>
      %dma_wait3A_149 = tpu.memref_squeeze %dma_wait3A_148 : memref<1x128x128xf32, #tpu.memory_space<vmem>> -> memref<128x128xf32, #tpu.memory_space<vmem>>
      %dma_wait3A_150 = arith.constant 0 : i32
      %dma_wait3A_151 = tpu.memref_slice %arg7[%add3A_112, %dma_wait3A_150] : memref<64x128xi32, #tpu.memory_space<vmem>> -> memref<1x128xi32, #tpu.memory_space<vmem>>
      %dma_wait3A_152 = tpu.memref_squeeze %dma_wait3A_151 : memref<1x128xi32, #tpu.memory_space<vmem>> -> memref<128xi32, #tpu.memory_space<vmem>>
      %dma_wait3A_153 = arith.constant 0 : i32
      %dma_wait3A_154 = arith.constant 0 : i32
      %dma_wait3A_155 = tpu.memref_slice %arg2[%dma_wait3A_153, %dma_wait3A_154] : memref<40000x128xf32, #tpu.memory_space<hbm>> -> memref<40000x128xf32, #tpu.memory_space<hbm>>
      tpu.wait_indirect_dma semaphore(%arg12 : memref<!tpu.dma_semaphore, #tpu.memory_space<semaphore_mem>>) src(%dma_wait3A_155 : memref<40000x128xf32, #tpu.memory_space<hbm>>) dst(%dma_wait3A_149 : memref<128x128xf32, #tpu.memory_space<vmem>>)
      %run_scoped3A_156 = arith.constant 1 : i32
      "tpu.region"() ({
        %run_scoped3A_157 = tpu.sem_alloc : memref<!tpu.dma_semaphore, #tpu.memory_space<semaphore_mem>>
        %dma_start3A_158 = arith.constant 0 : i32
        %dma_start3A_159 = arith.constant 0 : i32
        %dma_start3A_160 = tpu.memref_slice %arg9[%run_scoped3A_156, %dma_start3A_158, %dma_start3A_159] : memref<2x128x128xf32, #tpu.memory_space<vmem>> -> memref<1x128x128xf32, #tpu.memory_space<vmem>>
        %dma_start3A_161 = tpu.memref_squeeze %dma_start3A_160 : memref<1x128x128xf32, #tpu.memory_space<vmem>> -> memref<128x128xf32, #tpu.memory_space<vmem>>
        %dma_start3A_162 = arith.constant 0 : i32
        %dma_start3A_163 = tpu.memref_slice %arg8[%add3A_112, %dma_start3A_162] : memref<64x128xi32, #tpu.memory_space<vmem>> -> memref<1x128xi32, #tpu.memory_space<vmem>>
        %dma_start3A_164 = tpu.memref_squeeze %dma_start3A_163 : memref<1x128xi32, #tpu.memory_space<vmem>> -> memref<128xi32, #tpu.memory_space<vmem>>
        %dma_start3A_165 = arith.constant 0 : i32
        %dma_start3A_166 = arith.constant 0 : i32
        %dma_start3A_167 = tpu.memref_slice %arg10[%dma_start3A_165, %dma_start3A_166] : memref<10112x128xf32, #tpu.memory_space<vmem_shared>> -> memref<10112x128xf32, #tpu.memory_space<vmem_shared>>
        tpu.enqueue_indirect_dma source(%dma_start3A_161 : memref<128x128xf32, #tpu.memory_space<vmem>>) target(%dma_start3A_167 : memref<10112x128xf32, #tpu.memory_space<vmem_shared>>) offsets(%dma_start3A_164 : memref<128xi32, #tpu.memory_space<vmem>>) semaphore(%run_scoped3A_157 : memref<!tpu.dma_semaphore, #tpu.memory_space<semaphore_mem>>) {add = true}
        %dma_wait3A_168 = arith.constant 0 : i32
        %dma_wait3A_169 = arith.constant 0 : i32
        %dma_wait3A_170 = tpu.memref_slice %arg9[%run_scoped3A_156, %dma_wait3A_168, %dma_wait3A_169] : memref<2x128x128xf32, #tpu.memory_space<vmem>> -> memref<1x128x128xf32, #tpu.memory_space<vmem>>
        %dma_wait3A_171 = tpu.memref_squeeze %dma_wait3A_170 : memref<1x128x128xf32, #tpu.memory_space<vmem>> -> memref<128x128xf32, #tpu.memory_space<vmem>>
        %dma_wait3A_172 = arith.constant 0 : i32
        %dma_wait3A_173 = tpu.memref_slice %arg8[%add3A_112, %dma_wait3A_172] : memref<64x128xi32, #tpu.memory_space<vmem>> -> memref<1x128xi32, #tpu.memory_space<vmem>>
        %dma_wait3A_174 = tpu.memref_squeeze %dma_wait3A_173 : memref<1x128xi32, #tpu.memory_space<vmem>> -> memref<128xi32, #tpu.memory_space<vmem>>
        %dma_wait3A_175 = arith.constant 0 : i32
        %dma_wait3A_176 = arith.constant 0 : i32
        %dma_wait3A_177 = tpu.memref_slice %arg10[%dma_wait3A_175, %dma_wait3A_176] : memref<10112x128xf32, #tpu.memory_space<vmem_shared>> -> memref<10112x128xf32, #tpu.memory_space<vmem_shared>>
        tpu.wait_indirect_dma semaphore(%run_scoped3A_157 : memref<!tpu.dma_semaphore, #tpu.memory_space<semaphore_mem>>) src(%dma_wait3A_171 : memref<128x128xf32, #tpu.memory_space<vmem>>) dst(%dma_wait3A_177 : memref<10112x128xf32, #tpu.memory_space<vmem_shared>>)
        tpu.yield
      }) : () -> ()
    }
    %barrier3A_56 = arith.constant 0 : index
    tpu.barrier barrier_id(%barrier3A_56)
    %run_scoped3A_57 = arith.constant 1 : i32
    "tpu.trace_stop"() : () -> ()
    "tpu.trace_start"() <{level = 10 : i32, message = "writeout"}> : () -> ()
    "tpu.region"() ({
      %run_scoped3A_106 = tpu.sem_alloc : memref<!tpu.dma_semaphore, #tpu.memory_space<semaphore_mem>>
      %dma_start3A = arith.constant 0 : i32
      %dma_start3A_107 = tpu.memref_slice %arg6[%arg0, %run_scoped3A_57, %mul3A_15, %dma_start3A] : memref<2x4x10112x128xf32, #tpu.memory_space<hbm>> -> memref<1x1x632x128xf32, #tpu.memory_space<hbm>>
      %dma_start3A_108 = tpu.memref_squeeze %dma_start3A_107 : memref<1x1x632x128xf32, #tpu.memory_space<hbm>> -> memref<632x128xf32, #tpu.memory_space<hbm>>
      %dma_start3A_109 = arith.constant 0 : i32
      %dma_start3A_110 = tpu.memref_slice %arg10[%mul3A_15, %dma_start3A_109] : memref<10112x128xf32, #tpu.memory_space<vmem_shared>> -> memref<632x128xf32, #tpu.memory_space<vmem_shared>>
      tpu.enqueue_dma source(%dma_start3A_110 : memref<632x128xf32, #tpu.memory_space<vmem_shared>>) target(%dma_start3A_108 : memref<632x128xf32, #tpu.memory_space<hbm>>) target_semaphore(%run_scoped3A_106 : memref<!tpu.dma_semaphore, #tpu.memory_space<semaphore_mem>>)
      %dma_wait3A = arith.constant 0 : i32
      %dma_wait3A_111 = tpu.memref_slice %arg6[%arg0, %run_scoped3A_57, %mul3A_15, %dma_wait3A] : memref<2x4x10112x128xf32, #tpu.memory_space<hbm>> -> memref<1x1x632x128xf32, #tpu.memory_space<hbm>>
      %dma_wait3A_112 = tpu.memref_squeeze %dma_wait3A_111 : memref<1x1x632x128xf32, #tpu.memory_space<hbm>> -> memref<632x128xf32, #tpu.memory_space<hbm>>
      %dma_wait3A_113 = arith.constant 0 : i32
      %dma_wait3A_114 = tpu.memref_slice %arg10[%mul3A_15, %dma_wait3A_113] : memref<10112x128xf32, #tpu.memory_space<vmem_shared>> -> memref<632x128xf32, #tpu.memory_space<vmem_shared>>
      tpu.wait_dma2 semaphore(%run_scoped3A_106 : memref<!tpu.dma_semaphore, #tpu.memory_space<semaphore_mem>>) src(%dma_wait3A_114 : memref<632x128xf32, #tpu.memory_space<vmem_shared>>) dst(%dma_wait3A_112 : memref<632x128xf32, #tpu.memory_space<hbm>>)
      tpu.yield
    }) : () -> ()
    "tpu.trace_stop"() : () -> ()
    %barrier3A_58 = arith.constant 0 : index
    tpu.barrier barrier_id(%barrier3A_58)
    %while3A_59 = arith.constant 0 : i32
    %while3A_60 = arith.constant 0 : i32
    %while3A_61 = arith.subi %select_n3A_8, %while3A_60 : i32
    %while3A_62 = arith.addi %while3A_60, %while3A_61 : i32
    %while3A_63 = arith.constant 1 : i32
    %while3A_64 = arith.divsi %while3A_61, %while3A_63 : i32
    %while3A_65 = arith.muli %while3A_64, %while3A_63 : i32
    %while3A_66 = arith.addi %while3A_60, %while3A_65 : i32
    %while3A_67 = arith.constant 1 : i32
    scf.for %while3A_106 = %while3A_60 to %while3A_66 step %while3A_67  : i32 {
      %get3A = arith.index_cast %while3A_106 : i32 to index
      %get3A_107 = arith.constant 0 : index
      %get3A_108 = tpu.vector_load %arg7[%get3A, %get3A_107] {strides = array<i32>} : memref<64x128xi32, #tpu.memory_space<vmem>>, vector<1x16xi32>,
      %get3A_109 = vector.shape_cast %get3A_108 : vector<1x16xi32> to vector<16xi32>
      %add3A_110 = arith.constant 10000 : i32
      %add3A_111 = vector.broadcast %add3A_110 : i32 to vector<16xi32>
      %add3A_112 = arith.addi %get3A_109, %add3A_111 : vector<16xi32>
      %swap3A = arith.index_cast %while3A_106 : i32 to index
      %swap3A_113 = arith.constant 0 : index
      %swap3A_114 = tpu.vector_load %arg7[%swap3A, %swap3A_113] {strides = array<i32>} : memref<64x128xi32, #tpu.memory_space<vmem>>, vector<1x16xi32>,
      %swap3A_115 = vector.shape_cast %swap3A_114 : vector<1x16xi32> to vector<16xi32>
      %swap3A_116 = vector.shape_cast %add3A_112 : vector<16xi32> to vector<1x16xi32>
      tpu.vector_store %arg7[%swap3A, %swap3A_113], %swap3A_116 {strides = array<i32>} : memref<64x128xi32, #tpu.memory_space<vmem>>, vector<1x16xi32>,
      %get3A_117 = arith.index_cast %while3A_106 : i32 to index
      %get3A_118 = arith.constant 16 : index
      %get3A_119 = tpu.vector_load %arg7[%get3A_117, %get3A_118] {strides = array<i32>} : memref<64x128xi32, #tpu.memory_space<vmem>>, vector<1x16xi32>,
      %get3A_120 = vector.shape_cast %get3A_119 : vector<1x16xi32> to vector<16xi32>
      %add3A_121 = arith.constant 10000 : i32
      %add3A_122 = vector.broadcast %add3A_121 : i32 to vector<16xi32>
      %add3A_123 = arith.addi %get3A_120, %add3A_122 : vector<16xi32>
      %swap3A_124 = arith.index_cast %while3A_106 : i32 to index
      %swap3A_125 = arith.constant 16 : index
      %swap3A_126 = tpu.vector_load %arg7[%swap3A_124, %swap3A_125] {strides = array<i32>} : memref<64x128xi32, #tpu.memory_space<vmem>>, vector<1x16xi32>,
      %swap3A_127 = vector.shape_cast %swap3A_126 : vector<1x16xi32> to vector<16xi32>
      %swap3A_128 = vector.shape_cast %add3A_123 : vector<16xi32> to vector<1x16xi32>
      tpu.vector_store %arg7[%swap3A_124, %swap3A_125], %swap3A_128 {strides = array<i32>} : memref<64x128xi32, #tpu.memory_space<vmem>>, vector<1x16xi32>,
      %get3A_129 = arith.index_cast %while3A_106 : i32 to index
      %get3A_130 = arith.constant 32 : index
      %get3A_131 = tpu.vector_load %arg7[%get3A_129, %get3A_130] {strides = array<i32>} : memref<64x128xi32, #tpu.memory_space<vmem>>, vector<1x16xi32>,
      %get3A_132 = vector.shape_cast %get3A_131 : vector<1x16xi32> to vector<16xi32>
      %add3A_133 = arith.constant 10000 : i32
      %add3A_134 = vector.broadcast %add3A_133 : i32 to vector<16xi32>
      %add3A_135 = arith.addi %get3A_132, %add3A_134 : vector<16xi32>
      %swap3A_136 = arith.index_cast %while3A_106 : i32 to index
      %swap3A_137 = arith.constant 32 : index
      %swap3A_138 = tpu.vector_load %arg7[%swap3A_136, %swap3A_137] {strides = array<i32>} : memref<64x128xi32, #tpu.memory_space<vmem>>, vector<1x16xi32>,
      %swap3A_139 = vector.shape_cast %swap3A_138 : vector<1x16xi32> to vector<16xi32>
      %swap3A_140 = vector.shape_cast %add3A_135 : vector<16xi32> to vector<1x16xi32>
      tpu.vector_store %arg7[%swap3A_136, %swap3A_137], %swap3A_140 {strides = array<i32>} : memref<64x128xi32, #tpu.memory_space<vmem>>, vector<1x16xi32>,
      %get3A_141 = arith.index_cast %while3A_106 : i32 to index
      %get3A_142 = arith.constant 48 : index
      %get3A_143 = tpu.vector_load %arg7[%get3A_141, %get3A_142] {strides = array<i32>} : memref<64x128xi32, #tpu.memory_space<vmem>>, vector<1x16xi32>,
      %get3A_144 = vector.shape_cast %get3A_143 : vector<1x16xi32> to vector<16xi32>
      %add3A_145 = arith.constant 10000 : i32
      %add3A_146 = vector.broadcast %add3A_145 : i32 to vector<16xi32>
      %add3A_147 = arith.addi %get3A_144, %add3A_146 : vector<16xi32>
      %swap3A_148 = arith.index_cast %while3A_106 : i32 to index
      %swap3A_149 = arith.constant 48 : index
      %swap3A_150 = tpu.vector_load %arg7[%swap3A_148, %swap3A_149] {strides = array<i32>} : memref<64x128xi32, #tpu.memory_space<vmem>>, vector<1x16xi32>,
      %swap3A_151 = vector.shape_cast %swap3A_150 : vector<1x16xi32> to vector<16xi32>
      %swap3A_152 = vector.shape_cast %add3A_147 : vector<16xi32> to vector<1x16xi32>
      tpu.vector_store %arg7[%swap3A_148, %swap3A_149], %swap3A_152 {strides = array<i32>} : memref<64x128xi32, #tpu.memory_space<vmem>>, vector<1x16xi32>,
      %get3A_153 = arith.index_cast %while3A_106 : i32 to index
      %get3A_154 = arith.constant 64 : index
      %get3A_155 = tpu.vector_load %arg7[%get3A_153, %get3A_154] {strides = array<i32>} : memref<64x128xi32, #tpu.memory_space<vmem>>, vector<1x16xi32>,
      %get3A_156 = vector.shape_cast %get3A_155 : vector<1x16xi32> to vector<16xi32>
      %add3A_157 = arith.constant 10000 : i32
      %add3A_158 = vector.broadcast %add3A_157 : i32 to vector<16xi32>
      %add3A_159 = arith.addi %get3A_156, %add3A_158 : vector<16xi32>
      %swap3A_160 = arith.index_cast %while3A_106 : i32 to index
      %swap3A_161 = arith.constant 64 : index
      %swap3A_162 = tpu.vector_load %arg7[%swap3A_160, %swap3A_161] {strides = array<i32>} : memref<64x128xi32, #tpu.memory_space<vmem>>, vector<1x16xi32>,
      %swap3A_163 = vector.shape_cast %swap3A_162 : vector<1x16xi32> to vector<16xi32>
      %swap3A_164 = vector.shape_cast %add3A_159 : vector<16xi32> to vector<1x16xi32>
      tpu.vector_store %arg7[%swap3A_160, %swap3A_161], %swap3A_164 {strides = array<i32>} : memref<64x128xi32, #tpu.memory_space<vmem>>, vector<1x16xi32>,
      %get3A_165 = arith.index_cast %while3A_106 : i32 to index
      %get3A_166 = arith.constant 80 : index
      %get3A_167 = tpu.vector_load %arg7[%get3A_165, %get3A_166] {strides = array<i32>} : memref<64x128xi32, #tpu.memory_space<vmem>>, vector<1x16xi32>,
      %get3A_168 = vector.shape_cast %get3A_167 : vector<1x16xi32> to vector<16xi32>
      %add3A_169 = arith.constant 10000 : i32
      %add3A_170 = vector.broadcast %add3A_169 : i32 to vector<16xi32>
      %add3A_171 = arith.addi %get3A_168, %add3A_170 : vector<16xi32>
      %swap3A_172 = arith.index_cast %while3A_106 : i32 to index
      %swap3A_173 = arith.constant 80 : index
      %swap3A_174 = tpu.vector_load %arg7[%swap3A_172, %swap3A_173] {strides = array<i32>} : memref<64x128xi32, #tpu.memory_space<vmem>>, vector<1x16xi32>,
      %swap3A_175 = vector.shape_cast %swap3A_174 : vector<1x16xi32> to vector<16xi32>
      %swap3A_176 = vector.shape_cast %add3A_171 : vector<16xi32> to vector<1x16xi32>
      tpu.vector_store %arg7[%swap3A_172, %swap3A_173], %swap3A_176 {strides = array<i32>} : memref<64x128xi32, #tpu.memory_space<vmem>>, vector<1x16xi32>,
      %get3A_177 = arith.index_cast %while3A_106 : i32 to index
      %get3A_178 = arith.constant 96 : index
      %get3A_179 = tpu.vector_load %arg7[%get3A_177, %get3A_178] {strides = array<i32>} : memref<64x128xi32, #tpu.memory_space<vmem>>, vector<1x16xi32>,
      %get3A_180 = vector.shape_cast %get3A_179 : vector<1x16xi32> to vector<16xi32>
      %add3A_181 = arith.constant 10000 : i32
      %add3A_182 = vector.broadcast %add3A_181 : i32 to vector<16xi32>
      %add3A_183 = arith.addi %get3A_180, %add3A_182 : vector<16xi32>
      %swap3A_184 = arith.index_cast %while3A_106 : i32 to index
      %swap3A_185 = arith.constant 96 : index
      %swap3A_186 = tpu.vector_load %arg7[%swap3A_184, %swap3A_185] {strides = array<i32>} : memref<64x128xi32, #tpu.memory_space<vmem>>, vector<1x16xi32>,
      %swap3A_187 = vector.shape_cast %swap3A_186 : vector<1x16xi32> to vector<16xi32>
      %swap3A_188 = vector.shape_cast %add3A_183 : vector<16xi32> to vector<1x16xi32>
      tpu.vector_store %arg7[%swap3A_184, %swap3A_185], %swap3A_188 {strides = array<i32>} : memref<64x128xi32, #tpu.memory_space<vmem>>, vector<1x16xi32>,
      %get3A_189 = arith.index_cast %while3A_106 : i32 to index
      %get3A_190 = arith.constant 112 : index
      %get3A_191 = tpu.vector_load %arg7[%get3A_189, %get3A_190] {strides = array<i32>} : memref<64x128xi32, #tpu.memory_space<vmem>>, vector<1x16xi32>,
      %get3A_192 = vector.shape_cast %get3A_191 : vector<1x16xi32> to vector<16xi32>
      %add3A_193 = arith.constant 10000 : i32
      %add3A_194 = vector.broadcast %add3A_193 : i32 to vector<16xi32>
      %add3A_195 = arith.addi %get3A_192, %add3A_194 : vector<16xi32>
      %swap3A_196 = arith.index_cast %while3A_106 : i32 to index
      %swap3A_197 = arith.constant 112 : index
      %swap3A_198 = tpu.vector_load %arg7[%swap3A_196, %swap3A_197] {strides = array<i32>} : memref<64x128xi32, #tpu.memory_space<vmem>>, vector<1x16xi32>,
      %swap3A_199 = vector.shape_cast %swap3A_198 : vector<1x16xi32> to vector<16xi32>
      %swap3A_200 = vector.shape_cast %add3A_195 : vector<16xi32> to vector<1x16xi32>
      tpu.vector_store %arg7[%swap3A_196, %swap3A_197], %swap3A_200 {strides = array<i32>} : memref<64x128xi32, #tpu.memory_space<vmem>>, vector<1x16xi32>,
    }
    %while3A_68 = arith.constant 1 : i32
    scf.for %while3A_106 = %while3A_66 to %while3A_62 step %while3A_68  : i32 {
      %get3A = arith.index_cast %while3A_106 : i32 to index
      %get3A_107 = arith.constant 0 : index
      %get3A_108 = tpu.vector_load %arg7[%get3A, %get3A_107] {strides = array<i32>} : memref<64x128xi32, #tpu.memory_space<vmem>>, vector<1x16xi32>,
      %get3A_109 = vector.shape_cast %get3A_108 : vector<1x16xi32> to vector<16xi32>
      %add3A_110 = arith.constant 10000 : i32
      %add3A_111 = vector.broadcast %add3A_110 : i32 to vector<16xi32>
      %add3A_112 = arith.addi %get3A_109, %add3A_111 : vector<16xi32>
      %swap3A = arith.index_cast %while3A_106 : i32 to index
      %swap3A_113 = arith.constant 0 : index
      %swap3A_114 = tpu.vector_load %arg7[%swap3A, %swap3A_113] {strides = array<i32>} : memref<64x128xi32, #tpu.memory_space<vmem>>, vector<1x16xi32>,
      %swap3A_115 = vector.shape_cast %swap3A_114 : vector<1x16xi32> to vector<16xi32>
      %swap3A_116 = vector.shape_cast %add3A_112 : vector<16xi32> to vector<1x16xi32>
      tpu.vector_store %arg7[%swap3A, %swap3A_113], %swap3A_116 {strides = array<i32>} : memref<64x128xi32, #tpu.memory_space<vmem>>, vector<1x16xi32>,
      %get3A_117 = arith.index_cast %while3A_106 : i32 to index
      %get3A_118 = arith.constant 16 : index
      %get3A_119 = tpu.vector_load %arg7[%get3A_117, %get3A_118] {strides = array<i32>} : memref<64x128xi32, #tpu.memory_space<vmem>>, vector<1x16xi32>,
      %get3A_120 = vector.shape_cast %get3A_119 : vector<1x16xi32> to vector<16xi32>
      %add3A_121 = arith.constant 10000 : i32
      %add3A_122 = vector.broadcast %add3A_121 : i32 to vector<16xi32>
      %add3A_123 = arith.addi %get3A_120, %add3A_122 : vector<16xi32>
      %swap3A_124 = arith.index_cast %while3A_106 : i32 to index
      %swap3A_125 = arith.constant 16 : index
      %swap3A_126 = tpu.vector_load %arg7[%swap3A_124, %swap3A_125] {strides = array<i32>} : memref<64x128xi32, #tpu.memory_space<vmem>>, vector<1x16xi32>,
      %swap3A_127 = vector.shape_cast %swap3A_126 : vector<1x16xi32> to vector<16xi32>
      %swap3A_128 = vector.shape_cast %add3A_123 : vector<16xi32> to vector<1x16xi32>
      tpu.vector_store %arg7[%swap3A_124, %swap3A_125], %swap3A_128 {strides = array<i32>} : memref<64x128xi32, #tpu.memory_space<vmem>>, vector<1x16xi32>,
      %get3A_129 = arith.index_cast %while3A_106 : i32 to index
      %get3A_130 = arith.constant 32 : index
      %get3A_131 = tpu.vector_load %arg7[%get3A_129, %get3A_130] {strides = array<i32>} : memref<64x128xi32, #tpu.memory_space<vmem>>, vector<1x16xi32>,
      %get3A_132 = vector.shape_cast %get3A_131 : vector<1x16xi32> to vector<16xi32>
      %add3A_133 = arith.constant 10000 : i32
      %add3A_134 = vector.broadcast %add3A_133 : i32 to vector<16xi32>
      %add3A_135 = arith.addi %get3A_132, %add3A_134 : vector<16xi32>
      %swap3A_136 = arith.index_cast %while3A_106 : i32 to index
      %swap3A_137 = arith.constant 32 : index
      %swap3A_138 = tpu.vector_load %arg7[%swap3A_136, %swap3A_137] {strides = array<i32>} : memref<64x128xi32, #tpu.memory_space<vmem>>, vector<1x16xi32>,
      %swap3A_139 = vector.shape_cast %swap3A_138 : vector<1x16xi32> to vector<16xi32>
      %swap3A_140 = vector.shape_cast %add3A_135 : vector<16xi32> to vector<1x16xi32>
      tpu.vector_store %arg7[%swap3A_136, %swap3A_137], %swap3A_140 {strides = array<i32>} : memref<64x128xi32, #tpu.memory_space<vmem>>, vector<1x16xi32>,
      %get3A_141 = arith.index_cast %while3A_106 : i32 to index
      %get3A_142 = arith.constant 48 : index
      %get3A_143 = tpu.vector_load %arg7[%get3A_141, %get3A_142] {strides = array<i32>} : memref<64x128xi32, #tpu.memory_space<vmem>>, vector<1x16xi32>,
      %get3A_144 = vector.shape_cast %get3A_143 : vector<1x16xi32> to vector<16xi32>
      %add3A_145 = arith.constant 10000 : i32
      %add3A_146 = vector.broadcast %add3A_145 : i32 to vector<16xi32>
      %add3A_147 = arith.addi %get3A_144, %add3A_146 : vector<16xi32>
      %swap3A_148 = arith.index_cast %while3A_106 : i32 to index
      %swap3A_149 = arith.constant 48 : index
      %swap3A_150 = tpu.vector_load %arg7[%swap3A_148, %swap3A_149] {strides = array<i32>} : memref<64x128xi32, #tpu.memory_space<vmem>>, vector<1x16xi32>,
      %swap3A_151 = vector.shape_cast %swap3A_150 : vector<1x16xi32> to vector<16xi32>
      %swap3A_152 = vector.shape_cast %add3A_147 : vector<16xi32> to vector<1x16xi32>
      tpu.vector_store %arg7[%swap3A_148, %swap3A_149], %swap3A_152 {strides = array<i32>} : memref<64x128xi32, #tpu.memory_space<vmem>>, vector<1x16xi32>,
      %get3A_153 = arith.index_cast %while3A_106 : i32 to index
      %get3A_154 = arith.constant 64 : index
      %get3A_155 = tpu.vector_load %arg7[%get3A_153, %get3A_154] {strides = array<i32>} : memref<64x128xi32, #tpu.memory_space<vmem>>, vector<1x16xi32>,
      %get3A_156 = vector.shape_cast %get3A_155 : vector<1x16xi32> to vector<16xi32>
      %add3A_157 = arith.constant 10000 : i32
      %add3A_158 = vector.broadcast %add3A_157 : i32 to vector<16xi32>
      %add3A_159 = arith.addi %get3A_156, %add3A_158 : vector<16xi32>
      %swap3A_160 = arith.index_cast %while3A_106 : i32 to index
      %swap3A_161 = arith.constant 64 : index
      %swap3A_162 = tpu.vector_load %arg7[%swap3A_160, %swap3A_161] {strides = array<i32>} : memref<64x128xi32, #tpu.memory_space<vmem>>, vector<1x16xi32>,
      %swap3A_163 = vector.shape_cast %swap3A_162 : vector<1x16xi32> to vector<16xi32>
      %swap3A_164 = vector.shape_cast %add3A_159 : vector<16xi32> to vector<1x16xi32>
      tpu.vector_store %arg7[%swap3A_160, %swap3A_161], %swap3A_164 {strides = array<i32>} : memref<64x128xi32, #tpu.memory_space<vmem>>, vector<1x16xi32>,
      %get3A_165 = arith.index_cast %while3A_106 : i32 to index
      %get3A_166 = arith.constant 80 : index
      %get3A_167 = tpu.vector_load %arg7[%get3A_165, %get3A_166] {strides = array<i32>} : memref<64x128xi32, #tpu.memory_space<vmem>>, vector<1x16xi32>,
      %get3A_168 = vector.shape_cast %get3A_167 : vector<1x16xi32> to vector<16xi32>
      %add3A_169 = arith.constant 10000 : i32
      %add3A_170 = vector.broadcast %add3A_169 : i32 to vector<16xi32>
      %add3A_171 = arith.addi %get3A_168, %add3A_170 : vector<16xi32>
      %swap3A_172 = arith.index_cast %while3A_106 : i32 to index
      %swap3A_173 = arith.constant 80 : index
      %swap3A_174 = tpu.vector_load %arg7[%swap3A_172, %swap3A_173] {strides = array<i32>} : memref<64x128xi32, #tpu.memory_space<vmem>>, vector<1x16xi32>,
      %swap3A_175 = vector.shape_cast %swap3A_174 : vector<1x16xi32> to vector<16xi32>
      %swap3A_176 = vector.shape_cast %add3A_171 : vector<16xi32> to vector<1x16xi32>
      tpu.vector_store %arg7[%swap3A_172, %swap3A_173], %swap3A_176 {strides = array<i32>} : memref<64x128xi32, #tpu.memory_space<vmem>>, vector<1x16xi32>,
      %get3A_177 = arith.index_cast %while3A_106 : i32 to index
      %get3A_178 = arith.constant 96 : index
      %get3A_179 = tpu.vector_load %arg7[%get3A_177, %get3A_178] {strides = array<i32>} : memref<64x128xi32, #tpu.memory_space<vmem>>, vector<1x16xi32>,
      %get3A_180 = vector.shape_cast %get3A_179 : vector<1x16xi32> to vector<16xi32>
      %add3A_181 = arith.constant 10000 : i32
      %add3A_182 = vector.broadcast %add3A_181 : i32 to vector<16xi32>
      %add3A_183 = arith.addi %get3A_180, %add3A_182 : vector<16xi32>
      %swap3A_184 = arith.index_cast %while3A_106 : i32 to index
      %swap3A_185 = arith.constant 96 : index
      %swap3A_186 = tpu.vector_load %arg7[%swap3A_184, %swap3A_185] {strides = array<i32>} : memref<64x128xi32, #tpu.memory_space<vmem>>, vector<1x16xi32>,
      %swap3A_187 = vector.shape_cast %swap3A_186 : vector<1x16xi32> to vector<16xi32>
      %swap3A_188 = vector.shape_cast %add3A_183 : vector<16xi32> to vector<1x16xi32>
      tpu.vector_store %arg7[%swap3A_184, %swap3A_185], %swap3A_188 {strides = array<i32>} : memref<64x128xi32, #tpu.memory_space<vmem>>, vector<1x16xi32>,
      %get3A_189 = arith.index_cast %while3A_106 : i32 to index
      %get3A_190 = arith.constant 112 : index
      %get3A_191 = tpu.vector_load %arg7[%get3A_189, %get3A_190] {strides = array<i32>} : memref<64x128xi32, #tpu.memory_space<vmem>>, vector<1x16xi32>,
      %get3A_192 = vector.shape_cast %get3A_191 : vector<1x16xi32> to vector<16xi32>
      %add3A_193 = arith.constant 10000 : i32
      %add3A_194 = vector.broadcast %add3A_193 : i32 to vector<16xi32>
      %add3A_195 = arith.addi %get3A_192, %add3A_194 : vector<16xi32>
      %swap3A_196 = arith.index_cast %while3A_106 : i32 to index
      %swap3A_197 = arith.constant 112 : index
      %swap3A_198 = tpu.vector_load %arg7[%swap3A_196, %swap3A_197] {strides = array<i32>} : memref<64x128xi32, #tpu.memory_space<vmem>>, vector<1x16xi32>,
      %swap3A_199 = vector.shape_cast %swap3A_198 : vector<1x16xi32> to vector<16xi32>
      %swap3A_200 = vector.shape_cast %add3A_195 : vector<16xi32> to vector<1x16xi32>
      tpu.vector_store %arg7[%swap3A_196, %swap3A_197], %swap3A_200 {strides = array<i32>} : memref<64x128xi32, #tpu.memory_space<vmem>>, vector<1x16xi32>,
    }
    "tpu.trace_start"() <{level = 10 : i32, message = "zero"}> : () -> ()
    "tpu.region"() ({
      %run_scoped3A_106 = tpu.sem_alloc : memref<!tpu.dma_semaphore, #tpu.memory_space<semaphore_mem>>
      %dma_start3A = arith.constant 0 : i32
      %dma_start3A_107 = tpu.memref_slice %arg10[%mul3A_15, %dma_start3A] : memref<10112x128xf32, #tpu.memory_space<vmem_shared>> -> memref<632x128xf32, #tpu.memory_space<vmem_shared>>
      %dma_start3A_108 = arith.constant 0 : i32
      %dma_start3A_109 = tpu.memref_slice %arg5[%mul3A_15, %dma_start3A_108] : memref<10112x128xf32, #tpu.memory_space<hbm>> -> memref<632x128xf32, #tpu.memory_space<hbm>>
      tpu.enqueue_dma source(%dma_start3A_109 : memref<632x128xf32, #tpu.memory_space<hbm>>) target(%dma_start3A_107 : memref<632x128xf32, #tpu.memory_space<vmem_shared>>) target_semaphore(%run_scoped3A_106 : memref<!tpu.dma_semaphore, #tpu.memory_space<semaphore_mem>>)
      %dma_wait3A = arith.constant 0 : i32
      %dma_wait3A_110 = tpu.memref_slice %arg10[%mul3A_15, %dma_wait3A] : memref<10112x128xf32, #tpu.memory_space<vmem_shared>> -> memref<632x128xf32, #tpu.memory_space<vmem_shared>>
      %dma_wait3A_111 = arith.constant 0 : i32
      %dma_wait3A_112 = tpu.memref_slice %arg5[%mul3A_15, %dma_wait3A_111] : memref<10112x128xf32, #tpu.memory_space<hbm>> -> memref<632x128xf32, #tpu.memory_space<hbm>>
      tpu.wait_dma2 semaphore(%run_scoped3A_106 : memref<!tpu.dma_semaphore, #tpu.memory_space<semaphore_mem>>) src(%dma_wait3A_112 : memref<632x128xf32, #tpu.memory_space<hbm>>) dst(%dma_wait3A_110 : memref<632x128xf32, #tpu.memory_space<vmem_shared>>)
      tpu.yield
    }) : () -> ()
    %barrier3A_69 = arith.constant 0 : index
    tpu.barrier barrier_id(%barrier3A_69)
    %while3A_70 = arith.constant 0 : i32
    %while3A_71 = arith.constant 0 : i32
    "tpu.trace_stop"() : () -> ()
    "tpu.trace_start"() <{level = 10 : i32, message = "edges"}> : () -> ()
    %while3A_72 = arith.subi %select_n3A_13, %while3A_71 : i32
    %while3A_73 = arith.addi %while3A_71, %while3A_72 : i32
    %while3A_74 = arith.constant 1 : i32
    %while3A_75 = arith.divsi %while3A_72, %while3A_74 : i32
    %while3A_76 = arith.muli %while3A_75, %while3A_74 : i32
    %while3A_77 = arith.addi %while3A_71, %while3A_76 : i32
    %while3A_78 = arith.constant 1 : i32
    scf.for %while3A_106 = %while3A_71 to %while3A_77 step %while3A_78  : i32 {
      %mul3A_107 = arith.constant 2 : i32
      %mul3A_108 = arith.muli %mul3A_107, %while3A_106 : i32
      %mul3A_109 = arith.constant 2 : i32
      %mul3A_110 = arith.muli %mul3A_109, %while3A_106 : i32
      %add3A_111 = arith.constant 1 : i32
      %add3A_112 = arith.addi %mul3A_110, %add3A_111 : i32
      %dma_start3A = arith.constant 0 : i32
      %dma_start3A_113 = arith.constant 0 : i32
      %dma_start3A_114 = arith.constant 0 : i32
      %dma_start3A_115 = tpu.memref_slice %arg9[%dma_start3A, %dma_start3A_113, %dma_start3A_114] : memref<2x128x128xf32, #tpu.memory_space<vmem>> -> memref<1x128x128xf32, #tpu.memory_space<vmem>>
      %dma_start3A_116 = tpu.memref_squeeze %dma_start3A_115 : memref<1x128x128xf32, #tpu.memory_space<vmem>> -> memref<128x128xf32, #tpu.memory_space<vmem>>
      %dma_start3A_117 = arith.constant 0 : i32
      %dma_start3A_118 = tpu.memref_slice %arg7[%mul3A_108, %dma_start3A_117] : memref<64x128xi32, #tpu.memory_space<vmem>> -> memref<1x128xi32, #tpu.memory_space<vmem>>
      %dma_start3A_119 = tpu.memref_squeeze %dma_start3A_118 : memref<1x128xi32, #tpu.memory_space<vmem>> -> memref<128xi32, #tpu.memory_space<vmem>>
      %dma_start3A_120 = arith.constant 0 : i32
      %dma_start3A_121 = arith.constant 0 : i32
      %dma_start3A_122 = tpu.memref_slice %arg2[%dma_start3A_120, %dma_start3A_121] : memref<40000x128xf32, #tpu.memory_space<hbm>> -> memref<40000x128xf32, #tpu.memory_space<hbm>>
      tpu.enqueue_indirect_dma source(%dma_start3A_122 : memref<40000x128xf32, #tpu.memory_space<hbm>>) target(%dma_start3A_116 : memref<128x128xf32, #tpu.memory_space<vmem>>) offsets(%dma_start3A_119 : memref<128xi32, #tpu.memory_space<vmem>>) semaphore(%arg11 : memref<!tpu.dma_semaphore, #tpu.memory_space<semaphore_mem>>)
      %dma_start3A_123 = arith.constant 1 : i32
      %dma_start3A_124 = arith.constant 0 : i32
      %dma_start3A_125 = arith.constant 0 : i32
      %dma_start3A_126 = tpu.memref_slice %arg9[%dma_start3A_123, %dma_start3A_124, %dma_start3A_125] : memref<2x128x128xf32, #tpu.memory_space<vmem>> -> memref<1x128x128xf32, #tpu.memory_space<vmem>>
      %dma_start3A_127 = tpu.memref_squeeze %dma_start3A_126 : memref<1x128x128xf32, #tpu.memory_space<vmem>> -> memref<128x128xf32, #tpu.memory_space<vmem>>
      %dma_start3A_128 = arith.constant 0 : i32
      %dma_start3A_129 = tpu.memref_slice %arg7[%add3A_112, %dma_start3A_128] : memref<64x128xi32, #tpu.memory_space<vmem>> -> memref<1x128xi32, #tpu.memory_space<vmem>>
      %dma_start3A_130 = tpu.memref_squeeze %dma_start3A_129 : memref<1x128xi32, #tpu.memory_space<vmem>> -> memref<128xi32, #tpu.memory_space<vmem>>
      %dma_start3A_131 = arith.constant 0 : i32
      %dma_start3A_132 = arith.constant 0 : i32
      %dma_start3A_133 = tpu.memref_slice %arg2[%dma_start3A_131, %dma_start3A_132] : memref<40000x128xf32, #tpu.memory_space<hbm>> -> memref<40000x128xf32, #tpu.memory_space<hbm>>
      tpu.enqueue_indirect_dma source(%dma_start3A_133 : memref<40000x128xf32, #tpu.memory_space<hbm>>) target(%dma_start3A_127 : memref<128x128xf32, #tpu.memory_space<vmem>>) offsets(%dma_start3A_130 : memref<128xi32, #tpu.memory_space<vmem>>) semaphore(%arg12 : memref<!tpu.dma_semaphore, #tpu.memory_space<semaphore_mem>>)
      %dma_wait3A = arith.constant 0 : i32
      %dma_wait3A_134 = arith.constant 0 : i32
      %dma_wait3A_135 = arith.constant 0 : i32
      %dma_wait3A_136 = tpu.memref_slice %arg9[%dma_wait3A, %dma_wait3A_134, %dma_wait3A_135] : memref<2x128x128xf32, #tpu.memory_space<vmem>> -> memref<1x128x128xf32, #tpu.memory_space<vmem>>
      %dma_wait3A_137 = tpu.memref_squeeze %dma_wait3A_136 : memref<1x128x128xf32, #tpu.memory_space<vmem>> -> memref<128x128xf32, #tpu.memory_space<vmem>>
      %dma_wait3A_138 = arith.constant 0 : i32
      %dma_wait3A_139 = tpu.memref_slice %arg7[%mul3A_108, %dma_wait3A_138] : memref<64x128xi32, #tpu.memory_space<vmem>> -> memref<1x128xi32, #tpu.memory_space<vmem>>
      %dma_wait3A_140 = tpu.memref_squeeze %dma_wait3A_139 : memref<1x128xi32, #tpu.memory_space<vmem>> -> memref<128xi32, #tpu.memory_space<vmem>>
      %dma_wait3A_141 = arith.constant 0 : i32
      %dma_wait3A_142 = arith.constant 0 : i32
      %dma_wait3A_143 = tpu.memref_slice %arg2[%dma_wait3A_141, %dma_wait3A_142] : memref<40000x128xf32, #tpu.memory_space<hbm>> -> memref<40000x128xf32, #tpu.memory_space<hbm>>
      tpu.wait_indirect_dma semaphore(%arg11 : memref<!tpu.dma_semaphore, #tpu.memory_space<semaphore_mem>>) src(%dma_wait3A_143 : memref<40000x128xf32, #tpu.memory_space<hbm>>) dst(%dma_wait3A_137 : memref<128x128xf32, #tpu.memory_space<vmem>>)
      %run_scoped3A_144 = arith.constant 0 : i32
      "tpu.region"() ({
        %run_scoped3A_157 = tpu.sem_alloc : memref<!tpu.dma_semaphore, #tpu.memory_space<semaphore_mem>>
        %dma_start3A_158 = arith.constant 0 : i32
        %dma_start3A_159 = arith.constant 0 : i32
        %dma_start3A_160 = tpu.memref_slice %arg9[%run_scoped3A_144, %dma_start3A_158, %dma_start3A_159] : memref<2x128x128xf32, #tpu.memory_space<vmem>> -> memref<1x128x128xf32, #tpu.memory_space<vmem>>
        %dma_start3A_161 = tpu.memref_squeeze %dma_start3A_160 : memref<1x128x128xf32, #tpu.memory_space<vmem>> -> memref<128x128xf32, #tpu.memory_space<vmem>>
        %dma_start3A_162 = arith.constant 0 : i32
        %dma_start3A_163 = tpu.memref_slice %arg8[%mul3A_108, %dma_start3A_162] : memref<64x128xi32, #tpu.memory_space<vmem>> -> memref<1x128xi32, #tpu.memory_space<vmem>>
        %dma_start3A_164 = tpu.memref_squeeze %dma_start3A_163 : memref<1x128xi32, #tpu.memory_space<vmem>> -> memref<128xi32, #tpu.memory_space<vmem>>
        %dma_start3A_165 = arith.constant 0 : i32
        %dma_start3A_166 = arith.constant 0 : i32
        %dma_start3A_167 = tpu.memref_slice %arg10[%dma_start3A_165, %dma_start3A_166] : memref<10112x128xf32, #tpu.memory_space<vmem_shared>> -> memref<10112x128xf32, #tpu.memory_space<vmem_shared>>
        tpu.enqueue_indirect_dma source(%dma_start3A_161 : memref<128x128xf32, #tpu.memory_space<vmem>>) target(%dma_start3A_167 : memref<10112x128xf32, #tpu.memory_space<vmem_shared>>) offsets(%dma_start3A_164 : memref<128xi32, #tpu.memory_space<vmem>>) semaphore(%run_scoped3A_157 : memref<!tpu.dma_semaphore, #tpu.memory_space<semaphore_mem>>) {add = true}
        %dma_wait3A_168 = arith.constant 0 : i32
        %dma_wait3A_169 = arith.constant 0 : i32
        %dma_wait3A_170 = tpu.memref_slice %arg9[%run_scoped3A_144, %dma_wait3A_168, %dma_wait3A_169] : memref<2x128x128xf32, #tpu.memory_space<vmem>> -> memref<1x128x128xf32, #tpu.memory_space<vmem>>
        %dma_wait3A_171 = tpu.memref_squeeze %dma_wait3A_170 : memref<1x128x128xf32, #tpu.memory_space<vmem>> -> memref<128x128xf32, #tpu.memory_space<vmem>>
        %dma_wait3A_172 = arith.constant 0 : i32
        %dma_wait3A_173 = tpu.memref_slice %arg8[%mul3A_108, %dma_wait3A_172] : memref<64x128xi32, #tpu.memory_space<vmem>> -> memref<1x128xi32, #tpu.memory_space<vmem>>
        %dma_wait3A_174 = tpu.memref_squeeze %dma_wait3A_173 : memref<1x128xi32, #tpu.memory_space<vmem>> -> memref<128xi32, #tpu.memory_space<vmem>>
        %dma_wait3A_175 = arith.constant 0 : i32
        %dma_wait3A_176 = arith.constant 0 : i32
        %dma_wait3A_177 = tpu.memref_slice %arg10[%dma_wait3A_175, %dma_wait3A_176] : memref<10112x128xf32, #tpu.memory_space<vmem_shared>> -> memref<10112x128xf32, #tpu.memory_space<vmem_shared>>
        tpu.wait_indirect_dma semaphore(%run_scoped3A_157 : memref<!tpu.dma_semaphore, #tpu.memory_space<semaphore_mem>>) src(%dma_wait3A_171 : memref<128x128xf32, #tpu.memory_space<vmem>>) dst(%dma_wait3A_177 : memref<10112x128xf32, #tpu.memory_space<vmem_shared>>)
        tpu.yield
      }) : () -> ()
      %dma_wait3A_145 = arith.constant 1 : i32
      %dma_wait3A_146 = arith.constant 0 : i32
      %dma_wait3A_147 = arith.constant 0 : i32
      %dma_wait3A_148 = tpu.memref_slice %arg9[%dma_wait3A_145, %dma_wait3A_146, %dma_wait3A_147] : memref<2x128x128xf32, #tpu.memory_space<vmem>> -> memref<1x128x128xf32, #tpu.memory_space<vmem>>
      %dma_wait3A_149 = tpu.memref_squeeze %dma_wait3A_148 : memref<1x128x128xf32, #tpu.memory_space<vmem>> -> memref<128x128xf32, #tpu.memory_space<vmem>>
      %dma_wait3A_150 = arith.constant 0 : i32
      %dma_wait3A_151 = tpu.memref_slice %arg7[%add3A_112, %dma_wait3A_150] : memref<64x128xi32, #tpu.memory_space<vmem>> -> memref<1x128xi32, #tpu.memory_space<vmem>>
      %dma_wait3A_152 = tpu.memref_squeeze %dma_wait3A_151 : memref<1x128xi32, #tpu.memory_space<vmem>> -> memref<128xi32, #tpu.memory_space<vmem>>
      %dma_wait3A_153 = arith.constant 0 : i32
      %dma_wait3A_154 = arith.constant 0 : i32
      %dma_wait3A_155 = tpu.memref_slice %arg2[%dma_wait3A_153, %dma_wait3A_154] : memref<40000x128xf32, #tpu.memory_space<hbm>> -> memref<40000x128xf32, #tpu.memory_space<hbm>>
      tpu.wait_indirect_dma semaphore(%arg12 : memref<!tpu.dma_semaphore, #tpu.memory_space<semaphore_mem>>) src(%dma_wait3A_155 : memref<40000x128xf32, #tpu.memory_space<hbm>>) dst(%dma_wait3A_149 : memref<128x128xf32, #tpu.memory_space<vmem>>)
      %run_scoped3A_156 = arith.constant 1 : i32
      "tpu.region"() ({
        %run_scoped3A_157 = tpu.sem_alloc : memref<!tpu.dma_semaphore, #tpu.memory_space<semaphore_mem>>
        %dma_start3A_158 = arith.constant 0 : i32
        %dma_start3A_159 = arith.constant 0 : i32
        %dma_start3A_160 = tpu.memref_slice %arg9[%run_scoped3A_156, %dma_start3A_158, %dma_start3A_159] : memref<2x128x128xf32, #tpu.memory_space<vmem>> -> memref<1x128x128xf32, #tpu.memory_space<vmem>>
        %dma_start3A_161 = tpu.memref_squeeze %dma_start3A_160 : memref<1x128x128xf32, #tpu.memory_space<vmem>> -> memref<128x128xf32, #tpu.memory_space<vmem>>
        %dma_start3A_162 = arith.constant 0 : i32
        %dma_start3A_163 = tpu.memref_slice %arg8[%add3A_112, %dma_start3A_162] : memref<64x128xi32, #tpu.memory_space<vmem>> -> memref<1x128xi32, #tpu.memory_space<vmem>>
        %dma_start3A_164 = tpu.memref_squeeze %dma_start3A_163 : memref<1x128xi32, #tpu.memory_space<vmem>> -> memref<128xi32, #tpu.memory_space<vmem>>
        %dma_start3A_165 = arith.constant 0 : i32
        %dma_start3A_166 = arith.constant 0 : i32
        %dma_start3A_167 = tpu.memref_slice %arg10[%dma_start3A_165, %dma_start3A_166] : memref<10112x128xf32, #tpu.memory_space<vmem_shared>> -> memref<10112x128xf32, #tpu.memory_space<vmem_shared>>
        tpu.enqueue_indirect_dma source(%dma_start3A_161 : memref<128x128xf32, #tpu.memory_space<vmem>>) target(%dma_start3A_167 : memref<10112x128xf32, #tpu.memory_space<vmem_shared>>) offsets(%dma_start3A_164 : memref<128xi32, #tpu.memory_space<vmem>>) semaphore(%run_scoped3A_157 : memref<!tpu.dma_semaphore, #tpu.memory_space<semaphore_mem>>) {add = true}
        %dma_wait3A_168 = arith.constant 0 : i32
        %dma_wait3A_169 = arith.constant 0 : i32
        %dma_wait3A_170 = tpu.memref_slice %arg9[%run_scoped3A_156, %dma_wait3A_168, %dma_wait3A_169] : memref<2x128x128xf32, #tpu.memory_space<vmem>> -> memref<1x128x128xf32, #tpu.memory_space<vmem>>
        %dma_wait3A_171 = tpu.memref_squeeze %dma_wait3A_170 : memref<1x128x128xf32, #tpu.memory_space<vmem>> -> memref<128x128xf32, #tpu.memory_space<vmem>>
        %dma_wait3A_172 = arith.constant 0 : i32
        %dma_wait3A_173 = tpu.memref_slice %arg8[%add3A_112, %dma_wait3A_172] : memref<64x128xi32, #tpu.memory_space<vmem>> -> memref<1x128xi32, #tpu.memory_space<vmem>>
        %dma_wait3A_174 = tpu.memref_squeeze %dma_wait3A_173 : memref<1x128xi32, #tpu.memory_space<vmem>> -> memref<128xi32, #tpu.memory_space<vmem>>
        %dma_wait3A_175 = arith.constant 0 : i32
        %dma_wait3A_176 = arith.constant 0 : i32
        %dma_wait3A_177 = tpu.memref_slice %arg10[%dma_wait3A_175, %dma_wait3A_176] : memref<10112x128xf32, #tpu.memory_space<vmem_shared>> -> memref<10112x128xf32, #tpu.memory_space<vmem_shared>>
        tpu.wait_indirect_dma semaphore(%run_scoped3A_157 : memref<!tpu.dma_semaphore, #tpu.memory_space<semaphore_mem>>) src(%dma_wait3A_171 : memref<128x128xf32, #tpu.memory_space<vmem>>) dst(%dma_wait3A_177 : memref<10112x128xf32, #tpu.memory_space<vmem_shared>>)
        tpu.yield
      }) : () -> ()
    }
    %while3A_79 = arith.constant 1 : i32
    scf.for %while3A_106 = %while3A_77 to %while3A_73 step %while3A_79  : i32 {
      %mul3A_107 = arith.constant 2 : i32
      %mul3A_108 = arith.muli %mul3A_107, %while3A_106 : i32
      %mul3A_109 = arith.constant 2 : i32
      %mul3A_110 = arith.muli %mul3A_109, %while3A_106 : i32
      %add3A_111 = arith.constant 1 : i32
      %add3A_112 = arith.addi %mul3A_110, %add3A_111 : i32
      %dma_start3A = arith.constant 0 : i32
      %dma_start3A_113 = arith.constant 0 : i32
      %dma_start3A_114 = arith.constant 0 : i32
      %dma_start3A_115 = tpu.memref_slice %arg9[%dma_start3A, %dma_start3A_113, %dma_start3A_114] : memref<2x128x128xf32, #tpu.memory_space<vmem>> -> memref<1x128x128xf32, #tpu.memory_space<vmem>>
      %dma_start3A_116 = tpu.memref_squeeze %dma_start3A_115 : memref<1x128x128xf32, #tpu.memory_space<vmem>> -> memref<128x128xf32, #tpu.memory_space<vmem>>
      %dma_start3A_117 = arith.constant 0 : i32
      %dma_start3A_118 = tpu.memref_slice %arg7[%mul3A_108, %dma_start3A_117] : memref<64x128xi32, #tpu.memory_space<vmem>> -> memref<1x128xi32, #tpu.memory_space<vmem>>
      %dma_start3A_119 = tpu.memref_squeeze %dma_start3A_118 : memref<1x128xi32, #tpu.memory_space<vmem>> -> memref<128xi32, #tpu.memory_space<vmem>>
      %dma_start3A_120 = arith.constant 0 : i32
      %dma_start3A_121 = arith.constant 0 : i32
      %dma_start3A_122 = tpu.memref_slice %arg2[%dma_start3A_120, %dma_start3A_121] : memref<40000x128xf32, #tpu.memory_space<hbm>> -> memref<40000x128xf32, #tpu.memory_space<hbm>>
      tpu.enqueue_indirect_dma source(%dma_start3A_122 : memref<40000x128xf32, #tpu.memory_space<hbm>>) target(%dma_start3A_116 : memref<128x128xf32, #tpu.memory_space<vmem>>) offsets(%dma_start3A_119 : memref<128xi32, #tpu.memory_space<vmem>>) semaphore(%arg11 : memref<!tpu.dma_semaphore, #tpu.memory_space<semaphore_mem>>)
      %dma_start3A_123 = arith.constant 1 : i32
      %dma_start3A_124 = arith.constant 0 : i32
      %dma_start3A_125 = arith.constant 0 : i32
      %dma_start3A_126 = tpu.memref_slice %arg9[%dma_start3A_123, %dma_start3A_124, %dma_start3A_125] : memref<2x128x128xf32, #tpu.memory_space<vmem>> -> memref<1x128x128xf32, #tpu.memory_space<vmem>>
      %dma_start3A_127 = tpu.memref_squeeze %dma_start3A_126 : memref<1x128x128xf32, #tpu.memory_space<vmem>> -> memref<128x128xf32, #tpu.memory_space<vmem>>
      %dma_start3A_128 = arith.constant 0 : i32
      %dma_start3A_129 = tpu.memref_slice %arg7[%add3A_112, %dma_start3A_128] : memref<64x128xi32, #tpu.memory_space<vmem>> -> memref<1x128xi32, #tpu.memory_space<vmem>>
      %dma_start3A_130 = tpu.memref_squeeze %dma_start3A_129 : memref<1x128xi32, #tpu.memory_space<vmem>> -> memref<128xi32, #tpu.memory_space<vmem>>
      %dma_start3A_131 = arith.constant 0 : i32
      %dma_start3A_132 = arith.constant 0 : i32
      %dma_start3A_133 = tpu.memref_slice %arg2[%dma_start3A_131, %dma_start3A_132] : memref<40000x128xf32, #tpu.memory_space<hbm>> -> memref<40000x128xf32, #tpu.memory_space<hbm>>
      tpu.enqueue_indirect_dma source(%dma_start3A_133 : memref<40000x128xf32, #tpu.memory_space<hbm>>) target(%dma_start3A_127 : memref<128x128xf32, #tpu.memory_space<vmem>>) offsets(%dma_start3A_130 : memref<128xi32, #tpu.memory_space<vmem>>) semaphore(%arg12 : memref<!tpu.dma_semaphore, #tpu.memory_space<semaphore_mem>>)
      %dma_wait3A = arith.constant 0 : i32
      %dma_wait3A_134 = arith.constant 0 : i32
      %dma_wait3A_135 = arith.constant 0 : i32
      %dma_wait3A_136 = tpu.memref_slice %arg9[%dma_wait3A, %dma_wait3A_134, %dma_wait3A_135] : memref<2x128x128xf32, #tpu.memory_space<vmem>> -> memref<1x128x128xf32, #tpu.memory_space<vmem>>
      %dma_wait3A_137 = tpu.memref_squeeze %dma_wait3A_136 : memref<1x128x128xf32, #tpu.memory_space<vmem>> -> memref<128x128xf32, #tpu.memory_space<vmem>>
      %dma_wait3A_138 = arith.constant 0 : i32
      %dma_wait3A_139 = tpu.memref_slice %arg7[%mul3A_108, %dma_wait3A_138] : memref<64x128xi32, #tpu.memory_space<vmem>> -> memref<1x128xi32, #tpu.memory_space<vmem>>
      %dma_wait3A_140 = tpu.memref_squeeze %dma_wait3A_139 : memref<1x128xi32, #tpu.memory_space<vmem>> -> memref<128xi32, #tpu.memory_space<vmem>>
      %dma_wait3A_141 = arith.constant 0 : i32
      %dma_wait3A_142 = arith.constant 0 : i32
      %dma_wait3A_143 = tpu.memref_slice %arg2[%dma_wait3A_141, %dma_wait3A_142] : memref<40000x128xf32, #tpu.memory_space<hbm>> -> memref<40000x128xf32, #tpu.memory_space<hbm>>
      tpu.wait_indirect_dma semaphore(%arg11 : memref<!tpu.dma_semaphore, #tpu.memory_space<semaphore_mem>>) src(%dma_wait3A_143 : memref<40000x128xf32, #tpu.memory_space<hbm>>) dst(%dma_wait3A_137 : memref<128x128xf32, #tpu.memory_space<vmem>>)
      %run_scoped3A_144 = arith.constant 0 : i32
      "tpu.region"() ({
        %run_scoped3A_157 = tpu.sem_alloc : memref<!tpu.dma_semaphore, #tpu.memory_space<semaphore_mem>>
        %dma_start3A_158 = arith.constant 0 : i32
        %dma_start3A_159 = arith.constant 0 : i32
        %dma_start3A_160 = tpu.memref_slice %arg9[%run_scoped3A_144, %dma_start3A_158, %dma_start3A_159] : memref<2x128x128xf32, #tpu.memory_space<vmem>> -> memref<1x128x128xf32, #tpu.memory_space<vmem>>
        %dma_start3A_161 = tpu.memref_squeeze %dma_start3A_160 : memref<1x128x128xf32, #tpu.memory_space<vmem>> -> memref<128x128xf32, #tpu.memory_space<vmem>>
        %dma_start3A_162 = arith.constant 0 : i32
        %dma_start3A_163 = tpu.memref_slice %arg8[%mul3A_108, %dma_start3A_162] : memref<64x128xi32, #tpu.memory_space<vmem>> -> memref<1x128xi32, #tpu.memory_space<vmem>>
        %dma_start3A_164 = tpu.memref_squeeze %dma_start3A_163 : memref<1x128xi32, #tpu.memory_space<vmem>> -> memref<128xi32, #tpu.memory_space<vmem>>
        %dma_start3A_165 = arith.constant 0 : i32
        %dma_start3A_166 = arith.constant 0 : i32
        %dma_start3A_167 = tpu.memref_slice %arg10[%dma_start3A_165, %dma_start3A_166] : memref<10112x128xf32, #tpu.memory_space<vmem_shared>> -> memref<10112x128xf32, #tpu.memory_space<vmem_shared>>
        tpu.enqueue_indirect_dma source(%dma_start3A_161 : memref<128x128xf32, #tpu.memory_space<vmem>>) target(%dma_start3A_167 : memref<10112x128xf32, #tpu.memory_space<vmem_shared>>) offsets(%dma_start3A_164 : memref<128xi32, #tpu.memory_space<vmem>>) semaphore(%run_scoped3A_157 : memref<!tpu.dma_semaphore, #tpu.memory_space<semaphore_mem>>) {add = true}
        %dma_wait3A_168 = arith.constant 0 : i32
        %dma_wait3A_169 = arith.constant 0 : i32
        %dma_wait3A_170 = tpu.memref_slice %arg9[%run_scoped3A_144, %dma_wait3A_168, %dma_wait3A_169] : memref<2x128x128xf32, #tpu.memory_space<vmem>> -> memref<1x128x128xf32, #tpu.memory_space<vmem>>
        %dma_wait3A_171 = tpu.memref_squeeze %dma_wait3A_170 : memref<1x128x128xf32, #tpu.memory_space<vmem>> -> memref<128x128xf32, #tpu.memory_space<vmem>>
        %dma_wait3A_172 = arith.constant 0 : i32
        %dma_wait3A_173 = tpu.memref_slice %arg8[%mul3A_108, %dma_wait3A_172] : memref<64x128xi32, #tpu.memory_space<vmem>> -> memref<1x128xi32, #tpu.memory_space<vmem>>
        %dma_wait3A_174 = tpu.memref_squeeze %dma_wait3A_173 : memref<1x128xi32, #tpu.memory_space<vmem>> -> memref<128xi32, #tpu.memory_space<vmem>>
        %dma_wait3A_175 = arith.constant 0 : i32
        %dma_wait3A_176 = arith.constant 0 : i32
        %dma_wait3A_177 = tpu.memref_slice %arg10[%dma_wait3A_175, %dma_wait3A_176] : memref<10112x128xf32, #tpu.memory_space<vmem_shared>> -> memref<10112x128xf32, #tpu.memory_space<vmem_shared>>
        tpu.wait_indirect_dma semaphore(%run_scoped3A_157 : memref<!tpu.dma_semaphore, #tpu.memory_space<semaphore_mem>>) src(%dma_wait3A_171 : memref<128x128xf32, #tpu.memory_space<vmem>>) dst(%dma_wait3A_177 : memref<10112x128xf32, #tpu.memory_space<vmem_shared>>)
        tpu.yield
      }) : () -> ()
      %dma_wait3A_145 = arith.constant 1 : i32
      %dma_wait3A_146 = arith.constant 0 : i32
      %dma_wait3A_147 = arith.constant 0 : i32
      %dma_wait3A_148 = tpu.memref_slice %arg9[%dma_wait3A_145, %dma_wait3A_146, %dma_wait3A_147] : memref<2x128x128xf32, #tpu.memory_space<vmem>> -> memref<1x128x128xf32, #tpu.memory_space<vmem>>
      %dma_wait3A_149 = tpu.memref_squeeze %dma_wait3A_148 : memref<1x128x128xf32, #tpu.memory_space<vmem>> -> memref<128x128xf32, #tpu.memory_space<vmem>>
      %dma_wait3A_150 = arith.constant 0 : i32
      %dma_wait3A_151 = tpu.memref_slice %arg7[%add3A_112, %dma_wait3A_150] : memref<64x128xi32, #tpu.memory_space<vmem>> -> memref<1x128xi32, #tpu.memory_space<vmem>>
      %dma_wait3A_152 = tpu.memref_squeeze %dma_wait3A_151 : memref<1x128xi32, #tpu.memory_space<vmem>> -> memref<128xi32, #tpu.memory_space<vmem>>
      %dma_wait3A_153 = arith.constant 0 : i32
      %dma_wait3A_154 = arith.constant 0 : i32
      %dma_wait3A_155 = tpu.memref_slice %arg2[%dma_wait3A_153, %dma_wait3A_154] : memref<40000x128xf32, #tpu.memory_space<hbm>> -> memref<40000x128xf32, #tpu.memory_space<hbm>>
      tpu.wait_indirect_dma semaphore(%arg12 : memref<!tpu.dma_semaphore, #tpu.memory_space<semaphore_mem>>) src(%dma_wait3A_155 : memref<40000x128xf32, #tpu.memory_space<hbm>>) dst(%dma_wait3A_149 : memref<128x128xf32, #tpu.memory_space<vmem>>)
      %run_scoped3A_156 = arith.constant 1 : i32
      "tpu.region"() ({
        %run_scoped3A_157 = tpu.sem_alloc : memref<!tpu.dma_semaphore, #tpu.memory_space<semaphore_mem>>
        %dma_start3A_158 = arith.constant 0 : i32
        %dma_start3A_159 = arith.constant 0 : i32
        %dma_start3A_160 = tpu.memref_slice %arg9[%run_scoped3A_156, %dma_start3A_158, %dma_start3A_159] : memref<2x128x128xf32, #tpu.memory_space<vmem>> -> memref<1x128x128xf32, #tpu.memory_space<vmem>>
        %dma_start3A_161 = tpu.memref_squeeze %dma_start3A_160 : memref<1x128x128xf32, #tpu.memory_space<vmem>> -> memref<128x128xf32, #tpu.memory_space<vmem>>
        %dma_start3A_162 = arith.constant 0 : i32
        %dma_start3A_163 = tpu.memref_slice %arg8[%add3A_112, %dma_start3A_162] : memref<64x128xi32, #tpu.memory_space<vmem>> -> memref<1x128xi32, #tpu.memory_space<vmem>>
        %dma_start3A_164 = tpu.memref_squeeze %dma_start3A_163 : memref<1x128xi32, #tpu.memory_space<vmem>> -> memref<128xi32, #tpu.memory_space<vmem>>
        %dma_start3A_165 = arith.constant 0 : i32
        %dma_start3A_166 = arith.constant 0 : i32
        %dma_start3A_167 = tpu.memref_slice %arg10[%dma_start3A_165, %dma_start3A_166] : memref<10112x128xf32, #tpu.memory_space<vmem_shared>> -> memref<10112x128xf32, #tpu.memory_space<vmem_shared>>
        tpu.enqueue_indirect_dma source(%dma_start3A_161 : memref<128x128xf32, #tpu.memory_space<vmem>>) target(%dma_start3A_167 : memref<10112x128xf32, #tpu.memory_space<vmem_shared>>) offsets(%dma_start3A_164 : memref<128xi32, #tpu.memory_space<vmem>>) semaphore(%run_scoped3A_157 : memref<!tpu.dma_semaphore, #tpu.memory_space<semaphore_mem>>) {add = true}
        %dma_wait3A_168 = arith.constant 0 : i32
        %dma_wait3A_169 = arith.constant 0 : i32
        %dma_wait3A_170 = tpu.memref_slice %arg9[%run_scoped3A_156, %dma_wait3A_168, %dma_wait3A_169] : memref<2x128x128xf32, #tpu.memory_space<vmem>> -> memref<1x128x128xf32, #tpu.memory_space<vmem>>
        %dma_wait3A_171 = tpu.memref_squeeze %dma_wait3A_170 : memref<1x128x128xf32, #tpu.memory_space<vmem>> -> memref<128x128xf32, #tpu.memory_space<vmem>>
        %dma_wait3A_172 = arith.constant 0 : i32
        %dma_wait3A_173 = tpu.memref_slice %arg8[%add3A_112, %dma_wait3A_172] : memref<64x128xi32, #tpu.memory_space<vmem>> -> memref<1x128xi32, #tpu.memory_space<vmem>>
        %dma_wait3A_174 = tpu.memref_squeeze %dma_wait3A_173 : memref<1x128xi32, #tpu.memory_space<vmem>> -> memref<128xi32, #tpu.memory_space<vmem>>
        %dma_wait3A_175 = arith.constant 0 : i32
        %dma_wait3A_176 = arith.constant 0 : i32
        %dma_wait3A_177 = tpu.memref_slice %arg10[%dma_wait3A_175, %dma_wait3A_176] : memref<10112x128xf32, #tpu.memory_space<vmem_shared>> -> memref<10112x128xf32, #tpu.memory_space<vmem_shared>>
        tpu.wait_indirect_dma semaphore(%run_scoped3A_157 : memref<!tpu.dma_semaphore, #tpu.memory_space<semaphore_mem>>) src(%dma_wait3A_171 : memref<128x128xf32, #tpu.memory_space<vmem>>) dst(%dma_wait3A_177 : memref<10112x128xf32, #tpu.memory_space<vmem_shared>>)
        tpu.yield
      }) : () -> ()
    }
    %barrier3A_80 = arith.constant 0 : index
    tpu.barrier barrier_id(%barrier3A_80)
    %run_scoped3A_81 = arith.constant 2 : i32
    "tpu.trace_stop"() : () -> ()
    "tpu.trace_start"() <{level = 10 : i32, message = "writeout"}> : () -> ()
    "tpu.region"() ({
      %run_scoped3A_106 = tpu.sem_alloc : memref<!tpu.dma_semaphore, #tpu.memory_space<semaphore_mem>>
      %dma_start3A = arith.constant 0 : i32
      %dma_start3A_107 = tpu.memref_slice %arg6[%arg0, %run_scoped3A_81, %mul3A_15, %dma_start3A] : memref<2x4x10112x128xf32, #tpu.memory_space<hbm>> -> memref<1x1x632x128xf32, #tpu.memory_space<hbm>>
      %dma_start3A_108 = tpu.memref_squeeze %dma_start3A_107 : memref<1x1x632x128xf32, #tpu.memory_space<hbm>> -> memref<632x128xf32, #tpu.memory_space<hbm>>
      %dma_start3A_109 = arith.constant 0 : i32
      %dma_start3A_110 = tpu.memref_slice %arg10[%mul3A_15, %dma_start3A_109] : memref<10112x128xf32, #tpu.memory_space<vmem_shared>> -> memref<632x128xf32, #tpu.memory_space<vmem_shared>>
      tpu.enqueue_dma source(%dma_start3A_110 : memref<632x128xf32, #tpu.memory_space<vmem_shared>>) target(%dma_start3A_108 : memref<632x128xf32, #tpu.memory_space<hbm>>) target_semaphore(%run_scoped3A_106 : memref<!tpu.dma_semaphore, #tpu.memory_space<semaphore_mem>>)
      %dma_wait3A = arith.constant 0 : i32
      %dma_wait3A_111 = tpu.memref_slice %arg6[%arg0, %run_scoped3A_81, %mul3A_15, %dma_wait3A] : memref<2x4x10112x128xf32, #tpu.memory_space<hbm>> -> memref<1x1x632x128xf32, #tpu.memory_space<hbm>>
      %dma_wait3A_112 = tpu.memref_squeeze %dma_wait3A_111 : memref<1x1x632x128xf32, #tpu.memory_space<hbm>> -> memref<632x128xf32, #tpu.memory_space<hbm>>
      %dma_wait3A_113 = arith.constant 0 : i32
      %dma_wait3A_114 = tpu.memref_slice %arg10[%mul3A_15, %dma_wait3A_113] : memref<10112x128xf32, #tpu.memory_space<vmem_shared>> -> memref<632x128xf32, #tpu.memory_space<vmem_shared>>
      tpu.wait_dma2 semaphore(%run_scoped3A_106 : memref<!tpu.dma_semaphore, #tpu.memory_space<semaphore_mem>>) src(%dma_wait3A_114 : memref<632x128xf32, #tpu.memory_space<vmem_shared>>) dst(%dma_wait3A_112 : memref<632x128xf32, #tpu.memory_space<hbm>>)
      tpu.yield
    }) : () -> ()
    "tpu.trace_stop"() : () -> ()
    %barrier3A_82 = arith.constant 0 : index
    tpu.barrier barrier_id(%barrier3A_82)
    %while3A_83 = arith.constant 0 : i32
    %while3A_84 = arith.constant 0 : i32
    %while3A_85 = arith.subi %select_n3A_8, %while3A_84 : i32
    %while3A_86 = arith.addi %while3A_84, %while3A_85 : i32
    %while3A_87 = arith.constant 1 : i32
    %while3A_88 = arith.divsi %while3A_85, %while3A_87 : i32
    %while3A_89 = arith.muli %while3A_88, %while3A_87 : i32
    %while3A_90 = arith.addi %while3A_84, %while3A_89 : i32
    %while3A_91 = arith.constant 1 : i32
    scf.for %while3A_106 = %while3A_84 to %while3A_90 step %while3A_91  : i32 {
      %get3A = arith.index_cast %while3A_106 : i32 to index
      %get3A_107 = arith.constant 0 : index
      %get3A_108 = tpu.vector_load %arg7[%get3A, %get3A_107] {strides = array<i32>} : memref<64x128xi32, #tpu.memory_space<vmem>>, vector<1x16xi32>,
      %get3A_109 = vector.shape_cast %get3A_108 : vector<1x16xi32> to vector<16xi32>
      %add3A_110 = arith.constant 10000 : i32
      %add3A_111 = vector.broadcast %add3A_110 : i32 to vector<16xi32>
      %add3A_112 = arith.addi %get3A_109, %add3A_111 : vector<16xi32>
      %swap3A = arith.index_cast %while3A_106 : i32 to index
      %swap3A_113 = arith.constant 0 : index
      %swap3A_114 = tpu.vector_load %arg7[%swap3A, %swap3A_113] {strides = array<i32>} : memref<64x128xi32, #tpu.memory_space<vmem>>, vector<1x16xi32>,
      %swap3A_115 = vector.shape_cast %swap3A_114 : vector<1x16xi32> to vector<16xi32>
      %swap3A_116 = vector.shape_cast %add3A_112 : vector<16xi32> to vector<1x16xi32>
      tpu.vector_store %arg7[%swap3A, %swap3A_113], %swap3A_116 {strides = array<i32>} : memref<64x128xi32, #tpu.memory_space<vmem>>, vector<1x16xi32>,
      %get3A_117 = arith.index_cast %while3A_106 : i32 to index
      %get3A_118 = arith.constant 16 : index
      %get3A_119 = tpu.vector_load %arg7[%get3A_117, %get3A_118] {strides = array<i32>} : memref<64x128xi32, #tpu.memory_space<vmem>>, vector<1x16xi32>,
      %get3A_120 = vector.shape_cast %get3A_119 : vector<1x16xi32> to vector<16xi32>
      %add3A_121 = arith.constant 10000 : i32
      %add3A_122 = vector.broadcast %add3A_121 : i32 to vector<16xi32>
      %add3A_123 = arith.addi %get3A_120, %add3A_122 : vector<16xi32>
      %swap3A_124 = arith.index_cast %while3A_106 : i32 to index
      %swap3A_125 = arith.constant 16 : index
      %swap3A_126 = tpu.vector_load %arg7[%swap3A_124, %swap3A_125] {strides = array<i32>} : memref<64x128xi32, #tpu.memory_space<vmem>>, vector<1x16xi32>,
      %swap3A_127 = vector.shape_cast %swap3A_126 : vector<1x16xi32> to vector<16xi32>
      %swap3A_128 = vector.shape_cast %add3A_123 : vector<16xi32> to vector<1x16xi32>
      tpu.vector_store %arg7[%swap3A_124, %swap3A_125], %swap3A_128 {strides = array<i32>} : memref<64x128xi32, #tpu.memory_space<vmem>>, vector<1x16xi32>,
      %get3A_129 = arith.index_cast %while3A_106 : i32 to index
      %get3A_130 = arith.constant 32 : index
      %get3A_131 = tpu.vector_load %arg7[%get3A_129, %get3A_130] {strides = array<i32>} : memref<64x128xi32, #tpu.memory_space<vmem>>, vector<1x16xi32>,
      %get3A_132 = vector.shape_cast %get3A_131 : vector<1x16xi32> to vector<16xi32>
      %add3A_133 = arith.constant 10000 : i32
      %add3A_134 = vector.broadcast %add3A_133 : i32 to vector<16xi32>
      %add3A_135 = arith.addi %get3A_132, %add3A_134 : vector<16xi32>
      %swap3A_136 = arith.index_cast %while3A_106 : i32 to index
      %swap3A_137 = arith.constant 32 : index
      %swap3A_138 = tpu.vector_load %arg7[%swap3A_136, %swap3A_137] {strides = array<i32>} : memref<64x128xi32, #tpu.memory_space<vmem>>, vector<1x16xi32>,
      %swap3A_139 = vector.shape_cast %swap3A_138 : vector<1x16xi32> to vector<16xi32>
      %swap3A_140 = vector.shape_cast %add3A_135 : vector<16xi32> to vector<1x16xi32>
      tpu.vector_store %arg7[%swap3A_136, %swap3A_137], %swap3A_140 {strides = array<i32>} : memref<64x128xi32, #tpu.memory_space<vmem>>, vector<1x16xi32>,
      %get3A_141 = arith.index_cast %while3A_106 : i32 to index
      %get3A_142 = arith.constant 48 : index
      %get3A_143 = tpu.vector_load %arg7[%get3A_141, %get3A_142] {strides = array<i32>} : memref<64x128xi32, #tpu.memory_space<vmem>>, vector<1x16xi32>,
      %get3A_144 = vector.shape_cast %get3A_143 : vector<1x16xi32> to vector<16xi32>
      %add3A_145 = arith.constant 10000 : i32
      %add3A_146 = vector.broadcast %add3A_145 : i32 to vector<16xi32>
      %add3A_147 = arith.addi %get3A_144, %add3A_146 : vector<16xi32>
      %swap3A_148 = arith.index_cast %while3A_106 : i32 to index
      %swap3A_149 = arith.constant 48 : index
      %swap3A_150 = tpu.vector_load %arg7[%swap3A_148, %swap3A_149] {strides = array<i32>} : memref<64x128xi32, #tpu.memory_space<vmem>>, vector<1x16xi32>,
      %swap3A_151 = vector.shape_cast %swap3A_150 : vector<1x16xi32> to vector<16xi32>
      %swap3A_152 = vector.shape_cast %add3A_147 : vector<16xi32> to vector<1x16xi32>
      tpu.vector_store %arg7[%swap3A_148, %swap3A_149], %swap3A_152 {strides = array<i32>} : memref<64x128xi32, #tpu.memory_space<vmem>>, vector<1x16xi32>,
      %get3A_153 = arith.index_cast %while3A_106 : i32 to index
      %get3A_154 = arith.constant 64 : index
      %get3A_155 = tpu.vector_load %arg7[%get3A_153, %get3A_154] {strides = array<i32>} : memref<64x128xi32, #tpu.memory_space<vmem>>, vector<1x16xi32>,
      %get3A_156 = vector.shape_cast %get3A_155 : vector<1x16xi32> to vector<16xi32>
      %add3A_157 = arith.constant 10000 : i32
      %add3A_158 = vector.broadcast %add3A_157 : i32 to vector<16xi32>
      %add3A_159 = arith.addi %get3A_156, %add3A_158 : vector<16xi32>
      %swap3A_160 = arith.index_cast %while3A_106 : i32 to index
      %swap3A_161 = arith.constant 64 : index
      %swap3A_162 = tpu.vector_load %arg7[%swap3A_160, %swap3A_161] {strides = array<i32>} : memref<64x128xi32, #tpu.memory_space<vmem>>, vector<1x16xi32>,
      %swap3A_163 = vector.shape_cast %swap3A_162 : vector<1x16xi32> to vector<16xi32>
      %swap3A_164 = vector.shape_cast %add3A_159 : vector<16xi32> to vector<1x16xi32>
      tpu.vector_store %arg7[%swap3A_160, %swap3A_161], %swap3A_164 {strides = array<i32>} : memref<64x128xi32, #tpu.memory_space<vmem>>, vector<1x16xi32>,
      %get3A_165 = arith.index_cast %while3A_106 : i32 to index
      %get3A_166 = arith.constant 80 : index
      %get3A_167 = tpu.vector_load %arg7[%get3A_165, %get3A_166] {strides = array<i32>} : memref<64x128xi32, #tpu.memory_space<vmem>>, vector<1x16xi32>,
      %get3A_168 = vector.shape_cast %get3A_167 : vector<1x16xi32> to vector<16xi32>
      %add3A_169 = arith.constant 10000 : i32
      %add3A_170 = vector.broadcast %add3A_169 : i32 to vector<16xi32>
      %add3A_171 = arith.addi %get3A_168, %add3A_170 : vector<16xi32>
      %swap3A_172 = arith.index_cast %while3A_106 : i32 to index
      %swap3A_173 = arith.constant 80 : index
      %swap3A_174 = tpu.vector_load %arg7[%swap3A_172, %swap3A_173] {strides = array<i32>} : memref<64x128xi32, #tpu.memory_space<vmem>>, vector<1x16xi32>,
      %swap3A_175 = vector.shape_cast %swap3A_174 : vector<1x16xi32> to vector<16xi32>
      %swap3A_176 = vector.shape_cast %add3A_171 : vector<16xi32> to vector<1x16xi32>
      tpu.vector_store %arg7[%swap3A_172, %swap3A_173], %swap3A_176 {strides = array<i32>} : memref<64x128xi32, #tpu.memory_space<vmem>>, vector<1x16xi32>,
      %get3A_177 = arith.index_cast %while3A_106 : i32 to index
      %get3A_178 = arith.constant 96 : index
      %get3A_179 = tpu.vector_load %arg7[%get3A_177, %get3A_178] {strides = array<i32>} : memref<64x128xi32, #tpu.memory_space<vmem>>, vector<1x16xi32>,
      %get3A_180 = vector.shape_cast %get3A_179 : vector<1x16xi32> to vector<16xi32>
      %add3A_181 = arith.constant 10000 : i32
      %add3A_182 = vector.broadcast %add3A_181 : i32 to vector<16xi32>
      %add3A_183 = arith.addi %get3A_180, %add3A_182 : vector<16xi32>
      %swap3A_184 = arith.index_cast %while3A_106 : i32 to index
      %swap3A_185 = arith.constant 96 : index
      %swap3A_186 = tpu.vector_load %arg7[%swap3A_184, %swap3A_185] {strides = array<i32>} : memref<64x128xi32, #tpu.memory_space<vmem>>, vector<1x16xi32>,
      %swap3A_187 = vector.shape_cast %swap3A_186 : vector<1x16xi32> to vector<16xi32>
      %swap3A_188 = vector.shape_cast %add3A_183 : vector<16xi32> to vector<1x16xi32>
      tpu.vector_store %arg7[%swap3A_184, %swap3A_185], %swap3A_188 {strides = array<i32>} : memref<64x128xi32, #tpu.memory_space<vmem>>, vector<1x16xi32>,
      %get3A_189 = arith.index_cast %while3A_106 : i32 to index
      %get3A_190 = arith.constant 112 : index
      %get3A_191 = tpu.vector_load %arg7[%get3A_189, %get3A_190] {strides = array<i32>} : memref<64x128xi32, #tpu.memory_space<vmem>>, vector<1x16xi32>,
      %get3A_192 = vector.shape_cast %get3A_191 : vector<1x16xi32> to vector<16xi32>
      %add3A_193 = arith.constant 10000 : i32
      %add3A_194 = vector.broadcast %add3A_193 : i32 to vector<16xi32>
      %add3A_195 = arith.addi %get3A_192, %add3A_194 : vector<16xi32>
      %swap3A_196 = arith.index_cast %while3A_106 : i32 to index
      %swap3A_197 = arith.constant 112 : index
      %swap3A_198 = tpu.vector_load %arg7[%swap3A_196, %swap3A_197] {strides = array<i32>} : memref<64x128xi32, #tpu.memory_space<vmem>>, vector<1x16xi32>,
      %swap3A_199 = vector.shape_cast %swap3A_198 : vector<1x16xi32> to vector<16xi32>
      %swap3A_200 = vector.shape_cast %add3A_195 : vector<16xi32> to vector<1x16xi32>
      tpu.vector_store %arg7[%swap3A_196, %swap3A_197], %swap3A_200 {strides = array<i32>} : memref<64x128xi32, #tpu.memory_space<vmem>>, vector<1x16xi32>,
    }
    %while3A_92 = arith.constant 1 : i32
    scf.for %while3A_106 = %while3A_90 to %while3A_86 step %while3A_92  : i32 {
      %get3A = arith.index_cast %while3A_106 : i32 to index
      %get3A_107 = arith.constant 0 : index
      %get3A_108 = tpu.vector_load %arg7[%get3A, %get3A_107] {strides = array<i32>} : memref<64x128xi32, #tpu.memory_space<vmem>>, vector<1x16xi32>,
      %get3A_109 = vector.shape_cast %get3A_108 : vector<1x16xi32> to vector<16xi32>
      %add3A_110 = arith.constant 10000 : i32
      %add3A_111 = vector.broadcast %add3A_110 : i32 to vector<16xi32>
      %add3A_112 = arith.addi %get3A_109, %add3A_111 : vector<16xi32>
      %swap3A = arith.index_cast %while3A_106 : i32 to index
      %swap3A_113 = arith.constant 0 : index
      %swap3A_114 = tpu.vector_load %arg7[%swap3A, %swap3A_113] {strides = array<i32>} : memref<64x128xi32, #tpu.memory_space<vmem>>, vector<1x16xi32>,
      %swap3A_115 = vector.shape_cast %swap3A_114 : vector<1x16xi32> to vector<16xi32>
      %swap3A_116 = vector.shape_cast %add3A_112 : vector<16xi32> to vector<1x16xi32>
      tpu.vector_store %arg7[%swap3A, %swap3A_113], %swap3A_116 {strides = array<i32>} : memref<64x128xi32, #tpu.memory_space<vmem>>, vector<1x16xi32>,
      %get3A_117 = arith.index_cast %while3A_106 : i32 to index
      %get3A_118 = arith.constant 16 : index
      %get3A_119 = tpu.vector_load %arg7[%get3A_117, %get3A_118] {strides = array<i32>} : memref<64x128xi32, #tpu.memory_space<vmem>>, vector<1x16xi32>,
      %get3A_120 = vector.shape_cast %get3A_119 : vector<1x16xi32> to vector<16xi32>
      %add3A_121 = arith.constant 10000 : i32
      %add3A_122 = vector.broadcast %add3A_121 : i32 to vector<16xi32>
      %add3A_123 = arith.addi %get3A_120, %add3A_122 : vector<16xi32>
      %swap3A_124 = arith.index_cast %while3A_106 : i32 to index
      %swap3A_125 = arith.constant 16 : index
      %swap3A_126 = tpu.vector_load %arg7[%swap3A_124, %swap3A_125] {strides = array<i32>} : memref<64x128xi32, #tpu.memory_space<vmem>>, vector<1x16xi32>,
      %swap3A_127 = vector.shape_cast %swap3A_126 : vector<1x16xi32> to vector<16xi32>
      %swap3A_128 = vector.shape_cast %add3A_123 : vector<16xi32> to vector<1x16xi32>
      tpu.vector_store %arg7[%swap3A_124, %swap3A_125], %swap3A_128 {strides = array<i32>} : memref<64x128xi32, #tpu.memory_space<vmem>>, vector<1x16xi32>,
      %get3A_129 = arith.index_cast %while3A_106 : i32 to index
      %get3A_130 = arith.constant 32 : index
      %get3A_131 = tpu.vector_load %arg7[%get3A_129, %get3A_130] {strides = array<i32>} : memref<64x128xi32, #tpu.memory_space<vmem>>, vector<1x16xi32>,
      %get3A_132 = vector.shape_cast %get3A_131 : vector<1x16xi32> to vector<16xi32>
      %add3A_133 = arith.constant 10000 : i32
      %add3A_134 = vector.broadcast %add3A_133 : i32 to vector<16xi32>
      %add3A_135 = arith.addi %get3A_132, %add3A_134 : vector<16xi32>
      %swap3A_136 = arith.index_cast %while3A_106 : i32 to index
      %swap3A_137 = arith.constant 32 : index
      %swap3A_138 = tpu.vector_load %arg7[%swap3A_136, %swap3A_137] {strides = array<i32>} : memref<64x128xi32, #tpu.memory_space<vmem>>, vector<1x16xi32>,
      %swap3A_139 = vector.shape_cast %swap3A_138 : vector<1x16xi32> to vector<16xi32>
      %swap3A_140 = vector.shape_cast %add3A_135 : vector<16xi32> to vector<1x16xi32>
      tpu.vector_store %arg7[%swap3A_136, %swap3A_137], %swap3A_140 {strides = array<i32>} : memref<64x128xi32, #tpu.memory_space<vmem>>, vector<1x16xi32>,
      %get3A_141 = arith.index_cast %while3A_106 : i32 to index
      %get3A_142 = arith.constant 48 : index
      %get3A_143 = tpu.vector_load %arg7[%get3A_141, %get3A_142] {strides = array<i32>} : memref<64x128xi32, #tpu.memory_space<vmem>>, vector<1x16xi32>,
      %get3A_144 = vector.shape_cast %get3A_143 : vector<1x16xi32> to vector<16xi32>
      %add3A_145 = arith.constant 10000 : i32
      %add3A_146 = vector.broadcast %add3A_145 : i32 to vector<16xi32>
      %add3A_147 = arith.addi %get3A_144, %add3A_146 : vector<16xi32>
      %swap3A_148 = arith.index_cast %while3A_106 : i32 to index
      %swap3A_149 = arith.constant 48 : index
      %swap3A_150 = tpu.vector_load %arg7[%swap3A_148, %swap3A_149] {strides = array<i32>} : memref<64x128xi32, #tpu.memory_space<vmem>>, vector<1x16xi32>,
      %swap3A_151 = vector.shape_cast %swap3A_150 : vector<1x16xi32> to vector<16xi32>
      %swap3A_152 = vector.shape_cast %add3A_147 : vector<16xi32> to vector<1x16xi32>
      tpu.vector_store %arg7[%swap3A_148, %swap3A_149], %swap3A_152 {strides = array<i32>} : memref<64x128xi32, #tpu.memory_space<vmem>>, vector<1x16xi32>,
      %get3A_153 = arith.index_cast %while3A_106 : i32 to index
      %get3A_154 = arith.constant 64 : index
      %get3A_155 = tpu.vector_load %arg7[%get3A_153, %get3A_154] {strides = array<i32>} : memref<64x128xi32, #tpu.memory_space<vmem>>, vector<1x16xi32>,
      %get3A_156 = vector.shape_cast %get3A_155 : vector<1x16xi32> to vector<16xi32>
      %add3A_157 = arith.constant 10000 : i32
      %add3A_158 = vector.broadcast %add3A_157 : i32 to vector<16xi32>
      %add3A_159 = arith.addi %get3A_156, %add3A_158 : vector<16xi32>
      %swap3A_160 = arith.index_cast %while3A_106 : i32 to index
      %swap3A_161 = arith.constant 64 : index
      %swap3A_162 = tpu.vector_load %arg7[%swap3A_160, %swap3A_161] {strides = array<i32>} : memref<64x128xi32, #tpu.memory_space<vmem>>, vector<1x16xi32>,
      %swap3A_163 = vector.shape_cast %swap3A_162 : vector<1x16xi32> to vector<16xi32>
      %swap3A_164 = vector.shape_cast %add3A_159 : vector<16xi32> to vector<1x16xi32>
      tpu.vector_store %arg7[%swap3A_160, %swap3A_161], %swap3A_164 {strides = array<i32>} : memref<64x128xi32, #tpu.memory_space<vmem>>, vector<1x16xi32>,
      %get3A_165 = arith.index_cast %while3A_106 : i32 to index
      %get3A_166 = arith.constant 80 : index
      %get3A_167 = tpu.vector_load %arg7[%get3A_165, %get3A_166] {strides = array<i32>} : memref<64x128xi32, #tpu.memory_space<vmem>>, vector<1x16xi32>,
      %get3A_168 = vector.shape_cast %get3A_167 : vector<1x16xi32> to vector<16xi32>
      %add3A_169 = arith.constant 10000 : i32
      %add3A_170 = vector.broadcast %add3A_169 : i32 to vector<16xi32>
      %add3A_171 = arith.addi %get3A_168, %add3A_170 : vector<16xi32>
      %swap3A_172 = arith.index_cast %while3A_106 : i32 to index
      %swap3A_173 = arith.constant 80 : index
      %swap3A_174 = tpu.vector_load %arg7[%swap3A_172, %swap3A_173] {strides = array<i32>} : memref<64x128xi32, #tpu.memory_space<vmem>>, vector<1x16xi32>,
      %swap3A_175 = vector.shape_cast %swap3A_174 : vector<1x16xi32> to vector<16xi32>
      %swap3A_176 = vector.shape_cast %add3A_171 : vector<16xi32> to vector<1x16xi32>
      tpu.vector_store %arg7[%swap3A_172, %swap3A_173], %swap3A_176 {strides = array<i32>} : memref<64x128xi32, #tpu.memory_space<vmem>>, vector<1x16xi32>,
      %get3A_177 = arith.index_cast %while3A_106 : i32 to index
      %get3A_178 = arith.constant 96 : index
      %get3A_179 = tpu.vector_load %arg7[%get3A_177, %get3A_178] {strides = array<i32>} : memref<64x128xi32, #tpu.memory_space<vmem>>, vector<1x16xi32>,
      %get3A_180 = vector.shape_cast %get3A_179 : vector<1x16xi32> to vector<16xi32>
      %add3A_181 = arith.constant 10000 : i32
      %add3A_182 = vector.broadcast %add3A_181 : i32 to vector<16xi32>
      %add3A_183 = arith.addi %get3A_180, %add3A_182 : vector<16xi32>
      %swap3A_184 = arith.index_cast %while3A_106 : i32 to index
      %swap3A_185 = arith.constant 96 : index
      %swap3A_186 = tpu.vector_load %arg7[%swap3A_184, %swap3A_185] {strides = array<i32>} : memref<64x128xi32, #tpu.memory_space<vmem>>, vector<1x16xi32>,
      %swap3A_187 = vector.shape_cast %swap3A_186 : vector<1x16xi32> to vector<16xi32>
      %swap3A_188 = vector.shape_cast %add3A_183 : vector<16xi32> to vector<1x16xi32>
      tpu.vector_store %arg7[%swap3A_184, %swap3A_185], %swap3A_188 {strides = array<i32>} : memref<64x128xi32, #tpu.memory_space<vmem>>, vector<1x16xi32>,
      %get3A_189 = arith.index_cast %while3A_106 : i32 to index
      %get3A_190 = arith.constant 112 : index
      %get3A_191 = tpu.vector_load %arg7[%get3A_189, %get3A_190] {strides = array<i32>} : memref<64x128xi32, #tpu.memory_space<vmem>>, vector<1x16xi32>,
      %get3A_192 = vector.shape_cast %get3A_191 : vector<1x16xi32> to vector<16xi32>
      %add3A_193 = arith.constant 10000 : i32
      %add3A_194 = vector.broadcast %add3A_193 : i32 to vector<16xi32>
      %add3A_195 = arith.addi %get3A_192, %add3A_194 : vector<16xi32>
      %swap3A_196 = arith.index_cast %while3A_106 : i32 to index
      %swap3A_197 = arith.constant 112 : index
      %swap3A_198 = tpu.vector_load %arg7[%swap3A_196, %swap3A_197] {strides = array<i32>} : memref<64x128xi32, #tpu.memory_space<vmem>>, vector<1x16xi32>,
      %swap3A_199 = vector.shape_cast %swap3A_198 : vector<1x16xi32> to vector<16xi32>
      %swap3A_200 = vector.shape_cast %add3A_195 : vector<16xi32> to vector<1x16xi32>
      tpu.vector_store %arg7[%swap3A_196, %swap3A_197], %swap3A_200 {strides = array<i32>} : memref<64x128xi32, #tpu.memory_space<vmem>>, vector<1x16xi32>,
    }
    "tpu.trace_start"() <{level = 10 : i32, message = "zero"}> : () -> ()
    "tpu.region"() ({
      %run_scoped3A_106 = tpu.sem_alloc : memref<!tpu.dma_semaphore, #tpu.memory_space<semaphore_mem>>
      %dma_start3A = arith.constant 0 : i32
      %dma_start3A_107 = tpu.memref_slice %arg10[%mul3A_15, %dma_start3A] : memref<10112x128xf32, #tpu.memory_space<vmem_shared>> -> memref<632x128xf32, #tpu.memory_space<vmem_shared>>
      %dma_start3A_108 = arith.constant 0 : i32
      %dma_start3A_109 = tpu.memref_slice %arg5[%mul3A_15, %dma_start3A_108] : memref<10112x128xf32, #tpu.memory_space<hbm>> -> memref<632x128xf32, #tpu.memory_space<hbm>>
      tpu.enqueue_dma source(%dma_start3A_109 : memref<632x128xf32, #tpu.memory_space<hbm>>) target(%dma_start3A_107 : memref<632x128xf32, #tpu.memory_space<vmem_shared>>) target_semaphore(%run_scoped3A_106 : memref<!tpu.dma_semaphore, #tpu.memory_space<semaphore_mem>>)
      %dma_wait3A = arith.constant 0 : i32
      %dma_wait3A_110 = tpu.memref_slice %arg10[%mul3A_15, %dma_wait3A] : memref<10112x128xf32, #tpu.memory_space<vmem_shared>> -> memref<632x128xf32, #tpu.memory_space<vmem_shared>>
      %dma_wait3A_111 = arith.constant 0 : i32
      %dma_wait3A_112 = tpu.memref_slice %arg5[%mul3A_15, %dma_wait3A_111] : memref<10112x128xf32, #tpu.memory_space<hbm>> -> memref<632x128xf32, #tpu.memory_space<hbm>>
      tpu.wait_dma2 semaphore(%run_scoped3A_106 : memref<!tpu.dma_semaphore, #tpu.memory_space<semaphore_mem>>) src(%dma_wait3A_112 : memref<632x128xf32, #tpu.memory_space<hbm>>) dst(%dma_wait3A_110 : memref<632x128xf32, #tpu.memory_space<vmem_shared>>)
      tpu.yield
    }) : () -> ()
    %barrier3A_93 = arith.constant 0 : index
    tpu.barrier barrier_id(%barrier3A_93)
    %while3A_94 = arith.constant 0 : i32
    %while3A_95 = arith.constant 0 : i32
    "tpu.trace_stop"() : () -> ()
    "tpu.trace_start"() <{level = 10 : i32, message = "edges"}> : () -> ()
    %while3A_96 = arith.subi %select_n3A_13, %while3A_95 : i32
    %while3A_97 = arith.addi %while3A_95, %while3A_96 : i32
    %while3A_98 = arith.constant 1 : i32
    %while3A_99 = arith.divsi %while3A_96, %while3A_98 : i32
    %while3A_100 = arith.muli %while3A_99, %while3A_98 : i32
    %while3A_101 = arith.addi %while3A_95, %while3A_100 : i32
    %while3A_102 = arith.constant 1 : i32
    scf.for %while3A_106 = %while3A_95 to %while3A_101 step %while3A_102  : i32 {
      %mul3A_107 = arith.constant 2 : i32
      %mul3A_108 = arith.muli %mul3A_107, %while3A_106 : i32
      %mul3A_109 = arith.constant 2 : i32
      %mul3A_110 = arith.muli %mul3A_109, %while3A_106 : i32
      %add3A_111 = arith.constant 1 : i32
      %add3A_112 = arith.addi %mul3A_110, %add3A_111 : i32
      %dma_start3A = arith.constant 0 : i32
      %dma_start3A_113 = arith.constant 0 : i32
      %dma_start3A_114 = arith.constant 0 : i32
      %dma_start3A_115 = tpu.memref_slice %arg9[%dma_start3A, %dma_start3A_113, %dma_start3A_114] : memref<2x128x128xf32, #tpu.memory_space<vmem>> -> memref<1x128x128xf32, #tpu.memory_space<vmem>>
      %dma_start3A_116 = tpu.memref_squeeze %dma_start3A_115 : memref<1x128x128xf32, #tpu.memory_space<vmem>> -> memref<128x128xf32, #tpu.memory_space<vmem>>
      %dma_start3A_117 = arith.constant 0 : i32
      %dma_start3A_118 = tpu.memref_slice %arg7[%mul3A_108, %dma_start3A_117] : memref<64x128xi32, #tpu.memory_space<vmem>> -> memref<1x128xi32, #tpu.memory_space<vmem>>
      %dma_start3A_119 = tpu.memref_squeeze %dma_start3A_118 : memref<1x128xi32, #tpu.memory_space<vmem>> -> memref<128xi32, #tpu.memory_space<vmem>>
      %dma_start3A_120 = arith.constant 0 : i32
      %dma_start3A_121 = arith.constant 0 : i32
      %dma_start3A_122 = tpu.memref_slice %arg2[%dma_start3A_120, %dma_start3A_121] : memref<40000x128xf32, #tpu.memory_space<hbm>> -> memref<40000x128xf32, #tpu.memory_space<hbm>>
      tpu.enqueue_indirect_dma source(%dma_start3A_122 : memref<40000x128xf32, #tpu.memory_space<hbm>>) target(%dma_start3A_116 : memref<128x128xf32, #tpu.memory_space<vmem>>) offsets(%dma_start3A_119 : memref<128xi32, #tpu.memory_space<vmem>>) semaphore(%arg11 : memref<!tpu.dma_semaphore, #tpu.memory_space<semaphore_mem>>)
      %dma_start3A_123 = arith.constant 1 : i32
      %dma_start3A_124 = arith.constant 0 : i32
      %dma_start3A_125 = arith.constant 0 : i32
      %dma_start3A_126 = tpu.memref_slice %arg9[%dma_start3A_123, %dma_start3A_124, %dma_start3A_125] : memref<2x128x128xf32, #tpu.memory_space<vmem>> -> memref<1x128x128xf32, #tpu.memory_space<vmem>>
      %dma_start3A_127 = tpu.memref_squeeze %dma_start3A_126 : memref<1x128x128xf32, #tpu.memory_space<vmem>> -> memref<128x128xf32, #tpu.memory_space<vmem>>
      %dma_start3A_128 = arith.constant 0 : i32
      %dma_start3A_129 = tpu.memref_slice %arg7[%add3A_112, %dma_start3A_128] : memref<64x128xi32, #tpu.memory_space<vmem>> -> memref<1x128xi32, #tpu.memory_space<vmem>>
      %dma_start3A_130 = tpu.memref_squeeze %dma_start3A_129 : memref<1x128xi32, #tpu.memory_space<vmem>> -> memref<128xi32, #tpu.memory_space<vmem>>
      %dma_start3A_131 = arith.constant 0 : i32
      %dma_start3A_132 = arith.constant 0 : i32
      %dma_start3A_133 = tpu.memref_slice %arg2[%dma_start3A_131, %dma_start3A_132] : memref<40000x128xf32, #tpu.memory_space<hbm>> -> memref<40000x128xf32, #tpu.memory_space<hbm>>
      tpu.enqueue_indirect_dma source(%dma_start3A_133 : memref<40000x128xf32, #tpu.memory_space<hbm>>) target(%dma_start3A_127 : memref<128x128xf32, #tpu.memory_space<vmem>>) offsets(%dma_start3A_130 : memref<128xi32, #tpu.memory_space<vmem>>) semaphore(%arg12 : memref<!tpu.dma_semaphore, #tpu.memory_space<semaphore_mem>>)
      %dma_wait3A = arith.constant 0 : i32
      %dma_wait3A_134 = arith.constant 0 : i32
      %dma_wait3A_135 = arith.constant 0 : i32
      %dma_wait3A_136 = tpu.memref_slice %arg9[%dma_wait3A, %dma_wait3A_134, %dma_wait3A_135] : memref<2x128x128xf32, #tpu.memory_space<vmem>> -> memref<1x128x128xf32, #tpu.memory_space<vmem>>
      %dma_wait3A_137 = tpu.memref_squeeze %dma_wait3A_136 : memref<1x128x128xf32, #tpu.memory_space<vmem>> -> memref<128x128xf32, #tpu.memory_space<vmem>>
      %dma_wait3A_138 = arith.constant 0 : i32
      %dma_wait3A_139 = tpu.memref_slice %arg7[%mul3A_108, %dma_wait3A_138] : memref<64x128xi32, #tpu.memory_space<vmem>> -> memref<1x128xi32, #tpu.memory_space<vmem>>
      %dma_wait3A_140 = tpu.memref_squeeze %dma_wait3A_139 : memref<1x128xi32, #tpu.memory_space<vmem>> -> memref<128xi32, #tpu.memory_space<vmem>>
      %dma_wait3A_141 = arith.constant 0 : i32
      %dma_wait3A_142 = arith.constant 0 : i32
      %dma_wait3A_143 = tpu.memref_slice %arg2[%dma_wait3A_141, %dma_wait3A_142] : memref<40000x128xf32, #tpu.memory_space<hbm>> -> memref<40000x128xf32, #tpu.memory_space<hbm>>
      tpu.wait_indirect_dma semaphore(%arg11 : memref<!tpu.dma_semaphore, #tpu.memory_space<semaphore_mem>>) src(%dma_wait3A_143 : memref<40000x128xf32, #tpu.memory_space<hbm>>) dst(%dma_wait3A_137 : memref<128x128xf32, #tpu.memory_space<vmem>>)
      %run_scoped3A_144 = arith.constant 0 : i32
      "tpu.region"() ({
        %run_scoped3A_157 = tpu.sem_alloc : memref<!tpu.dma_semaphore, #tpu.memory_space<semaphore_mem>>
        %dma_start3A_158 = arith.constant 0 : i32
        %dma_start3A_159 = arith.constant 0 : i32
        %dma_start3A_160 = tpu.memref_slice %arg9[%run_scoped3A_144, %dma_start3A_158, %dma_start3A_159] : memref<2x128x128xf32, #tpu.memory_space<vmem>> -> memref<1x128x128xf32, #tpu.memory_space<vmem>>
        %dma_start3A_161 = tpu.memref_squeeze %dma_start3A_160 : memref<1x128x128xf32, #tpu.memory_space<vmem>> -> memref<128x128xf32, #tpu.memory_space<vmem>>
        %dma_start3A_162 = arith.constant 0 : i32
        %dma_start3A_163 = tpu.memref_slice %arg8[%mul3A_108, %dma_start3A_162] : memref<64x128xi32, #tpu.memory_space<vmem>> -> memref<1x128xi32, #tpu.memory_space<vmem>>
        %dma_start3A_164 = tpu.memref_squeeze %dma_start3A_163 : memref<1x128xi32, #tpu.memory_space<vmem>> -> memref<128xi32, #tpu.memory_space<vmem>>
        %dma_start3A_165 = arith.constant 0 : i32
        %dma_start3A_166 = arith.constant 0 : i32
        %dma_start3A_167 = tpu.memref_slice %arg10[%dma_start3A_165, %dma_start3A_166] : memref<10112x128xf32, #tpu.memory_space<vmem_shared>> -> memref<10112x128xf32, #tpu.memory_space<vmem_shared>>
        tpu.enqueue_indirect_dma source(%dma_start3A_161 : memref<128x128xf32, #tpu.memory_space<vmem>>) target(%dma_start3A_167 : memref<10112x128xf32, #tpu.memory_space<vmem_shared>>) offsets(%dma_start3A_164 : memref<128xi32, #tpu.memory_space<vmem>>) semaphore(%run_scoped3A_157 : memref<!tpu.dma_semaphore, #tpu.memory_space<semaphore_mem>>) {add = true}
        %dma_wait3A_168 = arith.constant 0 : i32
        %dma_wait3A_169 = arith.constant 0 : i32
        %dma_wait3A_170 = tpu.memref_slice %arg9[%run_scoped3A_144, %dma_wait3A_168, %dma_wait3A_169] : memref<2x128x128xf32, #tpu.memory_space<vmem>> -> memref<1x128x128xf32, #tpu.memory_space<vmem>>
        %dma_wait3A_171 = tpu.memref_squeeze %dma_wait3A_170 : memref<1x128x128xf32, #tpu.memory_space<vmem>> -> memref<128x128xf32, #tpu.memory_space<vmem>>
        %dma_wait3A_172 = arith.constant 0 : i32
        %dma_wait3A_173 = tpu.memref_slice %arg8[%mul3A_108, %dma_wait3A_172] : memref<64x128xi32, #tpu.memory_space<vmem>> -> memref<1x128xi32, #tpu.memory_space<vmem>>
        %dma_wait3A_174 = tpu.memref_squeeze %dma_wait3A_173 : memref<1x128xi32, #tpu.memory_space<vmem>> -> memref<128xi32, #tpu.memory_space<vmem>>
        %dma_wait3A_175 = arith.constant 0 : i32
        %dma_wait3A_176 = arith.constant 0 : i32
        %dma_wait3A_177 = tpu.memref_slice %arg10[%dma_wait3A_175, %dma_wait3A_176] : memref<10112x128xf32, #tpu.memory_space<vmem_shared>> -> memref<10112x128xf32, #tpu.memory_space<vmem_shared>>
        tpu.wait_indirect_dma semaphore(%run_scoped3A_157 : memref<!tpu.dma_semaphore, #tpu.memory_space<semaphore_mem>>) src(%dma_wait3A_171 : memref<128x128xf32, #tpu.memory_space<vmem>>) dst(%dma_wait3A_177 : memref<10112x128xf32, #tpu.memory_space<vmem_shared>>)
        tpu.yield
      }) : () -> ()
      %dma_wait3A_145 = arith.constant 1 : i32
      %dma_wait3A_146 = arith.constant 0 : i32
      %dma_wait3A_147 = arith.constant 0 : i32
      %dma_wait3A_148 = tpu.memref_slice %arg9[%dma_wait3A_145, %dma_wait3A_146, %dma_wait3A_147] : memref<2x128x128xf32, #tpu.memory_space<vmem>> -> memref<1x128x128xf32, #tpu.memory_space<vmem>>
      %dma_wait3A_149 = tpu.memref_squeeze %dma_wait3A_148 : memref<1x128x128xf32, #tpu.memory_space<vmem>> -> memref<128x128xf32, #tpu.memory_space<vmem>>
      %dma_wait3A_150 = arith.constant 0 : i32
      %dma_wait3A_151 = tpu.memref_slice %arg7[%add3A_112, %dma_wait3A_150] : memref<64x128xi32, #tpu.memory_space<vmem>> -> memref<1x128xi32, #tpu.memory_space<vmem>>
      %dma_wait3A_152 = tpu.memref_squeeze %dma_wait3A_151 : memref<1x128xi32, #tpu.memory_space<vmem>> -> memref<128xi32, #tpu.memory_space<vmem>>
      %dma_wait3A_153 = arith.constant 0 : i32
      %dma_wait3A_154 = arith.constant 0 : i32
      %dma_wait3A_155 = tpu.memref_slice %arg2[%dma_wait3A_153, %dma_wait3A_154] : memref<40000x128xf32, #tpu.memory_space<hbm>> -> memref<40000x128xf32, #tpu.memory_space<hbm>>
      tpu.wait_indirect_dma semaphore(%arg12 : memref<!tpu.dma_semaphore, #tpu.memory_space<semaphore_mem>>) src(%dma_wait3A_155 : memref<40000x128xf32, #tpu.memory_space<hbm>>) dst(%dma_wait3A_149 : memref<128x128xf32, #tpu.memory_space<vmem>>)
      %run_scoped3A_156 = arith.constant 1 : i32
      "tpu.region"() ({
        %run_scoped3A_157 = tpu.sem_alloc : memref<!tpu.dma_semaphore, #tpu.memory_space<semaphore_mem>>
        %dma_start3A_158 = arith.constant 0 : i32
        %dma_start3A_159 = arith.constant 0 : i32
        %dma_start3A_160 = tpu.memref_slice %arg9[%run_scoped3A_156, %dma_start3A_158, %dma_start3A_159] : memref<2x128x128xf32, #tpu.memory_space<vmem>> -> memref<1x128x128xf32, #tpu.memory_space<vmem>>
        %dma_start3A_161 = tpu.memref_squeeze %dma_start3A_160 : memref<1x128x128xf32, #tpu.memory_space<vmem>> -> memref<128x128xf32, #tpu.memory_space<vmem>>
        %dma_start3A_162 = arith.constant 0 : i32
        %dma_start3A_163 = tpu.memref_slice %arg8[%add3A_112, %dma_start3A_162] : memref<64x128xi32, #tpu.memory_space<vmem>> -> memref<1x128xi32, #tpu.memory_space<vmem>>
        %dma_start3A_164 = tpu.memref_squeeze %dma_start3A_163 : memref<1x128xi32, #tpu.memory_space<vmem>> -> memref<128xi32, #tpu.memory_space<vmem>>
        %dma_start3A_165 = arith.constant 0 : i32
        %dma_start3A_166 = arith.constant 0 : i32
        %dma_start3A_167 = tpu.memref_slice %arg10[%dma_start3A_165, %dma_start3A_166] : memref<10112x128xf32, #tpu.memory_space<vmem_shared>> -> memref<10112x128xf32, #tpu.memory_space<vmem_shared>>
        tpu.enqueue_indirect_dma source(%dma_start3A_161 : memref<128x128xf32, #tpu.memory_space<vmem>>) target(%dma_start3A_167 : memref<10112x128xf32, #tpu.memory_space<vmem_shared>>) offsets(%dma_start3A_164 : memref<128xi32, #tpu.memory_space<vmem>>) semaphore(%run_scoped3A_157 : memref<!tpu.dma_semaphore, #tpu.memory_space<semaphore_mem>>) {add = true}
        %dma_wait3A_168 = arith.constant 0 : i32
        %dma_wait3A_169 = arith.constant 0 : i32
        %dma_wait3A_170 = tpu.memref_slice %arg9[%run_scoped3A_156, %dma_wait3A_168, %dma_wait3A_169] : memref<2x128x128xf32, #tpu.memory_space<vmem>> -> memref<1x128x128xf32, #tpu.memory_space<vmem>>
        %dma_wait3A_171 = tpu.memref_squeeze %dma_wait3A_170 : memref<1x128x128xf32, #tpu.memory_space<vmem>> -> memref<128x128xf32, #tpu.memory_space<vmem>>
        %dma_wait3A_172 = arith.constant 0 : i32
        %dma_wait3A_173 = tpu.memref_slice %arg8[%add3A_112, %dma_wait3A_172] : memref<64x128xi32, #tpu.memory_space<vmem>> -> memref<1x128xi32, #tpu.memory_space<vmem>>
        %dma_wait3A_174 = tpu.memref_squeeze %dma_wait3A_173 : memref<1x128xi32, #tpu.memory_space<vmem>> -> memref<128xi32, #tpu.memory_space<vmem>>
        %dma_wait3A_175 = arith.constant 0 : i32
        %dma_wait3A_176 = arith.constant 0 : i32
        %dma_wait3A_177 = tpu.memref_slice %arg10[%dma_wait3A_175, %dma_wait3A_176] : memref<10112x128xf32, #tpu.memory_space<vmem_shared>> -> memref<10112x128xf32, #tpu.memory_space<vmem_shared>>
        tpu.wait_indirect_dma semaphore(%run_scoped3A_157 : memref<!tpu.dma_semaphore, #tpu.memory_space<semaphore_mem>>) src(%dma_wait3A_171 : memref<128x128xf32, #tpu.memory_space<vmem>>) dst(%dma_wait3A_177 : memref<10112x128xf32, #tpu.memory_space<vmem_shared>>)
        tpu.yield
      }) : () -> ()
    }
    %while3A_103 = arith.constant 1 : i32
    scf.for %while3A_106 = %while3A_101 to %while3A_97 step %while3A_103  : i32 {
      %mul3A_107 = arith.constant 2 : i32
      %mul3A_108 = arith.muli %mul3A_107, %while3A_106 : i32
      %mul3A_109 = arith.constant 2 : i32
      %mul3A_110 = arith.muli %mul3A_109, %while3A_106 : i32
      %add3A_111 = arith.constant 1 : i32
      %add3A_112 = arith.addi %mul3A_110, %add3A_111 : i32
      %dma_start3A = arith.constant 0 : i32
      %dma_start3A_113 = arith.constant 0 : i32
      %dma_start3A_114 = arith.constant 0 : i32
      %dma_start3A_115 = tpu.memref_slice %arg9[%dma_start3A, %dma_start3A_113, %dma_start3A_114] : memref<2x128x128xf32, #tpu.memory_space<vmem>> -> memref<1x128x128xf32, #tpu.memory_space<vmem>>
      %dma_start3A_116 = tpu.memref_squeeze %dma_start3A_115 : memref<1x128x128xf32, #tpu.memory_space<vmem>> -> memref<128x128xf32, #tpu.memory_space<vmem>>
      %dma_start3A_117 = arith.constant 0 : i32
      %dma_start3A_118 = tpu.memref_slice %arg7[%mul3A_108, %dma_start3A_117] : memref<64x128xi32, #tpu.memory_space<vmem>> -> memref<1x128xi32, #tpu.memory_space<vmem>>
      %dma_start3A_119 = tpu.memref_squeeze %dma_start3A_118 : memref<1x128xi32, #tpu.memory_space<vmem>> -> memref<128xi32, #tpu.memory_space<vmem>>
      %dma_start3A_120 = arith.constant 0 : i32
      %dma_start3A_121 = arith.constant 0 : i32
      %dma_start3A_122 = tpu.memref_slice %arg2[%dma_start3A_120, %dma_start3A_121] : memref<40000x128xf32, #tpu.memory_space<hbm>> -> memref<40000x128xf32, #tpu.memory_space<hbm>>
      tpu.enqueue_indirect_dma source(%dma_start3A_122 : memref<40000x128xf32, #tpu.memory_space<hbm>>) target(%dma_start3A_116 : memref<128x128xf32, #tpu.memory_space<vmem>>) offsets(%dma_start3A_119 : memref<128xi32, #tpu.memory_space<vmem>>) semaphore(%arg11 : memref<!tpu.dma_semaphore, #tpu.memory_space<semaphore_mem>>)
      %dma_start3A_123 = arith.constant 1 : i32
      %dma_start3A_124 = arith.constant 0 : i32
      %dma_start3A_125 = arith.constant 0 : i32
      %dma_start3A_126 = tpu.memref_slice %arg9[%dma_start3A_123, %dma_start3A_124, %dma_start3A_125] : memref<2x128x128xf32, #tpu.memory_space<vmem>> -> memref<1x128x128xf32, #tpu.memory_space<vmem>>
      %dma_start3A_127 = tpu.memref_squeeze %dma_start3A_126 : memref<1x128x128xf32, #tpu.memory_space<vmem>> -> memref<128x128xf32, #tpu.memory_space<vmem>>
      %dma_start3A_128 = arith.constant 0 : i32
      %dma_start3A_129 = tpu.memref_slice %arg7[%add3A_112, %dma_start3A_128] : memref<64x128xi32, #tpu.memory_space<vmem>> -> memref<1x128xi32, #tpu.memory_space<vmem>>
      %dma_start3A_130 = tpu.memref_squeeze %dma_start3A_129 : memref<1x128xi32, #tpu.memory_space<vmem>> -> memref<128xi32, #tpu.memory_space<vmem>>
      %dma_start3A_131 = arith.constant 0 : i32
      %dma_start3A_132 = arith.constant 0 : i32
      %dma_start3A_133 = tpu.memref_slice %arg2[%dma_start3A_131, %dma_start3A_132] : memref<40000x128xf32, #tpu.memory_space<hbm>> -> memref<40000x128xf32, #tpu.memory_space<hbm>>
      tpu.enqueue_indirect_dma source(%dma_start3A_133 : memref<40000x128xf32, #tpu.memory_space<hbm>>) target(%dma_start3A_127 : memref<128x128xf32, #tpu.memory_space<vmem>>) offsets(%dma_start3A_130 : memref<128xi32, #tpu.memory_space<vmem>>) semaphore(%arg12 : memref<!tpu.dma_semaphore, #tpu.memory_space<semaphore_mem>>)
      %dma_wait3A = arith.constant 0 : i32
      %dma_wait3A_134 = arith.constant 0 : i32
      %dma_wait3A_135 = arith.constant 0 : i32
      %dma_wait3A_136 = tpu.memref_slice %arg9[%dma_wait3A, %dma_wait3A_134, %dma_wait3A_135] : memref<2x128x128xf32, #tpu.memory_space<vmem>> -> memref<1x128x128xf32, #tpu.memory_space<vmem>>
      %dma_wait3A_137 = tpu.memref_squeeze %dma_wait3A_136 : memref<1x128x128xf32, #tpu.memory_space<vmem>> -> memref<128x128xf32, #tpu.memory_space<vmem>>
      %dma_wait3A_138 = arith.constant 0 : i32
      %dma_wait3A_139 = tpu.memref_slice %arg7[%mul3A_108, %dma_wait3A_138] : memref<64x128xi32, #tpu.memory_space<vmem>> -> memref<1x128xi32, #tpu.memory_space<vmem>>
      %dma_wait3A_140 = tpu.memref_squeeze %dma_wait3A_139 : memref<1x128xi32, #tpu.memory_space<vmem>> -> memref<128xi32, #tpu.memory_space<vmem>>
      %dma_wait3A_141 = arith.constant 0 : i32
      %dma_wait3A_142 = arith.constant 0 : i32
      %dma_wait3A_143 = tpu.memref_slice %arg2[%dma_wait3A_141, %dma_wait3A_142] : memref<40000x128xf32, #tpu.memory_space<hbm>> -> memref<40000x128xf32, #tpu.memory_space<hbm>>
      tpu.wait_indirect_dma semaphore(%arg11 : memref<!tpu.dma_semaphore, #tpu.memory_space<semaphore_mem>>) src(%dma_wait3A_143 : memref<40000x128xf32, #tpu.memory_space<hbm>>) dst(%dma_wait3A_137 : memref<128x128xf32, #tpu.memory_space<vmem>>)
      %run_scoped3A_144 = arith.constant 0 : i32
      "tpu.region"() ({
        %run_scoped3A_157 = tpu.sem_alloc : memref<!tpu.dma_semaphore, #tpu.memory_space<semaphore_mem>>
        %dma_start3A_158 = arith.constant 0 : i32
        %dma_start3A_159 = arith.constant 0 : i32
        %dma_start3A_160 = tpu.memref_slice %arg9[%run_scoped3A_144, %dma_start3A_158, %dma_start3A_159] : memref<2x128x128xf32, #tpu.memory_space<vmem>> -> memref<1x128x128xf32, #tpu.memory_space<vmem>>
        %dma_start3A_161 = tpu.memref_squeeze %dma_start3A_160 : memref<1x128x128xf32, #tpu.memory_space<vmem>> -> memref<128x128xf32, #tpu.memory_space<vmem>>
        %dma_start3A_162 = arith.constant 0 : i32
        %dma_start3A_163 = tpu.memref_slice %arg8[%mul3A_108, %dma_start3A_162] : memref<64x128xi32, #tpu.memory_space<vmem>> -> memref<1x128xi32, #tpu.memory_space<vmem>>
        %dma_start3A_164 = tpu.memref_squeeze %dma_start3A_163 : memref<1x128xi32, #tpu.memory_space<vmem>> -> memref<128xi32, #tpu.memory_space<vmem>>
        %dma_start3A_165 = arith.constant 0 : i32
        %dma_start3A_166 = arith.constant 0 : i32
        %dma_start3A_167 = tpu.memref_slice %arg10[%dma_start3A_165, %dma_start3A_166] : memref<10112x128xf32, #tpu.memory_space<vmem_shared>> -> memref<10112x128xf32, #tpu.memory_space<vmem_shared>>
        tpu.enqueue_indirect_dma source(%dma_start3A_161 : memref<128x128xf32, #tpu.memory_space<vmem>>) target(%dma_start3A_167 : memref<10112x128xf32, #tpu.memory_space<vmem_shared>>) offsets(%dma_start3A_164 : memref<128xi32, #tpu.memory_space<vmem>>) semaphore(%run_scoped3A_157 : memref<!tpu.dma_semaphore, #tpu.memory_space<semaphore_mem>>) {add = true}
        %dma_wait3A_168 = arith.constant 0 : i32
        %dma_wait3A_169 = arith.constant 0 : i32
        %dma_wait3A_170 = tpu.memref_slice %arg9[%run_scoped3A_144, %dma_wait3A_168, %dma_wait3A_169] : memref<2x128x128xf32, #tpu.memory_space<vmem>> -> memref<1x128x128xf32, #tpu.memory_space<vmem>>
        %dma_wait3A_171 = tpu.memref_squeeze %dma_wait3A_170 : memref<1x128x128xf32, #tpu.memory_space<vmem>> -> memref<128x128xf32, #tpu.memory_space<vmem>>
        %dma_wait3A_172 = arith.constant 0 : i32
        %dma_wait3A_173 = tpu.memref_slice %arg8[%mul3A_108, %dma_wait3A_172] : memref<64x128xi32, #tpu.memory_space<vmem>> -> memref<1x128xi32, #tpu.memory_space<vmem>>
        %dma_wait3A_174 = tpu.memref_squeeze %dma_wait3A_173 : memref<1x128xi32, #tpu.memory_space<vmem>> -> memref<128xi32, #tpu.memory_space<vmem>>
        %dma_wait3A_175 = arith.constant 0 : i32
        %dma_wait3A_176 = arith.constant 0 : i32
        %dma_wait3A_177 = tpu.memref_slice %arg10[%dma_wait3A_175, %dma_wait3A_176] : memref<10112x128xf32, #tpu.memory_space<vmem_shared>> -> memref<10112x128xf32, #tpu.memory_space<vmem_shared>>
        tpu.wait_indirect_dma semaphore(%run_scoped3A_157 : memref<!tpu.dma_semaphore, #tpu.memory_space<semaphore_mem>>) src(%dma_wait3A_171 : memref<128x128xf32, #tpu.memory_space<vmem>>) dst(%dma_wait3A_177 : memref<10112x128xf32, #tpu.memory_space<vmem_shared>>)
        tpu.yield
      }) : () -> ()
      %dma_wait3A_145 = arith.constant 1 : i32
      %dma_wait3A_146 = arith.constant 0 : i32
      %dma_wait3A_147 = arith.constant 0 : i32
      %dma_wait3A_148 = tpu.memref_slice %arg9[%dma_wait3A_145, %dma_wait3A_146, %dma_wait3A_147] : memref<2x128x128xf32, #tpu.memory_space<vmem>> -> memref<1x128x128xf32, #tpu.memory_space<vmem>>
      %dma_wait3A_149 = tpu.memref_squeeze %dma_wait3A_148 : memref<1x128x128xf32, #tpu.memory_space<vmem>> -> memref<128x128xf32, #tpu.memory_space<vmem>>
      %dma_wait3A_150 = arith.constant 0 : i32
      %dma_wait3A_151 = tpu.memref_slice %arg7[%add3A_112, %dma_wait3A_150] : memref<64x128xi32, #tpu.memory_space<vmem>> -> memref<1x128xi32, #tpu.memory_space<vmem>>
      %dma_wait3A_152 = tpu.memref_squeeze %dma_wait3A_151 : memref<1x128xi32, #tpu.memory_space<vmem>> -> memref<128xi32, #tpu.memory_space<vmem>>
      %dma_wait3A_153 = arith.constant 0 : i32
      %dma_wait3A_154 = arith.constant 0 : i32
      %dma_wait3A_155 = tpu.memref_slice %arg2[%dma_wait3A_153, %dma_wait3A_154] : memref<40000x128xf32, #tpu.memory_space<hbm>> -> memref<40000x128xf32, #tpu.memory_space<hbm>>
      tpu.wait_indirect_dma semaphore(%arg12 : memref<!tpu.dma_semaphore, #tpu.memory_space<semaphore_mem>>) src(%dma_wait3A_155 : memref<40000x128xf32, #tpu.memory_space<hbm>>) dst(%dma_wait3A_149 : memref<128x128xf32, #tpu.memory_space<vmem>>)
      %run_scoped3A_156 = arith.constant 1 : i32
      "tpu.region"() ({
        %run_scoped3A_157 = tpu.sem_alloc : memref<!tpu.dma_semaphore, #tpu.memory_space<semaphore_mem>>
        %dma_start3A_158 = arith.constant 0 : i32
        %dma_start3A_159 = arith.constant 0 : i32
        %dma_start3A_160 = tpu.memref_slice %arg9[%run_scoped3A_156, %dma_start3A_158, %dma_start3A_159] : memref<2x128x128xf32, #tpu.memory_space<vmem>> -> memref<1x128x128xf32, #tpu.memory_space<vmem>>
        %dma_start3A_161 = tpu.memref_squeeze %dma_start3A_160 : memref<1x128x128xf32, #tpu.memory_space<vmem>> -> memref<128x128xf32, #tpu.memory_space<vmem>>
        %dma_start3A_162 = arith.constant 0 : i32
        %dma_start3A_163 = tpu.memref_slice %arg8[%add3A_112, %dma_start3A_162] : memref<64x128xi32, #tpu.memory_space<vmem>> -> memref<1x128xi32, #tpu.memory_space<vmem>>
        %dma_start3A_164 = tpu.memref_squeeze %dma_start3A_163 : memref<1x128xi32, #tpu.memory_space<vmem>> -> memref<128xi32, #tpu.memory_space<vmem>>
        %dma_start3A_165 = arith.constant 0 : i32
        %dma_start3A_166 = arith.constant 0 : i32
        %dma_start3A_167 = tpu.memref_slice %arg10[%dma_start3A_165, %dma_start3A_166] : memref<10112x128xf32, #tpu.memory_space<vmem_shared>> -> memref<10112x128xf32, #tpu.memory_space<vmem_shared>>
        tpu.enqueue_indirect_dma source(%dma_start3A_161 : memref<128x128xf32, #tpu.memory_space<vmem>>) target(%dma_start3A_167 : memref<10112x128xf32, #tpu.memory_space<vmem_shared>>) offsets(%dma_start3A_164 : memref<128xi32, #tpu.memory_space<vmem>>) semaphore(%run_scoped3A_157 : memref<!tpu.dma_semaphore, #tpu.memory_space<semaphore_mem>>) {add = true}
        %dma_wait3A_168 = arith.constant 0 : i32
        %dma_wait3A_169 = arith.constant 0 : i32
        %dma_wait3A_170 = tpu.memref_slice %arg9[%run_scoped3A_156, %dma_wait3A_168, %dma_wait3A_169] : memref<2x128x128xf32, #tpu.memory_space<vmem>> -> memref<1x128x128xf32, #tpu.memory_space<vmem>>
        %dma_wait3A_171 = tpu.memref_squeeze %dma_wait3A_170 : memref<1x128x128xf32, #tpu.memory_space<vmem>> -> memref<128x128xf32, #tpu.memory_space<vmem>>
        %dma_wait3A_172 = arith.constant 0 : i32
        %dma_wait3A_173 = tpu.memref_slice %arg8[%add3A_112, %dma_wait3A_172] : memref<64x128xi32, #tpu.memory_space<vmem>> -> memref<1x128xi32, #tpu.memory_space<vmem>>
        %dma_wait3A_174 = tpu.memref_squeeze %dma_wait3A_173 : memref<1x128xi32, #tpu.memory_space<vmem>> -> memref<128xi32, #tpu.memory_space<vmem>>
        %dma_wait3A_175 = arith.constant 0 : i32
        %dma_wait3A_176 = arith.constant 0 : i32
        %dma_wait3A_177 = tpu.memref_slice %arg10[%dma_wait3A_175, %dma_wait3A_176] : memref<10112x128xf32, #tpu.memory_space<vmem_shared>> -> memref<10112x128xf32, #tpu.memory_space<vmem_shared>>
        tpu.wait_indirect_dma semaphore(%run_scoped3A_157 : memref<!tpu.dma_semaphore, #tpu.memory_space<semaphore_mem>>) src(%dma_wait3A_171 : memref<128x128xf32, #tpu.memory_space<vmem>>) dst(%dma_wait3A_177 : memref<10112x128xf32, #tpu.memory_space<vmem_shared>>)
        tpu.yield
      }) : () -> ()
    }
    %barrier3A_104 = arith.constant 0 : index
    tpu.barrier barrier_id(%barrier3A_104)
    %run_scoped3A_105 = arith.constant 3 : i32
    "tpu.trace_stop"() : () -> ()
    "tpu.trace_start"() <{level = 10 : i32, message = "writeout"}> : () -> ()
    "tpu.region"() ({
      %run_scoped3A_106 = tpu.sem_alloc : memref<!tpu.dma_semaphore, #tpu.memory_space<semaphore_mem>>
      %dma_start3A = arith.constant 0 : i32
      %dma_start3A_107 = tpu.memref_slice %arg6[%arg0, %run_scoped3A_105, %mul3A_15, %dma_start3A] : memref<2x4x10112x128xf32, #tpu.memory_space<hbm>> -> memref<1x1x632x128xf32, #tpu.memory_space<hbm>>
      %dma_start3A_108 = tpu.memref_squeeze %dma_start3A_107 : memref<1x1x632x128xf32, #tpu.memory_space<hbm>> -> memref<632x128xf32, #tpu.memory_space<hbm>>
      %dma_start3A_109 = arith.constant 0 : i32
      %dma_start3A_110 = tpu.memref_slice %arg10[%mul3A_15, %dma_start3A_109] : memref<10112x128xf32, #tpu.memory_space<vmem_shared>> -> memref<632x128xf32, #tpu.memory_space<vmem_shared>>
      tpu.enqueue_dma source(%dma_start3A_110 : memref<632x128xf32, #tpu.memory_space<vmem_shared>>) target(%dma_start3A_108 : memref<632x128xf32, #tpu.memory_space<hbm>>) target_semaphore(%run_scoped3A_106 : memref<!tpu.dma_semaphore, #tpu.memory_space<semaphore_mem>>)
      %dma_wait3A = arith.constant 0 : i32
      %dma_wait3A_111 = tpu.memref_slice %arg6[%arg0, %run_scoped3A_105, %mul3A_15, %dma_wait3A] : memref<2x4x10112x128xf32, #tpu.memory_space<hbm>> -> memref<1x1x632x128xf32, #tpu.memory_space<hbm>>
      %dma_wait3A_112 = tpu.memref_squeeze %dma_wait3A_111 : memref<1x1x632x128xf32, #tpu.memory_space<hbm>> -> memref<632x128xf32, #tpu.memory_space<hbm>>
      %dma_wait3A_113 = arith.constant 0 : i32
      %dma_wait3A_114 = tpu.memref_slice %arg10[%mul3A_15, %dma_wait3A_113] : memref<10112x128xf32, #tpu.memory_space<vmem_shared>> -> memref<632x128xf32, #tpu.memory_space<vmem_shared>>
      tpu.wait_dma2 semaphore(%run_scoped3A_106 : memref<!tpu.dma_semaphore, #tpu.memory_space<semaphore_mem>>) src(%dma_wait3A_114 : memref<632x128xf32, #tpu.memory_space<vmem_shared>>) dst(%dma_wait3A_112 : memref<632x128xf32, #tpu.memory_space<hbm>>)
      tpu.yield
    }) : () -> ()
    "tpu.trace_stop"() : () -> ()
    return
  }
}

#map = affine_map<(d0, d1) -> (0, 0)>
#map1 = affine_map<(d0, d1) -> (0, 0, 0, 0)>
#map2 = affine_map<(d0, d1) -> (0, 0, 0)>
module attributes {stable_mosaic.version = 14 : i64} {
  func.func @body(%arg0: i32, %arg1: i32, %arg2: memref<20000x128xf32, #tpu.memory_space<hbm>>, %arg3: memref<1280x128xi32, #tpu.memory_space<hbm>>, %arg4: memref<1280x128xi32, #tpu.memory_space<hbm>>, %arg5: memref<10112x128xf32, #tpu.memory_space<hbm>>, %arg6: memref<2x2x10112x128xf32, #tpu.memory_space<hbm>>, %arg7: memref<2x10112x128xf32, #tpu.memory_space<hbm>>, %arg8: memref<64x128xi32, #tpu.memory_space<vmem>>, %arg9: memref<64x128xi32, #tpu.memory_space<vmem>>, %arg10: memref<2x128x128xf32, #tpu.memory_space<vmem>>, %arg11: memref<10112x128xf32, #tpu.memory_space<vmem_shared>>, %arg12: memref<!tpu.dma_semaphore, #tpu.memory_space<semaphore_mem>>, %arg13: memref<!tpu.dma_semaphore, #tpu.memory_space<semaphore_mem>>) attributes {dimension_semantics = [#tpu.dimension_semantics<core_parallel>, #tpu.dimension_semantics<subcore_parallel>], iteration_bounds = array<i64: 2, 16>, scalar_prefetch = 0 : i64, scratch_operands = 6 : i64, tpu.core_type = #tpu.core_type<sc_vector_subcore>, window_params = [{transform_indices = #map}, {transform_indices = #map}, {transform_indices = #map}, {transform_indices = #map}, {transform_indices = #map1}, {transform_indices = #map2}]} {
    %eq3A = arith.constant 0 : i32
    %eq3A_0 = arith.cmpi eq, %arg0, %eq3A : i32
    %mul3A = arith.constant 64 : i32
    %mul3A_1 = arith.muli %arg1, %mul3A : i32
    %mul3A_2 = arith.constant 16 : i32
    %mul3A_3 = arith.muli %arg1, %mul3A_2 : i32
    %add3A = arith.constant 1024 : i32
    %add3A_4 = arith.addi %add3A, %mul3A_3 : i32
    %select_n3A = arith.select %eq3A_0, %mul3A_1, %add3A_4 : i32
    %eq3A_5 = arith.constant 0 : i32
    %eq3A_6 = arith.cmpi eq, %arg0, %eq3A_5 : i32
    %jit3A = arith.constant 64 : i32
    %jit3A_7 = arith.constant 16 : i32
    %select_n3A_8 = arith.select %eq3A_6, %jit3A, %jit3A_7 : i32
    %eq3A_9 = arith.constant 0 : i32
    %eq3A_10 = arith.cmpi eq, %arg0, %eq3A_9 : i32
    %jit3A_11 = arith.constant 32 : i32
    %jit3A_12 = arith.constant 8 : i32
    %select_n3A_13 = arith.select %eq3A_10, %jit3A_11, %jit3A_12 : i32
    %mul3A_14 = arith.constant 632 : i32
    %mul3A_15 = arith.muli %arg1, %mul3A_14 : i32
    %eq3A_16 = arith.constant 0 : i32
    %eq3A_17 = arith.cmpi eq, %arg0, %eq3A_16 : i32
    %convert_element_type3A = arith.extui %eq3A_17 : i1 to i32
    %cond3A = arith.constant 0 : i32
    %cond3A_18 = arith.cmpi ne, %convert_element_type3A, %cond3A : i32
    scf.if %cond3A_18 {
      "tpu.region"() ({
        %run_scoped3A_76 = tpu.sem_alloc : memref<!tpu.dma_semaphore, #tpu.memory_space<semaphore_mem>>
        %dma_start3A = arith.constant 0 : i32
        %dma_start3A_77 = tpu.memref_slice %arg3[%select_n3A, %dma_start3A] : memref<1280x128xi32, #tpu.memory_space<hbm>> -> memref<64x128xi32, #tpu.memory_space<hbm>>
        %dma_start3A_78 = arith.constant 0 : i32
        %dma_start3A_79 = tpu.memref_slice %arg3[%select_n3A, %dma_start3A_78] : memref<1280x128xi32, #tpu.memory_space<hbm>> -> memref<64x128xi32, #tpu.memory_space<hbm>>
        tpu.enqueue_dma source(%dma_start3A_79 : memref<64x128xi32, #tpu.memory_space<hbm>>) target(%arg8 : memref<64x128xi32, #tpu.memory_space<vmem>>) target_semaphore(%run_scoped3A_76 : memref<!tpu.dma_semaphore, #tpu.memory_space<semaphore_mem>>)
        %dma_wait3A = arith.constant 0 : i32
        %dma_wait3A_80 = tpu.memref_slice %arg3[%select_n3A, %dma_wait3A] : memref<1280x128xi32, #tpu.memory_space<hbm>> -> memref<64x128xi32, #tpu.memory_space<hbm>>
        %dma_wait3A_81 = arith.constant 0 : i32
        %dma_wait3A_82 = tpu.memref_slice %arg3[%select_n3A, %dma_wait3A_81] : memref<1280x128xi32, #tpu.memory_space<hbm>> -> memref<64x128xi32, #tpu.memory_space<hbm>>
        tpu.wait_dma2 semaphore(%run_scoped3A_76 : memref<!tpu.dma_semaphore, #tpu.memory_space<semaphore_mem>>) src(%dma_wait3A_82 : memref<64x128xi32, #tpu.memory_space<hbm>>) dst(%arg8 : memref<64x128xi32, #tpu.memory_space<vmem>>)
        tpu.yield
      }) : () -> ()
      "tpu.region"() ({
        %run_scoped3A_76 = tpu.sem_alloc : memref<!tpu.dma_semaphore, #tpu.memory_space<semaphore_mem>>
        %dma_start3A = arith.constant 0 : i32
        %dma_start3A_77 = tpu.memref_slice %arg4[%select_n3A, %dma_start3A] : memref<1280x128xi32, #tpu.memory_space<hbm>> -> memref<64x128xi32, #tpu.memory_space<hbm>>
        %dma_start3A_78 = arith.constant 0 : i32
        %dma_start3A_79 = tpu.memref_slice %arg4[%select_n3A, %dma_start3A_78] : memref<1280x128xi32, #tpu.memory_space<hbm>> -> memref<64x128xi32, #tpu.memory_space<hbm>>
        tpu.enqueue_dma source(%dma_start3A_79 : memref<64x128xi32, #tpu.memory_space<hbm>>) target(%arg9 : memref<64x128xi32, #tpu.memory_space<vmem>>) target_semaphore(%run_scoped3A_76 : memref<!tpu.dma_semaphore, #tpu.memory_space<semaphore_mem>>)
        %dma_wait3A = arith.constant 0 : i32
        %dma_wait3A_80 = tpu.memref_slice %arg4[%select_n3A, %dma_wait3A] : memref<1280x128xi32, #tpu.memory_space<hbm>> -> memref<64x128xi32, #tpu.memory_space<hbm>>
        %dma_wait3A_81 = arith.constant 0 : i32
        %dma_wait3A_82 = tpu.memref_slice %arg4[%select_n3A, %dma_wait3A_81] : memref<1280x128xi32, #tpu.memory_space<hbm>> -> memref<64x128xi32, #tpu.memory_space<hbm>>
        tpu.wait_dma2 semaphore(%run_scoped3A_76 : memref<!tpu.dma_semaphore, #tpu.memory_space<semaphore_mem>>) src(%dma_wait3A_82 : memref<64x128xi32, #tpu.memory_space<hbm>>) dst(%arg9 : memref<64x128xi32, #tpu.memory_space<vmem>>)
        tpu.yield
      }) : () -> ()
    } else {
    }
    %eq3A_19 = arith.constant 1 : i32
    %eq3A_20 = arith.cmpi eq, %arg0, %eq3A_19 : i32
    %convert_element_type3A_21 = arith.extui %eq3A_20 : i1 to i32
    %cond3A_22 = arith.constant 0 : i32
    %cond3A_23 = arith.cmpi ne, %convert_element_type3A_21, %cond3A_22 : i32
    scf.if %cond3A_23 {
      "tpu.region"() ({
        %run_scoped3A_76 = tpu.sem_alloc : memref<!tpu.dma_semaphore, #tpu.memory_space<semaphore_mem>>
        %dma_start3A = arith.constant 0 : i32
        %dma_start3A_77 = arith.constant 0 : i32
        %dma_start3A_78 = tpu.memref_slice %arg8[%dma_start3A, %dma_start3A_77] : memref<64x128xi32, #tpu.memory_space<vmem>> -> memref<16x128xi32, #tpu.memory_space<vmem>>
        %dma_start3A_79 = arith.constant 0 : i32
        %dma_start3A_80 = tpu.memref_slice %arg3[%select_n3A, %dma_start3A_79] : memref<1280x128xi32, #tpu.memory_space<hbm>> -> memref<16x128xi32, #tpu.memory_space<hbm>>
        %dma_start3A_81 = arith.constant 0 : i32
        %dma_start3A_82 = arith.constant 0 : i32
        %dma_start3A_83 = tpu.memref_slice %arg8[%dma_start3A_81, %dma_start3A_82] : memref<64x128xi32, #tpu.memory_space<vmem>> -> memref<16x128xi32, #tpu.memory_space<vmem>>
        %dma_start3A_84 = arith.constant 0 : i32
        %dma_start3A_85 = tpu.memref_slice %arg3[%select_n3A, %dma_start3A_84] : memref<1280x128xi32, #tpu.memory_space<hbm>> -> memref<16x128xi32, #tpu.memory_space<hbm>>
        tpu.enqueue_dma source(%dma_start3A_85 : memref<16x128xi32, #tpu.memory_space<hbm>>) target(%dma_start3A_83 : memref<16x128xi32, #tpu.memory_space<vmem>>) target_semaphore(%run_scoped3A_76 : memref<!tpu.dma_semaphore, #tpu.memory_space<semaphore_mem>>)
        %dma_wait3A = arith.constant 0 : i32
        %dma_wait3A_86 = arith.constant 0 : i32
        %dma_wait3A_87 = tpu.memref_slice %arg8[%dma_wait3A, %dma_wait3A_86] : memref<64x128xi32, #tpu.memory_space<vmem>> -> memref<16x128xi32, #tpu.memory_space<vmem>>
        %dma_wait3A_88 = arith.constant 0 : i32
        %dma_wait3A_89 = tpu.memref_slice %arg3[%select_n3A, %dma_wait3A_88] : memref<1280x128xi32, #tpu.memory_space<hbm>> -> memref<16x128xi32, #tpu.memory_space<hbm>>
        %dma_wait3A_90 = arith.constant 0 : i32
        %dma_wait3A_91 = arith.constant 0 : i32
        %dma_wait3A_92 = tpu.memref_slice %arg8[%dma_wait3A_90, %dma_wait3A_91] : memref<64x128xi32, #tpu.memory_space<vmem>> -> memref<16x128xi32, #tpu.memory_space<vmem>>
        %dma_wait3A_93 = arith.constant 0 : i32
        %dma_wait3A_94 = tpu.memref_slice %arg3[%select_n3A, %dma_wait3A_93] : memref<1280x128xi32, #tpu.memory_space<hbm>> -> memref<16x128xi32, #tpu.memory_space<hbm>>
        tpu.wait_dma2 semaphore(%run_scoped3A_76 : memref<!tpu.dma_semaphore, #tpu.memory_space<semaphore_mem>>) src(%dma_wait3A_94 : memref<16x128xi32, #tpu.memory_space<hbm>>) dst(%dma_wait3A_92 : memref<16x128xi32, #tpu.memory_space<vmem>>)
        tpu.yield
      }) : () -> ()
      "tpu.region"() ({
        %run_scoped3A_76 = tpu.sem_alloc : memref<!tpu.dma_semaphore, #tpu.memory_space<semaphore_mem>>
        %dma_start3A = arith.constant 0 : i32
        %dma_start3A_77 = arith.constant 0 : i32
        %dma_start3A_78 = tpu.memref_slice %arg9[%dma_start3A, %dma_start3A_77] : memref<64x128xi32, #tpu.memory_space<vmem>> -> memref<16x128xi32, #tpu.memory_space<vmem>>
        %dma_start3A_79 = arith.constant 0 : i32
        %dma_start3A_80 = tpu.memref_slice %arg4[%select_n3A, %dma_start3A_79] : memref<1280x128xi32, #tpu.memory_space<hbm>> -> memref<16x128xi32, #tpu.memory_space<hbm>>
        %dma_start3A_81 = arith.constant 0 : i32
        %dma_start3A_82 = arith.constant 0 : i32
        %dma_start3A_83 = tpu.memref_slice %arg9[%dma_start3A_81, %dma_start3A_82] : memref<64x128xi32, #tpu.memory_space<vmem>> -> memref<16x128xi32, #tpu.memory_space<vmem>>
        %dma_start3A_84 = arith.constant 0 : i32
        %dma_start3A_85 = tpu.memref_slice %arg4[%select_n3A, %dma_start3A_84] : memref<1280x128xi32, #tpu.memory_space<hbm>> -> memref<16x128xi32, #tpu.memory_space<hbm>>
        tpu.enqueue_dma source(%dma_start3A_85 : memref<16x128xi32, #tpu.memory_space<hbm>>) target(%dma_start3A_83 : memref<16x128xi32, #tpu.memory_space<vmem>>) target_semaphore(%run_scoped3A_76 : memref<!tpu.dma_semaphore, #tpu.memory_space<semaphore_mem>>)
        %dma_wait3A = arith.constant 0 : i32
        %dma_wait3A_86 = arith.constant 0 : i32
        %dma_wait3A_87 = tpu.memref_slice %arg9[%dma_wait3A, %dma_wait3A_86] : memref<64x128xi32, #tpu.memory_space<vmem>> -> memref<16x128xi32, #tpu.memory_space<vmem>>
        %dma_wait3A_88 = arith.constant 0 : i32
        %dma_wait3A_89 = tpu.memref_slice %arg4[%select_n3A, %dma_wait3A_88] : memref<1280x128xi32, #tpu.memory_space<hbm>> -> memref<16x128xi32, #tpu.memory_space<hbm>>
        %dma_wait3A_90 = arith.constant 0 : i32
        %dma_wait3A_91 = arith.constant 0 : i32
        %dma_wait3A_92 = tpu.memref_slice %arg9[%dma_wait3A_90, %dma_wait3A_91] : memref<64x128xi32, #tpu.memory_space<vmem>> -> memref<16x128xi32, #tpu.memory_space<vmem>>
        %dma_wait3A_93 = arith.constant 0 : i32
        %dma_wait3A_94 = tpu.memref_slice %arg4[%select_n3A, %dma_wait3A_93] : memref<1280x128xi32, #tpu.memory_space<hbm>> -> memref<16x128xi32, #tpu.memory_space<hbm>>
        tpu.wait_dma2 semaphore(%run_scoped3A_76 : memref<!tpu.dma_semaphore, #tpu.memory_space<semaphore_mem>>) src(%dma_wait3A_94 : memref<16x128xi32, #tpu.memory_space<hbm>>) dst(%dma_wait3A_92 : memref<16x128xi32, #tpu.memory_space<vmem>>)
        tpu.yield
      }) : () -> ()
    } else {
    }
    %scan3A = arith.constant 0 : i32
    %scan3A_24 = arith.constant 0 : i32
    %scan3A_25 = arith.constant 128 : i32
    %scan3A_26 = arith.addi %scan3A_24, %scan3A_25 : i32
    %scan3A_27 = arith.constant 1 : i32
    scf.for %scan3A_76 = %scan3A_24 to %scan3A_26 step %scan3A_27  : i32 {
      %broadcast_in_dim3A = arith.constant 1.000000e+00 : f32
      %broadcast_in_dim3A_77 = vector.broadcast %broadcast_in_dim3A : f32 to vector<16xf32>
      %swap3A = arith.constant 0 : i32
      %swap3A_78 = arith.index_cast %swap3A : i32 to index
      %swap3A_79 = arith.index_cast %scan3A_76 : i32 to index
      %swap3A_80 = arith.constant 0 : index
      %swap3A_81 = tpu.vector_load %arg10[%swap3A_78, %swap3A_79, %swap3A_80] {strides = array<i32>} : memref<2x128x128xf32, #tpu.memory_space<vmem>>, vector<1x1x16xf32>,
      %swap3A_82 = vector.shape_cast %swap3A_81 : vector<1x1x16xf32> to vector<16xf32>
      %swap3A_83 = vector.shape_cast %broadcast_in_dim3A_77 : vector<16xf32> to vector<1x1x16xf32>
      tpu.vector_store %arg10[%swap3A_78, %swap3A_79, %swap3A_80], %swap3A_83 {strides = array<i32>} : memref<2x128x128xf32, #tpu.memory_space<vmem>>, vector<1x1x16xf32>,
      %broadcast_in_dim3A_84 = arith.constant 1.000000e+00 : f32
      %broadcast_in_dim3A_85 = vector.broadcast %broadcast_in_dim3A_84 : f32 to vector<16xf32>
      %swap3A_86 = arith.constant 0 : i32
      %swap3A_87 = arith.index_cast %swap3A_86 : i32 to index
      %swap3A_88 = arith.index_cast %scan3A_76 : i32 to index
      %swap3A_89 = arith.constant 16 : index
      %swap3A_90 = tpu.vector_load %arg10[%swap3A_87, %swap3A_88, %swap3A_89] {strides = array<i32>} : memref<2x128x128xf32, #tpu.memory_space<vmem>>, vector<1x1x16xf32>,
      %swap3A_91 = vector.shape_cast %swap3A_90 : vector<1x1x16xf32> to vector<16xf32>
      %swap3A_92 = vector.shape_cast %broadcast_in_dim3A_85 : vector<16xf32> to vector<1x1x16xf32>
      tpu.vector_store %arg10[%swap3A_87, %swap3A_88, %swap3A_89], %swap3A_92 {strides = array<i32>} : memref<2x128x128xf32, #tpu.memory_space<vmem>>, vector<1x1x16xf32>,
      %broadcast_in_dim3A_93 = arith.constant 1.000000e+00 : f32
      %broadcast_in_dim3A_94 = vector.broadcast %broadcast_in_dim3A_93 : f32 to vector<16xf32>
      %swap3A_95 = arith.constant 0 : i32
      %swap3A_96 = arith.index_cast %swap3A_95 : i32 to index
      %swap3A_97 = arith.index_cast %scan3A_76 : i32 to index
      %swap3A_98 = arith.constant 32 : index
      %swap3A_99 = tpu.vector_load %arg10[%swap3A_96, %swap3A_97, %swap3A_98] {strides = array<i32>} : memref<2x128x128xf32, #tpu.memory_space<vmem>>, vector<1x1x16xf32>,
      %swap3A_100 = vector.shape_cast %swap3A_99 : vector<1x1x16xf32> to vector<16xf32>
      %swap3A_101 = vector.shape_cast %broadcast_in_dim3A_94 : vector<16xf32> to vector<1x1x16xf32>
      tpu.vector_store %arg10[%swap3A_96, %swap3A_97, %swap3A_98], %swap3A_101 {strides = array<i32>} : memref<2x128x128xf32, #tpu.memory_space<vmem>>, vector<1x1x16xf32>,
      %broadcast_in_dim3A_102 = arith.constant 1.000000e+00 : f32
      %broadcast_in_dim3A_103 = vector.broadcast %broadcast_in_dim3A_102 : f32 to vector<16xf32>
      %swap3A_104 = arith.constant 0 : i32
      %swap3A_105 = arith.index_cast %swap3A_104 : i32 to index
      %swap3A_106 = arith.index_cast %scan3A_76 : i32 to index
      %swap3A_107 = arith.constant 48 : index
      %swap3A_108 = tpu.vector_load %arg10[%swap3A_105, %swap3A_106, %swap3A_107] {strides = array<i32>} : memref<2x128x128xf32, #tpu.memory_space<vmem>>, vector<1x1x16xf32>,
      %swap3A_109 = vector.shape_cast %swap3A_108 : vector<1x1x16xf32> to vector<16xf32>
      %swap3A_110 = vector.shape_cast %broadcast_in_dim3A_103 : vector<16xf32> to vector<1x1x16xf32>
      tpu.vector_store %arg10[%swap3A_105, %swap3A_106, %swap3A_107], %swap3A_110 {strides = array<i32>} : memref<2x128x128xf32, #tpu.memory_space<vmem>>, vector<1x1x16xf32>,
      %broadcast_in_dim3A_111 = arith.constant 1.000000e+00 : f32
      %broadcast_in_dim3A_112 = vector.broadcast %broadcast_in_dim3A_111 : f32 to vector<16xf32>
      %swap3A_113 = arith.constant 0 : i32
      %swap3A_114 = arith.index_cast %swap3A_113 : i32 to index
      %swap3A_115 = arith.index_cast %scan3A_76 : i32 to index
      %swap3A_116 = arith.constant 64 : index
      %swap3A_117 = tpu.vector_load %arg10[%swap3A_114, %swap3A_115, %swap3A_116] {strides = array<i32>} : memref<2x128x128xf32, #tpu.memory_space<vmem>>, vector<1x1x16xf32>,
      %swap3A_118 = vector.shape_cast %swap3A_117 : vector<1x1x16xf32> to vector<16xf32>
      %swap3A_119 = vector.shape_cast %broadcast_in_dim3A_112 : vector<16xf32> to vector<1x1x16xf32>
      tpu.vector_store %arg10[%swap3A_114, %swap3A_115, %swap3A_116], %swap3A_119 {strides = array<i32>} : memref<2x128x128xf32, #tpu.memory_space<vmem>>, vector<1x1x16xf32>,
      %broadcast_in_dim3A_120 = arith.constant 1.000000e+00 : f32
      %broadcast_in_dim3A_121 = vector.broadcast %broadcast_in_dim3A_120 : f32 to vector<16xf32>
      %swap3A_122 = arith.constant 0 : i32
      %swap3A_123 = arith.index_cast %swap3A_122 : i32 to index
      %swap3A_124 = arith.index_cast %scan3A_76 : i32 to index
      %swap3A_125 = arith.constant 80 : index
      %swap3A_126 = tpu.vector_load %arg10[%swap3A_123, %swap3A_124, %swap3A_125] {strides = array<i32>} : memref<2x128x128xf32, #tpu.memory_space<vmem>>, vector<1x1x16xf32>,
      %swap3A_127 = vector.shape_cast %swap3A_126 : vector<1x1x16xf32> to vector<16xf32>
      %swap3A_128 = vector.shape_cast %broadcast_in_dim3A_121 : vector<16xf32> to vector<1x1x16xf32>
      tpu.vector_store %arg10[%swap3A_123, %swap3A_124, %swap3A_125], %swap3A_128 {strides = array<i32>} : memref<2x128x128xf32, #tpu.memory_space<vmem>>, vector<1x1x16xf32>,
      %broadcast_in_dim3A_129 = arith.constant 1.000000e+00 : f32
      %broadcast_in_dim3A_130 = vector.broadcast %broadcast_in_dim3A_129 : f32 to vector<16xf32>
      %swap3A_131 = arith.constant 0 : i32
      %swap3A_132 = arith.index_cast %swap3A_131 : i32 to index
      %swap3A_133 = arith.index_cast %scan3A_76 : i32 to index
      %swap3A_134 = arith.constant 96 : index
      %swap3A_135 = tpu.vector_load %arg10[%swap3A_132, %swap3A_133, %swap3A_134] {strides = array<i32>} : memref<2x128x128xf32, #tpu.memory_space<vmem>>, vector<1x1x16xf32>,
      %swap3A_136 = vector.shape_cast %swap3A_135 : vector<1x1x16xf32> to vector<16xf32>
      %swap3A_137 = vector.shape_cast %broadcast_in_dim3A_130 : vector<16xf32> to vector<1x1x16xf32>
      tpu.vector_store %arg10[%swap3A_132, %swap3A_133, %swap3A_134], %swap3A_137 {strides = array<i32>} : memref<2x128x128xf32, #tpu.memory_space<vmem>>, vector<1x1x16xf32>,
      %broadcast_in_dim3A_138 = arith.constant 1.000000e+00 : f32
      %broadcast_in_dim3A_139 = vector.broadcast %broadcast_in_dim3A_138 : f32 to vector<16xf32>
      %swap3A_140 = arith.constant 0 : i32
      %swap3A_141 = arith.index_cast %swap3A_140 : i32 to index
      %swap3A_142 = arith.index_cast %scan3A_76 : i32 to index
      %swap3A_143 = arith.constant 112 : index
      %swap3A_144 = tpu.vector_load %arg10[%swap3A_141, %swap3A_142, %swap3A_143] {strides = array<i32>} : memref<2x128x128xf32, #tpu.memory_space<vmem>>, vector<1x1x16xf32>,
      %swap3A_145 = vector.shape_cast %swap3A_144 : vector<1x1x16xf32> to vector<16xf32>
      %swap3A_146 = vector.shape_cast %broadcast_in_dim3A_139 : vector<16xf32> to vector<1x1x16xf32>
      tpu.vector_store %arg10[%swap3A_141, %swap3A_142, %swap3A_143], %swap3A_146 {strides = array<i32>} : memref<2x128x128xf32, #tpu.memory_space<vmem>>, vector<1x1x16xf32>,
    }
    %scan3A_28 = arith.constant 128 : i32
    "tpu.region"() ({
      %run_scoped3A_76 = tpu.sem_alloc : memref<!tpu.dma_semaphore, #tpu.memory_space<semaphore_mem>>
      %dma_start3A = arith.constant 0 : i32
      %dma_start3A_77 = tpu.memref_slice %arg11[%mul3A_15, %dma_start3A] : memref<10112x128xf32, #tpu.memory_space<vmem_shared>> -> memref<632x128xf32, #tpu.memory_space<vmem_shared>>
      %dma_start3A_78 = arith.constant 0 : i32
      %dma_start3A_79 = tpu.memref_slice %arg5[%mul3A_15, %dma_start3A_78] : memref<10112x128xf32, #tpu.memory_space<hbm>> -> memref<632x128xf32, #tpu.memory_space<hbm>>
      tpu.enqueue_dma source(%dma_start3A_79 : memref<632x128xf32, #tpu.memory_space<hbm>>) target(%dma_start3A_77 : memref<632x128xf32, #tpu.memory_space<vmem_shared>>) target_semaphore(%run_scoped3A_76 : memref<!tpu.dma_semaphore, #tpu.memory_space<semaphore_mem>>)
      %dma_wait3A = arith.constant 0 : i32
      %dma_wait3A_80 = tpu.memref_slice %arg11[%mul3A_15, %dma_wait3A] : memref<10112x128xf32, #tpu.memory_space<vmem_shared>> -> memref<632x128xf32, #tpu.memory_space<vmem_shared>>
      %dma_wait3A_81 = arith.constant 0 : i32
      %dma_wait3A_82 = tpu.memref_slice %arg5[%mul3A_15, %dma_wait3A_81] : memref<10112x128xf32, #tpu.memory_space<hbm>> -> memref<632x128xf32, #tpu.memory_space<hbm>>
      tpu.wait_dma2 semaphore(%run_scoped3A_76 : memref<!tpu.dma_semaphore, #tpu.memory_space<semaphore_mem>>) src(%dma_wait3A_82 : memref<632x128xf32, #tpu.memory_space<hbm>>) dst(%dma_wait3A_80 : memref<632x128xf32, #tpu.memory_space<vmem_shared>>)
      tpu.yield
    }) : () -> ()
    %barrier3A = arith.constant 0 : index
    tpu.barrier barrier_id(%barrier3A)
    %while3A = arith.constant 0 : i32
    %while3A_29 = arith.constant 0 : i32
    %while3A_30 = arith.subi %select_n3A_8, %while3A_29 : i32
    %while3A_31 = arith.addi %while3A_29, %while3A_30 : i32
    %while3A_32 = arith.constant 1 : i32
    %while3A_33 = arith.divsi %while3A_30, %while3A_32 : i32
    %while3A_34 = arith.muli %while3A_33, %while3A_32 : i32
    %while3A_35 = arith.addi %while3A_29, %while3A_34 : i32
    %while3A_36 = arith.constant 1 : i32
    scf.for %while3A_76 = %while3A_29 to %while3A_35 step %while3A_36  : i32 {
      %run_scoped3A_77 = arith.constant 0 : i32
      "tpu.region"() ({
        %run_scoped3A_78 = tpu.sem_alloc : memref<!tpu.dma_semaphore, #tpu.memory_space<semaphore_mem>>
        %dma_start3A = arith.constant 0 : i32
        %dma_start3A_79 = arith.constant 0 : i32
        %dma_start3A_80 = tpu.memref_slice %arg10[%run_scoped3A_77, %dma_start3A, %dma_start3A_79] : memref<2x128x128xf32, #tpu.memory_space<vmem>> -> memref<1x128x128xf32, #tpu.memory_space<vmem>>
        %dma_start3A_81 = tpu.memref_squeeze %dma_start3A_80 : memref<1x128x128xf32, #tpu.memory_space<vmem>> -> memref<128x128xf32, #tpu.memory_space<vmem>>
        %dma_start3A_82 = arith.constant 0 : i32
        %dma_start3A_83 = tpu.memref_slice %arg9[%while3A_76, %dma_start3A_82] : memref<64x128xi32, #tpu.memory_space<vmem>> -> memref<1x128xi32, #tpu.memory_space<vmem>>
        %dma_start3A_84 = tpu.memref_squeeze %dma_start3A_83 : memref<1x128xi32, #tpu.memory_space<vmem>> -> memref<128xi32, #tpu.memory_space<vmem>>
        %dma_start3A_85 = arith.constant 0 : i32
        %dma_start3A_86 = arith.constant 0 : i32
        %dma_start3A_87 = tpu.memref_slice %arg11[%dma_start3A_85, %dma_start3A_86] : memref<10112x128xf32, #tpu.memory_space<vmem_shared>> -> memref<10112x128xf32, #tpu.memory_space<vmem_shared>>
        tpu.enqueue_indirect_dma source(%dma_start3A_81 : memref<128x128xf32, #tpu.memory_space<vmem>>) target(%dma_start3A_87 : memref<10112x128xf32, #tpu.memory_space<vmem_shared>>) offsets(%dma_start3A_84 : memref<128xi32, #tpu.memory_space<vmem>>) semaphore(%run_scoped3A_78 : memref<!tpu.dma_semaphore, #tpu.memory_space<semaphore_mem>>) {add = true}
        %dma_wait3A = arith.constant 0 : i32
        %dma_wait3A_88 = arith.constant 0 : i32
        %dma_wait3A_89 = tpu.memref_slice %arg10[%run_scoped3A_77, %dma_wait3A, %dma_wait3A_88] : memref<2x128x128xf32, #tpu.memory_space<vmem>> -> memref<1x128x128xf32, #tpu.memory_space<vmem>>
        %dma_wait3A_90 = tpu.memref_squeeze %dma_wait3A_89 : memref<1x128x128xf32, #tpu.memory_space<vmem>> -> memref<128x128xf32, #tpu.memory_space<vmem>>
        %dma_wait3A_91 = arith.constant 0 : i32
        %dma_wait3A_92 = tpu.memref_slice %arg9[%while3A_76, %dma_wait3A_91] : memref<64x128xi32, #tpu.memory_space<vmem>> -> memref<1x128xi32, #tpu.memory_space<vmem>>
        %dma_wait3A_93 = tpu.memref_squeeze %dma_wait3A_92 : memref<1x128xi32, #tpu.memory_space<vmem>> -> memref<128xi32, #tpu.memory_space<vmem>>
        %dma_wait3A_94 = arith.constant 0 : i32
        %dma_wait3A_95 = arith.constant 0 : i32
        %dma_wait3A_96 = tpu.memref_slice %arg11[%dma_wait3A_94, %dma_wait3A_95] : memref<10112x128xf32, #tpu.memory_space<vmem_shared>> -> memref<10112x128xf32, #tpu.memory_space<vmem_shared>>
        tpu.wait_indirect_dma semaphore(%run_scoped3A_78 : memref<!tpu.dma_semaphore, #tpu.memory_space<semaphore_mem>>) src(%dma_wait3A_90 : memref<128x128xf32, #tpu.memory_space<vmem>>) dst(%dma_wait3A_96 : memref<10112x128xf32, #tpu.memory_space<vmem_shared>>)
        tpu.yield
      }) : () -> ()
    }
    %while3A_37 = arith.constant 1 : i32
    scf.for %while3A_76 = %while3A_35 to %while3A_31 step %while3A_37  : i32 {
      %run_scoped3A_77 = arith.constant 0 : i32
      "tpu.region"() ({
        %run_scoped3A_78 = tpu.sem_alloc : memref<!tpu.dma_semaphore, #tpu.memory_space<semaphore_mem>>
        %dma_start3A = arith.constant 0 : i32
        %dma_start3A_79 = arith.constant 0 : i32
        %dma_start3A_80 = tpu.memref_slice %arg10[%run_scoped3A_77, %dma_start3A, %dma_start3A_79] : memref<2x128x128xf32, #tpu.memory_space<vmem>> -> memref<1x128x128xf32, #tpu.memory_space<vmem>>
        %dma_start3A_81 = tpu.memref_squeeze %dma_start3A_80 : memref<1x128x128xf32, #tpu.memory_space<vmem>> -> memref<128x128xf32, #tpu.memory_space<vmem>>
        %dma_start3A_82 = arith.constant 0 : i32
        %dma_start3A_83 = tpu.memref_slice %arg9[%while3A_76, %dma_start3A_82] : memref<64x128xi32, #tpu.memory_space<vmem>> -> memref<1x128xi32, #tpu.memory_space<vmem>>
        %dma_start3A_84 = tpu.memref_squeeze %dma_start3A_83 : memref<1x128xi32, #tpu.memory_space<vmem>> -> memref<128xi32, #tpu.memory_space<vmem>>
        %dma_start3A_85 = arith.constant 0 : i32
        %dma_start3A_86 = arith.constant 0 : i32
        %dma_start3A_87 = tpu.memref_slice %arg11[%dma_start3A_85, %dma_start3A_86] : memref<10112x128xf32, #tpu.memory_space<vmem_shared>> -> memref<10112x128xf32, #tpu.memory_space<vmem_shared>>
        tpu.enqueue_indirect_dma source(%dma_start3A_81 : memref<128x128xf32, #tpu.memory_space<vmem>>) target(%dma_start3A_87 : memref<10112x128xf32, #tpu.memory_space<vmem_shared>>) offsets(%dma_start3A_84 : memref<128xi32, #tpu.memory_space<vmem>>) semaphore(%run_scoped3A_78 : memref<!tpu.dma_semaphore, #tpu.memory_space<semaphore_mem>>) {add = true}
        %dma_wait3A = arith.constant 0 : i32
        %dma_wait3A_88 = arith.constant 0 : i32
        %dma_wait3A_89 = tpu.memref_slice %arg10[%run_scoped3A_77, %dma_wait3A, %dma_wait3A_88] : memref<2x128x128xf32, #tpu.memory_space<vmem>> -> memref<1x128x128xf32, #tpu.memory_space<vmem>>
        %dma_wait3A_90 = tpu.memref_squeeze %dma_wait3A_89 : memref<1x128x128xf32, #tpu.memory_space<vmem>> -> memref<128x128xf32, #tpu.memory_space<vmem>>
        %dma_wait3A_91 = arith.constant 0 : i32
        %dma_wait3A_92 = tpu.memref_slice %arg9[%while3A_76, %dma_wait3A_91] : memref<64x128xi32, #tpu.memory_space<vmem>> -> memref<1x128xi32, #tpu.memory_space<vmem>>
        %dma_wait3A_93 = tpu.memref_squeeze %dma_wait3A_92 : memref<1x128xi32, #tpu.memory_space<vmem>> -> memref<128xi32, #tpu.memory_space<vmem>>
        %dma_wait3A_94 = arith.constant 0 : i32
        %dma_wait3A_95 = arith.constant 0 : i32
        %dma_wait3A_96 = tpu.memref_slice %arg11[%dma_wait3A_94, %dma_wait3A_95] : memref<10112x128xf32, #tpu.memory_space<vmem_shared>> -> memref<10112x128xf32, #tpu.memory_space<vmem_shared>>
        tpu.wait_indirect_dma semaphore(%run_scoped3A_78 : memref<!tpu.dma_semaphore, #tpu.memory_space<semaphore_mem>>) src(%dma_wait3A_90 : memref<128x128xf32, #tpu.memory_space<vmem>>) dst(%dma_wait3A_96 : memref<10112x128xf32, #tpu.memory_space<vmem_shared>>)
        tpu.yield
      }) : () -> ()
    }
    %barrier3A_38 = arith.constant 0 : index
    tpu.barrier barrier_id(%barrier3A_38)
    "tpu.region"() ({
      %run_scoped3A_76 = tpu.sem_alloc : memref<!tpu.dma_semaphore, #tpu.memory_space<semaphore_mem>>
      %dma_start3A = arith.constant 0 : i32
      %dma_start3A_77 = tpu.memref_slice %arg7[%arg0, %mul3A_15, %dma_start3A] : memref<2x10112x128xf32, #tpu.memory_space<hbm>> -> memref<1x632x128xf32, #tpu.memory_space<hbm>>
      %dma_start3A_78 = tpu.memref_squeeze %dma_start3A_77 : memref<1x632x128xf32, #tpu.memory_space<hbm>> -> memref<632x128xf32, #tpu.memory_space<hbm>>
      %dma_start3A_79 = arith.constant 0 : i32
      %dma_start3A_80 = tpu.memref_slice %arg11[%mul3A_15, %dma_start3A_79] : memref<10112x128xf32, #tpu.memory_space<vmem_shared>> -> memref<632x128xf32, #tpu.memory_space<vmem_shared>>
      tpu.enqueue_dma source(%dma_start3A_80 : memref<632x128xf32, #tpu.memory_space<vmem_shared>>) target(%dma_start3A_78 : memref<632x128xf32, #tpu.memory_space<hbm>>) target_semaphore(%run_scoped3A_76 : memref<!tpu.dma_semaphore, #tpu.memory_space<semaphore_mem>>)
      %dma_wait3A = arith.constant 0 : i32
      %dma_wait3A_81 = tpu.memref_slice %arg7[%arg0, %mul3A_15, %dma_wait3A] : memref<2x10112x128xf32, #tpu.memory_space<hbm>> -> memref<1x632x128xf32, #tpu.memory_space<hbm>>
      %dma_wait3A_82 = tpu.memref_squeeze %dma_wait3A_81 : memref<1x632x128xf32, #tpu.memory_space<hbm>> -> memref<632x128xf32, #tpu.memory_space<hbm>>
      %dma_wait3A_83 = arith.constant 0 : i32
      %dma_wait3A_84 = tpu.memref_slice %arg11[%mul3A_15, %dma_wait3A_83] : memref<10112x128xf32, #tpu.memory_space<vmem_shared>> -> memref<632x128xf32, #tpu.memory_space<vmem_shared>>
      tpu.wait_dma2 semaphore(%run_scoped3A_76 : memref<!tpu.dma_semaphore, #tpu.memory_space<semaphore_mem>>) src(%dma_wait3A_84 : memref<632x128xf32, #tpu.memory_space<vmem_shared>>) dst(%dma_wait3A_82 : memref<632x128xf32, #tpu.memory_space<hbm>>)
      tpu.yield
    }) : () -> ()
    %barrier3A_39 = arith.constant 0 : index
    tpu.barrier barrier_id(%barrier3A_39)
    "tpu.trace_start"() <{level = 10 : i32, message = "zero"}> : () -> ()
    "tpu.region"() ({
      %run_scoped3A_76 = tpu.sem_alloc : memref<!tpu.dma_semaphore, #tpu.memory_space<semaphore_mem>>
      %dma_start3A = arith.constant 0 : i32
      %dma_start3A_77 = tpu.memref_slice %arg11[%mul3A_15, %dma_start3A] : memref<10112x128xf32, #tpu.memory_space<vmem_shared>> -> memref<632x128xf32, #tpu.memory_space<vmem_shared>>
      %dma_start3A_78 = arith.constant 0 : i32
      %dma_start3A_79 = tpu.memref_slice %arg5[%mul3A_15, %dma_start3A_78] : memref<10112x128xf32, #tpu.memory_space<hbm>> -> memref<632x128xf32, #tpu.memory_space<hbm>>
      tpu.enqueue_dma source(%dma_start3A_79 : memref<632x128xf32, #tpu.memory_space<hbm>>) target(%dma_start3A_77 : memref<632x128xf32, #tpu.memory_space<vmem_shared>>) target_semaphore(%run_scoped3A_76 : memref<!tpu.dma_semaphore, #tpu.memory_space<semaphore_mem>>)
      %dma_wait3A = arith.constant 0 : i32
      %dma_wait3A_80 = tpu.memref_slice %arg11[%mul3A_15, %dma_wait3A] : memref<10112x128xf32, #tpu.memory_space<vmem_shared>> -> memref<632x128xf32, #tpu.memory_space<vmem_shared>>
      %dma_wait3A_81 = arith.constant 0 : i32
      %dma_wait3A_82 = tpu.memref_slice %arg5[%mul3A_15, %dma_wait3A_81] : memref<10112x128xf32, #tpu.memory_space<hbm>> -> memref<632x128xf32, #tpu.memory_space<hbm>>
      tpu.wait_dma2 semaphore(%run_scoped3A_76 : memref<!tpu.dma_semaphore, #tpu.memory_space<semaphore_mem>>) src(%dma_wait3A_82 : memref<632x128xf32, #tpu.memory_space<hbm>>) dst(%dma_wait3A_80 : memref<632x128xf32, #tpu.memory_space<vmem_shared>>)
      tpu.yield
    }) : () -> ()
    %barrier3A_40 = arith.constant 0 : index
    tpu.barrier barrier_id(%barrier3A_40)
    %while3A_41 = arith.constant 0 : i32
    %while3A_42 = arith.constant 0 : i32
    "tpu.trace_stop"() : () -> ()
    "tpu.trace_start"() <{level = 10 : i32, message = "edges"}> : () -> ()
    %while3A_43 = arith.subi %select_n3A_13, %while3A_42 : i32
    %while3A_44 = arith.addi %while3A_42, %while3A_43 : i32
    %while3A_45 = arith.constant 1 : i32
    %while3A_46 = arith.divsi %while3A_43, %while3A_45 : i32
    %while3A_47 = arith.muli %while3A_46, %while3A_45 : i32
    %while3A_48 = arith.addi %while3A_42, %while3A_47 : i32
    %while3A_49 = arith.constant 1 : i32
    scf.for %while3A_76 = %while3A_42 to %while3A_48 step %while3A_49  : i32 {
      %mul3A_77 = arith.constant 2 : i32
      %mul3A_78 = arith.muli %mul3A_77, %while3A_76 : i32
      %mul3A_79 = arith.constant 2 : i32
      %mul3A_80 = arith.muli %mul3A_79, %while3A_76 : i32
      %add3A_81 = arith.constant 1 : i32
      %add3A_82 = arith.addi %mul3A_80, %add3A_81 : i32
      %dma_start3A = arith.constant 0 : i32
      %dma_start3A_83 = arith.constant 0 : i32
      %dma_start3A_84 = arith.constant 0 : i32
      %dma_start3A_85 = tpu.memref_slice %arg10[%dma_start3A, %dma_start3A_83, %dma_start3A_84] : memref<2x128x128xf32, #tpu.memory_space<vmem>> -> memref<1x128x128xf32, #tpu.memory_space<vmem>>
      %dma_start3A_86 = tpu.memref_squeeze %dma_start3A_85 : memref<1x128x128xf32, #tpu.memory_space<vmem>> -> memref<128x128xf32, #tpu.memory_space<vmem>>
      %dma_start3A_87 = arith.constant 0 : i32
      %dma_start3A_88 = tpu.memref_slice %arg8[%mul3A_78, %dma_start3A_87] : memref<64x128xi32, #tpu.memory_space<vmem>> -> memref<1x128xi32, #tpu.memory_space<vmem>>
      %dma_start3A_89 = tpu.memref_squeeze %dma_start3A_88 : memref<1x128xi32, #tpu.memory_space<vmem>> -> memref<128xi32, #tpu.memory_space<vmem>>
      %dma_start3A_90 = arith.constant 0 : i32
      %dma_start3A_91 = arith.constant 0 : i32
      %dma_start3A_92 = tpu.memref_slice %arg2[%dma_start3A_90, %dma_start3A_91] : memref<20000x128xf32, #tpu.memory_space<hbm>> -> memref<20000x128xf32, #tpu.memory_space<hbm>>
      tpu.enqueue_indirect_dma source(%dma_start3A_92 : memref<20000x128xf32, #tpu.memory_space<hbm>>) target(%dma_start3A_86 : memref<128x128xf32, #tpu.memory_space<vmem>>) offsets(%dma_start3A_89 : memref<128xi32, #tpu.memory_space<vmem>>) semaphore(%arg12 : memref<!tpu.dma_semaphore, #tpu.memory_space<semaphore_mem>>)
      %dma_start3A_93 = arith.constant 1 : i32
      %dma_start3A_94 = arith.constant 0 : i32
      %dma_start3A_95 = arith.constant 0 : i32
      %dma_start3A_96 = tpu.memref_slice %arg10[%dma_start3A_93, %dma_start3A_94, %dma_start3A_95] : memref<2x128x128xf32, #tpu.memory_space<vmem>> -> memref<1x128x128xf32, #tpu.memory_space<vmem>>
      %dma_start3A_97 = tpu.memref_squeeze %dma_start3A_96 : memref<1x128x128xf32, #tpu.memory_space<vmem>> -> memref<128x128xf32, #tpu.memory_space<vmem>>
      %dma_start3A_98 = arith.constant 0 : i32
      %dma_start3A_99 = tpu.memref_slice %arg8[%add3A_82, %dma_start3A_98] : memref<64x128xi32, #tpu.memory_space<vmem>> -> memref<1x128xi32, #tpu.memory_space<vmem>>
      %dma_start3A_100 = tpu.memref_squeeze %dma_start3A_99 : memref<1x128xi32, #tpu.memory_space<vmem>> -> memref<128xi32, #tpu.memory_space<vmem>>
      %dma_start3A_101 = arith.constant 0 : i32
      %dma_start3A_102 = arith.constant 0 : i32
      %dma_start3A_103 = tpu.memref_slice %arg2[%dma_start3A_101, %dma_start3A_102] : memref<20000x128xf32, #tpu.memory_space<hbm>> -> memref<20000x128xf32, #tpu.memory_space<hbm>>
      tpu.enqueue_indirect_dma source(%dma_start3A_103 : memref<20000x128xf32, #tpu.memory_space<hbm>>) target(%dma_start3A_97 : memref<128x128xf32, #tpu.memory_space<vmem>>) offsets(%dma_start3A_100 : memref<128xi32, #tpu.memory_space<vmem>>) semaphore(%arg13 : memref<!tpu.dma_semaphore, #tpu.memory_space<semaphore_mem>>)
      %dma_wait3A = arith.constant 0 : i32
      %dma_wait3A_104 = arith.constant 0 : i32
      %dma_wait3A_105 = arith.constant 0 : i32
      %dma_wait3A_106 = tpu.memref_slice %arg10[%dma_wait3A, %dma_wait3A_104, %dma_wait3A_105] : memref<2x128x128xf32, #tpu.memory_space<vmem>> -> memref<1x128x128xf32, #tpu.memory_space<vmem>>
      %dma_wait3A_107 = tpu.memref_squeeze %dma_wait3A_106 : memref<1x128x128xf32, #tpu.memory_space<vmem>> -> memref<128x128xf32, #tpu.memory_space<vmem>>
      %dma_wait3A_108 = arith.constant 0 : i32
      %dma_wait3A_109 = tpu.memref_slice %arg8[%mul3A_78, %dma_wait3A_108] : memref<64x128xi32, #tpu.memory_space<vmem>> -> memref<1x128xi32, #tpu.memory_space<vmem>>
      %dma_wait3A_110 = tpu.memref_squeeze %dma_wait3A_109 : memref<1x128xi32, #tpu.memory_space<vmem>> -> memref<128xi32, #tpu.memory_space<vmem>>
      %dma_wait3A_111 = arith.constant 0 : i32
      %dma_wait3A_112 = arith.constant 0 : i32
      %dma_wait3A_113 = tpu.memref_slice %arg2[%dma_wait3A_111, %dma_wait3A_112] : memref<20000x128xf32, #tpu.memory_space<hbm>> -> memref<20000x128xf32, #tpu.memory_space<hbm>>
      tpu.wait_indirect_dma semaphore(%arg12 : memref<!tpu.dma_semaphore, #tpu.memory_space<semaphore_mem>>) src(%dma_wait3A_113 : memref<20000x128xf32, #tpu.memory_space<hbm>>) dst(%dma_wait3A_107 : memref<128x128xf32, #tpu.memory_space<vmem>>)
      %run_scoped3A_114 = arith.constant 0 : i32
      "tpu.region"() ({
        %run_scoped3A_127 = tpu.sem_alloc : memref<!tpu.dma_semaphore, #tpu.memory_space<semaphore_mem>>
        %dma_start3A_128 = arith.constant 0 : i32
        %dma_start3A_129 = arith.constant 0 : i32
        %dma_start3A_130 = tpu.memref_slice %arg10[%run_scoped3A_114, %dma_start3A_128, %dma_start3A_129] : memref<2x128x128xf32, #tpu.memory_space<vmem>> -> memref<1x128x128xf32, #tpu.memory_space<vmem>>
        %dma_start3A_131 = tpu.memref_squeeze %dma_start3A_130 : memref<1x128x128xf32, #tpu.memory_space<vmem>> -> memref<128x128xf32, #tpu.memory_space<vmem>>
        %dma_start3A_132 = arith.constant 0 : i32
        %dma_start3A_133 = tpu.memref_slice %arg9[%mul3A_78, %dma_start3A_132] : memref<64x128xi32, #tpu.memory_space<vmem>> -> memref<1x128xi32, #tpu.memory_space<vmem>>
        %dma_start3A_134 = tpu.memref_squeeze %dma_start3A_133 : memref<1x128xi32, #tpu.memory_space<vmem>> -> memref<128xi32, #tpu.memory_space<vmem>>
        %dma_start3A_135 = arith.constant 0 : i32
        %dma_start3A_136 = arith.constant 0 : i32
        %dma_start3A_137 = tpu.memref_slice %arg11[%dma_start3A_135, %dma_start3A_136] : memref<10112x128xf32, #tpu.memory_space<vmem_shared>> -> memref<10112x128xf32, #tpu.memory_space<vmem_shared>>
        tpu.enqueue_indirect_dma source(%dma_start3A_131 : memref<128x128xf32, #tpu.memory_space<vmem>>) target(%dma_start3A_137 : memref<10112x128xf32, #tpu.memory_space<vmem_shared>>) offsets(%dma_start3A_134 : memref<128xi32, #tpu.memory_space<vmem>>) semaphore(%run_scoped3A_127 : memref<!tpu.dma_semaphore, #tpu.memory_space<semaphore_mem>>) {add = true}
        %dma_wait3A_138 = arith.constant 0 : i32
        %dma_wait3A_139 = arith.constant 0 : i32
        %dma_wait3A_140 = tpu.memref_slice %arg10[%run_scoped3A_114, %dma_wait3A_138, %dma_wait3A_139] : memref<2x128x128xf32, #tpu.memory_space<vmem>> -> memref<1x128x128xf32, #tpu.memory_space<vmem>>
        %dma_wait3A_141 = tpu.memref_squeeze %dma_wait3A_140 : memref<1x128x128xf32, #tpu.memory_space<vmem>> -> memref<128x128xf32, #tpu.memory_space<vmem>>
        %dma_wait3A_142 = arith.constant 0 : i32
        %dma_wait3A_143 = tpu.memref_slice %arg9[%mul3A_78, %dma_wait3A_142] : memref<64x128xi32, #tpu.memory_space<vmem>> -> memref<1x128xi32, #tpu.memory_space<vmem>>
        %dma_wait3A_144 = tpu.memref_squeeze %dma_wait3A_143 : memref<1x128xi32, #tpu.memory_space<vmem>> -> memref<128xi32, #tpu.memory_space<vmem>>
        %dma_wait3A_145 = arith.constant 0 : i32
        %dma_wait3A_146 = arith.constant 0 : i32
        %dma_wait3A_147 = tpu.memref_slice %arg11[%dma_wait3A_145, %dma_wait3A_146] : memref<10112x128xf32, #tpu.memory_space<vmem_shared>> -> memref<10112x128xf32, #tpu.memory_space<vmem_shared>>
        tpu.wait_indirect_dma semaphore(%run_scoped3A_127 : memref<!tpu.dma_semaphore, #tpu.memory_space<semaphore_mem>>) src(%dma_wait3A_141 : memref<128x128xf32, #tpu.memory_space<vmem>>) dst(%dma_wait3A_147 : memref<10112x128xf32, #tpu.memory_space<vmem_shared>>)
        tpu.yield
      }) : () -> ()
      %dma_wait3A_115 = arith.constant 1 : i32
      %dma_wait3A_116 = arith.constant 0 : i32
      %dma_wait3A_117 = arith.constant 0 : i32
      %dma_wait3A_118 = tpu.memref_slice %arg10[%dma_wait3A_115, %dma_wait3A_116, %dma_wait3A_117] : memref<2x128x128xf32, #tpu.memory_space<vmem>> -> memref<1x128x128xf32, #tpu.memory_space<vmem>>
      %dma_wait3A_119 = tpu.memref_squeeze %dma_wait3A_118 : memref<1x128x128xf32, #tpu.memory_space<vmem>> -> memref<128x128xf32, #tpu.memory_space<vmem>>
      %dma_wait3A_120 = arith.constant 0 : i32
      %dma_wait3A_121 = tpu.memref_slice %arg8[%add3A_82, %dma_wait3A_120] : memref<64x128xi32, #tpu.memory_space<vmem>> -> memref<1x128xi32, #tpu.memory_space<vmem>>
      %dma_wait3A_122 = tpu.memref_squeeze %dma_wait3A_121 : memref<1x128xi32, #tpu.memory_space<vmem>> -> memref<128xi32, #tpu.memory_space<vmem>>
      %dma_wait3A_123 = arith.constant 0 : i32
      %dma_wait3A_124 = arith.constant 0 : i32
      %dma_wait3A_125 = tpu.memref_slice %arg2[%dma_wait3A_123, %dma_wait3A_124] : memref<20000x128xf32, #tpu.memory_space<hbm>> -> memref<20000x128xf32, #tpu.memory_space<hbm>>
      tpu.wait_indirect_dma semaphore(%arg13 : memref<!tpu.dma_semaphore, #tpu.memory_space<semaphore_mem>>) src(%dma_wait3A_125 : memref<20000x128xf32, #tpu.memory_space<hbm>>) dst(%dma_wait3A_119 : memref<128x128xf32, #tpu.memory_space<vmem>>)
      %run_scoped3A_126 = arith.constant 1 : i32
      "tpu.region"() ({
        %run_scoped3A_127 = tpu.sem_alloc : memref<!tpu.dma_semaphore, #tpu.memory_space<semaphore_mem>>
        %dma_start3A_128 = arith.constant 0 : i32
        %dma_start3A_129 = arith.constant 0 : i32
        %dma_start3A_130 = tpu.memref_slice %arg10[%run_scoped3A_126, %dma_start3A_128, %dma_start3A_129] : memref<2x128x128xf32, #tpu.memory_space<vmem>> -> memref<1x128x128xf32, #tpu.memory_space<vmem>>
        %dma_start3A_131 = tpu.memref_squeeze %dma_start3A_130 : memref<1x128x128xf32, #tpu.memory_space<vmem>> -> memref<128x128xf32, #tpu.memory_space<vmem>>
        %dma_start3A_132 = arith.constant 0 : i32
        %dma_start3A_133 = tpu.memref_slice %arg9[%add3A_82, %dma_start3A_132] : memref<64x128xi32, #tpu.memory_space<vmem>> -> memref<1x128xi32, #tpu.memory_space<vmem>>
        %dma_start3A_134 = tpu.memref_squeeze %dma_start3A_133 : memref<1x128xi32, #tpu.memory_space<vmem>> -> memref<128xi32, #tpu.memory_space<vmem>>
        %dma_start3A_135 = arith.constant 0 : i32
        %dma_start3A_136 = arith.constant 0 : i32
        %dma_start3A_137 = tpu.memref_slice %arg11[%dma_start3A_135, %dma_start3A_136] : memref<10112x128xf32, #tpu.memory_space<vmem_shared>> -> memref<10112x128xf32, #tpu.memory_space<vmem_shared>>
        tpu.enqueue_indirect_dma source(%dma_start3A_131 : memref<128x128xf32, #tpu.memory_space<vmem>>) target(%dma_start3A_137 : memref<10112x128xf32, #tpu.memory_space<vmem_shared>>) offsets(%dma_start3A_134 : memref<128xi32, #tpu.memory_space<vmem>>) semaphore(%run_scoped3A_127 : memref<!tpu.dma_semaphore, #tpu.memory_space<semaphore_mem>>) {add = true}
        %dma_wait3A_138 = arith.constant 0 : i32
        %dma_wait3A_139 = arith.constant 0 : i32
        %dma_wait3A_140 = tpu.memref_slice %arg10[%run_scoped3A_126, %dma_wait3A_138, %dma_wait3A_139] : memref<2x128x128xf32, #tpu.memory_space<vmem>> -> memref<1x128x128xf32, #tpu.memory_space<vmem>>
        %dma_wait3A_141 = tpu.memref_squeeze %dma_wait3A_140 : memref<1x128x128xf32, #tpu.memory_space<vmem>> -> memref<128x128xf32, #tpu.memory_space<vmem>>
        %dma_wait3A_142 = arith.constant 0 : i32
        %dma_wait3A_143 = tpu.memref_slice %arg9[%add3A_82, %dma_wait3A_142] : memref<64x128xi32, #tpu.memory_space<vmem>> -> memref<1x128xi32, #tpu.memory_space<vmem>>
        %dma_wait3A_144 = tpu.memref_squeeze %dma_wait3A_143 : memref<1x128xi32, #tpu.memory_space<vmem>> -> memref<128xi32, #tpu.memory_space<vmem>>
        %dma_wait3A_145 = arith.constant 0 : i32
        %dma_wait3A_146 = arith.constant 0 : i32
        %dma_wait3A_147 = tpu.memref_slice %arg11[%dma_wait3A_145, %dma_wait3A_146] : memref<10112x128xf32, #tpu.memory_space<vmem_shared>> -> memref<10112x128xf32, #tpu.memory_space<vmem_shared>>
        tpu.wait_indirect_dma semaphore(%run_scoped3A_127 : memref<!tpu.dma_semaphore, #tpu.memory_space<semaphore_mem>>) src(%dma_wait3A_141 : memref<128x128xf32, #tpu.memory_space<vmem>>) dst(%dma_wait3A_147 : memref<10112x128xf32, #tpu.memory_space<vmem_shared>>)
        tpu.yield
      }) : () -> ()
    }
    %while3A_50 = arith.constant 1 : i32
    scf.for %while3A_76 = %while3A_48 to %while3A_44 step %while3A_50  : i32 {
      %mul3A_77 = arith.constant 2 : i32
      %mul3A_78 = arith.muli %mul3A_77, %while3A_76 : i32
      %mul3A_79 = arith.constant 2 : i32
      %mul3A_80 = arith.muli %mul3A_79, %while3A_76 : i32
      %add3A_81 = arith.constant 1 : i32
      %add3A_82 = arith.addi %mul3A_80, %add3A_81 : i32
      %dma_start3A = arith.constant 0 : i32
      %dma_start3A_83 = arith.constant 0 : i32
      %dma_start3A_84 = arith.constant 0 : i32
      %dma_start3A_85 = tpu.memref_slice %arg10[%dma_start3A, %dma_start3A_83, %dma_start3A_84] : memref<2x128x128xf32, #tpu.memory_space<vmem>> -> memref<1x128x128xf32, #tpu.memory_space<vmem>>
      %dma_start3A_86 = tpu.memref_squeeze %dma_start3A_85 : memref<1x128x128xf32, #tpu.memory_space<vmem>> -> memref<128x128xf32, #tpu.memory_space<vmem>>
      %dma_start3A_87 = arith.constant 0 : i32
      %dma_start3A_88 = tpu.memref_slice %arg8[%mul3A_78, %dma_start3A_87] : memref<64x128xi32, #tpu.memory_space<vmem>> -> memref<1x128xi32, #tpu.memory_space<vmem>>
      %dma_start3A_89 = tpu.memref_squeeze %dma_start3A_88 : memref<1x128xi32, #tpu.memory_space<vmem>> -> memref<128xi32, #tpu.memory_space<vmem>>
      %dma_start3A_90 = arith.constant 0 : i32
      %dma_start3A_91 = arith.constant 0 : i32
      %dma_start3A_92 = tpu.memref_slice %arg2[%dma_start3A_90, %dma_start3A_91] : memref<20000x128xf32, #tpu.memory_space<hbm>> -> memref<20000x128xf32, #tpu.memory_space<hbm>>
      tpu.enqueue_indirect_dma source(%dma_start3A_92 : memref<20000x128xf32, #tpu.memory_space<hbm>>) target(%dma_start3A_86 : memref<128x128xf32, #tpu.memory_space<vmem>>) offsets(%dma_start3A_89 : memref<128xi32, #tpu.memory_space<vmem>>) semaphore(%arg12 : memref<!tpu.dma_semaphore, #tpu.memory_space<semaphore_mem>>)
      %dma_start3A_93 = arith.constant 1 : i32
      %dma_start3A_94 = arith.constant 0 : i32
      %dma_start3A_95 = arith.constant 0 : i32
      %dma_start3A_96 = tpu.memref_slice %arg10[%dma_start3A_93, %dma_start3A_94, %dma_start3A_95] : memref<2x128x128xf32, #tpu.memory_space<vmem>> -> memref<1x128x128xf32, #tpu.memory_space<vmem>>
      %dma_start3A_97 = tpu.memref_squeeze %dma_start3A_96 : memref<1x128x128xf32, #tpu.memory_space<vmem>> -> memref<128x128xf32, #tpu.memory_space<vmem>>
      %dma_start3A_98 = arith.constant 0 : i32
      %dma_start3A_99 = tpu.memref_slice %arg8[%add3A_82, %dma_start3A_98] : memref<64x128xi32, #tpu.memory_space<vmem>> -> memref<1x128xi32, #tpu.memory_space<vmem>>
      %dma_start3A_100 = tpu.memref_squeeze %dma_start3A_99 : memref<1x128xi32, #tpu.memory_space<vmem>> -> memref<128xi32, #tpu.memory_space<vmem>>
      %dma_start3A_101 = arith.constant 0 : i32
      %dma_start3A_102 = arith.constant 0 : i32
      %dma_start3A_103 = tpu.memref_slice %arg2[%dma_start3A_101, %dma_start3A_102] : memref<20000x128xf32, #tpu.memory_space<hbm>> -> memref<20000x128xf32, #tpu.memory_space<hbm>>
      tpu.enqueue_indirect_dma source(%dma_start3A_103 : memref<20000x128xf32, #tpu.memory_space<hbm>>) target(%dma_start3A_97 : memref<128x128xf32, #tpu.memory_space<vmem>>) offsets(%dma_start3A_100 : memref<128xi32, #tpu.memory_space<vmem>>) semaphore(%arg13 : memref<!tpu.dma_semaphore, #tpu.memory_space<semaphore_mem>>)
      %dma_wait3A = arith.constant 0 : i32
      %dma_wait3A_104 = arith.constant 0 : i32
      %dma_wait3A_105 = arith.constant 0 : i32
      %dma_wait3A_106 = tpu.memref_slice %arg10[%dma_wait3A, %dma_wait3A_104, %dma_wait3A_105] : memref<2x128x128xf32, #tpu.memory_space<vmem>> -> memref<1x128x128xf32, #tpu.memory_space<vmem>>
      %dma_wait3A_107 = tpu.memref_squeeze %dma_wait3A_106 : memref<1x128x128xf32, #tpu.memory_space<vmem>> -> memref<128x128xf32, #tpu.memory_space<vmem>>
      %dma_wait3A_108 = arith.constant 0 : i32
      %dma_wait3A_109 = tpu.memref_slice %arg8[%mul3A_78, %dma_wait3A_108] : memref<64x128xi32, #tpu.memory_space<vmem>> -> memref<1x128xi32, #tpu.memory_space<vmem>>
      %dma_wait3A_110 = tpu.memref_squeeze %dma_wait3A_109 : memref<1x128xi32, #tpu.memory_space<vmem>> -> memref<128xi32, #tpu.memory_space<vmem>>
      %dma_wait3A_111 = arith.constant 0 : i32
      %dma_wait3A_112 = arith.constant 0 : i32
      %dma_wait3A_113 = tpu.memref_slice %arg2[%dma_wait3A_111, %dma_wait3A_112] : memref<20000x128xf32, #tpu.memory_space<hbm>> -> memref<20000x128xf32, #tpu.memory_space<hbm>>
      tpu.wait_indirect_dma semaphore(%arg12 : memref<!tpu.dma_semaphore, #tpu.memory_space<semaphore_mem>>) src(%dma_wait3A_113 : memref<20000x128xf32, #tpu.memory_space<hbm>>) dst(%dma_wait3A_107 : memref<128x128xf32, #tpu.memory_space<vmem>>)
      %run_scoped3A_114 = arith.constant 0 : i32
      "tpu.region"() ({
        %run_scoped3A_127 = tpu.sem_alloc : memref<!tpu.dma_semaphore, #tpu.memory_space<semaphore_mem>>
        %dma_start3A_128 = arith.constant 0 : i32
        %dma_start3A_129 = arith.constant 0 : i32
        %dma_start3A_130 = tpu.memref_slice %arg10[%run_scoped3A_114, %dma_start3A_128, %dma_start3A_129] : memref<2x128x128xf32, #tpu.memory_space<vmem>> -> memref<1x128x128xf32, #tpu.memory_space<vmem>>
        %dma_start3A_131 = tpu.memref_squeeze %dma_start3A_130 : memref<1x128x128xf32, #tpu.memory_space<vmem>> -> memref<128x128xf32, #tpu.memory_space<vmem>>
        %dma_start3A_132 = arith.constant 0 : i32
        %dma_start3A_133 = tpu.memref_slice %arg9[%mul3A_78, %dma_start3A_132] : memref<64x128xi32, #tpu.memory_space<vmem>> -> memref<1x128xi32, #tpu.memory_space<vmem>>
        %dma_start3A_134 = tpu.memref_squeeze %dma_start3A_133 : memref<1x128xi32, #tpu.memory_space<vmem>> -> memref<128xi32, #tpu.memory_space<vmem>>
        %dma_start3A_135 = arith.constant 0 : i32
        %dma_start3A_136 = arith.constant 0 : i32
        %dma_start3A_137 = tpu.memref_slice %arg11[%dma_start3A_135, %dma_start3A_136] : memref<10112x128xf32, #tpu.memory_space<vmem_shared>> -> memref<10112x128xf32, #tpu.memory_space<vmem_shared>>
        tpu.enqueue_indirect_dma source(%dma_start3A_131 : memref<128x128xf32, #tpu.memory_space<vmem>>) target(%dma_start3A_137 : memref<10112x128xf32, #tpu.memory_space<vmem_shared>>) offsets(%dma_start3A_134 : memref<128xi32, #tpu.memory_space<vmem>>) semaphore(%run_scoped3A_127 : memref<!tpu.dma_semaphore, #tpu.memory_space<semaphore_mem>>) {add = true}
        %dma_wait3A_138 = arith.constant 0 : i32
        %dma_wait3A_139 = arith.constant 0 : i32
        %dma_wait3A_140 = tpu.memref_slice %arg10[%run_scoped3A_114, %dma_wait3A_138, %dma_wait3A_139] : memref<2x128x128xf32, #tpu.memory_space<vmem>> -> memref<1x128x128xf32, #tpu.memory_space<vmem>>
        %dma_wait3A_141 = tpu.memref_squeeze %dma_wait3A_140 : memref<1x128x128xf32, #tpu.memory_space<vmem>> -> memref<128x128xf32, #tpu.memory_space<vmem>>
        %dma_wait3A_142 = arith.constant 0 : i32
        %dma_wait3A_143 = tpu.memref_slice %arg9[%mul3A_78, %dma_wait3A_142] : memref<64x128xi32, #tpu.memory_space<vmem>> -> memref<1x128xi32, #tpu.memory_space<vmem>>
        %dma_wait3A_144 = tpu.memref_squeeze %dma_wait3A_143 : memref<1x128xi32, #tpu.memory_space<vmem>> -> memref<128xi32, #tpu.memory_space<vmem>>
        %dma_wait3A_145 = arith.constant 0 : i32
        %dma_wait3A_146 = arith.constant 0 : i32
        %dma_wait3A_147 = tpu.memref_slice %arg11[%dma_wait3A_145, %dma_wait3A_146] : memref<10112x128xf32, #tpu.memory_space<vmem_shared>> -> memref<10112x128xf32, #tpu.memory_space<vmem_shared>>
        tpu.wait_indirect_dma semaphore(%run_scoped3A_127 : memref<!tpu.dma_semaphore, #tpu.memory_space<semaphore_mem>>) src(%dma_wait3A_141 : memref<128x128xf32, #tpu.memory_space<vmem>>) dst(%dma_wait3A_147 : memref<10112x128xf32, #tpu.memory_space<vmem_shared>>)
        tpu.yield
      }) : () -> ()
      %dma_wait3A_115 = arith.constant 1 : i32
      %dma_wait3A_116 = arith.constant 0 : i32
      %dma_wait3A_117 = arith.constant 0 : i32
      %dma_wait3A_118 = tpu.memref_slice %arg10[%dma_wait3A_115, %dma_wait3A_116, %dma_wait3A_117] : memref<2x128x128xf32, #tpu.memory_space<vmem>> -> memref<1x128x128xf32, #tpu.memory_space<vmem>>
      %dma_wait3A_119 = tpu.memref_squeeze %dma_wait3A_118 : memref<1x128x128xf32, #tpu.memory_space<vmem>> -> memref<128x128xf32, #tpu.memory_space<vmem>>
      %dma_wait3A_120 = arith.constant 0 : i32
      %dma_wait3A_121 = tpu.memref_slice %arg8[%add3A_82, %dma_wait3A_120] : memref<64x128xi32, #tpu.memory_space<vmem>> -> memref<1x128xi32, #tpu.memory_space<vmem>>
      %dma_wait3A_122 = tpu.memref_squeeze %dma_wait3A_121 : memref<1x128xi32, #tpu.memory_space<vmem>> -> memref<128xi32, #tpu.memory_space<vmem>>
      %dma_wait3A_123 = arith.constant 0 : i32
      %dma_wait3A_124 = arith.constant 0 : i32
      %dma_wait3A_125 = tpu.memref_slice %arg2[%dma_wait3A_123, %dma_wait3A_124] : memref<20000x128xf32, #tpu.memory_space<hbm>> -> memref<20000x128xf32, #tpu.memory_space<hbm>>
      tpu.wait_indirect_dma semaphore(%arg13 : memref<!tpu.dma_semaphore, #tpu.memory_space<semaphore_mem>>) src(%dma_wait3A_125 : memref<20000x128xf32, #tpu.memory_space<hbm>>) dst(%dma_wait3A_119 : memref<128x128xf32, #tpu.memory_space<vmem>>)
      %run_scoped3A_126 = arith.constant 1 : i32
      "tpu.region"() ({
        %run_scoped3A_127 = tpu.sem_alloc : memref<!tpu.dma_semaphore, #tpu.memory_space<semaphore_mem>>
        %dma_start3A_128 = arith.constant 0 : i32
        %dma_start3A_129 = arith.constant 0 : i32
        %dma_start3A_130 = tpu.memref_slice %arg10[%run_scoped3A_126, %dma_start3A_128, %dma_start3A_129] : memref<2x128x128xf32, #tpu.memory_space<vmem>> -> memref<1x128x128xf32, #tpu.memory_space<vmem>>
        %dma_start3A_131 = tpu.memref_squeeze %dma_start3A_130 : memref<1x128x128xf32, #tpu.memory_space<vmem>> -> memref<128x128xf32, #tpu.memory_space<vmem>>
        %dma_start3A_132 = arith.constant 0 : i32
        %dma_start3A_133 = tpu.memref_slice %arg9[%add3A_82, %dma_start3A_132] : memref<64x128xi32, #tpu.memory_space<vmem>> -> memref<1x128xi32, #tpu.memory_space<vmem>>
        %dma_start3A_134 = tpu.memref_squeeze %dma_start3A_133 : memref<1x128xi32, #tpu.memory_space<vmem>> -> memref<128xi32, #tpu.memory_space<vmem>>
        %dma_start3A_135 = arith.constant 0 : i32
        %dma_start3A_136 = arith.constant 0 : i32
        %dma_start3A_137 = tpu.memref_slice %arg11[%dma_start3A_135, %dma_start3A_136] : memref<10112x128xf32, #tpu.memory_space<vmem_shared>> -> memref<10112x128xf32, #tpu.memory_space<vmem_shared>>
        tpu.enqueue_indirect_dma source(%dma_start3A_131 : memref<128x128xf32, #tpu.memory_space<vmem>>) target(%dma_start3A_137 : memref<10112x128xf32, #tpu.memory_space<vmem_shared>>) offsets(%dma_start3A_134 : memref<128xi32, #tpu.memory_space<vmem>>) semaphore(%run_scoped3A_127 : memref<!tpu.dma_semaphore, #tpu.memory_space<semaphore_mem>>) {add = true}
        %dma_wait3A_138 = arith.constant 0 : i32
        %dma_wait3A_139 = arith.constant 0 : i32
        %dma_wait3A_140 = tpu.memref_slice %arg10[%run_scoped3A_126, %dma_wait3A_138, %dma_wait3A_139] : memref<2x128x128xf32, #tpu.memory_space<vmem>> -> memref<1x128x128xf32, #tpu.memory_space<vmem>>
        %dma_wait3A_141 = tpu.memref_squeeze %dma_wait3A_140 : memref<1x128x128xf32, #tpu.memory_space<vmem>> -> memref<128x128xf32, #tpu.memory_space<vmem>>
        %dma_wait3A_142 = arith.constant 0 : i32
        %dma_wait3A_143 = tpu.memref_slice %arg9[%add3A_82, %dma_wait3A_142] : memref<64x128xi32, #tpu.memory_space<vmem>> -> memref<1x128xi32, #tpu.memory_space<vmem>>
        %dma_wait3A_144 = tpu.memref_squeeze %dma_wait3A_143 : memref<1x128xi32, #tpu.memory_space<vmem>> -> memref<128xi32, #tpu.memory_space<vmem>>
        %dma_wait3A_145 = arith.constant 0 : i32
        %dma_wait3A_146 = arith.constant 0 : i32
        %dma_wait3A_147 = tpu.memref_slice %arg11[%dma_wait3A_145, %dma_wait3A_146] : memref<10112x128xf32, #tpu.memory_space<vmem_shared>> -> memref<10112x128xf32, #tpu.memory_space<vmem_shared>>
        tpu.wait_indirect_dma semaphore(%run_scoped3A_127 : memref<!tpu.dma_semaphore, #tpu.memory_space<semaphore_mem>>) src(%dma_wait3A_141 : memref<128x128xf32, #tpu.memory_space<vmem>>) dst(%dma_wait3A_147 : memref<10112x128xf32, #tpu.memory_space<vmem_shared>>)
        tpu.yield
      }) : () -> ()
    }
    %barrier3A_51 = arith.constant 0 : index
    tpu.barrier barrier_id(%barrier3A_51)
    %run_scoped3A = arith.constant 0 : i32
    "tpu.trace_stop"() : () -> ()
    "tpu.trace_start"() <{level = 10 : i32, message = "writeout"}> : () -> ()
    "tpu.region"() ({
      %run_scoped3A_76 = tpu.sem_alloc : memref<!tpu.dma_semaphore, #tpu.memory_space<semaphore_mem>>
      %dma_start3A = arith.constant 0 : i32
      %dma_start3A_77 = tpu.memref_slice %arg6[%arg0, %run_scoped3A, %mul3A_15, %dma_start3A] : memref<2x2x10112x128xf32, #tpu.memory_space<hbm>> -> memref<1x1x632x128xf32, #tpu.memory_space<hbm>>
      %dma_start3A_78 = tpu.memref_squeeze %dma_start3A_77 : memref<1x1x632x128xf32, #tpu.memory_space<hbm>> -> memref<632x128xf32, #tpu.memory_space<hbm>>
      %dma_start3A_79 = arith.constant 0 : i32
      %dma_start3A_80 = tpu.memref_slice %arg11[%mul3A_15, %dma_start3A_79] : memref<10112x128xf32, #tpu.memory_space<vmem_shared>> -> memref<632x128xf32, #tpu.memory_space<vmem_shared>>
      tpu.enqueue_dma source(%dma_start3A_80 : memref<632x128xf32, #tpu.memory_space<vmem_shared>>) target(%dma_start3A_78 : memref<632x128xf32, #tpu.memory_space<hbm>>) target_semaphore(%run_scoped3A_76 : memref<!tpu.dma_semaphore, #tpu.memory_space<semaphore_mem>>)
      %dma_wait3A = arith.constant 0 : i32
      %dma_wait3A_81 = tpu.memref_slice %arg6[%arg0, %run_scoped3A, %mul3A_15, %dma_wait3A] : memref<2x2x10112x128xf32, #tpu.memory_space<hbm>> -> memref<1x1x632x128xf32, #tpu.memory_space<hbm>>
      %dma_wait3A_82 = tpu.memref_squeeze %dma_wait3A_81 : memref<1x1x632x128xf32, #tpu.memory_space<hbm>> -> memref<632x128xf32, #tpu.memory_space<hbm>>
      %dma_wait3A_83 = arith.constant 0 : i32
      %dma_wait3A_84 = tpu.memref_slice %arg11[%mul3A_15, %dma_wait3A_83] : memref<10112x128xf32, #tpu.memory_space<vmem_shared>> -> memref<632x128xf32, #tpu.memory_space<vmem_shared>>
      tpu.wait_dma2 semaphore(%run_scoped3A_76 : memref<!tpu.dma_semaphore, #tpu.memory_space<semaphore_mem>>) src(%dma_wait3A_84 : memref<632x128xf32, #tpu.memory_space<vmem_shared>>) dst(%dma_wait3A_82 : memref<632x128xf32, #tpu.memory_space<hbm>>)
      tpu.yield
    }) : () -> ()
    "tpu.trace_stop"() : () -> ()
    %barrier3A_52 = arith.constant 0 : index
    tpu.barrier barrier_id(%barrier3A_52)
    %while3A_53 = arith.constant 0 : i32
    %while3A_54 = arith.constant 0 : i32
    %while3A_55 = arith.subi %select_n3A_8, %while3A_54 : i32
    %while3A_56 = arith.addi %while3A_54, %while3A_55 : i32
    %while3A_57 = arith.constant 1 : i32
    %while3A_58 = arith.divsi %while3A_55, %while3A_57 : i32
    %while3A_59 = arith.muli %while3A_58, %while3A_57 : i32
    %while3A_60 = arith.addi %while3A_54, %while3A_59 : i32
    %while3A_61 = arith.constant 1 : i32
    scf.for %while3A_76 = %while3A_54 to %while3A_60 step %while3A_61  : i32 {
      %get3A = arith.index_cast %while3A_76 : i32 to index
      %get3A_77 = arith.constant 0 : index
      %get3A_78 = tpu.vector_load %arg8[%get3A, %get3A_77] {strides = array<i32>} : memref<64x128xi32, #tpu.memory_space<vmem>>, vector<1x16xi32>,
      %get3A_79 = vector.shape_cast %get3A_78 : vector<1x16xi32> to vector<16xi32>
      %add3A_80 = arith.constant 10000 : i32
      %add3A_81 = vector.broadcast %add3A_80 : i32 to vector<16xi32>
      %add3A_82 = arith.addi %get3A_79, %add3A_81 : vector<16xi32>
      %swap3A = arith.index_cast %while3A_76 : i32 to index
      %swap3A_83 = arith.constant 0 : index
      %swap3A_84 = tpu.vector_load %arg8[%swap3A, %swap3A_83] {strides = array<i32>} : memref<64x128xi32, #tpu.memory_space<vmem>>, vector<1x16xi32>,
      %swap3A_85 = vector.shape_cast %swap3A_84 : vector<1x16xi32> to vector<16xi32>
      %swap3A_86 = vector.shape_cast %add3A_82 : vector<16xi32> to vector<1x16xi32>
      tpu.vector_store %arg8[%swap3A, %swap3A_83], %swap3A_86 {strides = array<i32>} : memref<64x128xi32, #tpu.memory_space<vmem>>, vector<1x16xi32>,
      %get3A_87 = arith.index_cast %while3A_76 : i32 to index
      %get3A_88 = arith.constant 16 : index
      %get3A_89 = tpu.vector_load %arg8[%get3A_87, %get3A_88] {strides = array<i32>} : memref<64x128xi32, #tpu.memory_space<vmem>>, vector<1x16xi32>,
      %get3A_90 = vector.shape_cast %get3A_89 : vector<1x16xi32> to vector<16xi32>
      %add3A_91 = arith.constant 10000 : i32
      %add3A_92 = vector.broadcast %add3A_91 : i32 to vector<16xi32>
      %add3A_93 = arith.addi %get3A_90, %add3A_92 : vector<16xi32>
      %swap3A_94 = arith.index_cast %while3A_76 : i32 to index
      %swap3A_95 = arith.constant 16 : index
      %swap3A_96 = tpu.vector_load %arg8[%swap3A_94, %swap3A_95] {strides = array<i32>} : memref<64x128xi32, #tpu.memory_space<vmem>>, vector<1x16xi32>,
      %swap3A_97 = vector.shape_cast %swap3A_96 : vector<1x16xi32> to vector<16xi32>
      %swap3A_98 = vector.shape_cast %add3A_93 : vector<16xi32> to vector<1x16xi32>
      tpu.vector_store %arg8[%swap3A_94, %swap3A_95], %swap3A_98 {strides = array<i32>} : memref<64x128xi32, #tpu.memory_space<vmem>>, vector<1x16xi32>,
      %get3A_99 = arith.index_cast %while3A_76 : i32 to index
      %get3A_100 = arith.constant 32 : index
      %get3A_101 = tpu.vector_load %arg8[%get3A_99, %get3A_100] {strides = array<i32>} : memref<64x128xi32, #tpu.memory_space<vmem>>, vector<1x16xi32>,
      %get3A_102 = vector.shape_cast %get3A_101 : vector<1x16xi32> to vector<16xi32>
      %add3A_103 = arith.constant 10000 : i32
      %add3A_104 = vector.broadcast %add3A_103 : i32 to vector<16xi32>
      %add3A_105 = arith.addi %get3A_102, %add3A_104 : vector<16xi32>
      %swap3A_106 = arith.index_cast %while3A_76 : i32 to index
      %swap3A_107 = arith.constant 32 : index
      %swap3A_108 = tpu.vector_load %arg8[%swap3A_106, %swap3A_107] {strides = array<i32>} : memref<64x128xi32, #tpu.memory_space<vmem>>, vector<1x16xi32>,
      %swap3A_109 = vector.shape_cast %swap3A_108 : vector<1x16xi32> to vector<16xi32>
      %swap3A_110 = vector.shape_cast %add3A_105 : vector<16xi32> to vector<1x16xi32>
      tpu.vector_store %arg8[%swap3A_106, %swap3A_107], %swap3A_110 {strides = array<i32>} : memref<64x128xi32, #tpu.memory_space<vmem>>, vector<1x16xi32>,
      %get3A_111 = arith.index_cast %while3A_76 : i32 to index
      %get3A_112 = arith.constant 48 : index
      %get3A_113 = tpu.vector_load %arg8[%get3A_111, %get3A_112] {strides = array<i32>} : memref<64x128xi32, #tpu.memory_space<vmem>>, vector<1x16xi32>,
      %get3A_114 = vector.shape_cast %get3A_113 : vector<1x16xi32> to vector<16xi32>
      %add3A_115 = arith.constant 10000 : i32
      %add3A_116 = vector.broadcast %add3A_115 : i32 to vector<16xi32>
      %add3A_117 = arith.addi %get3A_114, %add3A_116 : vector<16xi32>
      %swap3A_118 = arith.index_cast %while3A_76 : i32 to index
      %swap3A_119 = arith.constant 48 : index
      %swap3A_120 = tpu.vector_load %arg8[%swap3A_118, %swap3A_119] {strides = array<i32>} : memref<64x128xi32, #tpu.memory_space<vmem>>, vector<1x16xi32>,
      %swap3A_121 = vector.shape_cast %swap3A_120 : vector<1x16xi32> to vector<16xi32>
      %swap3A_122 = vector.shape_cast %add3A_117 : vector<16xi32> to vector<1x16xi32>
      tpu.vector_store %arg8[%swap3A_118, %swap3A_119], %swap3A_122 {strides = array<i32>} : memref<64x128xi32, #tpu.memory_space<vmem>>, vector<1x16xi32>,
      %get3A_123 = arith.index_cast %while3A_76 : i32 to index
      %get3A_124 = arith.constant 64 : index
      %get3A_125 = tpu.vector_load %arg8[%get3A_123, %get3A_124] {strides = array<i32>} : memref<64x128xi32, #tpu.memory_space<vmem>>, vector<1x16xi32>,
      %get3A_126 = vector.shape_cast %get3A_125 : vector<1x16xi32> to vector<16xi32>
      %add3A_127 = arith.constant 10000 : i32
      %add3A_128 = vector.broadcast %add3A_127 : i32 to vector<16xi32>
      %add3A_129 = arith.addi %get3A_126, %add3A_128 : vector<16xi32>
      %swap3A_130 = arith.index_cast %while3A_76 : i32 to index
      %swap3A_131 = arith.constant 64 : index
      %swap3A_132 = tpu.vector_load %arg8[%swap3A_130, %swap3A_131] {strides = array<i32>} : memref<64x128xi32, #tpu.memory_space<vmem>>, vector<1x16xi32>,
      %swap3A_133 = vector.shape_cast %swap3A_132 : vector<1x16xi32> to vector<16xi32>
      %swap3A_134 = vector.shape_cast %add3A_129 : vector<16xi32> to vector<1x16xi32>
      tpu.vector_store %arg8[%swap3A_130, %swap3A_131], %swap3A_134 {strides = array<i32>} : memref<64x128xi32, #tpu.memory_space<vmem>>, vector<1x16xi32>,
      %get3A_135 = arith.index_cast %while3A_76 : i32 to index
      %get3A_136 = arith.constant 80 : index
      %get3A_137 = tpu.vector_load %arg8[%get3A_135, %get3A_136] {strides = array<i32>} : memref<64x128xi32, #tpu.memory_space<vmem>>, vector<1x16xi32>,
      %get3A_138 = vector.shape_cast %get3A_137 : vector<1x16xi32> to vector<16xi32>
      %add3A_139 = arith.constant 10000 : i32
      %add3A_140 = vector.broadcast %add3A_139 : i32 to vector<16xi32>
      %add3A_141 = arith.addi %get3A_138, %add3A_140 : vector<16xi32>
      %swap3A_142 = arith.index_cast %while3A_76 : i32 to index
      %swap3A_143 = arith.constant 80 : index
      %swap3A_144 = tpu.vector_load %arg8[%swap3A_142, %swap3A_143] {strides = array<i32>} : memref<64x128xi32, #tpu.memory_space<vmem>>, vector<1x16xi32>,
      %swap3A_145 = vector.shape_cast %swap3A_144 : vector<1x16xi32> to vector<16xi32>
      %swap3A_146 = vector.shape_cast %add3A_141 : vector<16xi32> to vector<1x16xi32>
      tpu.vector_store %arg8[%swap3A_142, %swap3A_143], %swap3A_146 {strides = array<i32>} : memref<64x128xi32, #tpu.memory_space<vmem>>, vector<1x16xi32>,
      %get3A_147 = arith.index_cast %while3A_76 : i32 to index
      %get3A_148 = arith.constant 96 : index
      %get3A_149 = tpu.vector_load %arg8[%get3A_147, %get3A_148] {strides = array<i32>} : memref<64x128xi32, #tpu.memory_space<vmem>>, vector<1x16xi32>,
      %get3A_150 = vector.shape_cast %get3A_149 : vector<1x16xi32> to vector<16xi32>
      %add3A_151 = arith.constant 10000 : i32
      %add3A_152 = vector.broadcast %add3A_151 : i32 to vector<16xi32>
      %add3A_153 = arith.addi %get3A_150, %add3A_152 : vector<16xi32>
      %swap3A_154 = arith.index_cast %while3A_76 : i32 to index
      %swap3A_155 = arith.constant 96 : index
      %swap3A_156 = tpu.vector_load %arg8[%swap3A_154, %swap3A_155] {strides = array<i32>} : memref<64x128xi32, #tpu.memory_space<vmem>>, vector<1x16xi32>,
      %swap3A_157 = vector.shape_cast %swap3A_156 : vector<1x16xi32> to vector<16xi32>
      %swap3A_158 = vector.shape_cast %add3A_153 : vector<16xi32> to vector<1x16xi32>
      tpu.vector_store %arg8[%swap3A_154, %swap3A_155], %swap3A_158 {strides = array<i32>} : memref<64x128xi32, #tpu.memory_space<vmem>>, vector<1x16xi32>,
      %get3A_159 = arith.index_cast %while3A_76 : i32 to index
      %get3A_160 = arith.constant 112 : index
      %get3A_161 = tpu.vector_load %arg8[%get3A_159, %get3A_160] {strides = array<i32>} : memref<64x128xi32, #tpu.memory_space<vmem>>, vector<1x16xi32>,
      %get3A_162 = vector.shape_cast %get3A_161 : vector<1x16xi32> to vector<16xi32>
      %add3A_163 = arith.constant 10000 : i32
      %add3A_164 = vector.broadcast %add3A_163 : i32 to vector<16xi32>
      %add3A_165 = arith.addi %get3A_162, %add3A_164 : vector<16xi32>
      %swap3A_166 = arith.index_cast %while3A_76 : i32 to index
      %swap3A_167 = arith.constant 112 : index
      %swap3A_168 = tpu.vector_load %arg8[%swap3A_166, %swap3A_167] {strides = array<i32>} : memref<64x128xi32, #tpu.memory_space<vmem>>, vector<1x16xi32>,
      %swap3A_169 = vector.shape_cast %swap3A_168 : vector<1x16xi32> to vector<16xi32>
      %swap3A_170 = vector.shape_cast %add3A_165 : vector<16xi32> to vector<1x16xi32>
      tpu.vector_store %arg8[%swap3A_166, %swap3A_167], %swap3A_170 {strides = array<i32>} : memref<64x128xi32, #tpu.memory_space<vmem>>, vector<1x16xi32>,
    }
    %while3A_62 = arith.constant 1 : i32
    scf.for %while3A_76 = %while3A_60 to %while3A_56 step %while3A_62  : i32 {
      %get3A = arith.index_cast %while3A_76 : i32 to index
      %get3A_77 = arith.constant 0 : index
      %get3A_78 = tpu.vector_load %arg8[%get3A, %get3A_77] {strides = array<i32>} : memref<64x128xi32, #tpu.memory_space<vmem>>, vector<1x16xi32>,
      %get3A_79 = vector.shape_cast %get3A_78 : vector<1x16xi32> to vector<16xi32>
      %add3A_80 = arith.constant 10000 : i32
      %add3A_81 = vector.broadcast %add3A_80 : i32 to vector<16xi32>
      %add3A_82 = arith.addi %get3A_79, %add3A_81 : vector<16xi32>
      %swap3A = arith.index_cast %while3A_76 : i32 to index
      %swap3A_83 = arith.constant 0 : index
      %swap3A_84 = tpu.vector_load %arg8[%swap3A, %swap3A_83] {strides = array<i32>} : memref<64x128xi32, #tpu.memory_space<vmem>>, vector<1x16xi32>,
      %swap3A_85 = vector.shape_cast %swap3A_84 : vector<1x16xi32> to vector<16xi32>
      %swap3A_86 = vector.shape_cast %add3A_82 : vector<16xi32> to vector<1x16xi32>
      tpu.vector_store %arg8[%swap3A, %swap3A_83], %swap3A_86 {strides = array<i32>} : memref<64x128xi32, #tpu.memory_space<vmem>>, vector<1x16xi32>,
      %get3A_87 = arith.index_cast %while3A_76 : i32 to index
      %get3A_88 = arith.constant 16 : index
      %get3A_89 = tpu.vector_load %arg8[%get3A_87, %get3A_88] {strides = array<i32>} : memref<64x128xi32, #tpu.memory_space<vmem>>, vector<1x16xi32>,
      %get3A_90 = vector.shape_cast %get3A_89 : vector<1x16xi32> to vector<16xi32>
      %add3A_91 = arith.constant 10000 : i32
      %add3A_92 = vector.broadcast %add3A_91 : i32 to vector<16xi32>
      %add3A_93 = arith.addi %get3A_90, %add3A_92 : vector<16xi32>
      %swap3A_94 = arith.index_cast %while3A_76 : i32 to index
      %swap3A_95 = arith.constant 16 : index
      %swap3A_96 = tpu.vector_load %arg8[%swap3A_94, %swap3A_95] {strides = array<i32>} : memref<64x128xi32, #tpu.memory_space<vmem>>, vector<1x16xi32>,
      %swap3A_97 = vector.shape_cast %swap3A_96 : vector<1x16xi32> to vector<16xi32>
      %swap3A_98 = vector.shape_cast %add3A_93 : vector<16xi32> to vector<1x16xi32>
      tpu.vector_store %arg8[%swap3A_94, %swap3A_95], %swap3A_98 {strides = array<i32>} : memref<64x128xi32, #tpu.memory_space<vmem>>, vector<1x16xi32>,
      %get3A_99 = arith.index_cast %while3A_76 : i32 to index
      %get3A_100 = arith.constant 32 : index
      %get3A_101 = tpu.vector_load %arg8[%get3A_99, %get3A_100] {strides = array<i32>} : memref<64x128xi32, #tpu.memory_space<vmem>>, vector<1x16xi32>,
      %get3A_102 = vector.shape_cast %get3A_101 : vector<1x16xi32> to vector<16xi32>
      %add3A_103 = arith.constant 10000 : i32
      %add3A_104 = vector.broadcast %add3A_103 : i32 to vector<16xi32>
      %add3A_105 = arith.addi %get3A_102, %add3A_104 : vector<16xi32>
      %swap3A_106 = arith.index_cast %while3A_76 : i32 to index
      %swap3A_107 = arith.constant 32 : index
      %swap3A_108 = tpu.vector_load %arg8[%swap3A_106, %swap3A_107] {strides = array<i32>} : memref<64x128xi32, #tpu.memory_space<vmem>>, vector<1x16xi32>,
      %swap3A_109 = vector.shape_cast %swap3A_108 : vector<1x16xi32> to vector<16xi32>
      %swap3A_110 = vector.shape_cast %add3A_105 : vector<16xi32> to vector<1x16xi32>
      tpu.vector_store %arg8[%swap3A_106, %swap3A_107], %swap3A_110 {strides = array<i32>} : memref<64x128xi32, #tpu.memory_space<vmem>>, vector<1x16xi32>,
      %get3A_111 = arith.index_cast %while3A_76 : i32 to index
      %get3A_112 = arith.constant 48 : index
      %get3A_113 = tpu.vector_load %arg8[%get3A_111, %get3A_112] {strides = array<i32>} : memref<64x128xi32, #tpu.memory_space<vmem>>, vector<1x16xi32>,
      %get3A_114 = vector.shape_cast %get3A_113 : vector<1x16xi32> to vector<16xi32>
      %add3A_115 = arith.constant 10000 : i32
      %add3A_116 = vector.broadcast %add3A_115 : i32 to vector<16xi32>
      %add3A_117 = arith.addi %get3A_114, %add3A_116 : vector<16xi32>
      %swap3A_118 = arith.index_cast %while3A_76 : i32 to index
      %swap3A_119 = arith.constant 48 : index
      %swap3A_120 = tpu.vector_load %arg8[%swap3A_118, %swap3A_119] {strides = array<i32>} : memref<64x128xi32, #tpu.memory_space<vmem>>, vector<1x16xi32>,
      %swap3A_121 = vector.shape_cast %swap3A_120 : vector<1x16xi32> to vector<16xi32>
      %swap3A_122 = vector.shape_cast %add3A_117 : vector<16xi32> to vector<1x16xi32>
      tpu.vector_store %arg8[%swap3A_118, %swap3A_119], %swap3A_122 {strides = array<i32>} : memref<64x128xi32, #tpu.memory_space<vmem>>, vector<1x16xi32>,
      %get3A_123 = arith.index_cast %while3A_76 : i32 to index
      %get3A_124 = arith.constant 64 : index
      %get3A_125 = tpu.vector_load %arg8[%get3A_123, %get3A_124] {strides = array<i32>} : memref<64x128xi32, #tpu.memory_space<vmem>>, vector<1x16xi32>,
      %get3A_126 = vector.shape_cast %get3A_125 : vector<1x16xi32> to vector<16xi32>
      %add3A_127 = arith.constant 10000 : i32
      %add3A_128 = vector.broadcast %add3A_127 : i32 to vector<16xi32>
      %add3A_129 = arith.addi %get3A_126, %add3A_128 : vector<16xi32>
      %swap3A_130 = arith.index_cast %while3A_76 : i32 to index
      %swap3A_131 = arith.constant 64 : index
      %swap3A_132 = tpu.vector_load %arg8[%swap3A_130, %swap3A_131] {strides = array<i32>} : memref<64x128xi32, #tpu.memory_space<vmem>>, vector<1x16xi32>,
      %swap3A_133 = vector.shape_cast %swap3A_132 : vector<1x16xi32> to vector<16xi32>
      %swap3A_134 = vector.shape_cast %add3A_129 : vector<16xi32> to vector<1x16xi32>
      tpu.vector_store %arg8[%swap3A_130, %swap3A_131], %swap3A_134 {strides = array<i32>} : memref<64x128xi32, #tpu.memory_space<vmem>>, vector<1x16xi32>,
      %get3A_135 = arith.index_cast %while3A_76 : i32 to index
      %get3A_136 = arith.constant 80 : index
      %get3A_137 = tpu.vector_load %arg8[%get3A_135, %get3A_136] {strides = array<i32>} : memref<64x128xi32, #tpu.memory_space<vmem>>, vector<1x16xi32>,
      %get3A_138 = vector.shape_cast %get3A_137 : vector<1x16xi32> to vector<16xi32>
      %add3A_139 = arith.constant 10000 : i32
      %add3A_140 = vector.broadcast %add3A_139 : i32 to vector<16xi32>
      %add3A_141 = arith.addi %get3A_138, %add3A_140 : vector<16xi32>
      %swap3A_142 = arith.index_cast %while3A_76 : i32 to index
      %swap3A_143 = arith.constant 80 : index
      %swap3A_144 = tpu.vector_load %arg8[%swap3A_142, %swap3A_143] {strides = array<i32>} : memref<64x128xi32, #tpu.memory_space<vmem>>, vector<1x16xi32>,
      %swap3A_145 = vector.shape_cast %swap3A_144 : vector<1x16xi32> to vector<16xi32>
      %swap3A_146 = vector.shape_cast %add3A_141 : vector<16xi32> to vector<1x16xi32>
      tpu.vector_store %arg8[%swap3A_142, %swap3A_143], %swap3A_146 {strides = array<i32>} : memref<64x128xi32, #tpu.memory_space<vmem>>, vector<1x16xi32>,
      %get3A_147 = arith.index_cast %while3A_76 : i32 to index
      %get3A_148 = arith.constant 96 : index
      %get3A_149 = tpu.vector_load %arg8[%get3A_147, %get3A_148] {strides = array<i32>} : memref<64x128xi32, #tpu.memory_space<vmem>>, vector<1x16xi32>,
      %get3A_150 = vector.shape_cast %get3A_149 : vector<1x16xi32> to vector<16xi32>
      %add3A_151 = arith.constant 10000 : i32
      %add3A_152 = vector.broadcast %add3A_151 : i32 to vector<16xi32>
      %add3A_153 = arith.addi %get3A_150, %add3A_152 : vector<16xi32>
      %swap3A_154 = arith.index_cast %while3A_76 : i32 to index
      %swap3A_155 = arith.constant 96 : index
      %swap3A_156 = tpu.vector_load %arg8[%swap3A_154, %swap3A_155] {strides = array<i32>} : memref<64x128xi32, #tpu.memory_space<vmem>>, vector<1x16xi32>,
      %swap3A_157 = vector.shape_cast %swap3A_156 : vector<1x16xi32> to vector<16xi32>
      %swap3A_158 = vector.shape_cast %add3A_153 : vector<16xi32> to vector<1x16xi32>
      tpu.vector_store %arg8[%swap3A_154, %swap3A_155], %swap3A_158 {strides = array<i32>} : memref<64x128xi32, #tpu.memory_space<vmem>>, vector<1x16xi32>,
      %get3A_159 = arith.index_cast %while3A_76 : i32 to index
      %get3A_160 = arith.constant 112 : index
      %get3A_161 = tpu.vector_load %arg8[%get3A_159, %get3A_160] {strides = array<i32>} : memref<64x128xi32, #tpu.memory_space<vmem>>, vector<1x16xi32>,
      %get3A_162 = vector.shape_cast %get3A_161 : vector<1x16xi32> to vector<16xi32>
      %add3A_163 = arith.constant 10000 : i32
      %add3A_164 = vector.broadcast %add3A_163 : i32 to vector<16xi32>
      %add3A_165 = arith.addi %get3A_162, %add3A_164 : vector<16xi32>
      %swap3A_166 = arith.index_cast %while3A_76 : i32 to index
      %swap3A_167 = arith.constant 112 : index
      %swap3A_168 = tpu.vector_load %arg8[%swap3A_166, %swap3A_167] {strides = array<i32>} : memref<64x128xi32, #tpu.memory_space<vmem>>, vector<1x16xi32>,
      %swap3A_169 = vector.shape_cast %swap3A_168 : vector<1x16xi32> to vector<16xi32>
      %swap3A_170 = vector.shape_cast %add3A_165 : vector<16xi32> to vector<1x16xi32>
      tpu.vector_store %arg8[%swap3A_166, %swap3A_167], %swap3A_170 {strides = array<i32>} : memref<64x128xi32, #tpu.memory_space<vmem>>, vector<1x16xi32>,
    }
    "tpu.trace_start"() <{level = 10 : i32, message = "zero"}> : () -> ()
    "tpu.region"() ({
      %run_scoped3A_76 = tpu.sem_alloc : memref<!tpu.dma_semaphore, #tpu.memory_space<semaphore_mem>>
      %dma_start3A = arith.constant 0 : i32
      %dma_start3A_77 = tpu.memref_slice %arg11[%mul3A_15, %dma_start3A] : memref<10112x128xf32, #tpu.memory_space<vmem_shared>> -> memref<632x128xf32, #tpu.memory_space<vmem_shared>>
      %dma_start3A_78 = arith.constant 0 : i32
      %dma_start3A_79 = tpu.memref_slice %arg5[%mul3A_15, %dma_start3A_78] : memref<10112x128xf32, #tpu.memory_space<hbm>> -> memref<632x128xf32, #tpu.memory_space<hbm>>
      tpu.enqueue_dma source(%dma_start3A_79 : memref<632x128xf32, #tpu.memory_space<hbm>>) target(%dma_start3A_77 : memref<632x128xf32, #tpu.memory_space<vmem_shared>>) target_semaphore(%run_scoped3A_76 : memref<!tpu.dma_semaphore, #tpu.memory_space<semaphore_mem>>)
      %dma_wait3A = arith.constant 0 : i32
      %dma_wait3A_80 = tpu.memref_slice %arg11[%mul3A_15, %dma_wait3A] : memref<10112x128xf32, #tpu.memory_space<vmem_shared>> -> memref<632x128xf32, #tpu.memory_space<vmem_shared>>
      %dma_wait3A_81 = arith.constant 0 : i32
      %dma_wait3A_82 = tpu.memref_slice %arg5[%mul3A_15, %dma_wait3A_81] : memref<10112x128xf32, #tpu.memory_space<hbm>> -> memref<632x128xf32, #tpu.memory_space<hbm>>
      tpu.wait_dma2 semaphore(%run_scoped3A_76 : memref<!tpu.dma_semaphore, #tpu.memory_space<semaphore_mem>>) src(%dma_wait3A_82 : memref<632x128xf32, #tpu.memory_space<hbm>>) dst(%dma_wait3A_80 : memref<632x128xf32, #tpu.memory_space<vmem_shared>>)
      tpu.yield
    }) : () -> ()
    %barrier3A_63 = arith.constant 0 : index
    tpu.barrier barrier_id(%barrier3A_63)
    %while3A_64 = arith.constant 0 : i32
    %while3A_65 = arith.constant 0 : i32
    "tpu.trace_stop"() : () -> ()
    "tpu.trace_start"() <{level = 10 : i32, message = "edges"}> : () -> ()
    %while3A_66 = arith.subi %select_n3A_13, %while3A_65 : i32
    %while3A_67 = arith.addi %while3A_65, %while3A_66 : i32
    %while3A_68 = arith.constant 1 : i32
    %while3A_69 = arith.divsi %while3A_66, %while3A_68 : i32
    %while3A_70 = arith.muli %while3A_69, %while3A_68 : i32
    %while3A_71 = arith.addi %while3A_65, %while3A_70 : i32
    %while3A_72 = arith.constant 1 : i32
    scf.for %while3A_76 = %while3A_65 to %while3A_71 step %while3A_72  : i32 {
      %mul3A_77 = arith.constant 2 : i32
      %mul3A_78 = arith.muli %mul3A_77, %while3A_76 : i32
      %mul3A_79 = arith.constant 2 : i32
      %mul3A_80 = arith.muli %mul3A_79, %while3A_76 : i32
      %add3A_81 = arith.constant 1 : i32
      %add3A_82 = arith.addi %mul3A_80, %add3A_81 : i32
      %dma_start3A = arith.constant 0 : i32
      %dma_start3A_83 = arith.constant 0 : i32
      %dma_start3A_84 = arith.constant 0 : i32
      %dma_start3A_85 = tpu.memref_slice %arg10[%dma_start3A, %dma_start3A_83, %dma_start3A_84] : memref<2x128x128xf32, #tpu.memory_space<vmem>> -> memref<1x128x128xf32, #tpu.memory_space<vmem>>
      %dma_start3A_86 = tpu.memref_squeeze %dma_start3A_85 : memref<1x128x128xf32, #tpu.memory_space<vmem>> -> memref<128x128xf32, #tpu.memory_space<vmem>>
      %dma_start3A_87 = arith.constant 0 : i32
      %dma_start3A_88 = tpu.memref_slice %arg8[%mul3A_78, %dma_start3A_87] : memref<64x128xi32, #tpu.memory_space<vmem>> -> memref<1x128xi32, #tpu.memory_space<vmem>>
      %dma_start3A_89 = tpu.memref_squeeze %dma_start3A_88 : memref<1x128xi32, #tpu.memory_space<vmem>> -> memref<128xi32, #tpu.memory_space<vmem>>
      %dma_start3A_90 = arith.constant 0 : i32
      %dma_start3A_91 = arith.constant 0 : i32
      %dma_start3A_92 = tpu.memref_slice %arg2[%dma_start3A_90, %dma_start3A_91] : memref<20000x128xf32, #tpu.memory_space<hbm>> -> memref<20000x128xf32, #tpu.memory_space<hbm>>
      tpu.enqueue_indirect_dma source(%dma_start3A_92 : memref<20000x128xf32, #tpu.memory_space<hbm>>) target(%dma_start3A_86 : memref<128x128xf32, #tpu.memory_space<vmem>>) offsets(%dma_start3A_89 : memref<128xi32, #tpu.memory_space<vmem>>) semaphore(%arg12 : memref<!tpu.dma_semaphore, #tpu.memory_space<semaphore_mem>>)
      %dma_start3A_93 = arith.constant 1 : i32
      %dma_start3A_94 = arith.constant 0 : i32
      %dma_start3A_95 = arith.constant 0 : i32
      %dma_start3A_96 = tpu.memref_slice %arg10[%dma_start3A_93, %dma_start3A_94, %dma_start3A_95] : memref<2x128x128xf32, #tpu.memory_space<vmem>> -> memref<1x128x128xf32, #tpu.memory_space<vmem>>
      %dma_start3A_97 = tpu.memref_squeeze %dma_start3A_96 : memref<1x128x128xf32, #tpu.memory_space<vmem>> -> memref<128x128xf32, #tpu.memory_space<vmem>>
      %dma_start3A_98 = arith.constant 0 : i32
      %dma_start3A_99 = tpu.memref_slice %arg8[%add3A_82, %dma_start3A_98] : memref<64x128xi32, #tpu.memory_space<vmem>> -> memref<1x128xi32, #tpu.memory_space<vmem>>
      %dma_start3A_100 = tpu.memref_squeeze %dma_start3A_99 : memref<1x128xi32, #tpu.memory_space<vmem>> -> memref<128xi32, #tpu.memory_space<vmem>>
      %dma_start3A_101 = arith.constant 0 : i32
      %dma_start3A_102 = arith.constant 0 : i32
      %dma_start3A_103 = tpu.memref_slice %arg2[%dma_start3A_101, %dma_start3A_102] : memref<20000x128xf32, #tpu.memory_space<hbm>> -> memref<20000x128xf32, #tpu.memory_space<hbm>>
      tpu.enqueue_indirect_dma source(%dma_start3A_103 : memref<20000x128xf32, #tpu.memory_space<hbm>>) target(%dma_start3A_97 : memref<128x128xf32, #tpu.memory_space<vmem>>) offsets(%dma_start3A_100 : memref<128xi32, #tpu.memory_space<vmem>>) semaphore(%arg13 : memref<!tpu.dma_semaphore, #tpu.memory_space<semaphore_mem>>)
      %dma_wait3A = arith.constant 0 : i32
      %dma_wait3A_104 = arith.constant 0 : i32
      %dma_wait3A_105 = arith.constant 0 : i32
      %dma_wait3A_106 = tpu.memref_slice %arg10[%dma_wait3A, %dma_wait3A_104, %dma_wait3A_105] : memref<2x128x128xf32, #tpu.memory_space<vmem>> -> memref<1x128x128xf32, #tpu.memory_space<vmem>>
      %dma_wait3A_107 = tpu.memref_squeeze %dma_wait3A_106 : memref<1x128x128xf32, #tpu.memory_space<vmem>> -> memref<128x128xf32, #tpu.memory_space<vmem>>
      %dma_wait3A_108 = arith.constant 0 : i32
      %dma_wait3A_109 = tpu.memref_slice %arg8[%mul3A_78, %dma_wait3A_108] : memref<64x128xi32, #tpu.memory_space<vmem>> -> memref<1x128xi32, #tpu.memory_space<vmem>>
      %dma_wait3A_110 = tpu.memref_squeeze %dma_wait3A_109 : memref<1x128xi32, #tpu.memory_space<vmem>> -> memref<128xi32, #tpu.memory_space<vmem>>
      %dma_wait3A_111 = arith.constant 0 : i32
      %dma_wait3A_112 = arith.constant 0 : i32
      %dma_wait3A_113 = tpu.memref_slice %arg2[%dma_wait3A_111, %dma_wait3A_112] : memref<20000x128xf32, #tpu.memory_space<hbm>> -> memref<20000x128xf32, #tpu.memory_space<hbm>>
      tpu.wait_indirect_dma semaphore(%arg12 : memref<!tpu.dma_semaphore, #tpu.memory_space<semaphore_mem>>) src(%dma_wait3A_113 : memref<20000x128xf32, #tpu.memory_space<hbm>>) dst(%dma_wait3A_107 : memref<128x128xf32, #tpu.memory_space<vmem>>)
      %run_scoped3A_114 = arith.constant 0 : i32
      "tpu.region"() ({
        %run_scoped3A_127 = tpu.sem_alloc : memref<!tpu.dma_semaphore, #tpu.memory_space<semaphore_mem>>
        %dma_start3A_128 = arith.constant 0 : i32
        %dma_start3A_129 = arith.constant 0 : i32
        %dma_start3A_130 = tpu.memref_slice %arg10[%run_scoped3A_114, %dma_start3A_128, %dma_start3A_129] : memref<2x128x128xf32, #tpu.memory_space<vmem>> -> memref<1x128x128xf32, #tpu.memory_space<vmem>>
        %dma_start3A_131 = tpu.memref_squeeze %dma_start3A_130 : memref<1x128x128xf32, #tpu.memory_space<vmem>> -> memref<128x128xf32, #tpu.memory_space<vmem>>
        %dma_start3A_132 = arith.constant 0 : i32
        %dma_start3A_133 = tpu.memref_slice %arg9[%mul3A_78, %dma_start3A_132] : memref<64x128xi32, #tpu.memory_space<vmem>> -> memref<1x128xi32, #tpu.memory_space<vmem>>
        %dma_start3A_134 = tpu.memref_squeeze %dma_start3A_133 : memref<1x128xi32, #tpu.memory_space<vmem>> -> memref<128xi32, #tpu.memory_space<vmem>>
        %dma_start3A_135 = arith.constant 0 : i32
        %dma_start3A_136 = arith.constant 0 : i32
        %dma_start3A_137 = tpu.memref_slice %arg11[%dma_start3A_135, %dma_start3A_136] : memref<10112x128xf32, #tpu.memory_space<vmem_shared>> -> memref<10112x128xf32, #tpu.memory_space<vmem_shared>>
        tpu.enqueue_indirect_dma source(%dma_start3A_131 : memref<128x128xf32, #tpu.memory_space<vmem>>) target(%dma_start3A_137 : memref<10112x128xf32, #tpu.memory_space<vmem_shared>>) offsets(%dma_start3A_134 : memref<128xi32, #tpu.memory_space<vmem>>) semaphore(%run_scoped3A_127 : memref<!tpu.dma_semaphore, #tpu.memory_space<semaphore_mem>>) {add = true}
        %dma_wait3A_138 = arith.constant 0 : i32
        %dma_wait3A_139 = arith.constant 0 : i32
        %dma_wait3A_140 = tpu.memref_slice %arg10[%run_scoped3A_114, %dma_wait3A_138, %dma_wait3A_139] : memref<2x128x128xf32, #tpu.memory_space<vmem>> -> memref<1x128x128xf32, #tpu.memory_space<vmem>>
        %dma_wait3A_141 = tpu.memref_squeeze %dma_wait3A_140 : memref<1x128x128xf32, #tpu.memory_space<vmem>> -> memref<128x128xf32, #tpu.memory_space<vmem>>
        %dma_wait3A_142 = arith.constant 0 : i32
        %dma_wait3A_143 = tpu.memref_slice %arg9[%mul3A_78, %dma_wait3A_142] : memref<64x128xi32, #tpu.memory_space<vmem>> -> memref<1x128xi32, #tpu.memory_space<vmem>>
        %dma_wait3A_144 = tpu.memref_squeeze %dma_wait3A_143 : memref<1x128xi32, #tpu.memory_space<vmem>> -> memref<128xi32, #tpu.memory_space<vmem>>
        %dma_wait3A_145 = arith.constant 0 : i32
        %dma_wait3A_146 = arith.constant 0 : i32
        %dma_wait3A_147 = tpu.memref_slice %arg11[%dma_wait3A_145, %dma_wait3A_146] : memref<10112x128xf32, #tpu.memory_space<vmem_shared>> -> memref<10112x128xf32, #tpu.memory_space<vmem_shared>>
        tpu.wait_indirect_dma semaphore(%run_scoped3A_127 : memref<!tpu.dma_semaphore, #tpu.memory_space<semaphore_mem>>) src(%dma_wait3A_141 : memref<128x128xf32, #tpu.memory_space<vmem>>) dst(%dma_wait3A_147 : memref<10112x128xf32, #tpu.memory_space<vmem_shared>>)
        tpu.yield
      }) : () -> ()
      %dma_wait3A_115 = arith.constant 1 : i32
      %dma_wait3A_116 = arith.constant 0 : i32
      %dma_wait3A_117 = arith.constant 0 : i32
      %dma_wait3A_118 = tpu.memref_slice %arg10[%dma_wait3A_115, %dma_wait3A_116, %dma_wait3A_117] : memref<2x128x128xf32, #tpu.memory_space<vmem>> -> memref<1x128x128xf32, #tpu.memory_space<vmem>>
      %dma_wait3A_119 = tpu.memref_squeeze %dma_wait3A_118 : memref<1x128x128xf32, #tpu.memory_space<vmem>> -> memref<128x128xf32, #tpu.memory_space<vmem>>
      %dma_wait3A_120 = arith.constant 0 : i32
      %dma_wait3A_121 = tpu.memref_slice %arg8[%add3A_82, %dma_wait3A_120] : memref<64x128xi32, #tpu.memory_space<vmem>> -> memref<1x128xi32, #tpu.memory_space<vmem>>
      %dma_wait3A_122 = tpu.memref_squeeze %dma_wait3A_121 : memref<1x128xi32, #tpu.memory_space<vmem>> -> memref<128xi32, #tpu.memory_space<vmem>>
      %dma_wait3A_123 = arith.constant 0 : i32
      %dma_wait3A_124 = arith.constant 0 : i32
      %dma_wait3A_125 = tpu.memref_slice %arg2[%dma_wait3A_123, %dma_wait3A_124] : memref<20000x128xf32, #tpu.memory_space<hbm>> -> memref<20000x128xf32, #tpu.memory_space<hbm>>
      tpu.wait_indirect_dma semaphore(%arg13 : memref<!tpu.dma_semaphore, #tpu.memory_space<semaphore_mem>>) src(%dma_wait3A_125 : memref<20000x128xf32, #tpu.memory_space<hbm>>) dst(%dma_wait3A_119 : memref<128x128xf32, #tpu.memory_space<vmem>>)
      %run_scoped3A_126 = arith.constant 1 : i32
      "tpu.region"() ({
        %run_scoped3A_127 = tpu.sem_alloc : memref<!tpu.dma_semaphore, #tpu.memory_space<semaphore_mem>>
        %dma_start3A_128 = arith.constant 0 : i32
        %dma_start3A_129 = arith.constant 0 : i32
        %dma_start3A_130 = tpu.memref_slice %arg10[%run_scoped3A_126, %dma_start3A_128, %dma_start3A_129] : memref<2x128x128xf32, #tpu.memory_space<vmem>> -> memref<1x128x128xf32, #tpu.memory_space<vmem>>
        %dma_start3A_131 = tpu.memref_squeeze %dma_start3A_130 : memref<1x128x128xf32, #tpu.memory_space<vmem>> -> memref<128x128xf32, #tpu.memory_space<vmem>>
        %dma_start3A_132 = arith.constant 0 : i32
        %dma_start3A_133 = tpu.memref_slice %arg9[%add3A_82, %dma_start3A_132] : memref<64x128xi32, #tpu.memory_space<vmem>> -> memref<1x128xi32, #tpu.memory_space<vmem>>
        %dma_start3A_134 = tpu.memref_squeeze %dma_start3A_133 : memref<1x128xi32, #tpu.memory_space<vmem>> -> memref<128xi32, #tpu.memory_space<vmem>>
        %dma_start3A_135 = arith.constant 0 : i32
        %dma_start3A_136 = arith.constant 0 : i32
        %dma_start3A_137 = tpu.memref_slice %arg11[%dma_start3A_135, %dma_start3A_136] : memref<10112x128xf32, #tpu.memory_space<vmem_shared>> -> memref<10112x128xf32, #tpu.memory_space<vmem_shared>>
        tpu.enqueue_indirect_dma source(%dma_start3A_131 : memref<128x128xf32, #tpu.memory_space<vmem>>) target(%dma_start3A_137 : memref<10112x128xf32, #tpu.memory_space<vmem_shared>>) offsets(%dma_start3A_134 : memref<128xi32, #tpu.memory_space<vmem>>) semaphore(%run_scoped3A_127 : memref<!tpu.dma_semaphore, #tpu.memory_space<semaphore_mem>>) {add = true}
        %dma_wait3A_138 = arith.constant 0 : i32
        %dma_wait3A_139 = arith.constant 0 : i32
        %dma_wait3A_140 = tpu.memref_slice %arg10[%run_scoped3A_126, %dma_wait3A_138, %dma_wait3A_139] : memref<2x128x128xf32, #tpu.memory_space<vmem>> -> memref<1x128x128xf32, #tpu.memory_space<vmem>>
        %dma_wait3A_141 = tpu.memref_squeeze %dma_wait3A_140 : memref<1x128x128xf32, #tpu.memory_space<vmem>> -> memref<128x128xf32, #tpu.memory_space<vmem>>
        %dma_wait3A_142 = arith.constant 0 : i32
        %dma_wait3A_143 = tpu.memref_slice %arg9[%add3A_82, %dma_wait3A_142] : memref<64x128xi32, #tpu.memory_space<vmem>> -> memref<1x128xi32, #tpu.memory_space<vmem>>
        %dma_wait3A_144 = tpu.memref_squeeze %dma_wait3A_143 : memref<1x128xi32, #tpu.memory_space<vmem>> -> memref<128xi32, #tpu.memory_space<vmem>>
        %dma_wait3A_145 = arith.constant 0 : i32
        %dma_wait3A_146 = arith.constant 0 : i32
        %dma_wait3A_147 = tpu.memref_slice %arg11[%dma_wait3A_145, %dma_wait3A_146] : memref<10112x128xf32, #tpu.memory_space<vmem_shared>> -> memref<10112x128xf32, #tpu.memory_space<vmem_shared>>
        tpu.wait_indirect_dma semaphore(%run_scoped3A_127 : memref<!tpu.dma_semaphore, #tpu.memory_space<semaphore_mem>>) src(%dma_wait3A_141 : memref<128x128xf32, #tpu.memory_space<vmem>>) dst(%dma_wait3A_147 : memref<10112x128xf32, #tpu.memory_space<vmem_shared>>)
        tpu.yield
      }) : () -> ()
    }
    %while3A_73 = arith.constant 1 : i32
    scf.for %while3A_76 = %while3A_71 to %while3A_67 step %while3A_73  : i32 {
      %mul3A_77 = arith.constant 2 : i32
      %mul3A_78 = arith.muli %mul3A_77, %while3A_76 : i32
      %mul3A_79 = arith.constant 2 : i32
      %mul3A_80 = arith.muli %mul3A_79, %while3A_76 : i32
      %add3A_81 = arith.constant 1 : i32
      %add3A_82 = arith.addi %mul3A_80, %add3A_81 : i32
      %dma_start3A = arith.constant 0 : i32
      %dma_start3A_83 = arith.constant 0 : i32
      %dma_start3A_84 = arith.constant 0 : i32
      %dma_start3A_85 = tpu.memref_slice %arg10[%dma_start3A, %dma_start3A_83, %dma_start3A_84] : memref<2x128x128xf32, #tpu.memory_space<vmem>> -> memref<1x128x128xf32, #tpu.memory_space<vmem>>
      %dma_start3A_86 = tpu.memref_squeeze %dma_start3A_85 : memref<1x128x128xf32, #tpu.memory_space<vmem>> -> memref<128x128xf32, #tpu.memory_space<vmem>>
      %dma_start3A_87 = arith.constant 0 : i32
      %dma_start3A_88 = tpu.memref_slice %arg8[%mul3A_78, %dma_start3A_87] : memref<64x128xi32, #tpu.memory_space<vmem>> -> memref<1x128xi32, #tpu.memory_space<vmem>>
      %dma_start3A_89 = tpu.memref_squeeze %dma_start3A_88 : memref<1x128xi32, #tpu.memory_space<vmem>> -> memref<128xi32, #tpu.memory_space<vmem>>
      %dma_start3A_90 = arith.constant 0 : i32
      %dma_start3A_91 = arith.constant 0 : i32
      %dma_start3A_92 = tpu.memref_slice %arg2[%dma_start3A_90, %dma_start3A_91] : memref<20000x128xf32, #tpu.memory_space<hbm>> -> memref<20000x128xf32, #tpu.memory_space<hbm>>
      tpu.enqueue_indirect_dma source(%dma_start3A_92 : memref<20000x128xf32, #tpu.memory_space<hbm>>) target(%dma_start3A_86 : memref<128x128xf32, #tpu.memory_space<vmem>>) offsets(%dma_start3A_89 : memref<128xi32, #tpu.memory_space<vmem>>) semaphore(%arg12 : memref<!tpu.dma_semaphore, #tpu.memory_space<semaphore_mem>>)
      %dma_start3A_93 = arith.constant 1 : i32
      %dma_start3A_94 = arith.constant 0 : i32
      %dma_start3A_95 = arith.constant 0 : i32
      %dma_start3A_96 = tpu.memref_slice %arg10[%dma_start3A_93, %dma_start3A_94, %dma_start3A_95] : memref<2x128x128xf32, #tpu.memory_space<vmem>> -> memref<1x128x128xf32, #tpu.memory_space<vmem>>
      %dma_start3A_97 = tpu.memref_squeeze %dma_start3A_96 : memref<1x128x128xf32, #tpu.memory_space<vmem>> -> memref<128x128xf32, #tpu.memory_space<vmem>>
      %dma_start3A_98 = arith.constant 0 : i32
      %dma_start3A_99 = tpu.memref_slice %arg8[%add3A_82, %dma_start3A_98] : memref<64x128xi32, #tpu.memory_space<vmem>> -> memref<1x128xi32, #tpu.memory_space<vmem>>
      %dma_start3A_100 = tpu.memref_squeeze %dma_start3A_99 : memref<1x128xi32, #tpu.memory_space<vmem>> -> memref<128xi32, #tpu.memory_space<vmem>>
      %dma_start3A_101 = arith.constant 0 : i32
      %dma_start3A_102 = arith.constant 0 : i32
      %dma_start3A_103 = tpu.memref_slice %arg2[%dma_start3A_101, %dma_start3A_102] : memref<20000x128xf32, #tpu.memory_space<hbm>> -> memref<20000x128xf32, #tpu.memory_space<hbm>>
      tpu.enqueue_indirect_dma source(%dma_start3A_103 : memref<20000x128xf32, #tpu.memory_space<hbm>>) target(%dma_start3A_97 : memref<128x128xf32, #tpu.memory_space<vmem>>) offsets(%dma_start3A_100 : memref<128xi32, #tpu.memory_space<vmem>>) semaphore(%arg13 : memref<!tpu.dma_semaphore, #tpu.memory_space<semaphore_mem>>)
      %dma_wait3A = arith.constant 0 : i32
      %dma_wait3A_104 = arith.constant 0 : i32
      %dma_wait3A_105 = arith.constant 0 : i32
      %dma_wait3A_106 = tpu.memref_slice %arg10[%dma_wait3A, %dma_wait3A_104, %dma_wait3A_105] : memref<2x128x128xf32, #tpu.memory_space<vmem>> -> memref<1x128x128xf32, #tpu.memory_space<vmem>>
      %dma_wait3A_107 = tpu.memref_squeeze %dma_wait3A_106 : memref<1x128x128xf32, #tpu.memory_space<vmem>> -> memref<128x128xf32, #tpu.memory_space<vmem>>
      %dma_wait3A_108 = arith.constant 0 : i32
      %dma_wait3A_109 = tpu.memref_slice %arg8[%mul3A_78, %dma_wait3A_108] : memref<64x128xi32, #tpu.memory_space<vmem>> -> memref<1x128xi32, #tpu.memory_space<vmem>>
      %dma_wait3A_110 = tpu.memref_squeeze %dma_wait3A_109 : memref<1x128xi32, #tpu.memory_space<vmem>> -> memref<128xi32, #tpu.memory_space<vmem>>
      %dma_wait3A_111 = arith.constant 0 : i32
      %dma_wait3A_112 = arith.constant 0 : i32
      %dma_wait3A_113 = tpu.memref_slice %arg2[%dma_wait3A_111, %dma_wait3A_112] : memref<20000x128xf32, #tpu.memory_space<hbm>> -> memref<20000x128xf32, #tpu.memory_space<hbm>>
      tpu.wait_indirect_dma semaphore(%arg12 : memref<!tpu.dma_semaphore, #tpu.memory_space<semaphore_mem>>) src(%dma_wait3A_113 : memref<20000x128xf32, #tpu.memory_space<hbm>>) dst(%dma_wait3A_107 : memref<128x128xf32, #tpu.memory_space<vmem>>)
      %run_scoped3A_114 = arith.constant 0 : i32
      "tpu.region"() ({
        %run_scoped3A_127 = tpu.sem_alloc : memref<!tpu.dma_semaphore, #tpu.memory_space<semaphore_mem>>
        %dma_start3A_128 = arith.constant 0 : i32
        %dma_start3A_129 = arith.constant 0 : i32
        %dma_start3A_130 = tpu.memref_slice %arg10[%run_scoped3A_114, %dma_start3A_128, %dma_start3A_129] : memref<2x128x128xf32, #tpu.memory_space<vmem>> -> memref<1x128x128xf32, #tpu.memory_space<vmem>>
        %dma_start3A_131 = tpu.memref_squeeze %dma_start3A_130 : memref<1x128x128xf32, #tpu.memory_space<vmem>> -> memref<128x128xf32, #tpu.memory_space<vmem>>
        %dma_start3A_132 = arith.constant 0 : i32
        %dma_start3A_133 = tpu.memref_slice %arg9[%mul3A_78, %dma_start3A_132] : memref<64x128xi32, #tpu.memory_space<vmem>> -> memref<1x128xi32, #tpu.memory_space<vmem>>
        %dma_start3A_134 = tpu.memref_squeeze %dma_start3A_133 : memref<1x128xi32, #tpu.memory_space<vmem>> -> memref<128xi32, #tpu.memory_space<vmem>>
        %dma_start3A_135 = arith.constant 0 : i32
        %dma_start3A_136 = arith.constant 0 : i32
        %dma_start3A_137 = tpu.memref_slice %arg11[%dma_start3A_135, %dma_start3A_136] : memref<10112x128xf32, #tpu.memory_space<vmem_shared>> -> memref<10112x128xf32, #tpu.memory_space<vmem_shared>>
        tpu.enqueue_indirect_dma source(%dma_start3A_131 : memref<128x128xf32, #tpu.memory_space<vmem>>) target(%dma_start3A_137 : memref<10112x128xf32, #tpu.memory_space<vmem_shared>>) offsets(%dma_start3A_134 : memref<128xi32, #tpu.memory_space<vmem>>) semaphore(%run_scoped3A_127 : memref<!tpu.dma_semaphore, #tpu.memory_space<semaphore_mem>>) {add = true}
        %dma_wait3A_138 = arith.constant 0 : i32
        %dma_wait3A_139 = arith.constant 0 : i32
        %dma_wait3A_140 = tpu.memref_slice %arg10[%run_scoped3A_114, %dma_wait3A_138, %dma_wait3A_139] : memref<2x128x128xf32, #tpu.memory_space<vmem>> -> memref<1x128x128xf32, #tpu.memory_space<vmem>>
        %dma_wait3A_141 = tpu.memref_squeeze %dma_wait3A_140 : memref<1x128x128xf32, #tpu.memory_space<vmem>> -> memref<128x128xf32, #tpu.memory_space<vmem>>
        %dma_wait3A_142 = arith.constant 0 : i32
        %dma_wait3A_143 = tpu.memref_slice %arg9[%mul3A_78, %dma_wait3A_142] : memref<64x128xi32, #tpu.memory_space<vmem>> -> memref<1x128xi32, #tpu.memory_space<vmem>>
        %dma_wait3A_144 = tpu.memref_squeeze %dma_wait3A_143 : memref<1x128xi32, #tpu.memory_space<vmem>> -> memref<128xi32, #tpu.memory_space<vmem>>
        %dma_wait3A_145 = arith.constant 0 : i32
        %dma_wait3A_146 = arith.constant 0 : i32
        %dma_wait3A_147 = tpu.memref_slice %arg11[%dma_wait3A_145, %dma_wait3A_146] : memref<10112x128xf32, #tpu.memory_space<vmem_shared>> -> memref<10112x128xf32, #tpu.memory_space<vmem_shared>>
        tpu.wait_indirect_dma semaphore(%run_scoped3A_127 : memref<!tpu.dma_semaphore, #tpu.memory_space<semaphore_mem>>) src(%dma_wait3A_141 : memref<128x128xf32, #tpu.memory_space<vmem>>) dst(%dma_wait3A_147 : memref<10112x128xf32, #tpu.memory_space<vmem_shared>>)
        tpu.yield
      }) : () -> ()
      %dma_wait3A_115 = arith.constant 1 : i32
      %dma_wait3A_116 = arith.constant 0 : i32
      %dma_wait3A_117 = arith.constant 0 : i32
      %dma_wait3A_118 = tpu.memref_slice %arg10[%dma_wait3A_115, %dma_wait3A_116, %dma_wait3A_117] : memref<2x128x128xf32, #tpu.memory_space<vmem>> -> memref<1x128x128xf32, #tpu.memory_space<vmem>>
      %dma_wait3A_119 = tpu.memref_squeeze %dma_wait3A_118 : memref<1x128x128xf32, #tpu.memory_space<vmem>> -> memref<128x128xf32, #tpu.memory_space<vmem>>
      %dma_wait3A_120 = arith.constant 0 : i32
      %dma_wait3A_121 = tpu.memref_slice %arg8[%add3A_82, %dma_wait3A_120] : memref<64x128xi32, #tpu.memory_space<vmem>> -> memref<1x128xi32, #tpu.memory_space<vmem>>
      %dma_wait3A_122 = tpu.memref_squeeze %dma_wait3A_121 : memref<1x128xi32, #tpu.memory_space<vmem>> -> memref<128xi32, #tpu.memory_space<vmem>>
      %dma_wait3A_123 = arith.constant 0 : i32
      %dma_wait3A_124 = arith.constant 0 : i32
      %dma_wait3A_125 = tpu.memref_slice %arg2[%dma_wait3A_123, %dma_wait3A_124] : memref<20000x128xf32, #tpu.memory_space<hbm>> -> memref<20000x128xf32, #tpu.memory_space<hbm>>
      tpu.wait_indirect_dma semaphore(%arg13 : memref<!tpu.dma_semaphore, #tpu.memory_space<semaphore_mem>>) src(%dma_wait3A_125 : memref<20000x128xf32, #tpu.memory_space<hbm>>) dst(%dma_wait3A_119 : memref<128x128xf32, #tpu.memory_space<vmem>>)
      %run_scoped3A_126 = arith.constant 1 : i32
      "tpu.region"() ({
        %run_scoped3A_127 = tpu.sem_alloc : memref<!tpu.dma_semaphore, #tpu.memory_space<semaphore_mem>>
        %dma_start3A_128 = arith.constant 0 : i32
        %dma_start3A_129 = arith.constant 0 : i32
        %dma_start3A_130 = tpu.memref_slice %arg10[%run_scoped3A_126, %dma_start3A_128, %dma_start3A_129] : memref<2x128x128xf32, #tpu.memory_space<vmem>> -> memref<1x128x128xf32, #tpu.memory_space<vmem>>
        %dma_start3A_131 = tpu.memref_squeeze %dma_start3A_130 : memref<1x128x128xf32, #tpu.memory_space<vmem>> -> memref<128x128xf32, #tpu.memory_space<vmem>>
        %dma_start3A_132 = arith.constant 0 : i32
        %dma_start3A_133 = tpu.memref_slice %arg9[%add3A_82, %dma_start3A_132] : memref<64x128xi32, #tpu.memory_space<vmem>> -> memref<1x128xi32, #tpu.memory_space<vmem>>
        %dma_start3A_134 = tpu.memref_squeeze %dma_start3A_133 : memref<1x128xi32, #tpu.memory_space<vmem>> -> memref<128xi32, #tpu.memory_space<vmem>>
        %dma_start3A_135 = arith.constant 0 : i32
        %dma_start3A_136 = arith.constant 0 : i32
        %dma_start3A_137 = tpu.memref_slice %arg11[%dma_start3A_135, %dma_start3A_136] : memref<10112x128xf32, #tpu.memory_space<vmem_shared>> -> memref<10112x128xf32, #tpu.memory_space<vmem_shared>>
        tpu.enqueue_indirect_dma source(%dma_start3A_131 : memref<128x128xf32, #tpu.memory_space<vmem>>) target(%dma_start3A_137 : memref<10112x128xf32, #tpu.memory_space<vmem_shared>>) offsets(%dma_start3A_134 : memref<128xi32, #tpu.memory_space<vmem>>) semaphore(%run_scoped3A_127 : memref<!tpu.dma_semaphore, #tpu.memory_space<semaphore_mem>>) {add = true}
        %dma_wait3A_138 = arith.constant 0 : i32
        %dma_wait3A_139 = arith.constant 0 : i32
        %dma_wait3A_140 = tpu.memref_slice %arg10[%run_scoped3A_126, %dma_wait3A_138, %dma_wait3A_139] : memref<2x128x128xf32, #tpu.memory_space<vmem>> -> memref<1x128x128xf32, #tpu.memory_space<vmem>>
        %dma_wait3A_141 = tpu.memref_squeeze %dma_wait3A_140 : memref<1x128x128xf32, #tpu.memory_space<vmem>> -> memref<128x128xf32, #tpu.memory_space<vmem>>
        %dma_wait3A_142 = arith.constant 0 : i32
        %dma_wait3A_143 = tpu.memref_slice %arg9[%add3A_82, %dma_wait3A_142] : memref<64x128xi32, #tpu.memory_space<vmem>> -> memref<1x128xi32, #tpu.memory_space<vmem>>
        %dma_wait3A_144 = tpu.memref_squeeze %dma_wait3A_143 : memref<1x128xi32, #tpu.memory_space<vmem>> -> memref<128xi32, #tpu.memory_space<vmem>>
        %dma_wait3A_145 = arith.constant 0 : i32
        %dma_wait3A_146 = arith.constant 0 : i32
        %dma_wait3A_147 = tpu.memref_slice %arg11[%dma_wait3A_145, %dma_wait3A_146] : memref<10112x128xf32, #tpu.memory_space<vmem_shared>> -> memref<10112x128xf32, #tpu.memory_space<vmem_shared>>
        tpu.wait_indirect_dma semaphore(%run_scoped3A_127 : memref<!tpu.dma_semaphore, #tpu.memory_space<semaphore_mem>>) src(%dma_wait3A_141 : memref<128x128xf32, #tpu.memory_space<vmem>>) dst(%dma_wait3A_147 : memref<10112x128xf32, #tpu.memory_space<vmem_shared>>)
        tpu.yield
      }) : () -> ()
    }
    %barrier3A_74 = arith.constant 0 : index
    tpu.barrier barrier_id(%barrier3A_74)
    %run_scoped3A_75 = arith.constant 1 : i32
    "tpu.trace_stop"() : () -> ()
    "tpu.trace_start"() <{level = 10 : i32, message = "writeout"}> : () -> ()
    "tpu.region"() ({
      %run_scoped3A_76 = tpu.sem_alloc : memref<!tpu.dma_semaphore, #tpu.memory_space<semaphore_mem>>
      %dma_start3A = arith.constant 0 : i32
      %dma_start3A_77 = tpu.memref_slice %arg6[%arg0, %run_scoped3A_75, %mul3A_15, %dma_start3A] : memref<2x2x10112x128xf32, #tpu.memory_space<hbm>> -> memref<1x1x632x128xf32, #tpu.memory_space<hbm>>
      %dma_start3A_78 = tpu.memref_squeeze %dma_start3A_77 : memref<1x1x632x128xf32, #tpu.memory_space<hbm>> -> memref<632x128xf32, #tpu.memory_space<hbm>>
      %dma_start3A_79 = arith.constant 0 : i32
      %dma_start3A_80 = tpu.memref_slice %arg11[%mul3A_15, %dma_start3A_79] : memref<10112x128xf32, #tpu.memory_space<vmem_shared>> -> memref<632x128xf32, #tpu.memory_space<vmem_shared>>
      tpu.enqueue_dma source(%dma_start3A_80 : memref<632x128xf32, #tpu.memory_space<vmem_shared>>) target(%dma_start3A_78 : memref<632x128xf32, #tpu.memory_space<hbm>>) target_semaphore(%run_scoped3A_76 : memref<!tpu.dma_semaphore, #tpu.memory_space<semaphore_mem>>)
      %dma_wait3A = arith.constant 0 : i32
      %dma_wait3A_81 = tpu.memref_slice %arg6[%arg0, %run_scoped3A_75, %mul3A_15, %dma_wait3A] : memref<2x2x10112x128xf32, #tpu.memory_space<hbm>> -> memref<1x1x632x128xf32, #tpu.memory_space<hbm>>
      %dma_wait3A_82 = tpu.memref_squeeze %dma_wait3A_81 : memref<1x1x632x128xf32, #tpu.memory_space<hbm>> -> memref<632x128xf32, #tpu.memory_space<hbm>>
      %dma_wait3A_83 = arith.constant 0 : i32
      %dma_wait3A_84 = tpu.memref_slice %arg11[%mul3A_15, %dma_wait3A_83] : memref<10112x128xf32, #tpu.memory_space<vmem_shared>> -> memref<632x128xf32, #tpu.memory_space<vmem_shared>>
      tpu.wait_dma2 semaphore(%run_scoped3A_76 : memref<!tpu.dma_semaphore, #tpu.memory_space<semaphore_mem>>) src(%dma_wait3A_84 : memref<632x128xf32, #tpu.memory_space<vmem_shared>>) dst(%dma_wait3A_82 : memref<632x128xf32, #tpu.memory_space<hbm>>)
      tpu.yield
    }) : () -> ()
    "tpu.trace_stop"() : () -> ()
    return
  }
}

module attributes {stable_mosaic.version = 14 : i64} {
  func.func @body(%arg0: i32, %arg1: i32, %arg2: memref<2x2x400x128xf32, #tpu.memory_space<vmem>>, %arg3: memref<2x400x128xf32, #tpu.memory_space<vmem>>, %arg4: memref<2x400x128xf32, #tpu.memory_space<vmem>>, %arg5: memref<256x128xf32, #tpu.memory_space<vmem>>, %arg6: memref<256x128xf32, #tpu.memory_space<vmem>>, %arg7: memref<1x1x128xf32, #tpu.memory_space<vmem>>, %arg8: memref<1x400x128xf32, #tpu.memory_space<vmem>>) attributes {dimension_semantics = [#tpu.dimension_semantics<arbitrary>, #tpu.dimension_semantics<arbitrary>], iteration_bounds = array<i64: 4, 25>, scalar_prefetch = 0 : i64, scratch_operands = 0 : i64, tpu.core_type = #tpu.core_type<tc>, window_params = [{transform_indices = @transform_0, window_bounds = array<i64: 2, 2, 400, 128>}, {transform_indices = @transform_1, window_bounds = array<i64: 2, 400, 128>}, {transform_indices = @transform_2, window_bounds = array<i64: 2, 400, 128>}, {transform_indices = @transform_3, window_bounds = array<i64: 256, 128>}, {transform_indices = @transform_4, window_bounds = array<i64: 256, 128>}, {transform_indices = @transform_5, window_bounds = array<i64: 1, 1, 128>}, {transform_indices = @transform_6, window_bounds = array<i64: 1, 400, 128>}]} {
    %get3A = arith.constant 0 : index
    %get3A_0 = arith.constant 0 : index
    %get3A_1 = arith.constant 0 : index
    %get3A_2 = arith.constant 0 : index
    %get3A_3 = vector.load %arg2[%get3A, %get3A_0, %get3A_1, %get3A_2] : memref<2x2x400x128xf32, #tpu.memory_space<vmem>>, vector<1x2x400x128xf32>
    %get3A_4 = vector.shape_cast %get3A_3 : vector<1x2x400x128xf32> to vector<2x400x128xf32>
    %get3A_5 = arith.constant 1 : index
    %get3A_6 = arith.constant 0 : index
    %get3A_7 = arith.constant 0 : index
    %get3A_8 = arith.constant 0 : index
    %get3A_9 = vector.load %arg2[%get3A_5, %get3A_6, %get3A_7, %get3A_8] : memref<2x2x400x128xf32, #tpu.memory_space<vmem>>, vector<1x2x400x128xf32>
    %get3A_10 = vector.shape_cast %get3A_9 : vector<1x2x400x128xf32> to vector<2x400x128xf32>
    %add3A = arith.addf %get3A_4, %get3A_10 : vector<2x400x128xf32>
    %slice3A = vector.extract_strided_slice %add3A {offsets = [0, 0, 0], sizes = [1, 400, 128], strides = [1, 1, 1]} : vector<2x400x128xf32> to vector<1x400x128xf32>
    %squeeze3A = vector.shape_cast %slice3A : vector<1x400x128xf32> to vector<400x128xf32>
    %slice3A_11 = vector.extract_strided_slice %add3A {offsets = [1, 0, 0], sizes = [1, 400, 128], strides = [1, 1, 1]} : vector<2x400x128xf32> to vector<1x400x128xf32>
    %squeeze3A_12 = vector.shape_cast %slice3A_11 : vector<1x400x128xf32> to vector<400x128xf32>
    %concatenate3A = tpu.concatenate %squeeze3A, %squeeze3A_12 in 1 : vector<400x128xf32>, vector<400x128xf32> -> vector<400x256xf32>
    %get3A_13 = arith.constant 0 : index
    %get3A_14 = arith.constant 0 : index
    %get3A_15 = arith.constant 0 : index
    %get3A_16 = vector.load %arg3[%get3A_13, %get3A_14, %get3A_15] : memref<2x400x128xf32, #tpu.memory_space<vmem>>, vector<1x400x1xf32>
    %get3A_17 = vector.shape_cast %get3A_16 : vector<1x400x1xf32> to vector<400x1xf32>
    %get3A_18 = arith.constant 1 : index
    %get3A_19 = arith.constant 0 : index
    %get3A_20 = arith.constant 0 : index
    %get3A_21 = vector.load %arg3[%get3A_18, %get3A_19, %get3A_20] : memref<2x400x128xf32, #tpu.memory_space<vmem>>, vector<1x400x1xf32>
    %get3A_22 = vector.shape_cast %get3A_21 : vector<1x400x1xf32> to vector<400x1xf32>
    %add3A_23 = arith.addf %get3A_17, %get3A_22 : vector<400x1xf32>
    %max3A = arith.constant 1.000000e+00 : f32
    %max3A_24 = vector.broadcast %max3A : f32 to vector<400x1xf32>
    %max3A_25 = arith.maximumf %add3A_23, %max3A_24 : vector<400x1xf32>
    %div3A = vector.broadcast %max3A_25 : vector<400x1xf32> to vector<400x256xf32>
    %div3A_26 = arith.divf %concatenate3A, %div3A : vector<400x256xf32>
    %get3A_27 = arith.constant 0 : index
    %get3A_28 = arith.constant 0 : index
    %get3A_29 = arith.constant 0 : index
    %get3A_30 = vector.load %arg4[%get3A_27, %get3A_28, %get3A_29] : memref<2x400x128xf32, #tpu.memory_space<vmem>>, vector<1x400x128xf32>
    %get3A_31 = vector.shape_cast %get3A_30 : vector<1x400x128xf32> to vector<400x128xf32>
    %get3A_32 = arith.constant 1 : index
    %get3A_33 = arith.constant 0 : index
    %get3A_34 = arith.constant 0 : index
    %get3A_35 = vector.load %arg4[%get3A_32, %get3A_33, %get3A_34] : memref<2x400x128xf32, #tpu.memory_space<vmem>>, vector<1x400x128xf32>
    %get3A_36 = vector.shape_cast %get3A_35 : vector<1x400x128xf32> to vector<400x128xf32>
    %concatenate3A_37 = tpu.concatenate %get3A_31, %get3A_36 in 1 : vector<400x128xf32>, vector<400x128xf32> -> vector<400x256xf32>
    %get3A_38 = arith.constant 0 : index
    %get3A_39 = arith.constant 0 : index
    %get3A_40 = vector.load %arg5[%get3A_38, %get3A_39] : memref<256x128xf32, #tpu.memory_space<vmem>>, vector<256x128xf32>
    %dot_general3A = arith.constant dense<0.000000e+00> : vector<400x128xf32>
    %dot_general3A_41 = tpu.matmul %div3A_26, %get3A_40, %dot_general3A {dimension_numbers = #tpu.dot_dimension_numbers<[1], [0], [0], [1], [0, 0, 1, 1], [], []>, transpose_lhs_hint = false} : vector<400x256xf32>, vector<256x128xf32>, vector<400x128xf32> -> vector<400x128xf32>
    %get3A_42 = arith.constant 0 : index
    %get3A_43 = arith.constant 0 : index
    %get3A_44 = vector.load %arg6[%get3A_42, %get3A_43] : memref<256x128xf32, #tpu.memory_space<vmem>>, vector<256x128xf32>
    %dot_general3A_45 = arith.constant dense<0.000000e+00> : vector<400x128xf32>
    %dot_general3A_46 = tpu.matmul %concatenate3A_37, %get3A_44, %dot_general3A_45 {dimension_numbers = #tpu.dot_dimension_numbers<[1], [0], [0], [1], [0, 0, 1, 1], [], []>, transpose_lhs_hint = false} : vector<400x256xf32>, vector<256x128xf32>, vector<400x128xf32> -> vector<400x128xf32>
    %add3A_47 = arith.addf %dot_general3A_41, %dot_general3A_46 : vector<400x128xf32>
    %get3A_48 = arith.constant 0 : index
    %get3A_49 = arith.constant 0 : index
    %get3A_50 = arith.constant 0 : index
    %get3A_51 = vector.load %arg7[%get3A_48, %get3A_49, %get3A_50] : memref<1x1x128xf32, #tpu.memory_space<vmem>>, vector<1x1x128xf32>
    %get3A_52 = vector.shape_cast %get3A_51 : vector<1x1x128xf32> to vector<128xf32>
    %broadcast_in_dim3A = vector.shape_cast %get3A_52 : vector<128xf32> to vector<1x128xf32>
    %add3A_53 = vector.broadcast %broadcast_in_dim3A : vector<1x128xf32> to vector<400x128xf32>
    %add3A_54 = arith.addf %add3A_47, %add3A_53 : vector<400x128xf32>
    %max3A_55 = arith.constant 0.000000e+00 : f32
    %max3A_56 = vector.broadcast %max3A_55 : f32 to vector<400x128xf32>
    %max3A_57 = arith.maximumf %add3A_54, %max3A_56 : vector<400x128xf32>
    %swap3A = arith.constant 0 : index
    %swap3A_58 = arith.constant 0 : index
    %swap3A_59 = arith.constant 0 : index
    %swap3A_60 = vector.load %arg8[%swap3A, %swap3A_58, %swap3A_59] : memref<1x400x128xf32, #tpu.memory_space<vmem>>, vector<1x400x128xf32>
    %swap3A_61 = vector.shape_cast %swap3A_60 : vector<1x400x128xf32> to vector<400x128xf32>
    %swap3A_62 = vector.shape_cast %max3A_57 : vector<400x128xf32> to vector<1x400x128xf32>
    tpu.vector_store %arg8[%swap3A, %swap3A_58, %swap3A_59], %swap3A_62 {strides = array<i32>} : memref<1x400x128xf32, #tpu.memory_space<vmem>>, vector<1x400x128xf32>,
    return
  }
  func.func @transform_0(%arg0: i32, %arg1: i32) -> (i32, i32, i32, i32) {
    %c0_i32 = arith.constant 0 : i32
    %c0_i32_0 = arith.constant 0 : i32
    %c0_i32_1 = arith.constant 0 : i32
    %c0_i32_2 = arith.constant 0 : i32
    return %c0_i32, %c0_i32_0, %arg1, %c0_i32_1 : i32, i32, i32, i32
  }
  func.func @transform_1(%arg0: i32, %arg1: i32) -> (i32, i32, i32) {
    %c0_i32 = arith.constant 0 : i32
    %c0_i32_0 = arith.constant 0 : i32
    %c0_i32_1 = arith.constant 0 : i32
    return %c0_i32, %arg1, %c0_i32_0 : i32, i32, i32
  }
  func.func @transform_2(%arg0: i32, %arg1: i32) -> (i32, i32, i32) {
    %c0_i32 = arith.constant 0 : i32
    %c0_i32_0 = arith.constant 0 : i32
    %c0_i32_1 = arith.constant 0 : i32
    return %c0_i32, %arg1, %c0_i32_0 : i32, i32, i32
  }
  func.func @transform_3(%arg0: i32, %arg1: i32) -> (i32, i32) {
    %c0_i32 = arith.constant 0 : i32
    %c0_i32_0 = arith.constant 0 : i32
    return %c0_i32, %arg0 : i32, i32
  }
  func.func @transform_4(%arg0: i32, %arg1: i32) -> (i32, i32) {
    %c0_i32 = arith.constant 0 : i32
    %c0_i32_0 = arith.constant 0 : i32
    return %c0_i32, %arg0 : i32, i32
  }
  func.func @transform_5(%arg0: i32, %arg1: i32) -> (i32, i32, i32) {
    %c0_i32 = arith.constant 0 : i32
    %c0_i32_0 = arith.constant 0 : i32
    %c0_i32_1 = arith.constant 0 : i32
    return %arg0, %c0_i32, %c0_i32_0 : i32, i32, i32
  }
  func.func @transform_6(%arg0: i32, %arg1: i32) -> (i32, i32, i32) {
    %c0_i32 = arith.constant 0 : i32
    %c0_i32_0 = arith.constant 0 : i32
    return %arg0, %arg1, %c0_i32 : i32, i32, i32
  }
}

module attributes {stable_mosaic.version = 14 : i64} {
  func.func @body(%arg0: i32, %arg1: i32, %arg2: memref<2x4x400x128xf32, #tpu.memory_space<vmem>>, %arg3: memref<2x400x128xf32, #tpu.memory_space<vmem>>, %arg4: memref<4x400x128xf32, #tpu.memory_space<vmem>>, %arg5: memref<512x128xf32, #tpu.memory_space<vmem>>, %arg6: memref<512x128xf32, #tpu.memory_space<vmem>>, %arg7: memref<1x1x128xf32, #tpu.memory_space<vmem>>, %arg8: memref<1x400x128xf32, #tpu.memory_space<vmem>>) attributes {dimension_semantics = [#tpu.dimension_semantics<arbitrary>, #tpu.dimension_semantics<arbitrary>], iteration_bounds = array<i64: 4, 25>, scalar_prefetch = 0 : i64, scratch_operands = 0 : i64, tpu.core_type = #tpu.core_type<tc>, window_params = [{transform_indices = @transform_0, window_bounds = array<i64: 2, 4, 400, 128>}, {transform_indices = @transform_1, window_bounds = array<i64: 2, 400, 128>}, {transform_indices = @transform_2, window_bounds = array<i64: 4, 400, 128>}, {transform_indices = @transform_3, window_bounds = array<i64: 512, 128>}, {transform_indices = @transform_4, window_bounds = array<i64: 512, 128>}, {transform_indices = @transform_5, window_bounds = array<i64: 1, 1, 128>}, {transform_indices = @transform_6, window_bounds = array<i64: 1, 400, 128>}]} {
    %get3A = arith.constant 0 : index
    %get3A_0 = arith.constant 0 : index
    %get3A_1 = arith.constant 0 : index
    %get3A_2 = arith.constant 0 : index
    %get3A_3 = vector.load %arg2[%get3A, %get3A_0, %get3A_1, %get3A_2] : memref<2x4x400x128xf32, #tpu.memory_space<vmem>>, vector<1x4x400x128xf32>
    %get3A_4 = vector.shape_cast %get3A_3 : vector<1x4x400x128xf32> to vector<4x400x128xf32>
    %get3A_5 = arith.constant 1 : index
    %get3A_6 = arith.constant 0 : index
    %get3A_7 = arith.constant 0 : index
    %get3A_8 = arith.constant 0 : index
    %get3A_9 = vector.load %arg2[%get3A_5, %get3A_6, %get3A_7, %get3A_8] : memref<2x4x400x128xf32, #tpu.memory_space<vmem>>, vector<1x4x400x128xf32>
    %get3A_10 = vector.shape_cast %get3A_9 : vector<1x4x400x128xf32> to vector<4x400x128xf32>
    %add3A = arith.addf %get3A_4, %get3A_10 : vector<4x400x128xf32>
    %slice3A = vector.extract_strided_slice %add3A {offsets = [0, 0, 0], sizes = [1, 400, 128], strides = [1, 1, 1]} : vector<4x400x128xf32> to vector<1x400x128xf32>
    %squeeze3A = vector.shape_cast %slice3A : vector<1x400x128xf32> to vector<400x128xf32>
    %slice3A_11 = vector.extract_strided_slice %add3A {offsets = [1, 0, 0], sizes = [1, 400, 128], strides = [1, 1, 1]} : vector<4x400x128xf32> to vector<1x400x128xf32>
    %squeeze3A_12 = vector.shape_cast %slice3A_11 : vector<1x400x128xf32> to vector<400x128xf32>
    %slice3A_13 = vector.extract_strided_slice %add3A {offsets = [2, 0, 0], sizes = [1, 400, 128], strides = [1, 1, 1]} : vector<4x400x128xf32> to vector<1x400x128xf32>
    %squeeze3A_14 = vector.shape_cast %slice3A_13 : vector<1x400x128xf32> to vector<400x128xf32>
    %slice3A_15 = vector.extract_strided_slice %add3A {offsets = [3, 0, 0], sizes = [1, 400, 128], strides = [1, 1, 1]} : vector<4x400x128xf32> to vector<1x400x128xf32>
    %squeeze3A_16 = vector.shape_cast %slice3A_15 : vector<1x400x128xf32> to vector<400x128xf32>
    %concatenate3A = tpu.concatenate %squeeze3A, %squeeze3A_12, %squeeze3A_14, %squeeze3A_16 in 1 : vector<400x128xf32>, vector<400x128xf32>, vector<400x128xf32>, vector<400x128xf32> -> vector<400x512xf32>
    %get3A_17 = arith.constant 0 : index
    %get3A_18 = arith.constant 0 : index
    %get3A_19 = arith.constant 0 : index
    %get3A_20 = vector.load %arg3[%get3A_17, %get3A_18, %get3A_19] : memref<2x400x128xf32, #tpu.memory_space<vmem>>, vector<1x400x1xf32>
    %get3A_21 = vector.shape_cast %get3A_20 : vector<1x400x1xf32> to vector<400x1xf32>
    %get3A_22 = arith.constant 1 : index
    %get3A_23 = arith.constant 0 : index
    %get3A_24 = arith.constant 0 : index
    %get3A_25 = vector.load %arg3[%get3A_22, %get3A_23, %get3A_24] : memref<2x400x128xf32, #tpu.memory_space<vmem>>, vector<1x400x1xf32>
    %get3A_26 = vector.shape_cast %get3A_25 : vector<1x400x1xf32> to vector<400x1xf32>
    %add3A_27 = arith.addf %get3A_21, %get3A_26 : vector<400x1xf32>
    %max3A = arith.constant 1.000000e+00 : f32
    %max3A_28 = vector.broadcast %max3A : f32 to vector<400x1xf32>
    %max3A_29 = arith.maximumf %add3A_27, %max3A_28 : vector<400x1xf32>
    %div3A = vector.broadcast %max3A_29 : vector<400x1xf32> to vector<400x512xf32>
    %div3A_30 = arith.divf %concatenate3A, %div3A : vector<400x512xf32>
    %get3A_31 = arith.constant 0 : index
    %get3A_32 = arith.constant 0 : index
    %get3A_33 = arith.constant 0 : index
    %get3A_34 = vector.load %arg4[%get3A_31, %get3A_32, %get3A_33] : memref<4x400x128xf32, #tpu.memory_space<vmem>>, vector<1x400x128xf32>
    %get3A_35 = vector.shape_cast %get3A_34 : vector<1x400x128xf32> to vector<400x128xf32>
    %get3A_36 = arith.constant 1 : index
    %get3A_37 = arith.constant 0 : index
    %get3A_38 = arith.constant 0 : index
    %get3A_39 = vector.load %arg4[%get3A_36, %get3A_37, %get3A_38] : memref<4x400x128xf32, #tpu.memory_space<vmem>>, vector<1x400x128xf32>
    %get3A_40 = vector.shape_cast %get3A_39 : vector<1x400x128xf32> to vector<400x128xf32>
    %get3A_41 = arith.constant 2 : index
    %get3A_42 = arith.constant 0 : index
    %get3A_43 = arith.constant 0 : index
    %get3A_44 = vector.load %arg4[%get3A_41, %get3A_42, %get3A_43] : memref<4x400x128xf32, #tpu.memory_space<vmem>>, vector<1x400x128xf32>
    %get3A_45 = vector.shape_cast %get3A_44 : vector<1x400x128xf32> to vector<400x128xf32>
    %get3A_46 = arith.constant 3 : index
    %get3A_47 = arith.constant 0 : index
    %get3A_48 = arith.constant 0 : index
    %get3A_49 = vector.load %arg4[%get3A_46, %get3A_47, %get3A_48] : memref<4x400x128xf32, #tpu.memory_space<vmem>>, vector<1x400x128xf32>
    %get3A_50 = vector.shape_cast %get3A_49 : vector<1x400x128xf32> to vector<400x128xf32>
    %concatenate3A_51 = tpu.concatenate %get3A_35, %get3A_40, %get3A_45, %get3A_50 in 1 : vector<400x128xf32>, vector<400x128xf32>, vector<400x128xf32>, vector<400x128xf32> -> vector<400x512xf32>
    %get3A_52 = arith.constant 0 : index
    %get3A_53 = arith.constant 0 : index
    %get3A_54 = vector.load %arg5[%get3A_52, %get3A_53] : memref<512x128xf32, #tpu.memory_space<vmem>>, vector<512x128xf32>
    %dot_general3A = arith.constant dense<0.000000e+00> : vector<400x128xf32>
    %dot_general3A_55 = tpu.matmul %div3A_30, %get3A_54, %dot_general3A {dimension_numbers = #tpu.dot_dimension_numbers<[1], [0], [0], [1], [0, 0, 1, 1], [], []>, transpose_lhs_hint = false} : vector<400x512xf32>, vector<512x128xf32>, vector<400x128xf32> -> vector<400x128xf32>
    %get3A_56 = arith.constant 0 : index
    %get3A_57 = arith.constant 0 : index
    %get3A_58 = vector.load %arg6[%get3A_56, %get3A_57] : memref<512x128xf32, #tpu.memory_space<vmem>>, vector<512x128xf32>
    %dot_general3A_59 = arith.constant dense<0.000000e+00> : vector<400x128xf32>
    %dot_general3A_60 = tpu.matmul %concatenate3A_51, %get3A_58, %dot_general3A_59 {dimension_numbers = #tpu.dot_dimension_numbers<[1], [0], [0], [1], [0, 0, 1, 1], [], []>, transpose_lhs_hint = false} : vector<400x512xf32>, vector<512x128xf32>, vector<400x128xf32> -> vector<400x128xf32>
    %add3A_61 = arith.addf %dot_general3A_55, %dot_general3A_60 : vector<400x128xf32>
    %get3A_62 = arith.constant 0 : index
    %get3A_63 = arith.constant 0 : index
    %get3A_64 = arith.constant 0 : index
    %get3A_65 = vector.load %arg7[%get3A_62, %get3A_63, %get3A_64] : memref<1x1x128xf32, #tpu.memory_space<vmem>>, vector<1x1x128xf32>
    %get3A_66 = vector.shape_cast %get3A_65 : vector<1x1x128xf32> to vector<128xf32>
    %broadcast_in_dim3A = vector.shape_cast %get3A_66 : vector<128xf32> to vector<1x128xf32>
    %add3A_67 = vector.broadcast %broadcast_in_dim3A : vector<1x128xf32> to vector<400x128xf32>
    %add3A_68 = arith.addf %add3A_61, %add3A_67 : vector<400x128xf32>
    %max3A_69 = arith.constant 0.000000e+00 : f32
    %max3A_70 = vector.broadcast %max3A_69 : f32 to vector<400x128xf32>
    %max3A_71 = arith.maximumf %add3A_68, %max3A_70 : vector<400x128xf32>
    %swap3A = arith.constant 0 : index
    %swap3A_72 = arith.constant 0 : index
    %swap3A_73 = arith.constant 0 : index
    %swap3A_74 = vector.load %arg8[%swap3A, %swap3A_72, %swap3A_73] : memref<1x400x128xf32, #tpu.memory_space<vmem>>, vector<1x400x128xf32>
    %swap3A_75 = vector.shape_cast %swap3A_74 : vector<1x400x128xf32> to vector<400x128xf32>
    %swap3A_76 = vector.shape_cast %max3A_71 : vector<400x128xf32> to vector<1x400x128xf32>
    tpu.vector_store %arg8[%swap3A, %swap3A_72, %swap3A_73], %swap3A_76 {strides = array<i32>} : memref<1x400x128xf32, #tpu.memory_space<vmem>>, vector<1x400x128xf32>,
    return
  }
  func.func @transform_0(%arg0: i32, %arg1: i32) -> (i32, i32, i32, i32) {
    %c0_i32 = arith.constant 0 : i32
    %c0_i32_0 = arith.constant 0 : i32
    %c0_i32_1 = arith.constant 0 : i32
    %c0_i32_2 = arith.constant 0 : i32
    return %c0_i32, %c0_i32_0, %arg1, %c0_i32_1 : i32, i32, i32, i32
  }
  func.func @transform_1(%arg0: i32, %arg1: i32) -> (i32, i32, i32) {
    %c0_i32 = arith.constant 0 : i32
    %c0_i32_0 = arith.constant 0 : i32
    %c0_i32_1 = arith.constant 0 : i32
    return %c0_i32, %arg1, %c0_i32_0 : i32, i32, i32
  }
  func.func @transform_2(%arg0: i32, %arg1: i32) -> (i32, i32, i32) {
    %c0_i32 = arith.constant 0 : i32
    %c0_i32_0 = arith.constant 0 : i32
    %c0_i32_1 = arith.constant 0 : i32
    return %c0_i32, %arg1, %c0_i32_0 : i32, i32, i32
  }
  func.func @transform_3(%arg0: i32, %arg1: i32) -> (i32, i32) {
    %c0_i32 = arith.constant 0 : i32
    %c0_i32_0 = arith.constant 0 : i32
    return %c0_i32, %arg0 : i32, i32
  }
  func.func @transform_4(%arg0: i32, %arg1: i32) -> (i32, i32) {
    %c0_i32 = arith.constant 0 : i32
    %c0_i32_0 = arith.constant 0 : i32
    return %c0_i32, %arg0 : i32, i32
  }
  func.func @transform_5(%arg0: i32, %arg1: i32) -> (i32, i32, i32) {
    %c0_i32 = arith.constant 0 : i32
    %c0_i32_0 = arith.constant 0 : i32
    %c0_i32_1 = arith.constant 0 : i32
    return %arg0, %c0_i32, %c0_i32_0 : i32, i32, i32
  }
  func.func @transform_6(%arg0: i32, %arg1: i32) -> (i32, i32, i32) {
    %c0_i32 = arith.constant 0 : i32
    %c0_i32_0 = arith.constant 0 : i32
    return %arg0, %arg1, %c0_i32 : i32, i32, i32
  }
}

module attributes {stable_mosaic.version = 14 : i64} {
  func.func @body(%arg0: i32, %arg1: memref<4x400x128xf32, #tpu.memory_space<vmem>>, %arg2: memref<512x128xf32, #tpu.memory_space<vmem>>, %arg3: memref<512x16xf32, #tpu.memory_space<vmem>>, %arg4: memref<400x128xf32, #tpu.memory_space<vmem>>, %arg5: memref<400x16xf32, #tpu.memory_space<vmem>>) attributes {dimension_semantics = [#tpu.dimension_semantics<arbitrary>], iteration_bounds = array<i64: 25>, scalar_prefetch = 0 : i64, scratch_operands = 0 : i64, tpu.core_type = #tpu.core_type<tc>, window_params = [{transform_indices = @transform_0, window_bounds = array<i64: 4, 400, 128>}, {pipeline_mode = #tpu.pipeline_mode<synchronous>, transform_indices = @transform_1, window_bounds = array<i64: 512, 128>}, {pipeline_mode = #tpu.pipeline_mode<synchronous>, transform_indices = @transform_2, window_bounds = array<i64: 512, 16>}, {transform_indices = @transform_3, window_bounds = array<i64: 400, 128>}, {transform_indices = @transform_4, window_bounds = array<i64: 400, 16>}]} {
    %get3A = arith.constant 0 : index
    %get3A_0 = arith.constant 0 : index
    %get3A_1 = arith.constant 0 : index
    %get3A_2 = vector.load %arg1[%get3A, %get3A_0, %get3A_1] : memref<4x400x128xf32, #tpu.memory_space<vmem>>, vector<1x400x128xf32>
    %get3A_3 = vector.shape_cast %get3A_2 : vector<1x400x128xf32> to vector<400x128xf32>
    %get3A_4 = arith.constant 1 : index
    %get3A_5 = arith.constant 0 : index
    %get3A_6 = arith.constant 0 : index
    %get3A_7 = vector.load %arg1[%get3A_4, %get3A_5, %get3A_6] : memref<4x400x128xf32, #tpu.memory_space<vmem>>, vector<1x400x128xf32>
    %get3A_8 = vector.shape_cast %get3A_7 : vector<1x400x128xf32> to vector<400x128xf32>
    %get3A_9 = arith.constant 2 : index
    %get3A_10 = arith.constant 0 : index
    %get3A_11 = arith.constant 0 : index
    %get3A_12 = vector.load %arg1[%get3A_9, %get3A_10, %get3A_11] : memref<4x400x128xf32, #tpu.memory_space<vmem>>, vector<1x400x128xf32>
    %get3A_13 = vector.shape_cast %get3A_12 : vector<1x400x128xf32> to vector<400x128xf32>
    %get3A_14 = arith.constant 3 : index
    %get3A_15 = arith.constant 0 : index
    %get3A_16 = arith.constant 0 : index
    %get3A_17 = vector.load %arg1[%get3A_14, %get3A_15, %get3A_16] : memref<4x400x128xf32, #tpu.memory_space<vmem>>, vector<1x400x128xf32>
    %get3A_18 = vector.shape_cast %get3A_17 : vector<1x400x128xf32> to vector<400x128xf32>
    %concatenate3A = tpu.concatenate %get3A_3, %get3A_8, %get3A_13, %get3A_18 in 1 : vector<400x128xf32>, vector<400x128xf32>, vector<400x128xf32>, vector<400x128xf32> -> vector<400x512xf32>
    %get3A_19 = arith.constant 0 : index
    %get3A_20 = arith.constant 0 : index
    %get3A_21 = vector.load %arg2[%get3A_19, %get3A_20] : memref<512x128xf32, #tpu.memory_space<vmem>>, vector<512x128xf32>
    %dot_general3A = arith.constant dense<0.000000e+00> : vector<400x128xf32>
    %dot_general3A_22 = tpu.matmul %concatenate3A, %get3A_21, %dot_general3A {dimension_numbers = #tpu.dot_dimension_numbers<[1], [0], [0], [1], [0, 0, 1, 1], [], []>, transpose_lhs_hint = false} : vector<400x512xf32>, vector<512x128xf32>, vector<400x128xf32> -> vector<400x128xf32>
    %swap3A = arith.constant 0 : index
    %swap3A_23 = arith.constant 0 : index
    %swap3A_24 = vector.load %arg4[%swap3A, %swap3A_23] : memref<400x128xf32, #tpu.memory_space<vmem>>, vector<400x128xf32>
    tpu.vector_store %arg4[%swap3A, %swap3A_23], %dot_general3A_22 {strides = array<i32>} : memref<400x128xf32, #tpu.memory_space<vmem>>, vector<400x128xf32>,
    %get3A_25 = arith.constant 0 : index
    %get3A_26 = arith.constant 0 : index
    %get3A_27 = vector.load %arg3[%get3A_25, %get3A_26] : memref<512x16xf32, #tpu.memory_space<vmem>>, vector<512x16xf32>
    %dot_general3A_28 = arith.constant dense<0.000000e+00> : vector<400x16xf32>
    %dot_general3A_29 = tpu.matmul %concatenate3A, %get3A_27, %dot_general3A_28 {dimension_numbers = #tpu.dot_dimension_numbers<[1], [0], [0], [1], [0, 0, 1, 1], [], []>, transpose_lhs_hint = false} : vector<400x512xf32>, vector<512x16xf32>, vector<400x16xf32> -> vector<400x16xf32>
    %swap3A_30 = arith.constant 0 : index
    %swap3A_31 = arith.constant 0 : index
    %swap3A_32 = vector.load %arg5[%swap3A_30, %swap3A_31] : memref<400x16xf32, #tpu.memory_space<vmem>>, vector<400x16xf32>
    tpu.vector_store %arg5[%swap3A_30, %swap3A_31], %dot_general3A_29 {strides = array<i32>} : memref<400x16xf32, #tpu.memory_space<vmem>>, vector<400x16xf32>,
    return
  }
  func.func @transform_0(%arg0: i32) -> (i32, i32, i32) {
    %c0_i32 = arith.constant 0 : i32
    %c0_i32_0 = arith.constant 0 : i32
    %c0_i32_1 = arith.constant 0 : i32
    return %c0_i32, %arg0, %c0_i32_0 : i32, i32, i32
  }
  func.func @transform_1(%arg0: i32) -> (i32, i32) {
    %c0_i32 = arith.constant 0 : i32
    %c0_i32_0 = arith.constant 0 : i32
    %c0_i32_1 = arith.constant 0 : i32
    return %c0_i32, %c0_i32_0 : i32, i32
  }
  func.func @transform_2(%arg0: i32) -> (i32, i32) {
    %c0_i32 = arith.constant 0 : i32
    %c0_i32_0 = arith.constant 0 : i32
    %c0_i32_1 = arith.constant 0 : i32
    return %c0_i32, %c0_i32_0 : i32, i32
  }
  func.func @transform_3(%arg0: i32) -> (i32, i32) {
    %c0_i32 = arith.constant 0 : i32
    %c0_i32_0 = arith.constant 0 : i32
    return %arg0, %c0_i32 : i32, i32
  }
  func.func @transform_4(%arg0: i32) -> (i32, i32) {
    %c0_i32 = arith.constant 0 : i32
    %c0_i32_0 = arith.constant 0 : i32
    return %arg0, %c0_i32 : i32, i32
  }
}

module attributes {stable_mosaic.version = 14 : i64} {
  func.func @body(%arg0: i32, %arg1: memref<2x1x400x128xf32, #tpu.memory_space<vmem>>, %arg2: memref<2x400x128xf32, #tpu.memory_space<vmem>>, %arg3: memref<400x16xf32, #tpu.memory_space<vmem>>, %arg4: memref<1x16xf32, #tpu.memory_space<vmem>>, %arg5: memref<400x16xf32, #tpu.memory_space<vmem>>) attributes {dimension_semantics = [#tpu.dimension_semantics<arbitrary>], iteration_bounds = array<i64: 25>, scalar_prefetch = 0 : i64, scratch_operands = 0 : i64, tpu.core_type = #tpu.core_type<tc>, window_params = [{transform_indices = @transform_0, window_bounds = array<i64: 2, 1, 400, 128>}, {transform_indices = @transform_1, window_bounds = array<i64: 2, 400, 128>}, {transform_indices = @transform_2, window_bounds = array<i64: 400, 16>}, {pipeline_mode = #tpu.pipeline_mode<synchronous>, transform_indices = @transform_3, window_bounds = array<i64: 1, 16>}, {transform_indices = @transform_4, window_bounds = array<i64: 400, 16>}]} {
    %get3A = arith.constant 0 : index
    %get3A_0 = arith.constant 0 : index
    %get3A_1 = arith.constant 0 : index
    %get3A_2 = arith.constant 0 : index
    %get3A_3 = vector.load %arg1[%get3A, %get3A_0, %get3A_1, %get3A_2] : memref<2x1x400x128xf32, #tpu.memory_space<vmem>>, vector<1x1x400x128xf32>
    %get3A_4 = vector.shape_cast %get3A_3 : vector<1x1x400x128xf32> to vector<400x128xf32>
    %get3A_5 = arith.constant 1 : index
    %get3A_6 = arith.constant 0 : index
    %get3A_7 = arith.constant 0 : index
    %get3A_8 = arith.constant 0 : index
    %get3A_9 = vector.load %arg1[%get3A_5, %get3A_6, %get3A_7, %get3A_8] : memref<2x1x400x128xf32, #tpu.memory_space<vmem>>, vector<1x1x400x128xf32>
    %get3A_10 = vector.shape_cast %get3A_9 : vector<1x1x400x128xf32> to vector<400x128xf32>
    %add3A = arith.addf %get3A_4, %get3A_10 : vector<400x128xf32>
    %slice3A = vector.extract_strided_slice %add3A {offsets = [0, 0], sizes = [400, 16], strides = [1, 1]} : vector<400x128xf32> to vector<400x16xf32>
    %get3A_11 = arith.constant 0 : index
    %get3A_12 = arith.constant 0 : index
    %get3A_13 = arith.constant 0 : index
    %get3A_14 = vector.load %arg2[%get3A_11, %get3A_12, %get3A_13] : memref<2x400x128xf32, #tpu.memory_space<vmem>>, vector<1x400x128xf32>
    %get3A_15 = vector.shape_cast %get3A_14 : vector<1x400x128xf32> to vector<400x128xf32>
    %get3A_16 = arith.constant 1 : index
    %get3A_17 = arith.constant 0 : index
    %get3A_18 = arith.constant 0 : index
    %get3A_19 = vector.load %arg2[%get3A_16, %get3A_17, %get3A_18] : memref<2x400x128xf32, #tpu.memory_space<vmem>>, vector<1x400x128xf32>
    %get3A_20 = vector.shape_cast %get3A_19 : vector<1x400x128xf32> to vector<400x128xf32>
    %add3A_21 = arith.addf %get3A_15, %get3A_20 : vector<400x128xf32>
    %slice3A_22 = vector.extract_strided_slice %add3A_21 {offsets = [0, 0], sizes = [400, 16], strides = [1, 1]} : vector<400x128xf32> to vector<400x16xf32>
    %max3A = arith.constant 1.000000e+00 : f32
    %max3A_23 = vector.broadcast %max3A : f32 to vector<400x16xf32>
    %max3A_24 = arith.maximumf %slice3A_22, %max3A_23 : vector<400x16xf32>
    %div3A = arith.divf %slice3A, %max3A_24 : vector<400x16xf32>
    %get3A_25 = arith.constant 0 : index
    %get3A_26 = arith.constant 0 : index
    %get3A_27 = vector.load %arg3[%get3A_25, %get3A_26] : memref<400x16xf32, #tpu.memory_space<vmem>>, vector<400x16xf32>
    %add3A_28 = arith.addf %div3A, %get3A_27 : vector<400x16xf32>
    %get3A_29 = arith.constant 0 : index
    %get3A_30 = arith.constant 0 : index
    %get3A_31 = vector.load %arg4[%get3A_29, %get3A_30] : memref<1x16xf32, #tpu.memory_space<vmem>>, vector<1x16xf32>
    %get3A_32 = vector.shape_cast %get3A_31 : vector<1x16xf32> to vector<16xf32>
    %broadcast_in_dim3A = vector.shape_cast %get3A_32 : vector<16xf32> to vector<1x16xf32>
    %add3A_33 = vector.broadcast %broadcast_in_dim3A : vector<1x16xf32> to vector<400x16xf32>
    %add3A_34 = arith.addf %add3A_28, %add3A_33 : vector<400x16xf32>
    %logistic3A = arith.negf %add3A_34 : vector<400x16xf32>
    %logistic3A_35 = math.exp %logistic3A : vector<400x16xf32>
    %logistic3A_36 = arith.constant 1.000000e+00 : f32
    %logistic3A_37 = vector.broadcast %logistic3A_36 : f32 to vector<400x16xf32>
    %logistic3A_38 = arith.addf %logistic3A_37, %logistic3A_35 : vector<400x16xf32>
    %logistic3A_39 = arith.divf %logistic3A_37, %logistic3A_38 : vector<400x16xf32>
    %swap3A = arith.constant 0 : index
    %swap3A_40 = arith.constant 0 : index
    %swap3A_41 = vector.load %arg5[%swap3A, %swap3A_40] : memref<400x16xf32, #tpu.memory_space<vmem>>, vector<400x16xf32>
    tpu.vector_store %arg5[%swap3A, %swap3A_40], %logistic3A_39 {strides = array<i32>} : memref<400x16xf32, #tpu.memory_space<vmem>>, vector<400x16xf32>,
    return
  }
  func.func @transform_0(%arg0: i32) -> (i32, i32, i32, i32) {
    %c0_i32 = arith.constant 0 : i32
    %c0_i32_0 = arith.constant 0 : i32
    %c0_i32_1 = arith.constant 0 : i32
    %c0_i32_2 = arith.constant 0 : i32
    return %c0_i32, %c0_i32_0, %arg0, %c0_i32_1 : i32, i32, i32, i32
  }
  func.func @transform_1(%arg0: i32) -> (i32, i32, i32) {
    %c0_i32 = arith.constant 0 : i32
    %c0_i32_0 = arith.constant 0 : i32
    %c0_i32_1 = arith.constant 0 : i32
    return %c0_i32, %arg0, %c0_i32_0 : i32, i32, i32
  }
  func.func @transform_2(%arg0: i32) -> (i32, i32) {
    %c0_i32 = arith.constant 0 : i32
    %c0_i32_0 = arith.constant 0 : i32
    return %arg0, %c0_i32 : i32, i32
  }
  func.func @transform_3(%arg0: i32) -> (i32, i32) {
    %c0_i32 = arith.constant 0 : i32
    %c0_i32_0 = arith.constant 0 : i32
    %c0_i32_1 = arith.constant 0 : i32
    return %c0_i32, %c0_i32_0 : i32, i32
  }
  func.func @transform_4(%arg0: i32) -> (i32, i32) {
    %c0_i32 = arith.constant 0 : i32
    %c0_i32_0 = arith.constant 0 : i32
    return %arg0, %c0_i32 : i32, i32
  }
}

</mosaic_0001>

<sc_bundles>
// kernel: kernel.12.cloned.1.call-start
scs
__scs_entry_jumppad:
0x0: {  	(pc) =	sbr.rel $0x88, $3  }
0x1: {  	(tag) =	ssettag $0x0;
	lr =	simm.s32 $0x1  }
0x2: {  	[smem:$0x3F96] =	sst lr;
	_ =	strace $0xD0000000  }
0x3: {  	_ = 	snop  }
0x4: {  	_ = 	snop  }
0x5: {  	_ = 	snop  }
0x6: {  	_ = 	snop  }
0x7: {  	_ = 	snop  }
__scs_overlays_trampoline_lowered:
0x8: {  	[smem:$0x3FA5] =	sst s0  }
0x9: {  	[smem:$0x3FA6] =	sst s1  }
0xa: {  	[smem:$0x3FA7] =	sst s2  }
0xb: {  	[smem:$0x3FA8] =	sst s3  }
0xc: {  	[smem:$0x3FA9] =	sst s4  }
0xd: {  	[smem:$0x3FAA] =	sst s5  }
0xe: {  	[smem:$0x3FAB] =	sst s6  }
0xf: {  	[smem:$0x3FAC] =	sst s7  }
0x10: {  	[smem:$0x3FAD] =	sst s8  }
0x11: {  	[smem:$0x3FAE] =	sst s9;
	s0 =	simm.s32 @!p0 $0x0  }
0x12: {  	s1 =	sld [smem:$0x3F94];
	s0 =	simm.s32 @p0 $0x1  }
0x13: {  	[smem:$0x3FAF] =	sst s0;
	s0 =	simm.s32 @!p1 $0x0  }
0x14: {  	s2 =	sld [smem:$0x3F93];
	s0 =	simm.s32 @p1 $0x1  }
0x15: {  	[smem:$0x3FB0] =	sst s0;
	s0 =	simm.s32 @!p2 $0x0  }
0x16: {  	s3 =	sld [smem:$0x3FDB];
	s0 =	simm.s32 @p2 $0x1  }
0x17: {  	s4 =	simm.s32 $0x1BF5;
	[smem:$0x3FB2] =	sst s0  }
0x18: {  	s0 =	sld [smem:$0x3F95];
	_ =	swait.ge [sflag:s4], $0x0  }
0x19: {  	s7 =	sld [smem:$0x3F96]  }
0x1a: {  	s8 =	sadd.s32 $0xFFFFE003, lr  }
0x1b: {  	s9 =	sadd.s32 $0xFFFFFEF7, lr;
	s5 =	simm.s32 $0xFFFFFFFF;
	p2 =	slt.u32 s8, $0xFFFFF086  }
0x1c: {  	p1 =	slt.u32 s9, $0xF7A;
	s5 =	simm.s32 @!p2 $0x0  }
0x1d: {  	s5 =	simm.s32 @p1 $0x1;
	p0 =	seq.s32 s7, s2  }
0x1e: {  	s7 =	smul.u32 @!p0 $0xF7A, s2;
	p2 =	seq.s32 @!p0 s5, $0x0  }
0x1f: {  	s9 =	smul.u32 $0xF7A, s1;
	s8 =	simm.s32 @!p0 $0x1BF5;
	p2 =	por !p2, p0  }
0x20: {  	[sflag:s8] =	ssyncset.s32 @!p0 $0xFFFFF086;
	s6 =	sadd.s32 @!p0 s3, s7;
	s7 =	simm.s32 @!p0 $0x108  }
0x21: {  	s3 =	sadd.s32 s3, s9;
	s6 =	sadd.s32 @!p0 $0x88, s6;
	s7 =	simm.s32 @p2 $0x1082  }
0x22: {  	[simem:s7], [sflag:s8] =	dma.local @!p0 [hbm:s6], $0xF7A  }
0x23: {  	s9 =	sor.u32 $0xD0000000, s2;
	s6 =	simm.s32 $0x108;
	_ =	swait.ge @!p0 [sflag:s8], $0x0  }
0x24: {  	s3 =	sadd.s32 $0x88, s3;
	s6 =	simm.s32 @!p1 $0x1082;
	[sflag:s4] =	ssyncset.s32 $0xFFFFF086  }
0x25: {  	[simem:s6], [sflag:s4] =	dma.local [hbm:s3], $0xF7A  }
0x26: {  	[smem:$0x3F96] =	sst s1;
	(tag) =	ssettag s2;
	_ =	strace s9  }
0x27: {  	s1 =	sld [smem:$0x3FA6]  }
0x28: {  	s2 =	sld [smem:$0x3FA7]  }
0x29: {  	s4 =	sld [smem:$0x3FA9]  }
0x2a: {  	p0 =	seq.s32 s5, $0x0;
	s5 =	sld [smem:$0x3FAA]  }
0x2b: {  	s6 =	sld [smem:$0x3FAB]  }
0x2c: {  	s7 =	sld [smem:$0x3FAC]  }
0x2d: {  	s3 =	simm.s32 $0x108;
	s8 =	sld [smem:$0x3FAD]  }
0x2e: {  	s3 =	simm.s32 @!p0 $0x1082;
	s9 =	sld [smem:$0x3FAE]  }
0x2f: {  	lr =	sadd.s32 s0, s3;
	s0 =	sld [smem:$0x3FA5]  }
0x30: {  	s3 =	sld [smem:$0x3FA8]  }
0x31: {  	[smem:$0x3FB1] =	sst s10  }
0x32: {  	s10 =	sld [smem:$0x3FAF];
	_ =	sdelay $0x3  }
0x33: {  	p0 =	seq.s32 s10, $0x1;
	s10 =	sld [smem:$0x3FB1];
	_ =	sdelay $0x3  }
0x34: {  	[smem:$0x3FB1] =	sst s10  }
0x35: {  	s10 =	sld [smem:$0x3FB0];
	_ =	sdelay $0x3  }
0x36: {  	p1 =	seq.s32 s10, $0x1;
	s10 =	sld [smem:$0x3FB1];
	_ =	sdelay $0x3  }
0x37: {  	[smem:$0x3FB1] =	sst s10  }
0x38: {  	s10 =	sld [smem:$0x3FB2]  }
0x39: {  	_ = 	snop;
	(pc) =	sbr.ind lr, $3  }
0x3a: {  	_ = 	snop  }
0x3b: {  	_ = 	snop  }
0x3c: {  	p2 =	seq.s32 s10, $0x1;
	s10 =	sld [smem:$0x3FB1]  }
0x3d: {  	_ =	shalt  }
0x3e: {  	_ =	shalt  }
0x3f: {  	_ =	shalt  }
0x40: {  	_ =	shalt  }
0x41: {  	_ =	shalt  }
0x42: {  	_ =	shalt  }
0x43: {  	_ =	shalt  }
0x44: {  	_ =	shalt  }
0x45: {  	_ =	shalt  }
0x46: {  	_ =	shalt  }
0x47: {  	_ =	shalt  }
0x48: {  	_ =	shalt  }
0x49: {  	_ =	shalt  }
0x4a: {  	_ =	shalt  }
0x4b: {  	_ =	shalt  }
0x4c: {  	_ =	shalt  }
0x4d: {  	_ =	shalt  }
0x4e: {  	_ =	shalt  }
0x4f: {  	_ =	shalt  }
0x50: {  	_ =	shalt  }
0x51: {  	_ =	shalt  }
0x52: {  	_ =	shalt  }
0x53: {  	_ =	shalt  }
0x54: {  	_ =	shalt  }
0x55: {  	_ =	shalt  }
0x56: {  	_ =	shalt  }
0x57: {  	_ =	shalt  }
0x58: {  	_ =	shalt  }
0x59: {  	_ =	shalt  }
0x5a: {  	_ =	shalt  }
0x5b: {  	_ =	shalt  }
0x5c: {  	_ =	shalt  }
0x5d: {  	_ =	shalt  }
0x5e: {  	_ =	shalt  }
0x5f: {  	_ =	shalt  }
0x60: {  	_ =	shalt  }
0x61: {  	_ =	shalt  }
0x62: {  	_ =	shalt  }
0x63: {  	_ =	shalt  }
0x64: {  	_ =	shalt  }
0x65: {  	_ =	shalt  }
0x66: {  	_ =	shalt  }
0x67: {  	_ =	shalt  }
0x68: {  	_ =	shalt  }
0x69: {  	_ =	shalt  }
0x6a: {  	_ =	shalt  }
0x6b: {  	_ =	shalt  }
0x6c: {  	_ =	shalt  }
0x6d: {  	_ =	shalt  }
0x6e: {  	_ =	shalt  }
0x6f: {  	_ =	shalt  }
0x70: {  	_ =	shalt  }
0x71: {  	_ =	shalt  }
0x72: {  	_ =	shalt  }
0x73: {  	_ =	shalt  }
0x74: {  	_ =	shalt  }
0x75: {  	_ =	shalt  }
0x76: {  	_ =	shalt  }
0x77: {  	_ =	shalt  }
0x78: {  	_ =	shalt  }
0x79: {  	_ =	shalt  }
0x7a: {  	_ =	shalt  }
0x7b: {  	_ =	shalt  }
0x7c: {  	_ =	shalt  }
0x7d: {  	_ =	shalt  }
0x7e: {  	_ =	shalt  }
0x7f: {  	_ =	shalt  }
0x80: {  	_ =	shalt  }
0x81: {  	_ =	shalt  }
0x82: {  	_ =	shalt  }
0x83: {  	_ =	shalt  }
0x84: {  	_ =	shalt  }
0x85: {  	_ =	shalt  }
0x86: {  	_ =	shalt  }
0x87: {  	_ =	shalt  }
.Lfunc_end0:
.L_simem_size_0:
called_computation.1_lowered:
.L_overlay_start_0:
0x88: {  	s2 =	sld [smem:$0x3FD9]  }
0x89: {  	s3 =	sld [smem:$0x3FFE];
	_ =	sdelay $0x1  }
0x8a: {  	s1 =	srdreg.scid  }
0x8b: {  	s0 =	sand.u32 $0x1, s1  }
0x8c: {  	s16 =	sshll.u32 s0, $0xA;
	s2 =	sadd.s32 s3, s2  }
0x8d: {  	s2 =	sadd.s32 s2, s16  }
0x8e: {  	[smem:$0x3FBD] =	sst s2  }
0x8f: {  	_ = 	snop  }
0x90: {  	(tm) =	ssettm $0x1  }
0x91: {  	s17 =	sld [smem:$0x3FFB];
	_ =	sdelay $0x3  }
0x92: {  	_ =	strace s17  }
0x93: {  	s2 =	sld [smem:$0x3FFC];
	_ =	sdelay $0x3  }
0x94: {  	_ =	strace s2  }
0x95: {  	s2 =	sld [smem:$0x3FFD];
	_ =	sdelay $0x3  }
0x96: {  	_ =	strace s2  }
0x97: {  	_ =	strace $0x8FFFFFFF  }
0x98: {  	s18 =	sld [smem:$0x3FDB];
	_ =	sdelay $0x1  }
0x99: {  	s19 =	simm.s32 $_scs_section_size  }
0x9a: {  	s4 =	simm.s32 $_size__tile_overlayer_lowered;
	s5 =	simm.s32 $_tile_overlayer_lowered  }
0x9b: {  	s22 =	simm.s32 $0x1BFF;
	s21 =	sshll.u32 s5, $0x1;
	s2 =	sadd.s32 s19, s18  }
0x9c: {  	s6 =	simm.s32 $0x0;
	s20 =	sshll.u32 s4, $0x1;
	s4 =	sadd.s32 s21, s2  }
0x9d: {  	[timem:s6], [sflag:s22] =	dma.local [hbm:s4], s20  }
0x9e: {  	_ =	swait.ge [sflag:s22], s20  }
0x9f: {  	s3 =	ssub.s32 $0x0, s20;
	[sflag:s22] =	ssyncset.done $0x0  }
0xa0: {  	[sflag:s22] =	ssyncadd.s32 s3;
	_ =	sdelay $0x1  }
0xa1: {  	s23 =	simm.s32 $0x1B8B  }
0xa2: {  	_ =	swait.ge [sflag:s23], $0x1  }
0xa3: {  	[sflag:s23] =	ssyncset.done $0x0  }
0xa4: {  	s25 =	simm.s32 $0x1B8E;
	s24 =	sld [smem:$0x3FFE];
	[sflag:s23] =	ssyncadd.s32 $0xFFFFFFFF  }
0xa5: {  	s26 =	simm.s32 $execute0_lowered;
	[smem:$0x3FD2] =	sst s25  }
0xa6: {  	s4 =	sshll.u32 s26, $0x1;
	_ =	strace $0x8000004F;
	[dreg:$0x1] =	wrdreg $0xFFFFFFFF  }
0xa7: {  	s28 =	simm.s32 $_size_execute0_lowered;
	s2 =	sadd.s32 s2, s4;
	[dreg:$0x0] =	wrdreg $0x0  }
0xa8: {  	s4 =	sshll.u32 s28, $0x1;
	[dreg:$0x2] =	wrdreg s2  }
0xa9: {  	[dreg:$0x3] =	wrdreg s4  }
0xaa: {  	[dreg:$0x4] =	wrdreg $0xC0  }
0xab: {  	_ =	task [dreg:s6], $0x5FFFF  }
0xac: {  	[dreg:$0x1] =	wrdreg $0xFFFFFFFF  }
0xad: {  	[dreg:$0x0] =	wrdreg $0x60  }
0xae: {  	[dreg:$0x2] =	wrdreg s24  }
0xaf: {  	[dreg:$0x3] =	wrdreg $0xC0000  }
0xb0: {  	[dreg:$0x4] =	wrdreg $0x9  }
0xb1: {  	_ =	task.clear_ibuf [dreg:s6], $0x5FFFF;
	_ =	strace $0x9000004F  }
0xb2: {  	s29 =	simm.s32 $0x9;
	_ =	strace $0x8000005D  }
0xb3: {  	_ =	swait.ge [sflag:s29], $0x1  }
0xb4: {  	[sflag:s29] =	ssyncadd.s32 $0xFFFFFFFF  }
0xb5: {  	_ =	strace $0x9000005D  }
0xb6: {  	_ =	sfence  }
0xb7: {  	s30 =	sld [smem:$0x0];
	_ =	sdelay $0x2  }
0xb8: {  	s31 =	sshll.u32 s1, $0xD;
	s1 =	sshrl.u32 s1, $0x2  }
0xb9: {  	s3 =	sand.u32 $0x4000, s31;
	s1 =	sadd.s32 s1, s30  }
0xba: {  	s0 =	sor.u32 s3, s0;
	s1 =	sshll.u32 s1, $0x11  }
0xbb: {  	s0 =	sor.u32 s1, s0  }
0xbc: {  	s0 =	sadd.s32 $0x8F2B, s0  }
0xbd: {  	[sflag:s0] =	ssyncadd.remote.s32 $0x1  }
0xbe: {  	_ =	sfence.sel $0xFFFF  }
0xbf: {  	[dreg:$0x0] =	wrdreg $0xFFFFFFFF;
	(pc) =	sbr.abs _section_cstart, $3  }
0xc0: {  	[dreg:$0x1] =	wrdreg $0xFFFFFFFF  }
0xc1: {  	_ =	task.clear_ibuf [dreg:s6], $0x2FFFF;
	_ =	strace $0x9FFFFFFF  }
0xc2: {  	(tm) =	ssettm $0x7FFFFFFF  }
0xc3: {  	_ =	shalt  }
tec
execute0_lowered:
.L_overlay_start_1:
0x0: {  	(tag) =	ssettag $0x1  }
0x1: {  	s5 =	rddreg [dreg:$0x0]  }
0x2: {  	s2 =	rddreg [dreg:$0x1]  }
0x3: {  	s0 =	rddreg [dreg:$0x2]  }
0x4: {  	s1 =	stileid.u32;
	s4 =	srdreg.scid;
	s3 =	simm.s32 $0x0  }
0x5: {  	s19 =	simm.s32 $0x3;
	s20 =	simm.s32 $0x80;
	s21 =	simm.s32 $0x4000  }
0x6: {  	s22 =	simm.s32 $0x8000;
	s23 =	simm.s32 $0x1;
	s24 =	simm.s32 $0x2  }
0x7: {  	s25 =	simm.s32 $0x0;
	s6 =	smul.u32 $0x13C00, s1;
	s17 =	sand.u32 $0x1, s4  }
0x8: {  	[smem:$0x7FF] =	sst s3;
	s4 =	sadd.s32 $0x170400, s5;
	s9 =	sadd.s32 $0x56C00, s5  }
0x9: {  	s10 =	sadd.s32 $0x51C00, s5;
	s29 =	sshll.u32 s1, $0x8;
	s12 =	smul.u32 $0x4F000, s1  }
0xa: {  	s13 =	sshll.u32 s1, $0xA;
	s31 =	sshll.u32 s1, $0x6;
	s7 =	smul.u32 $0x4F0000, s17  }
0xb: {  	_ =	strace $0x80000050;
	s8 =	ssub.s32 $0x2, s17;
	p0 =	seq.s32 s17, $0x0  }
0xc: {  	s30 =	sor.u32 $0x4000, s29;
	s28 =	sshrl.u32 s8, $0x1;
	s12 =	sshrl.u32 s12, $0x2  }
0xd: {  	s7 =	sadd.s32 s6, s7;
	s6 =	sshrl.u32 s6, $0x3;
	s16 =	ssub.s32 s8, s28  }
0xe: {  	s8 =	sadd.s32 s10, s30;
	s10 =	sadd.s32 s10, s13;
	s18 =	sadd.s32 s12, s2  }
0xf: {  	s7 =	sshrl.u32 s7, $0x3;
	s11 =	sadd.s32 s6, s5;
	s6 =	simm.s32 $0x20  }
0x10: {  	s16 =	smax.u32 s16, $0x1;
	s18 =	sshrl.u32 s18, $0x3;
	s15 =	sadd.s32 s7, s5  }
0x11: {  	s5 =	simm.s32 $0x40;
	s6 =	simm.s32 @!p0 $0x8;
	s7 =	sadd.s32 s9, s30  }
0x12: {  	s9 =	sadd.s32 s9, s13;
	s11 =	sadd.s32 $0x5BC00, s11;
	s12 =	sadd.s32 $0x20C800, s15  }
0x13: {  	s5 =	simm.s32 @!p0 $0x10;
	s13 =	sadd.s32 $0x234000, s15;
	s14 =	sadd.s32 $0x25B800, s15  }
0x14: {  	s15 =	sadd.s32 $0x283000, s15;
	p0 =	sne.s32 s17, $0x0;
	s17 =	sor.u32 $0x1C03, s31  }
.LBB2_1:
0x15: {  	s26 =	simm.s32 @p0 $0x0;
	s28 =	simm.s32 @p0 $0x3  }
0x16: {  	[tilespmem:s26], [sflag:$0x3] =	stream.linear.gather @p0 [hbm4b:s7+s26], $0x800, $0x38;
	[tilespmem:$0x1FC00] =	vst v63  }
0x17: {  	_ =	swait.ge @p0 [sflag:s28], $0x800  }
0x18: {  	[sflag:s28] =	ssyncset.done @p0 $0x0  }
0x19: {  	s29 =	simm.s32 @p0 $0x2000;
	[sflag:s28] =	ssyncadd.s32 @p0 $0xFFFFF800  }
0x1a: {  	[tilespmem:s29], [sflag:$0x3] =	stream.linear.gather @p0 [hbm4b:s8+s26], $0x800, $0x38;
	[tilespmem:$0x1FC00] =	vst v63  }
0x1b: {  	_ =	swait.ge @p0 [sflag:s28], $0x800  }
0x1c: {  	[sflag:s28] =	ssyncset.done @p0 $0x0  }
0x1d: {  	s26 =	simm.s32 @!p0 $0x0;
	[sflag:s28] =	ssyncadd.s32 @p0 $0xFFFFF800;
	s28 =	simm.s32 @!p0 $0x3  }
0x1e: {  	[tilespmem:s26], [sflag:$0x3] =	stream.linear.gather @!p0 [hbm4b:s9+s26], $0x2000, $0x38;
	[tilespmem:$0x1FC00] =	vst v63  }
0x1f: {  	_ =	swait.ge @!p0 [sflag:s28], $0x2000  }
0x20: {  	[sflag:s28] =	ssyncset.done @!p0 $0x0  }
0x21: {  	s29 =	simm.s32 @!p0 $0x2000;
	[sflag:s28] =	ssyncadd.s32 @!p0 $0xFFFFE000  }
0x22: {  	[tilespmem:s29], [sflag:$0x3] =	stream.linear.gather @!p0 [hbm4b:s10+s26], $0x2000, $0x38;
	[tilespmem:$0x1FC00] =	vst v63  }
0x23: {  	_ =	swait.ge @!p0 [sflag:s28], $0x2000  }
0x24: {  	[sflag:s28] =	ssyncset.done @!p0 $0x0  }
0x25: {  	[sflag:s28] =	ssyncadd.s32 @!p0 $0xFFFFE000  }
0x26: {  	_ =	strace $0x80000051  }
0x27: {  	[spmem:s18], [sflag:s17] =	dma.local [hbm:s11], $0x2780  }
0x28: {  	_ =	swait.ge [sflag:s19], $0x2780  }
0x29: {  	[sflag:s19] =	ssyncset.done $0x0  }
0x2a: {  	[sflag:s19] =	ssyncadd.s32 $0xFFFFD880  }
0x2b: {  	[bflag:$0x0] =	sbarrier.arrive $0xFFFF  }
0x2c: {  	_ =	strace $0x90000051  }
0x2d: {  	_ =	strace $0x80000052  }
0x2e: {  	[tilespmem:s21], [sflag:$0x1] =	stream.indirect.gather [hbm4b:s4+s20], $0x80, s3, s20, $0x2000b8;
	[tilespmem:$0x1FC00] =	vst v63  }
0x2f: {  	s31 =	simm.s32 $0x80  }
0x30: {  	[tilespmem:s22], [sflag:$0x2] =	stream.indirect.gather [hbm4b:s4+s20], $0x80, s31, s20, $0x2000b8;
	[tilespmem:$0x1FC00] =	vst v63  }
0x31: {  	_ =	swait.ge [sflag:s23], $0x4000  }
0x32: {  	[sflag:s23] =	ssyncset.done $0x0  }
0x33: {  	s26 =	simm.s32 $0x2000;
	[sflag:s23] =	ssyncadd.s32 $0xFFFFC000  }
0x34: {  	[spmem:s2] =	stream.indirect.scatter.add.f32 [tilespmem:s21], [sflag:$0x3], $0x80, s26, s20, $0x2000b8;
	[tilespmem:$0x1FC00] =	vst v63  }
0x35: {  	_ =	swait.ge [sflag:s19], $0x4000  }
0x36: {  	[sflag:s19] =	ssyncset.done $0x0  }
0x37: {  	[sflag:s19] =	ssyncadd.s32 $0xFFFFC000  }
0x38: {  	p1 =	sne.s32 s6, $0x1;
	_ =	swait.ge [sflag:s24], $0x4000  }
.Ltmp0:
0x39: {  	[sflag:s24] =	ssyncset.done $0x0;
	(pc) =	sbr.rel @!p1 .LBB2_3-.Ltmp0, $4  }
0x3a: {  	s28 =	simm.s32 $0x2080;
	[sflag:s24] =	ssyncadd.s32 $0xFFFFC000  }
0x3b: {  	[spmem:s2] =	stream.indirect.scatter.add.f32 [tilespmem:s22], [sflag:$0x3], $0x80, s28, s20, $0x2000b8;
	[tilespmem:$0x1FC00] =	vst v63  }
0x3c: {  	_ =	swait.ge [sflag:s19], $0x4000  }
0x3d: {  	s29 =	simm.s32 $0x0;
	s28 =	sadd.s32 $0xFFFFFFFF, s6;
	[sflag:s19] =	ssyncset.done $0x0  }
.LBB2_2:
0x3e: {  	[sflag:s19] =	ssyncadd.s32 $0xFFFFC000;
	s29 =	sadd.s32 $0x100, s29;
	s26 =	sadd.s32 $0x100, s26  }
0x3f: {  	[tilespmem:s21], [sflag:$0x1] =	stream.indirect.gather [hbm4b:s4+s20], $0x80, s29, s20, $0x2000b8;
	[tilespmem:$0x1FC00] =	vst v63  }
0x40: {  	p2 =	sne.s32 s28, $0x1;
	s28 =	sadd.s32 $0xFFFFFFFF, s28;
	s30 =	sadd.s32 $0x80, s29  }
0x41: {  	[tilespmem:s22], [sflag:$0x2] =	stream.indirect.gather [hbm4b:s4+s20], $0x80, s30, s20, $0x2000b8;
	[tilespmem:$0x1FC00] =	vst v63  }
0x42: {  	_ =	swait.ge [sflag:s23], $0x4000  }
0x43: {  	[sflag:s23] =	ssyncset.done $0x0  }
0x44: {  	[sflag:s23] =	ssyncadd.s32 $0xFFFFC000  }
0x45: {  	[spmem:s2] =	stream.indirect.scatter.add.f32 [tilespmem:s21], [sflag:$0x3], $0x80, s26, s20, $0x2000b8;
	[tilespmem:$0x1FC00] =	vst v63  }
0x46: {  	_ =	swait.ge [sflag:s19], $0x4000  }
0x47: {  	[sflag:s19] =	ssyncset.done $0x0  }
0x48: {  	[sflag:s19] =	ssyncadd.s32 $0xFFFFC000  }
0x49: {  	_ =	swait.ge [sflag:s24], $0x4000  }
.Ltmp1:
0x4a: {  	[sflag:s24] =	ssyncset.done $0x0;
	(pc) =	sbr.rel @p2 .LBB2_2-.Ltmp1, $4  }
0x4b: {  	s30 =	sadd.s32 $0x80, s26;
	[sflag:s24] =	ssyncadd.s32 $0xFFFFC000  }
0x4c: {  	[spmem:s2] =	stream.indirect.scatter.add.f32 [tilespmem:s22], [sflag:$0x3], $0x80, s30, s20, $0x2000b8;
	[tilespmem:$0x1FC00] =	vst v63  }
0x4d: {  	_ =	swait.ge [sflag:s19], $0x4000  }
0x4e: {  	[sflag:s19] =	ssyncset.done $0x0  }
.LBB2_3:
0x4f: {  	[sflag:s19] =	ssyncadd.s32 $0xFFFFC000  }
0x50: {  	[bflag:$0x0] =	sbarrier.arrive $0xFFFF  }
0x51: {  	_ =	strace $0x90000052  }
0x52: {  	_ =	strace $0x80000053  }
0x53: {  	[hbm:s12], [sflag:s17] =	dma.local [spmem:s18], $0x2780  }
0x54: {  	_ =	swait.ge [sflag:s19], $0x2780  }
0x55: {  	[sflag:s19] =	ssyncset.done $0x0  }
0x56: {  	[sflag:s19] =	ssyncadd.s32 $0xFFFFD880  }
0x57: {  	_ =	strace $0x90000053  }
0x58: {  	s26 =	simm.s32 $0x40;
	[bflag:$0x0] =	sbarrier.arrive $0xFFFF  }
0x59: {  	v2 =	vld [tilespmem:s26+$0xFFFFFFC0]  }
0x5a: {  	p2 =	sne.s32 s5, $0x1;
	v4 =	vld [tilespmem:s26+$0xFFFFFFD0]  }
.Ltmp2:
0x5b: {  	v3 =	vld [tilespmem:s26+$0xFFFFFFE0];
	(pc) =	sbr.rel @!p2 .LBB2_5-.Ltmp2, $4  }
0x5c: {  	v1 =	vld [tilespmem:s26+$0x0]  }
0x5d: {  	v0 =	vld [tilespmem:s26+$0x10]  }
0x5e: {  	v5 =	vadd.s32 $0x2710, v2;
	v2 =	vld [tilespmem:s26+$0x20]  }
0x5f: {  	s28 =	sadd.s32 $0xFFFFFFFF, s5;
	s29 =	simm.s32 $0x40;
	[tilespmem:s26+$0xFFFFFFC0] =	vst v5;
	v5 =	vadd.s32 $0x2710, v4;
	v4 =	vld [tilespmem:s26+$0x30]  }
.LBB2_4:
0x60: {  	p3 =	sne.s32 s28, $0x1;
	[tilespmem:s26+$0xFFFFFFD0] =	vst v5;
	v3 =	vadd.s32 $0x2710, v3;
	v5 =	vld [tilespmem:s26+$0xFFFFFFF0];
	s29 =	sadd.s32 $0x80, s29  }
0x61: {  	v6 =	vld [tilespmem:s29+$0xFFFFFFC0];
	[tilespmem:s26+$0xFFFFFFE0] =	vst v3;
	v1 =	vadd.s32 $0x2710, v1  }
0x62: {  	v7 =	vld [tilespmem:s29+$0xFFFFFFD0];
	[tilespmem:s26+$0x0] =	vst v1;
	v0 =	vadd.s32 $0x2710, v0  }
.Ltmp3:
0x63: {  	v3 =	vld [tilespmem:s29+$0xFFFFFFE0];
	[tilespmem:s26+$0x10] =	vst v0;
	v0 =	vadd.s32 $0x2710, v2;
	(pc) =	sbr.rel @p3 .LBB2_4-.Ltmp3, $4  }
0x64: {  	v1 =	vld [tilespmem:s29+$0x0];
	[tilespmem:s26+$0x20] =	vst v0;
	v2 =	vadd.s32 $0x2710, v4  }
0x65: {  	v0 =	vld [tilespmem:s29+$0x10];
	v4 =	vadd.s32 $0x2710, v5;
	[tilespmem:s26+$0x30] =	vst v2  }
0x66: {  	v5 =	vadd.s32 $0x2710, v6;
	v2 =	vld [tilespmem:s29+$0x20];
	[tilespmem:s26+$0xFFFFFFF0] =	vst v4;
	s26 =	smov.u32 s29  }
0x67: {  	s28 =	sadd.s32 $0xFFFFFFFF, s28;
	[tilespmem:s29+$0xFFFFFFC0] =	vst v5;
	v5 =	vadd.s32 $0x2710, v7;
	v4 =	vld [tilespmem:s29+$0x30]  }
.LBB2_5:
0x68: {  	[tilespmem:s26+$0xFFFFFFD0] =	vst v5;
	v3 =	vadd.s32 $0x2710, v3;
	v60 =	vld [tilespmem:s26+$0xFFFFFFF0]  }
0x69: {  	[tilespmem:s26+$0xFFFFFFE0] =	vst v3;
	v1 =	vadd.s32 $0x2710, v1  }
0x6a: {  	[tilespmem:s26+$0x0] =	vst v1;
	v0 =	vadd.s32 $0x2710, v0  }
0x6b: {  	[tilespmem:s26+$0x10] =	vst v0;
	v61 =	vadd.s32 $0x2710, v2  }
0x6c: {  	[tilespmem:s26+$0x20] =	vst v61;
	v62 =	vadd.s32 $0x2710, v4  }
0x6d: {  	v63 =	vadd.s32 $0x2710, v60;
	[tilespmem:s26+$0x30] =	vst v62  }
0x6e: {  	[tilespmem:s26+$0xFFFFFFF0] =	vst v63  }
0x6f: {  	_ =	strace $0x80000054  }
0x70: {  	[spmem:s18], [sflag:s17] =	dma.local [hbm:s11], $0x2780  }
0x71: {  	_ =	swait.ge [sflag:s19], $0x2780  }
0x72: {  	[sflag:s19] =	ssyncset.done $0x0  }
0x73: {  	[sflag:s19] =	ssyncadd.s32 $0xFFFFD880  }
0x74: {  	[bflag:$0x0] =	sbarrier.arrive $0xFFFF  }
0x75: {  	_ =	strace $0x90000054  }
0x76: {  	s26 =	simm.s32 $0x0;
	_ =	strace $0x80000055  }
0x77: {  	[tilespmem:s21], [sflag:$0x1] =	stream.indirect.gather [hbm4b:s4+s20], $0x80, s26, s20, $0x2000b8;
	[tilespmem:$0x1FC00] =	vst v63  }
0x78: {  	s28 =	simm.s32 $0x80  }
0x79: {  	[tilespmem:s22], [sflag:$0x2] =	stream.indirect.gather [hbm4b:s4+s20], $0x80, s28, s20, $0x2000b8;
	[tilespmem:$0x1FC00] =	vst v63  }
0x7a: {  	_ =	swait.ge [sflag:s23], $0x4000  }
0x7b: {  	[sflag:s23] =	ssyncset.done $0x0  }
0x7c: {  	s28 =	simm.s32 $0x2000;
	[sflag:s23] =	ssyncadd.s32 $0xFFFFC000  }
0x7d: {  	[spmem:s2] =	stream.indirect.scatter.add.f32 [tilespmem:s21], [sflag:$0x3], $0x80, s28, s20, $0x2000b8;
	[tilespmem:$0x1FC00] =	vst v63  }
0x7e: {  	_ =	swait.ge [sflag:s19], $0x4000  }
0x7f: {  	[sflag:s19] =	ssyncset.done $0x0  }
0x80: {  	[sflag:s19] =	ssyncadd.s32 $0xFFFFC000  }
0x81: {  	_ =	swait.ge [sflag:s24], $0x4000  }
.Ltmp4:
0x82: {  	[sflag:s24] =	ssyncset.done $0x0;
	(pc) =	sbr.rel @!p1 .LBB2_7-.Ltmp4, $4  }
0x83: {  	s29 =	simm.s32 $0x2080;
	[sflag:s24] =	ssyncadd.s32 $0xFFFFC000  }
0x84: {  	[spmem:s2] =	stream.indirect.scatter.add.f32 [tilespmem:s22], [sflag:$0x3], $0x80, s29, s20, $0x2000b8;
	[tilespmem:$0x1FC00] =	vst v63  }
0x85: {  	_ =	swait.ge [sflag:s19], $0x4000  }
0x86: {  	s29 =	sadd.s32 $0xFFFFFFFF, s6;
	[sflag:s19] =	ssyncset.done $0x0  }
.LBB2_6:
0x87: {  	[sflag:s19] =	ssyncadd.s32 $0xFFFFC000;
	s26 =	sadd.s32 $0x100, s26;
	s28 =	sadd.s32 $0x100, s28  }
0x88: {  	[tilespmem:s21], [sflag:$0x1] =	stream.indirect.gather [hbm4b:s4+s20], $0x80, s26, s20, $0x2000b8;
	[tilespmem:$0x1FC00] =	vst v63  }
0x89: {  	p3 =	sne.s32 s29, $0x1;
	s29 =	sadd.s32 $0xFFFFFFFF, s29;
	s30 =	sadd.s32 $0x80, s26  }
0x8a: {  	[tilespmem:s22], [sflag:$0x2] =	stream.indirect.gather [hbm4b:s4+s20], $0x80, s30, s20, $0x2000b8;
	[tilespmem:$0x1FC00] =	vst v63  }
0x8b: {  	_ =	swait.ge [sflag:s23], $0x4000  }
0x8c: {  	[sflag:s23] =	ssyncset.done $0x0  }
0x8d: {  	[sflag:s23] =	ssyncadd.s32 $0xFFFFC000  }
0x8e: {  	[spmem:s2] =	stream.indirect.scatter.add.f32 [tilespmem:s21], [sflag:$0x3], $0x80, s28, s20, $0x2000b8;
	[tilespmem:$0x1FC00] =	vst v63  }
0x8f: {  	_ =	swait.ge [sflag:s19], $0x4000  }
0x90: {  	[sflag:s19] =	ssyncset.done $0x0  }
0x91: {  	[sflag:s19] =	ssyncadd.s32 $0xFFFFC000  }
0x92: {  	_ =	swait.ge [sflag:s24], $0x4000  }
.Ltmp5:
0x93: {  	[sflag:s24] =	ssyncset.done $0x0;
	(pc) =	sbr.rel @p3 .LBB2_6-.Ltmp5, $4  }
0x94: {  	s30 =	sadd.s32 $0x80, s28;
	[sflag:s24] =	ssyncadd.s32 $0xFFFFC000  }
0x95: {  	[spmem:s2] =	stream.indirect.scatter.add.f32 [tilespmem:s22], [sflag:$0x3], $0x80, s30, s20, $0x2000b8;
	[tilespmem:$0x1FC00] =	vst v63  }
0x96: {  	_ =	swait.ge [sflag:s19], $0x4000  }
0x97: {  	[sflag:s19] =	ssyncset.done $0x0  }
.LBB2_7:
0x98: {  	[sflag:s19] =	ssyncadd.s32 $0xFFFFC000  }
0x99: {  	[bflag:$0x0] =	sbarrier.arrive $0xFFFF  }
0x9a: {  	_ =	strace $0x90000055  }
0x9b: {  	_ =	strace $0x80000056  }
0x9c: {  	[hbm:s13], [sflag:s17] =	dma.local [spmem:s18], $0x2780  }
0x9d: {  	_ =	swait.ge [sflag:s19], $0x2780  }
0x9e: {  	[sflag:s19] =	ssyncset.done $0x0  }
0x9f: {  	[sflag:s19] =	ssyncadd.s32 $0xFFFFD880  }
0xa0: {  	_ =	strace $0x90000056  }
0xa1: {  	s26 =	simm.s32 $0x40;
	[bflag:$0x0] =	sbarrier.arrive $0xFFFF  }
0xa2: {  	v2 =	vld [tilespmem:s26+$0xFFFFFFC0]  }
0xa3: {  	v3 =	vld [tilespmem:s26+$0xFFFFFFD0]  }
.Ltmp6:
0xa4: {  	v4 =	vld [tilespmem:s26+$0xFFFFFFE0];
	(pc) =	sbr.rel @!p2 .LBB2_9-.Ltmp6, $4  }
0xa5: {  	v1 =	vld [tilespmem:s26+$0x0]  }
0xa6: {  	v0 =	vld [tilespmem:s26+$0x10]  }
0xa7: {  	v5 =	vadd.s32 $0x2710, v2;
	v2 =	vld [tilespmem:s26+$0x20]  }
0xa8: {  	s28 =	sadd.s32 $0xFFFFFFFF, s5;
	s29 =	simm.s32 $0x40;
	[tilespmem:s26+$0xFFFFFFC0] =	vst v5;
	v5 =	vadd.s32 $0x2710, v3;
	v3 =	vld [tilespmem:s26+$0x30]  }
.LBB2_8:
0xa9: {  	p3 =	sne.s32 s28, $0x1;
	[tilespmem:s26+$0xFFFFFFD0] =	vst v5;
	v4 =	vadd.s32 $0x2710, v4;
	v5 =	vld [tilespmem:s26+$0xFFFFFFF0];
	s29 =	sadd.s32 $0x80, s29  }
0xaa: {  	v6 =	vld [tilespmem:s29+$0xFFFFFFC0];
	[tilespmem:s26+$0xFFFFFFE0] =	vst v4;
	v1 =	vadd.s32 $0x2710, v1  }
0xab: {  	v7 =	vld [tilespmem:s29+$0xFFFFFFD0];
	[tilespmem:s26+$0x0] =	vst v1;
	v0 =	vadd.s32 $0x2710, v0  }
.Ltmp7:
0xac: {  	v4 =	vld [tilespmem:s29+$0xFFFFFFE0];
	[tilespmem:s26+$0x10] =	vst v0;
	v0 =	vadd.s32 $0x2710, v2;
	(pc) =	sbr.rel @p3 .LBB2_8-.Ltmp7, $4  }
0xad: {  	v1 =	vld [tilespmem:s29+$0x0];
	[tilespmem:s26+$0x20] =	vst v0;
	v2 =	vadd.s32 $0x2710, v3  }
0xae: {  	v0 =	vld [tilespmem:s29+$0x10];
	v3 =	vadd.s32 $0x2710, v5;
	[tilespmem:s26+$0x30] =	vst v2  }
0xaf: {  	v5 =	vadd.s32 $0x2710, v6;
	v2 =	vld [tilespmem:s29+$0x20];
	[tilespmem:s26+$0xFFFFFFF0] =	vst v3;
	s26 =	smov.u32 s29  }
0xb0: {  	s28 =	sadd.s32 $0xFFFFFFFF, s28;
	[tilespmem:s29+$0xFFFFFFC0] =	vst v5;
	v5 =	vadd.s32 $0x2710, v7;
	v3 =	vld [tilespmem:s29+$0x30]  }
.LBB2_9:
0xb1: {  	[tilespmem:s26+$0xFFFFFFD0] =	vst v5;
	v4 =	vadd.s32 $0x2710, v4;
	v60 =	vld [tilespmem:s26+$0xFFFFFFF0]  }
0xb2: {  	[tilespmem:s26+$0xFFFFFFE0] =	vst v4;
	v1 =	vadd.s32 $0x2710, v1  }
0xb3: {  	[tilespmem:s26+$0x0] =	vst v1;
	v0 =	vadd.s32 $0x2710, v0  }
0xb4: {  	[tilespmem:s26+$0x10] =	vst v0;
	v61 =	vadd.s32 $0x2710, v2  }
0xb5: {  	[tilespmem:s26+$0x20] =	vst v61;
	v62 =	vadd.s32 $0x2710, v3  }
0xb6: {  	v63 =	vadd.s32 $0x2710, v60;
	[tilespmem:s26+$0x30] =	vst v62  }
0xb7: {  	[tilespmem:s26+$0xFFFFFFF0] =	vst v63  }
0xb8: {  	_ =	strace $0x80000057  }
0xb9: {  	[spmem:s18], [sflag:s17] =	dma.local [hbm:s11], $0x2780  }
0xba: {  	_ =	swait.ge [sflag:s19], $0x2780  }
0xbb: {  	[sflag:s19] =	ssyncset.done $0x0  }
0xbc: {  	[sflag:s19] =	ssyncadd.s32 $0xFFFFD880  }
0xbd: {  	[bflag:$0x0] =	sbarrier.arrive $0xFFFF  }
0xbe: {  	_ =	strace $0x90000057  }
0xbf: {  	s26 =	simm.s32 $0x0;
	_ =	strace $0x80000058  }
0xc0: {  	[tilespmem:s21], [sflag:$0x1] =	stream.indirect.gather [hbm4b:s4+s20], $0x80, s26, s20, $0x2000b8;
	[tilespmem:$0x1FC00] =	vst v63  }
0xc1: {  	s28 =	simm.s32 $0x80  }
0xc2: {  	[tilespmem:s22], [sflag:$0x2] =	stream.indirect.gather [hbm4b:s4+s20], $0x80, s28, s20, $0x2000b8;
	[tilespmem:$0x1FC00] =	vst v63  }
0xc3: {  	_ =	swait.ge [sflag:s23], $0x4000  }
0xc4: {  	[sflag:s23] =	ssyncset.done $0x0  }
0xc5: {  	s28 =	simm.s32 $0x2000;
	[sflag:s23] =	ssyncadd.s32 $0xFFFFC000  }
0xc6: {  	[spmem:s2] =	stream.indirect.scatter.add.f32 [tilespmem:s21], [sflag:$0x3], $0x80, s28, s20, $0x2000b8;
	[tilespmem:$0x1FC00] =	vst v63  }
0xc7: {  	_ =	swait.ge [sflag:s19], $0x4000  }
0xc8: {  	[sflag:s19] =	ssyncset.done $0x0  }
0xc9: {  	[sflag:s19] =	ssyncadd.s32 $0xFFFFC000  }
0xca: {  	_ =	swait.ge [sflag:s24], $0x4000  }
.Ltmp8:
0xcb: {  	[sflag:s24] =	ssyncset.done $0x0;
	(pc) =	sbr.rel @!p1 .LBB2_11-.Ltmp8, $4  }
0xcc: {  	s29 =	simm.s32 $0x2080;
	[sflag:s24] =	ssyncadd.s32 $0xFFFFC000  }
0xcd: {  	[spmem:s2] =	stream.indirect.scatter.add.f32 [tilespmem:s22], [sflag:$0x3], $0x80, s29, s20, $0x2000b8;
	[tilespmem:$0x1FC00] =	vst v63  }
0xce: {  	_ =	swait.ge [sflag:s19], $0x4000  }
0xcf: {  	s29 =	sadd.s32 $0xFFFFFFFF, s6;
	[sflag:s19] =	ssyncset.done $0x0  }
.LBB2_10:
0xd0: {  	[sflag:s19] =	ssyncadd.s32 $0xFFFFC000;
	s26 =	sadd.s32 $0x100, s26;
	s28 =	sadd.s32 $0x100, s28  }
0xd1: {  	[tilespmem:s21], [sflag:$0x1] =	stream.indirect.gather [hbm4b:s4+s20], $0x80, s26, s20, $0x2000b8;
	[tilespmem:$0x1FC00] =	vst v63  }
0xd2: {  	p3 =	sne.s32 s29, $0x1;
	s29 =	sadd.s32 $0xFFFFFFFF, s29;
	s30 =	sadd.s32 $0x80, s26  }
0xd3: {  	[tilespmem:s22], [sflag:$0x2] =	stream.indirect.gather [hbm4b:s4+s20], $0x80, s30, s20, $0x2000b8;
	[tilespmem:$0x1FC00] =	vst v63  }
0xd4: {  	_ =	swait.ge [sflag:s23], $0x4000  }
0xd5: {  	[sflag:s23] =	ssyncset.done $0x0  }
0xd6: {  	[sflag:s23] =	ssyncadd.s32 $0xFFFFC000  }
0xd7: {  	[spmem:s2] =	stream.indirect.scatter.add.f32 [tilespmem:s21], [sflag:$0x3], $0x80, s28, s20, $0x2000b8;
	[tilespmem:$0x1FC00] =	vst v63  }
0xd8: {  	_ =	swait.ge [sflag:s19], $0x4000  }
0xd9: {  	[sflag:s19] =	ssyncset.done $0x0  }
0xda: {  	[sflag:s19] =	ssyncadd.s32 $0xFFFFC000  }
0xdb: {  	_ =	swait.ge [sflag:s24], $0x4000  }
.Ltmp9:
0xdc: {  	[sflag:s24] =	ssyncset.done $0x0;
	(pc) =	sbr.rel @p3 .LBB2_10-.Ltmp9, $4  }
0xdd: {  	s30 =	sadd.s32 $0x80, s28;
	[sflag:s24] =	ssyncadd.s32 $0xFFFFC000  }
0xde: {  	[spmem:s2] =	stream.indirect.scatter.add.f32 [tilespmem:s22], [sflag:$0x3], $0x80, s30, s20, $0x2000b8;
	[tilespmem:$0x1FC00] =	vst v63  }
0xdf: {  	_ =	swait.ge [sflag:s19], $0x4000  }
0xe0: {  	[sflag:s19] =	ssyncset.done $0x0  }
.LBB2_11:
0xe1: {  	[sflag:s19] =	ssyncadd.s32 $0xFFFFC000  }
0xe2: {  	[bflag:$0x0] =	sbarrier.arrive $0xFFFF  }
0xe3: {  	_ =	strace $0x90000058  }
0xe4: {  	_ =	strace $0x80000059  }
0xe5: {  	[hbm:s14], [sflag:s17] =	dma.local [spmem:s18], $0x2780  }
0xe6: {  	_ =	swait.ge [sflag:s19], $0x2780  }
0xe7: {  	[sflag:s19] =	ssyncset.done $0x0  }
0xe8: {  	[sflag:s19] =	ssyncadd.s32 $0xFFFFD880  }
0xe9: {  	_ =	strace $0x90000059  }
0xea: {  	s26 =	simm.s32 $0x40;
	[bflag:$0x0] =	sbarrier.arrive $0xFFFF  }
0xeb: {  	v2 =	vld [tilespmem:s26+$0xFFFFFFC0]  }
0xec: {  	v3 =	vld [tilespmem:s26+$0xFFFFFFD0]  }
.Ltmp10:
0xed: {  	v4 =	vld [tilespmem:s26+$0xFFFFFFE0];
	(pc) =	sbr.rel @!p2 .LBB2_13-.Ltmp10, $4  }
0xee: {  	v1 =	vld [tilespmem:s26+$0x0]  }
0xef: {  	v0 =	vld [tilespmem:s26+$0x10]  }
0xf0: {  	v5 =	vadd.s32 $0x2710, v2;
	v2 =	vld [tilespmem:s26+$0x20]  }
0xf1: {  	s28 =	sadd.s32 $0xFFFFFFFF, s5;
	s29 =	simm.s32 $0x40;
	[tilespmem:s26+$0xFFFFFFC0] =	vst v5;
	v5 =	vadd.s32 $0x2710, v3;
	v3 =	vld [tilespmem:s26+$0x30]  }
.LBB2_12:
0xf2: {  	p2 =	sne.s32 s28, $0x1;
	[tilespmem:s26+$0xFFFFFFD0] =	vst v5;
	v4 =	vadd.s32 $0x2710, v4;
	v5 =	vld [tilespmem:s26+$0xFFFFFFF0];
	s29 =	sadd.s32 $0x80, s29  }
0xf3: {  	v6 =	vld [tilespmem:s29+$0xFFFFFFC0];
	[tilespmem:s26+$0xFFFFFFE0] =	vst v4;
	v1 =	vadd.s32 $0x2710, v1  }
0xf4: {  	v7 =	vld [tilespmem:s29+$0xFFFFFFD0];
	[tilespmem:s26+$0x0] =	vst v1;
	v0 =	vadd.s32 $0x2710, v0  }
.Ltmp11:
0xf5: {  	v4 =	vld [tilespmem:s29+$0xFFFFFFE0];
	[tilespmem:s26+$0x10] =	vst v0;
	v0 =	vadd.s32 $0x2710, v2;
	(pc) =	sbr.rel @p2 .LBB2_12-.Ltmp11, $4  }
0xf6: {  	v1 =	vld [tilespmem:s29+$0x0];
	[tilespmem:s26+$0x20] =	vst v0;
	v2 =	vadd.s32 $0x2710, v3  }
0xf7: {  	v0 =	vld [tilespmem:s29+$0x10];
	v3 =	vadd.s32 $0x2710, v5;
	[tilespmem:s26+$0x30] =	vst v2  }
0xf8: {  	v5 =	vadd.s32 $0x2710, v6;
	v2 =	vld [tilespmem:s29+$0x20];
	[tilespmem:s26+$0xFFFFFFF0] =	vst v3;
	s26 =	smov.u32 s29  }
0xf9: {  	s28 =	sadd.s32 $0xFFFFFFFF, s28;
	[tilespmem:s29+$0xFFFFFFC0] =	vst v5;
	v5 =	vadd.s32 $0x2710, v7;
	v3 =	vld [tilespmem:s29+$0x30]  }
.LBB2_13:
0xfa: {  	[tilespmem:s26+$0xFFFFFFD0] =	vst v5;
	v4 =	vadd.s32 $0x2710, v4;
	v60 =	vld [tilespmem:s26+$0xFFFFFFF0]  }
0xfb: {  	[tilespmem:s26+$0xFFFFFFE0] =	vst v4;
	v1 =	vadd.s32 $0x2710, v1  }
0xfc: {  	[tilespmem:s26+$0x0] =	vst v1;
	v0 =	vadd.s32 $0x2710, v0  }
0xfd: {  	[tilespmem:s26+$0x10] =	vst v0;
	v61 =	vadd.s32 $0x2710, v2  }
0xfe: {  	[tilespmem:s26+$0x20] =	vst v61;
	v62 =	vadd.s32 $0x2710, v3  }
0xff: {  	v63 =	vadd.s32 $0x2710, v60;
	[tilespmem:s26+$0x30] =	vst v62  }
0x100: {  	[tilespmem:s26+$0xFFFFFFF0] =	vst v63  }
0x101: {  	_ =	strace $0x8000005A  }
0x102: {  	[spmem:s18], [sflag:s17] =	dma.local [hbm:s11], $0x2780  }
0x103: {  	_ =	swait.ge [sflag:s19], $0x2780  }
0x104: {  	[sflag:s19] =	ssyncset.done $0x0  }
0x105: {  	[sflag:s19] =	ssyncadd.s32 $0xFFFFD880  }
0x106: {  	[bflag:$0x0] =	sbarrier.arrive $0xFFFF  }
0x107: {  	_ =	strace $0x9000005A  }
0x108: {  	s26 =	simm.s32 $0x0;
	_ =	strace $0x8000005B  }
0x109: {  	[tilespmem:s21], [sflag:$0x1] =	stream.indirect.gather [hbm4b:s4+s20], $0x80, s26, s20, $0x2000b8;
	[tilespmem:$0x1FC00] =	vst v63  }
0x10a: {  	s28 =	simm.s32 $0x80  }
0x10b: {  	[tilespmem:s22], [sflag:$0x2] =	stream.indirect.gather [hbm4b:s4+s20], $0x80, s28, s20, $0x2000b8;
	[tilespmem:$0x1FC00] =	vst v63  }
0x10c: {  	_ =	swait.ge [sflag:s23], $0x4000  }
0x10d: {  	[sflag:s23] =	ssyncset.done $0x0  }
0x10e: {  	s28 =	simm.s32 $0x2000;
	[sflag:s23] =	ssyncadd.s32 $0xFFFFC000  }
0x10f: {  	[spmem:s2] =	stream.indirect.scatter.add.f32 [tilespmem:s21], [sflag:$0x3], $0x80, s28, s20, $0x2000b8;
	[tilespmem:$0x1FC00] =	vst v63  }
0x110: {  	_ =	swait.ge [sflag:s19], $0x4000  }
0x111: {  	[sflag:s19] =	ssyncset.done $0x0  }
0x112: {  	[sflag:s19] =	ssyncadd.s32 $0xFFFFC000  }
0x113: {  	_ =	swait.ge [sflag:s24], $0x4000  }
.Ltmp12:
0x114: {  	[sflag:s24] =	ssyncset.done $0x0;
	(pc) =	sbr.rel @!p1 .LBB2_15-.Ltmp12, $4  }
0x115: {  	s29 =	simm.s32 $0x2080;
	[sflag:s24] =	ssyncadd.s32 $0xFFFFC000  }
0x116: {  	[spmem:s2] =	stream.indirect.scatter.add.f32 [tilespmem:s22], [sflag:$0x3], $0x80, s29, s20, $0x2000b8;
	[tilespmem:$0x1FC00] =	vst v63  }
0x117: {  	_ =	swait.ge [sflag:s19], $0x4000  }
0x118: {  	s29 =	sadd.s32 $0xFFFFFFFF, s6;
	[sflag:s19] =	ssyncset.done $0x0  }
.LBB2_14:
0x119: {  	[sflag:s19] =	ssyncadd.s32 $0xFFFFC000;
	s26 =	sadd.s32 $0x100, s26;
	s28 =	sadd.s32 $0x100, s28  }
0x11a: {  	[tilespmem:s21], [sflag:$0x1] =	stream.indirect.gather [hbm4b:s4+s20], $0x80, s26, s20, $0x2000b8;
	[tilespmem:$0x1FC00] =	vst v63  }
0x11b: {  	p1 =	sne.s32 s29, $0x1;
	s29 =	sadd.s32 $0xFFFFFFFF, s29;
	s30 =	sadd.s32 $0x80, s26  }
0x11c: {  	[tilespmem:s22], [sflag:$0x2] =	stream.indirect.gather [hbm4b:s4+s20], $0x80, s30, s20, $0x2000b8;
	[tilespmem:$0x1FC00] =	vst v63  }
0x11d: {  	_ =	swait.ge [sflag:s23], $0x4000  }
0x11e: {  	[sflag:s23] =	ssyncset.done $0x0  }
0x11f: {  	[sflag:s23] =	ssyncadd.s32 $0xFFFFC000  }
0x120: {  	[spmem:s2] =	stream.indirect.scatter.add.f32 [tilespmem:s21], [sflag:$0x3], $0x80, s28, s20, $0x2000b8;
	[tilespmem:$0x1FC00] =	vst v63  }
0x121: {  	_ =	swait.ge [sflag:s19], $0x4000  }
0x122: {  	[sflag:s19] =	ssyncset.done $0x0  }
0x123: {  	[sflag:s19] =	ssyncadd.s32 $0xFFFFC000  }
0x124: {  	_ =	swait.ge [sflag:s24], $0x4000  }
.Ltmp13:
0x125: {  	[sflag:s24] =	ssyncset.done $0x0;
	(pc) =	sbr.rel @p1 .LBB2_14-.Ltmp13, $4  }
0x126: {  	s30 =	sadd.s32 $0x80, s28;
	[sflag:s24] =	ssyncadd.s32 $0xFFFFC000  }
0x127: {  	[spmem:s2] =	stream.indirect.scatter.add.f32 [tilespmem:s22], [sflag:$0x3], $0x80, s30, s20, $0x2000b8;
	[tilespmem:$0x1FC00] =	vst v63  }
0x128: {  	_ =	swait.ge [sflag:s19], $0x4000  }
0x129: {  	[sflag:s19] =	ssyncset.done $0x0  }
.LBB2_15:
0x12a: {  	[sflag:s19] =	ssyncadd.s32 $0xFFFFC000  }
0x12b: {  	[bflag:$0x0] =	sbarrier.arrive $0xFFFF  }
0x12c: {  	s25 =	sadd.s32 $0x1, s25;
	_ =	strace $0x9000005B  }
0x12d: {  	p1 =	sne.s32 s25, s16;
	_ =	strace $0x8000005C  }
0x12e: {  	[hbm:s15], [sflag:s17] =	dma.local [spmem:s18], $0x2780  }
.Ltmp14:
0x12f: {  	_ = 	snop;
	(pc) =	sbr.rel @p1 .LBB2_1-.Ltmp14, $4  }
0x130: {  	_ =	swait.ge [sflag:s19], $0x2780  }
0x131: {  	[sflag:s19] =	ssyncset.done $0x0  }
0x132: {  	[sflag:s19] =	ssyncadd.s32 $0xFFFFD880  }
0x133: {  	_ =	strace $0x9000005C  }
0x134: {  	_ =	sfence.sel $0x180000  }
0x135: {  	[bflag:$0x0] =	sbarrier.arrive $0xFFFF  }
0x136: {  	p0 =	sne.s32 s1, $0x0;
	_ =	strace $0x90000050  }
0x137: {  	s0 =	sadd.s32 @!p0 $0x100000, s0;
	[bflag:$0x2] =	sbarrier.arrive $0xFFFF  }
0x138: {  	[sflag:s0] =	ssyncadd.tile.s32 @!p0 $0x1;
	_ =	shalt  }
.Lfunc_end2:
_tile_overlayer_lowered:
.L_overlay_start_2:
0x139: {  	(tag) =	ssettag $0x2  }
0x13a: {  	s0 =	rddreg [dreg:$0x0];
	s2 =	stileid.u32  }
0x13b: {  	s1 =	rddreg [dreg:$0x1];
	p0 =	sne.s32 s2, $0x0  }
0x13c: {  	s3 =	rddreg [dreg:$0x2];
	[bflag:$0x3] =	sbarrier.arrive $0xFFFF;
	s2 =	simm.s32 @!p0 $0x1C03  }
0x13d: {  	[timem:s3], [sflag:s2] =	dma.local @!p0 [hbm:s0], s1  }
0x13e: {  	s0 =	simm.s32 @!p0 $0x3  }
0x13f: {  	_ =	swait.ge @!p0 [sflag:s0], s1  }
0x140: {  	s1 =	ssub.s32 @!p0 $0x0, s1;
	[sflag:s0] =	ssyncset.done @!p0 $0x0  }
0x141: {  	[sflag:s0] =	ssyncadd.s32 @!p0 s1  }
0x142: {  	[bflag:$0x3] =	sbarrier.arrive $0xFFFF  }
0x143: {  	_ =	shalt  }

// kernel: kernel.15.cloned.1.call-start
scs
__scs_entry_jumppad:
0x0: {  	(pc) =	sbr.rel $0x88, $3  }
0x1: {  	(tag) =	ssettag $0x0;
	lr =	simm.s32 $0x1  }
0x2: {  	[smem:$0x3F96] =	sst lr;
	_ =	strace $0xD0000000  }
0x3: {  	_ = 	snop  }
0x4: {  	_ = 	snop  }
0x5: {  	_ = 	snop  }
0x6: {  	_ = 	snop  }
0x7: {  	_ = 	snop  }
__scs_overlays_trampoline_lowered:
0x8: {  	[smem:$0x3FA5] =	sst s0  }
0x9: {  	[smem:$0x3FA6] =	sst s1  }
0xa: {  	[smem:$0x3FA7] =	sst s2  }
0xb: {  	[smem:$0x3FA8] =	sst s3  }
0xc: {  	[smem:$0x3FA9] =	sst s4  }
0xd: {  	[smem:$0x3FAA] =	sst s5  }
0xe: {  	[smem:$0x3FAB] =	sst s6  }
0xf: {  	[smem:$0x3FAC] =	sst s7  }
0x10: {  	[smem:$0x3FAD] =	sst s8  }
0x11: {  	[smem:$0x3FAE] =	sst s9;
	s0 =	simm.s32 @!p0 $0x0  }
0x12: {  	s1 =	sld [smem:$0x3F94];
	s0 =	simm.s32 @p0 $0x1  }
0x13: {  	[smem:$0x3FAF] =	sst s0;
	s0 =	simm.s32 @!p1 $0x0  }
0x14: {  	s2 =	sld [smem:$0x3F93];
	s0 =	simm.s32 @p1 $0x1  }
0x15: {  	[smem:$0x3FB0] =	sst s0;
	s0 =	simm.s32 @!p2 $0x0  }
0x16: {  	s3 =	sld [smem:$0x3FDB];
	s0 =	simm.s32 @p2 $0x1  }
0x17: {  	s4 =	simm.s32 $0x1BF5;
	[smem:$0x3FB2] =	sst s0  }
0x18: {  	s0 =	sld [smem:$0x3F95];
	_ =	swait.ge [sflag:s4], $0x0  }
0x19: {  	s7 =	sld [smem:$0x3F96]  }
0x1a: {  	s8 =	sadd.s32 $0xFFFFE003, lr  }
0x1b: {  	s9 =	sadd.s32 $0xFFFFFEF7, lr;
	s5 =	simm.s32 $0xFFFFFFFF;
	p2 =	slt.u32 s8, $0xFFFFF086  }
0x1c: {  	p1 =	slt.u32 s9, $0xF7A;
	s5 =	simm.s32 @!p2 $0x0  }
0x1d: {  	s5 =	simm.s32 @p1 $0x1;
	p0 =	seq.s32 s7, s2  }
0x1e: {  	s7 =	smul.u32 @!p0 $0xF7A, s2;
	p2 =	seq.s32 @!p0 s5, $0x0  }
0x1f: {  	s9 =	smul.u32 $0xF7A, s1;
	s8 =	simm.s32 @!p0 $0x1BF5;
	p2 =	por !p2, p0  }
0x20: {  	[sflag:s8] =	ssyncset.s32 @!p0 $0xFFFFF086;
	s6 =	sadd.s32 @!p0 s3, s7;
	s7 =	simm.s32 @!p0 $0x108  }
0x21: {  	s3 =	sadd.s32 s3, s9;
	s6 =	sadd.s32 @!p0 $0x88, s6;
	s7 =	simm.s32 @p2 $0x1082  }
0x22: {  	[simem:s7], [sflag:s8] =	dma.local @!p0 [hbm:s6], $0xF7A  }
0x23: {  	s9 =	sor.u32 $0xD0000000, s2;
	s6 =	simm.s32 $0x108;
	_ =	swait.ge @!p0 [sflag:s8], $0x0  }
0x24: {  	s3 =	sadd.s32 $0x88, s3;
	s6 =	simm.s32 @!p1 $0x1082;
	[sflag:s4] =	ssyncset.s32 $0xFFFFF086  }
0x25: {  	[simem:s6], [sflag:s4] =	dma.local [hbm:s3], $0xF7A  }
0x26: {  	[smem:$0x3F96] =	sst s1;
	(tag) =	ssettag s2;
	_ =	strace s9  }
0x27: {  	s1 =	sld [smem:$0x3FA6]  }
0x28: {  	s2 =	sld [smem:$0x3FA7]  }
0x29: {  	s4 =	sld [smem:$0x3FA9]  }
0x2a: {  	p0 =	seq.s32 s5, $0x0;
	s5 =	sld [smem:$0x3FAA]  }
0x2b: {  	s6 =	sld [smem:$0x3FAB]  }
0x2c: {  	s7 =	sld [smem:$0x3FAC]  }
0x2d: {  	s3 =	simm.s32 $0x108;
	s8 =	sld [smem:$0x3FAD]  }
0x2e: {  	s3 =	simm.s32 @!p0 $0x1082;
	s9 =	sld [smem:$0x3FAE]  }
0x2f: {  	lr =	sadd.s32 s0, s3;
	s0 =	sld [smem:$0x3FA5]  }
0x30: {  	s3 =	sld [smem:$0x3FA8]  }
0x31: {  	[smem:$0x3FB1] =	sst s10  }
0x32: {  	s10 =	sld [smem:$0x3FAF];
	_ =	sdelay $0x3  }
0x33: {  	p0 =	seq.s32 s10, $0x1;
	s10 =	sld [smem:$0x3FB1];
	_ =	sdelay $0x3  }
0x34: {  	[smem:$0x3FB1] =	sst s10  }
0x35: {  	s10 =	sld [smem:$0x3FB0];
	_ =	sdelay $0x3  }
0x36: {  	p1 =	seq.s32 s10, $0x1;
	s10 =	sld [smem:$0x3FB1];
	_ =	sdelay $0x3  }
0x37: {  	[smem:$0x3FB1] =	sst s10  }
0x38: {  	s10 =	sld [smem:$0x3FB2]  }
0x39: {  	_ = 	snop;
	(pc) =	sbr.ind lr, $3  }
0x3a: {  	_ = 	snop  }
0x3b: {  	_ = 	snop  }
0x3c: {  	p2 =	seq.s32 s10, $0x1;
	s10 =	sld [smem:$0x3FB1]  }
0x3d: {  	_ =	shalt  }
0x3e: {  	_ =	shalt  }
0x3f: {  	_ =	shalt  }
0x40: {  	_ =	shalt  }
0x41: {  	_ =	shalt  }
0x42: {  	_ =	shalt  }
0x43: {  	_ =	shalt  }
0x44: {  	_ =	shalt  }
0x45: {  	_ =	shalt  }
0x46: {  	_ =	shalt  }
0x47: {  	_ =	shalt  }
0x48: {  	_ =	shalt  }
0x49: {  	_ =	shalt  }
0x4a: {  	_ =	shalt  }
0x4b: {  	_ =	shalt  }
0x4c: {  	_ =	shalt  }
0x4d: {  	_ =	shalt  }
0x4e: {  	_ =	shalt  }
0x4f: {  	_ =	shalt  }
0x50: {  	_ =	shalt  }
0x51: {  	_ =	shalt  }
0x52: {  	_ =	shalt  }
0x53: {  	_ =	shalt  }
0x54: {  	_ =	shalt  }
0x55: {  	_ =	shalt  }
0x56: {  	_ =	shalt  }
0x57: {  	_ =	shalt  }
0x58: {  	_ =	shalt  }
0x59: {  	_ =	shalt  }
0x5a: {  	_ =	shalt  }
0x5b: {  	_ =	shalt  }
0x5c: {  	_ =	shalt  }
0x5d: {  	_ =	shalt  }
0x5e: {  	_ =	shalt  }
0x5f: {  	_ =	shalt  }
0x60: {  	_ =	shalt  }
0x61: {  	_ =	shalt  }
0x62: {  	_ =	shalt  }
0x63: {  	_ =	shalt  }
0x64: {  	_ =	shalt  }
0x65: {  	_ =	shalt  }
0x66: {  	_ =	shalt  }
0x67: {  	_ =	shalt  }
0x68: {  	_ =	shalt  }
0x69: {  	_ =	shalt  }
0x6a: {  	_ =	shalt  }
0x6b: {  	_ =	shalt  }
0x6c: {  	_ =	shalt  }
0x6d: {  	_ =	shalt  }
0x6e: {  	_ =	shalt  }
0x6f: {  	_ =	shalt  }
0x70: {  	_ =	shalt  }
0x71: {  	_ =	shalt  }
0x72: {  	_ =	shalt  }
0x73: {  	_ =	shalt  }
0x74: {  	_ =	shalt  }
0x75: {  	_ =	shalt  }
0x76: {  	_ =	shalt  }
0x77: {  	_ =	shalt  }
0x78: {  	_ =	shalt  }
0x79: {  	_ =	shalt  }
0x7a: {  	_ =	shalt  }
0x7b: {  	_ =	shalt  }
0x7c: {  	_ =	shalt  }
0x7d: {  	_ =	shalt  }
0x7e: {  	_ =	shalt  }
0x7f: {  	_ =	shalt  }
0x80: {  	_ =	shalt  }
0x81: {  	_ =	shalt  }
0x82: {  	_ =	shalt  }
0x83: {  	_ =	shalt  }
0x84: {  	_ =	shalt  }
0x85: {  	_ =	shalt  }
0x86: {  	_ =	shalt  }
0x87: {  	_ =	shalt  }
.Lfunc_end0:
.L_simem_size_0:
called_computation.2_lowered:
.L_overlay_start_0:
0x88: {  	s2 =	sld [smem:$0x3FD9]  }
0x89: {  	s3 =	sld [smem:$0x3FFE];
	_ =	sdelay $0x1  }
0x8a: {  	s1 =	srdreg.scid  }
0x8b: {  	s0 =	sand.u32 $0x1, s1  }
0x8c: {  	s16 =	sshll.u32 s0, $0xA;
	s2 =	sadd.s32 s3, s2  }
0x8d: {  	s2 =	sadd.s32 s2, s16  }
0x8e: {  	[smem:$0x3FBD] =	sst s2  }
0x8f: {  	_ = 	snop  }
0x90: {  	(tm) =	ssettm $0x1  }
0x91: {  	s17 =	sld [smem:$0x3FFB];
	_ =	sdelay $0x3  }
0x92: {  	_ =	strace s17  }
0x93: {  	s2 =	sld [smem:$0x3FFC];
	_ =	sdelay $0x3  }
0x94: {  	_ =	strace s2  }
0x95: {  	s2 =	sld [smem:$0x3FFD];
	_ =	sdelay $0x3  }
0x96: {  	_ =	strace s2  }
0x97: {  	_ =	strace $0x8FFFFFFF  }
0x98: {  	s18 =	sld [smem:$0x3FDB];
	_ =	sdelay $0x1  }
0x99: {  	s19 =	simm.s32 $_scs_section_size  }
0x9a: {  	s4 =	simm.s32 $_size__tile_overlayer_lowered;
	s5 =	simm.s32 $_tile_overlayer_lowered  }
0x9b: {  	s22 =	simm.s32 $0x1BFF;
	s21 =	sshll.u32 s5, $0x1;
	s2 =	sadd.s32 s19, s18  }
0x9c: {  	s6 =	simm.s32 $0x0;
	s20 =	sshll.u32 s4, $0x1;
	s4 =	sadd.s32 s21, s2  }
0x9d: {  	[timem:s6], [sflag:s22] =	dma.local [hbm:s4], s20  }
0x9e: {  	_ =	swait.ge [sflag:s22], s20  }
0x9f: {  	s3 =	ssub.s32 $0x0, s20;
	[sflag:s22] =	ssyncset.done $0x0  }
0xa0: {  	[sflag:s22] =	ssyncadd.s32 s3;
	_ =	sdelay $0x1  }
0xa1: {  	s23 =	simm.s32 $0x1B8B  }
0xa2: {  	_ =	swait.ge [sflag:s23], $0x1  }
0xa3: {  	[sflag:s23] =	ssyncset.done $0x0  }
0xa4: {  	s25 =	simm.s32 $0x1B8E;
	s24 =	sld [smem:$0x3FFE];
	[sflag:s23] =	ssyncadd.s32 $0xFFFFFFFF  }
0xa5: {  	s26 =	simm.s32 $execute0_lowered;
	[smem:$0x3FD2] =	sst s25  }
0xa6: {  	s4 =	sshll.u32 s26, $0x1;
	_ =	strace $0x8000005E;
	[dreg:$0x1] =	wrdreg $0xFFFFFFFF  }
0xa7: {  	s28 =	simm.s32 $_size_execute0_lowered;
	s2 =	sadd.s32 s2, s4;
	[dreg:$0x0] =	wrdreg $0x0  }
0xa8: {  	s4 =	sshll.u32 s28, $0x1;
	[dreg:$0x2] =	wrdreg s2  }
0xa9: {  	[dreg:$0x3] =	wrdreg s4  }
0xaa: {  	[dreg:$0x4] =	wrdreg $0xC0  }
0xab: {  	_ =	task [dreg:s6], $0x5FFFF  }
0xac: {  	[dreg:$0x1] =	wrdreg $0xFFFFFFFF  }
0xad: {  	[dreg:$0x0] =	wrdreg $0x60  }
0xae: {  	[dreg:$0x2] =	wrdreg s24  }
0xaf: {  	[dreg:$0x3] =	wrdreg $0xC0000  }
0xb0: {  	[dreg:$0x4] =	wrdreg $0x9  }
0xb1: {  	_ =	task.clear_ibuf [dreg:s6], $0x5FFFF;
	_ =	strace $0x9000005E  }
0xb2: {  	s29 =	simm.s32 $0x9;
	_ =	strace $0x80000063  }
0xb3: {  	_ =	swait.ge [sflag:s29], $0x1  }
0xb4: {  	[sflag:s29] =	ssyncadd.s32 $0xFFFFFFFF  }
0xb5: {  	_ =	strace $0x90000063  }
0xb6: {  	_ =	sfence  }
0xb7: {  	s30 =	sld [smem:$0x0];
	_ =	sdelay $0x2  }
0xb8: {  	s31 =	sshll.u32 s1, $0xD;
	s1 =	sshrl.u32 s1, $0x2  }
0xb9: {  	s3 =	sand.u32 $0x4000, s31;
	s1 =	sadd.s32 s1, s30  }
0xba: {  	s0 =	sor.u32 s3, s0;
	s1 =	sshll.u32 s1, $0x11  }
0xbb: {  	s0 =	sor.u32 s1, s0  }
0xbc: {  	s0 =	sadd.s32 $0x8F2B, s0  }
0xbd: {  	[sflag:s0] =	ssyncadd.remote.s32 $0x1  }
0xbe: {  	_ =	sfence.sel $0xFFFF  }
0xbf: {  	[dreg:$0x0] =	wrdreg $0xFFFFFFFF;
	(pc) =	sbr.abs _section_cstart, $3  }
0xc0: {  	[dreg:$0x1] =	wrdreg $0xFFFFFFFF  }
0xc1: {  	_ =	task.clear_ibuf [dreg:s6], $0x2FFFF;
	_ =	strace $0x9FFFFFFF  }
0xc2: {  	(tm) =	ssettm $0x7FFFFFFF  }
0xc3: {  	_ =	shalt  }
tec
execute0_lowered:
.L_overlay_start_1:
0x0: {  	(tag) =	ssettag $0x1  }
0x1: {  	s5 =	rddreg [dreg:$0x0]  }
0x2: {  	s2 =	rddreg [dreg:$0x1]  }
0x3: {  	s0 =	rddreg [dreg:$0x2];
	s1 =	stileid.u32  }
0x4: {  	s4 =	srdreg.scid;
	s3 =	simm.s32 $0x0;
	s17 =	simm.s32 $0x4000  }
0x5: {  	s18 =	simm.s32 $0x8000;
	s19 =	simm.s32 $0x1;
	s20 =	simm.s32 $0x2  }
0x6: {  	s21 =	simm.s32 $0x0;
	s6 =	smul.u32 $0x13C00, s1;
	s13 =	sand.u32 $0x1, s4  }
0x7: {  	[smem:$0x7FF] =	sst s3;
	s4 =	sadd.s32 $0x3A00, s5;
	s8 =	sadd.s32 $0x56C00, s5  }
0x8: {  	s9 =	sadd.s32 $0x51C00, s5;
	s26 =	sshll.u32 s1, $0x8;
	s29 =	smul.u32 $0x4F000, s1  }
0x9: {  	s30 =	sshll.u32 s1, $0xA;
	s31 =	sshll.u32 s1, $0x6;
	s7 =	smul.u32 $0x13C000, s13  }
0xa: {  	_ =	strace $0x8000005F;
	s10 =	ssub.s32 $0x2, s13;
	p0 =	seq.s32 s13, $0x0  }
0xb: {  	s28 =	sor.u32 $0x4000, s26;
	s11 =	sshrl.u32 s10, $0x1;
	s7 =	sadd.s32 s6, s7  }
0xc: {  	s6 =	sshrl.u32 s6, $0x3;
	s15 =	ssub.s32 s10, s11;
	s10 =	sshrl.u32 s29, $0x2  }
0xd: {  	s7 =	sshrl.u32 s7, $0x3;
	s12 =	sadd.s32 s6, s5;
	s6 =	sadd.s32 s8, s28  }
0xe: {  	s8 =	sadd.s32 s8, s30;
	s16 =	sadd.s32 s10, s2;
	s14 =	sadd.s32 s7, s5  }
0xf: {  	s5 =	simm.s32 $0x20;
	s7 =	sadd.s32 s9, s28;
	s9 =	sadd.s32 s9, s30  }
0x10: {  	s10 =	sadd.s32 $0x5BC00, s12;
	s12 =	smax.u32 s15, $0x1;
	s15 =	simm.s32 $0x3  }
0x11: {  	s5 =	simm.s32 @!p0 $0x8;
	s11 =	sadd.s32 $0x83400, s14;
	p0 =	sne.s32 s13, $0x0  }
0x12: {  	s13 =	sor.u32 $0x1C03, s31;
	s14 =	sshrl.u32 s16, $0x3;
	s16 =	simm.s32 $0x80  }
.LBB2_1:
0x13: {  	s22 =	simm.s32 @p0 $0x0;
	s23 =	simm.s32 @p0 $0x3  }
0x14: {  	[tilespmem:s22], [sflag:$0x3] =	stream.linear.gather @p0 [hbm4b:s6+s22], $0x800, $0x38;
	[tilespmem:$0x1FC00] =	vst v63  }
0x15: {  	_ =	swait.ge @p0 [sflag:s23], $0x800  }
0x16: {  	[sflag:s23] =	ssyncset.done @p0 $0x0  }
0x17: {  	s24 =	simm.s32 @p0 $0x2000;
	[sflag:s23] =	ssyncadd.s32 @p0 $0xFFFFF800  }
0x18: {  	[tilespmem:s24], [sflag:$0x3] =	stream.linear.gather @p0 [hbm4b:s7+s22], $0x800, $0x38;
	[tilespmem:$0x1FC00] =	vst v63  }
0x19: {  	_ =	swait.ge @p0 [sflag:s23], $0x800  }
0x1a: {  	[sflag:s23] =	ssyncset.done @p0 $0x0  }
0x1b: {  	s22 =	simm.s32 @!p0 $0x0;
	[sflag:s23] =	ssyncadd.s32 @p0 $0xFFFFF800;
	s23 =	simm.s32 @!p0 $0x3  }
0x1c: {  	[tilespmem:s22], [sflag:$0x3] =	stream.linear.gather @!p0 [hbm4b:s8+s22], $0x2000, $0x38;
	[tilespmem:$0x1FC00] =	vst v63  }
0x1d: {  	_ =	swait.ge @!p0 [sflag:s23], $0x2000  }
0x1e: {  	[sflag:s23] =	ssyncset.done @!p0 $0x0  }
0x1f: {  	s24 =	simm.s32 @!p0 $0x2000;
	[sflag:s23] =	ssyncadd.s32 @!p0 $0xFFFFE000  }
0x20: {  	[tilespmem:s24], [sflag:$0x3] =	stream.linear.gather @!p0 [hbm4b:s9+s22], $0x2000, $0x38;
	[tilespmem:$0x1FC00] =	vst v63  }
0x21: {  	_ =	swait.ge @!p0 [sflag:s23], $0x2000  }
0x22: {  	[sflag:s23] =	ssyncset.done @!p0 $0x0  }
0x23: {  	[sflag:s23] =	ssyncadd.s32 @!p0 $0xFFFFE000  }
0x24: {  	_ =	strace $0x80000060  }
0x25: {  	[spmem:s14], [sflag:s13] =	dma.local [hbm:s10], $0x2780  }
0x26: {  	_ =	swait.ge [sflag:s15], $0x2780  }
0x27: {  	[sflag:s15] =	ssyncset.done $0x0  }
0x28: {  	[sflag:s15] =	ssyncadd.s32 $0xFFFFD880  }
0x29: {  	[bflag:$0x0] =	sbarrier.arrive $0xFFFF  }
0x2a: {  	_ =	strace $0x90000060  }
0x2b: {  	_ =	strace $0x80000061  }
0x2c: {  	[tilespmem:s17], [sflag:$0x1] =	stream.indirect.gather [hbm4b:s4+s16], $0x80, s3, s16, $0x2000b8;
	[tilespmem:$0x1FC00] =	vst v63  }
0x2d: {  	s30 =	simm.s32 $0x80  }
0x2e: {  	[tilespmem:s18], [sflag:$0x2] =	stream.indirect.gather [hbm4b:s4+s16], $0x80, s30, s16, $0x2000b8;
	[tilespmem:$0x1FC00] =	vst v63  }
0x2f: {  	_ =	swait.ge [sflag:s19], $0x4000  }
0x30: {  	[sflag:s19] =	ssyncset.done $0x0  }
0x31: {  	s22 =	simm.s32 $0x2000;
	[sflag:s19] =	ssyncadd.s32 $0xFFFFC000  }
0x32: {  	[spmem:s2] =	stream.indirect.scatter.add.f32 [tilespmem:s17], [sflag:$0x3], $0x80, s22, s16, $0x2000b8;
	[tilespmem:$0x1FC00] =	vst v63  }
0x33: {  	_ =	swait.ge [sflag:s15], $0x4000  }
0x34: {  	[sflag:s15] =	ssyncset.done $0x0  }
0x35: {  	[sflag:s15] =	ssyncadd.s32 $0xFFFFC000  }
0x36: {  	p1 =	sne.s32 s5, $0x1;
	_ =	swait.ge [sflag:s20], $0x4000  }
.Ltmp0:
0x37: {  	[sflag:s20] =	ssyncset.done $0x0;
	(pc) =	sbr.rel @!p1 .LBB2_3-.Ltmp0, $4  }
0x38: {  	s31 =	simm.s32 $0x2080;
	[sflag:s20] =	ssyncadd.s32 $0xFFFFC000  }
0x39: {  	[spmem:s2] =	stream.indirect.scatter.add.f32 [tilespmem:s18], [sflag:$0x3], $0x80, s31, s16, $0x2000b8;
	[tilespmem:$0x1FC00] =	vst v63  }
0x3a: {  	_ =	swait.ge [sflag:s15], $0x4000  }
0x3b: {  	s24 =	simm.s32 $0x0;
	s23 =	sadd.s32 $0xFFFFFFFF, s5;
	[sflag:s15] =	ssyncset.done $0x0  }
.LBB2_2:
0x3c: {  	[sflag:s15] =	ssyncadd.s32 $0xFFFFC000;
	s24 =	sadd.s32 $0x100, s24;
	s22 =	sadd.s32 $0x100, s22  }
0x3d: {  	[tilespmem:s17], [sflag:$0x1] =	stream.indirect.gather [hbm4b:s4+s16], $0x80, s24, s16, $0x2000b8;
	[tilespmem:$0x1FC00] =	vst v63  }
0x3e: {  	p1 =	sne.s32 s23, $0x1;
	s23 =	sadd.s32 $0xFFFFFFFF, s23;
	s25 =	sadd.s32 $0x80, s24  }
0x3f: {  	[tilespmem:s18], [sflag:$0x2] =	stream.indirect.gather [hbm4b:s4+s16], $0x80, s25, s16, $0x2000b8;
	[tilespmem:$0x1FC00] =	vst v63  }
0x40: {  	_ =	swait.ge [sflag:s19], $0x4000  }
0x41: {  	[sflag:s19] =	ssyncset.done $0x0  }
0x42: {  	[sflag:s19] =	ssyncadd.s32 $0xFFFFC000  }
0x43: {  	[spmem:s2] =	stream.indirect.scatter.add.f32 [tilespmem:s17], [sflag:$0x3], $0x80, s22, s16, $0x2000b8;
	[tilespmem:$0x1FC00] =	vst v63  }
0x44: {  	_ =	swait.ge [sflag:s15], $0x4000  }
0x45: {  	[sflag:s15] =	ssyncset.done $0x0  }
0x46: {  	[sflag:s15] =	ssyncadd.s32 $0xFFFFC000  }
0x47: {  	_ =	swait.ge [sflag:s20], $0x4000  }
.Ltmp1:
0x48: {  	[sflag:s20] =	ssyncset.done $0x0;
	(pc) =	sbr.rel @p1 .LBB2_2-.Ltmp1, $4  }
0x49: {  	s25 =	sadd.s32 $0x80, s22;
	[sflag:s20] =	ssyncadd.s32 $0xFFFFC000  }
0x4a: {  	[spmem:s2] =	stream.indirect.scatter.add.f32 [tilespmem:s18], [sflag:$0x3], $0x80, s25, s16, $0x2000b8;
	[tilespmem:$0x1FC00] =	vst v63  }
0x4b: {  	_ =	swait.ge [sflag:s15], $0x4000  }
0x4c: {  	[sflag:s15] =	ssyncset.done $0x0  }
.LBB2_3:
0x4d: {  	[sflag:s15] =	ssyncadd.s32 $0xFFFFC000  }
0x4e: {  	[bflag:$0x0] =	sbarrier.arrive $0xFFFF  }
0x4f: {  	s21 =	sadd.s32 $0x1, s21;
	_ =	strace $0x90000061  }
0x50: {  	p1 =	sne.s32 s21, s12;
	_ =	strace $0x80000062  }
0x51: {  	[hbm:s11], [sflag:s13] =	dma.local [spmem:s14], $0x2780  }
.Ltmp2:
0x52: {  	_ = 	snop;
	(pc) =	sbr.rel @p1 .LBB2_1-.Ltmp2, $4  }
0x53: {  	_ =	swait.ge [sflag:s15], $0x2780  }
0x54: {  	[sflag:s15] =	ssyncset.done $0x0  }
0x55: {  	[sflag:s15] =	ssyncadd.s32 $0xFFFFD880  }
0x56: {  	_ =	strace $0x90000062  }
0x57: {  	_ =	sfence.sel $0x180000  }
0x58: {  	[bflag:$0x0] =	sbarrier.arrive $0xFFFF  }
0x59: {  	p0 =	sne.s32 s1, $0x0;
	_ =	strace $0x9000005F  }
0x5a: {  	s0 =	sadd.s32 @!p0 $0x100000, s0;
	[bflag:$0x2] =	sbarrier.arrive $0xFFFF  }
0x5b: {  	[sflag:s0] =	ssyncadd.tile.s32 @!p0 $0x1;
	_ =	shalt  }
.Lfunc_end2:
_tile_overlayer_lowered:
.L_overlay_start_2:
0x5c: {  	(tag) =	ssettag $0x2  }
0x5d: {  	s0 =	rddreg [dreg:$0x0];
	s2 =	stileid.u32  }
0x5e: {  	s1 =	rddreg [dreg:$0x1];
	p0 =	sne.s32 s2, $0x0  }
0x5f: {  	s3 =	rddreg [dreg:$0x2];
	[bflag:$0x3] =	sbarrier.arrive $0xFFFF;
	s2 =	simm.s32 @!p0 $0x1C03  }
0x60: {  	[timem:s3], [sflag:s2] =	dma.local @!p0 [hbm:s0], s1  }
0x61: {  	s0 =	simm.s32 @!p0 $0x3  }
0x62: {  	_ =	swait.ge @!p0 [sflag:s0], s1  }
0x63: {  	s1 =	ssub.s32 @!p0 $0x0, s1;
	[sflag:s0] =	ssyncset.done @!p0 $0x0  }
0x64: {  	[sflag:s0] =	ssyncadd.s32 @!p0 s1  }
0x65: {  	[bflag:$0x3] =	sbarrier.arrive $0xFFFF  }
0x66: {  	_ =	shalt  }

// kernel: kernel.9.cloned.1.call-start
scs
__scs_entry_jumppad:
0x0: {  	(pc) =	sbr.rel $0x88, $3  }
0x1: {  	(tag) =	ssettag $0x0;
	lr =	simm.s32 $0x1  }
0x2: {  	[smem:$0x3F96] =	sst lr;
	_ =	strace $0xD0000000  }
0x3: {  	_ = 	snop  }
0x4: {  	_ = 	snop  }
0x5: {  	_ = 	snop  }
0x6: {  	_ = 	snop  }
0x7: {  	_ = 	snop  }
__scs_overlays_trampoline_lowered:
0x8: {  	[smem:$0x3FA5] =	sst s0  }
0x9: {  	[smem:$0x3FA6] =	sst s1  }
0xa: {  	[smem:$0x3FA7] =	sst s2  }
0xb: {  	[smem:$0x3FA8] =	sst s3  }
0xc: {  	[smem:$0x3FA9] =	sst s4  }
0xd: {  	[smem:$0x3FAA] =	sst s5  }
0xe: {  	[smem:$0x3FAB] =	sst s6  }
0xf: {  	[smem:$0x3FAC] =	sst s7  }
0x10: {  	[smem:$0x3FAD] =	sst s8  }
0x11: {  	[smem:$0x3FAE] =	sst s9;
	s0 =	simm.s32 @!p0 $0x0  }
0x12: {  	s1 =	sld [smem:$0x3F94];
	s0 =	simm.s32 @p0 $0x1  }
0x13: {  	[smem:$0x3FAF] =	sst s0;
	s0 =	simm.s32 @!p1 $0x0  }
0x14: {  	s2 =	sld [smem:$0x3F93];
	s0 =	simm.s32 @p1 $0x1  }
0x15: {  	[smem:$0x3FB0] =	sst s0;
	s0 =	simm.s32 @!p2 $0x0  }
0x16: {  	s3 =	sld [smem:$0x3FDB];
	s0 =	simm.s32 @p2 $0x1  }
0x17: {  	s4 =	simm.s32 $0x1BF5;
	[smem:$0x3FB2] =	sst s0  }
0x18: {  	s0 =	sld [smem:$0x3F95];
	_ =	swait.ge [sflag:s4], $0x0  }
0x19: {  	s7 =	sld [smem:$0x3F96]  }
0x1a: {  	s8 =	sadd.s32 $0xFFFFE003, lr  }
0x1b: {  	s9 =	sadd.s32 $0xFFFFFEF7, lr;
	s5 =	simm.s32 $0xFFFFFFFF;
	p2 =	slt.u32 s8, $0xFFFFF086  }
0x1c: {  	p1 =	slt.u32 s9, $0xF7A;
	s5 =	simm.s32 @!p2 $0x0  }
0x1d: {  	s5 =	simm.s32 @p1 $0x1;
	p0 =	seq.s32 s7, s2  }
0x1e: {  	s7 =	smul.u32 @!p0 $0xF7A, s2;
	p2 =	seq.s32 @!p0 s5, $0x0  }
0x1f: {  	s9 =	smul.u32 $0xF7A, s1;
	s8 =	simm.s32 @!p0 $0x1BF5;
	p2 =	por !p2, p0  }
0x20: {  	[sflag:s8] =	ssyncset.s32 @!p0 $0xFFFFF086;
	s6 =	sadd.s32 @!p0 s3, s7;
	s7 =	simm.s32 @!p0 $0x108  }
0x21: {  	s3 =	sadd.s32 s3, s9;
	s6 =	sadd.s32 @!p0 $0x88, s6;
	s7 =	simm.s32 @p2 $0x1082  }
0x22: {  	[simem:s7], [sflag:s8] =	dma.local @!p0 [hbm:s6], $0xF7A  }
0x23: {  	s9 =	sor.u32 $0xD0000000, s2;
	s6 =	simm.s32 $0x108;
	_ =	swait.ge @!p0 [sflag:s8], $0x0  }
0x24: {  	s3 =	sadd.s32 $0x88, s3;
	s6 =	simm.s32 @!p1 $0x1082;
	[sflag:s4] =	ssyncset.s32 $0xFFFFF086  }
0x25: {  	[simem:s6], [sflag:s4] =	dma.local [hbm:s3], $0xF7A  }
0x26: {  	[smem:$0x3F96] =	sst s1;
	(tag) =	ssettag s2;
	_ =	strace s9  }
0x27: {  	s1 =	sld [smem:$0x3FA6]  }
0x28: {  	s2 =	sld [smem:$0x3FA7]  }
0x29: {  	s4 =	sld [smem:$0x3FA9]  }
0x2a: {  	p0 =	seq.s32 s5, $0x0;
	s5 =	sld [smem:$0x3FAA]  }
0x2b: {  	s6 =	sld [smem:$0x3FAB]  }
0x2c: {  	s7 =	sld [smem:$0x3FAC]  }
0x2d: {  	s3 =	simm.s32 $0x108;
	s8 =	sld [smem:$0x3FAD]  }
0x2e: {  	s3 =	simm.s32 @!p0 $0x1082;
	s9 =	sld [smem:$0x3FAE]  }
0x2f: {  	lr =	sadd.s32 s0, s3;
	s0 =	sld [smem:$0x3FA5]  }
0x30: {  	s3 =	sld [smem:$0x3FA8]  }
0x31: {  	[smem:$0x3FB1] =	sst s10  }
0x32: {  	s10 =	sld [smem:$0x3FAF];
	_ =	sdelay $0x3  }
0x33: {  	p0 =	seq.s32 s10, $0x1;
	s10 =	sld [smem:$0x3FB1];
	_ =	sdelay $0x3  }
0x34: {  	[smem:$0x3FB1] =	sst s10  }
0x35: {  	s10 =	sld [smem:$0x3FB0];
	_ =	sdelay $0x3  }
0x36: {  	p1 =	seq.s32 s10, $0x1;
	s10 =	sld [smem:$0x3FB1];
	_ =	sdelay $0x3  }
0x37: {  	[smem:$0x3FB1] =	sst s10  }
0x38: {  	s10 =	sld [smem:$0x3FB2]  }
0x39: {  	_ = 	snop;
	(pc) =	sbr.ind lr, $3  }
0x3a: {  	_ = 	snop  }
0x3b: {  	_ = 	snop  }
0x3c: {  	p2 =	seq.s32 s10, $0x1;
	s10 =	sld [smem:$0x3FB1]  }
0x3d: {  	_ =	shalt  }
0x3e: {  	_ =	shalt  }
0x3f: {  	_ =	shalt  }
0x40: {  	_ =	shalt  }
0x41: {  	_ =	shalt  }
0x42: {  	_ =	shalt  }
0x43: {  	_ =	shalt  }
0x44: {  	_ =	shalt  }
0x45: {  	_ =	shalt  }
0x46: {  	_ =	shalt  }
0x47: {  	_ =	shalt  }
0x48: {  	_ =	shalt  }
0x49: {  	_ =	shalt  }
0x4a: {  	_ =	shalt  }
0x4b: {  	_ =	shalt  }
0x4c: {  	_ =	shalt  }
0x4d: {  	_ =	shalt  }
0x4e: {  	_ =	shalt  }
0x4f: {  	_ =	shalt  }
0x50: {  	_ =	shalt  }
0x51: {  	_ =	shalt  }
0x52: {  	_ =	shalt  }
0x53: {  	_ =	shalt  }
0x54: {  	_ =	shalt  }
0x55: {  	_ =	shalt  }
0x56: {  	_ =	shalt  }
0x57: {  	_ =	shalt  }
0x58: {  	_ =	shalt  }
0x59: {  	_ =	shalt  }
0x5a: {  	_ =	shalt  }
0x5b: {  	_ =	shalt  }
0x5c: {  	_ =	shalt  }
0x5d: {  	_ =	shalt  }
0x5e: {  	_ =	shalt  }
0x5f: {  	_ =	shalt  }
0x60: {  	_ =	shalt  }
0x61: {  	_ =	shalt  }
0x62: {  	_ =	shalt  }
0x63: {  	_ =	shalt  }
0x64: {  	_ =	shalt  }
0x65: {  	_ =	shalt  }
0x66: {  	_ =	shalt  }
0x67: {  	_ =	shalt  }
0x68: {  	_ =	shalt  }
0x69: {  	_ =	shalt  }
0x6a: {  	_ =	shalt  }
0x6b: {  	_ =	shalt  }
0x6c: {  	_ =	shalt  }
0x6d: {  	_ =	shalt  }
0x6e: {  	_ =	shalt  }
0x6f: {  	_ =	shalt  }
0x70: {  	_ =	shalt  }
0x71: {  	_ =	shalt  }
0x72: {  	_ =	shalt  }
0x73: {  	_ =	shalt  }
0x74: {  	_ =	shalt  }
0x75: {  	_ =	shalt  }
0x76: {  	_ =	shalt  }
0x77: {  	_ =	shalt  }
0x78: {  	_ =	shalt  }
0x79: {  	_ =	shalt  }
0x7a: {  	_ =	shalt  }
0x7b: {  	_ =	shalt  }
0x7c: {  	_ =	shalt  }
0x7d: {  	_ =	shalt  }
0x7e: {  	_ =	shalt  }
0x7f: {  	_ =	shalt  }
0x80: {  	_ =	shalt  }
0x81: {  	_ =	shalt  }
0x82: {  	_ =	shalt  }
0x83: {  	_ =	shalt  }
0x84: {  	_ =	shalt  }
0x85: {  	_ =	shalt  }
0x86: {  	_ =	shalt  }
0x87: {  	_ =	shalt  }
.Lfunc_end0:
.L_simem_size_0:
called_computation_lowered:
.L_overlay_start_0:
0x88: {  	s2 =	sld [smem:$0x3FD9]  }
0x89: {  	s3 =	sld [smem:$0x3FFE];
	_ =	sdelay $0x1  }
0x8a: {  	s1 =	srdreg.scid  }
0x8b: {  	s0 =	sand.u32 $0x1, s1  }
0x8c: {  	s16 =	sshll.u32 s0, $0xA;
	s2 =	sadd.s32 s3, s2  }
0x8d: {  	s2 =	sadd.s32 s2, s16  }
0x8e: {  	[smem:$0x3FBD] =	sst s2  }
0x8f: {  	_ = 	snop  }
0x90: {  	(tm) =	ssettm $0x1  }
0x91: {  	s17 =	sld [smem:$0x3FFB];
	_ =	sdelay $0x3  }
0x92: {  	_ =	strace s17  }
0x93: {  	s2 =	sld [smem:$0x3FFC];
	_ =	sdelay $0x3  }
0x94: {  	_ =	strace s2  }
0x95: {  	s2 =	sld [smem:$0x3FFD];
	_ =	sdelay $0x3  }
0x96: {  	_ =	strace s2  }
0x97: {  	_ =	strace $0x8FFFFFFF  }
0x98: {  	s18 =	sld [smem:$0x3FDB];
	_ =	sdelay $0x1  }
0x99: {  	s19 =	simm.s32 $_scs_section_size  }
0x9a: {  	s4 =	simm.s32 $_size__tile_overlayer_lowered;
	s5 =	simm.s32 $_tile_overlayer_lowered  }
0x9b: {  	s22 =	simm.s32 $0x1BFF;
	s21 =	sshll.u32 s5, $0x1;
	s2 =	sadd.s32 s19, s18  }
0x9c: {  	s6 =	simm.s32 $0x0;
	s20 =	sshll.u32 s4, $0x1;
	s4 =	sadd.s32 s21, s2  }
0x9d: {  	[timem:s6], [sflag:s22] =	dma.local [hbm:s4], s20  }
0x9e: {  	_ =	swait.ge [sflag:s22], s20  }
0x9f: {  	s3 =	ssub.s32 $0x0, s20;
	[sflag:s22] =	ssyncset.done $0x0  }
0xa0: {  	[sflag:s22] =	ssyncadd.s32 s3;
	_ =	sdelay $0x1  }
0xa1: {  	s23 =	simm.s32 $0x1B8B  }
0xa2: {  	_ =	swait.ge [sflag:s23], $0x1  }
0xa3: {  	[sflag:s23] =	ssyncset.done $0x0  }
0xa4: {  	s25 =	simm.s32 $0x1B8E;
	s24 =	sld [smem:$0x3FFE];
	[sflag:s23] =	ssyncadd.s32 $0xFFFFFFFF  }
0xa5: {  	s26 =	simm.s32 $execute0_lowered;
	[smem:$0x3FD2] =	sst s25  }
0xa6: {  	s4 =	sshll.u32 s26, $0x1;
	_ =	strace $0x80000046;
	[dreg:$0x1] =	wrdreg $0xFFFFFFFF  }
0xa7: {  	s28 =	simm.s32 $_size_execute0_lowered;
	s2 =	sadd.s32 s2, s4;
	[dreg:$0x0] =	wrdreg $0x0  }
0xa8: {  	s4 =	sshll.u32 s28, $0x1;
	[dreg:$0x2] =	wrdreg s2  }
0xa9: {  	[dreg:$0x3] =	wrdreg s4  }
0xaa: {  	[dreg:$0x4] =	wrdreg $0xC0  }
0xab: {  	_ =	task [dreg:s6], $0x5FFFF  }
0xac: {  	[dreg:$0x1] =	wrdreg $0xFFFFFFFF  }
0xad: {  	[dreg:$0x0] =	wrdreg $0x60  }
0xae: {  	[dreg:$0x2] =	wrdreg s24  }
0xaf: {  	[dreg:$0x3] =	wrdreg $0xC0000  }
0xb0: {  	[dreg:$0x4] =	wrdreg $0x9  }
0xb1: {  	_ =	task.clear_ibuf [dreg:s6], $0x5FFFF;
	_ =	strace $0x90000046  }
0xb2: {  	s29 =	simm.s32 $0x9;
	_ =	strace $0x8000004E  }
0xb3: {  	_ =	swait.ge [sflag:s29], $0x1  }
0xb4: {  	[sflag:s29] =	ssyncadd.s32 $0xFFFFFFFF  }
0xb5: {  	_ =	strace $0x9000004E  }
0xb6: {  	_ =	sfence  }
0xb7: {  	s30 =	sld [smem:$0x0];
	_ =	sdelay $0x2  }
0xb8: {  	s31 =	sshll.u32 s1, $0xD;
	s1 =	sshrl.u32 s1, $0x2  }
0xb9: {  	s3 =	sand.u32 $0x4000, s31;
	s1 =	sadd.s32 s1, s30  }
0xba: {  	s0 =	sor.u32 s3, s0;
	s1 =	sshll.u32 s1, $0x11  }
0xbb: {  	s0 =	sor.u32 s1, s0  }
0xbc: {  	s0 =	sadd.s32 $0x8F2B, s0  }
0xbd: {  	[sflag:s0] =	ssyncadd.remote.s32 $0x1  }
0xbe: {  	_ =	sfence.sel $0xFFFF  }
0xbf: {  	[dreg:$0x0] =	wrdreg $0xFFFFFFFF;
	(pc) =	sbr.abs _section_cstart, $3  }
0xc0: {  	[dreg:$0x1] =	wrdreg $0xFFFFFFFF  }
0xc1: {  	_ =	task.clear_ibuf [dreg:s6], $0x2FFFF;
	_ =	strace $0x9FFFFFFF  }
0xc2: {  	(tm) =	ssettm $0x7FFFFFFF  }
0xc3: {  	_ =	shalt  }
tec
execute0_lowered:
.L_overlay_start_1:
0x0: {  	(tag) =	ssettag $0x1  }
0x1: {  	s5 =	rddreg [dreg:$0x0]  }
0x2: {  	s2 =	rddreg [dreg:$0x1]  }
0x3: {  	s0 =	rddreg [dreg:$0x2];
	s3 =	simm.s32 $0x0;
	s1 =	stileid.u32  }
0x4: {  	s4 =	srdreg.scid;
	s19 =	simm.s32 $0x4000;
	s20 =	simm.s32 $0x8000  }
0x5: {  	s21 =	simm.s32 $0x1;
	s22 =	simm.s32 $0x2;
	[smem:$0x7FF] =	sst s3  }
0x6: {  	s6 =	smul.u32 $0x13C00, s1;
	s17 =	sand.u32 $0x1, s4;
	s4 =	sadd.s32 $0x3A00, s5  }
0x7: {  	s10 =	sadd.s32 $0x56C00, s5;
	s11 =	sadd.s32 $0x51C00, s5;
	s31 =	smul.u32 $0x4F000, s1  }
0x8: {  	s29 =	sshll.u32 s1, $0x8;
	s14 =	sshll.u32 s1, $0xA;
	s7 =	smul.u32 $0x278000, s17  }
0x9: {  	_ =	strace $0x80000047;
	s9 =	smul.u32 $0x13C000, s17;
	s26 =	ssub.s32 $0x2, s17  }
0xa: {  	p0 =	seq.s32 s17, $0x0;
	s30 =	sor.u32 $0x4000, s29;
	s8 =	sshrl.u32 s6, $0x3  }
0xb: {  	s28 =	sshrl.u32 s26, $0x1;
	s18 =	sshrl.u32 s31, $0x2;
	s12 =	sadd.s32 s8, s5  }
0xc: {  	s7 =	sadd.s32 s6, s7;
	s6 =	sadd.s32 s6, s9;
	s16 =	ssub.s32 s26, s28  }
0xd: {  	s8 =	sadd.s32 s11, s30;
	s9 =	sadd.s32 s10, s14;
	s7 =	sshrl.u32 s7, $0x3  }
0xe: {  	s6 =	sshrl.u32 s6, $0x3;
	s12 =	sadd.s32 $0x5BC00, s12;
	s16 =	smax.u32 s16, $0x1  }
0xf: {  	s15 =	sadd.s32 s7, s5;
	s13 =	sadd.s32 s6, s5;
	s5 =	simm.s32 $0x40  }
0x10: {  	s6 =	simm.s32 $0x20;
	s7 =	sadd.s32 s10, s30;
	s10 =	sadd.s32 s11, s14  }
0x11: {  	s11 =	sadd.s32 s18, s2;
	s18 =	simm.s32 $0x80;
	s5 =	simm.s32 @!p0 $0x10  }
0x12: {  	s6 =	simm.s32 @!p0 $0x8;
	s13 =	sadd.s32 $0x121400, s13;
	s14 =	sadd.s32 $0x83400, s15  }
0x13: {  	v0 =	vimm.f32 $1.000000000e+00;
	s15 =	sadd.s32 $0xAAC00, s15;
	p0 =	sne.s32 s17, $0x0;
	s17 =	simm.s32 $0x3  }
.LBB2_1:
0x14: {  	s23 =	simm.s32 @p0 $0x0;
	s24 =	simm.s32 @p0 $0x3  }
0x15: {  	[tilespmem:s23], [sflag:$0x3] =	stream.linear.gather @p0 [hbm4b:s7+s23], $0x800, $0x38;
	[tilespmem:$0x1FC00] =	vst v63  }
0x16: {  	_ =	swait.ge @p0 [sflag:s24], $0x800  }
0x17: {  	[sflag:s24] =	ssyncset.done @p0 $0x0  }
0x18: {  	s25 =	simm.s32 @p0 $0x2000;
	[sflag:s24] =	ssyncadd.s32 @p0 $0xFFFFF800  }
0x19: {  	[tilespmem:s25], [sflag:$0x3] =	stream.linear.gather @p0 [hbm4b:s8+s23], $0x800, $0x38;
	[tilespmem:$0x1FC00] =	vst v63  }
0x1a: {  	_ =	swait.ge @p0 [sflag:s24], $0x800  }
0x1b: {  	[sflag:s24] =	ssyncset.done @p0 $0x0  }
0x1c: {  	s23 =	simm.s32 @!p0 $0x0;
	[sflag:s24] =	ssyncadd.s32 @p0 $0xFFFFF800;
	s24 =	simm.s32 @!p0 $0x3  }
0x1d: {  	[tilespmem:s23], [sflag:$0x3] =	stream.linear.gather @!p0 [hbm4b:s9+s23], $0x2000, $0x38;
	[tilespmem:$0x1FC00] =	vst v63  }
0x1e: {  	_ =	swait.ge @!p0 [sflag:s24], $0x2000  }
0x1f: {  	[sflag:s24] =	ssyncset.done @!p0 $0x0  }
0x20: {  	s25 =	simm.s32 @!p0 $0x2000;
	[sflag:s24] =	ssyncadd.s32 @!p0 $0xFFFFE000  }
0x21: {  	[tilespmem:s25], [sflag:$0x3] =	stream.linear.gather @!p0 [hbm4b:s10+s23], $0x2000, $0x38;
	[tilespmem:$0x1FC00] =	vst v63  }
0x22: {  	_ =	swait.ge @!p0 [sflag:s24], $0x2000  }
0x23: {  	[sflag:s24] =	ssyncset.done @!p0 $0x0  }
0x24: {  	s23 =	simm.s32 $0x0;
	[sflag:s24] =	ssyncadd.s32 @!p0 $0xFFFFE000;
	s24 =	simm.s32 $0x200  }
.LBB2_2:
0x25: {  	p1 =	sne.s32 s24, $0xFE00;
	[tilespmem:s23+$0x4070] =	vst v0  }
0x26: {  	[tilespmem:s23+$0x4000] =	vst v0  }
0x27: {  	[tilespmem:s23+$0x4010] =	vst v0  }
.Ltmp0:
0x28: {  	[tilespmem:s23+$0x4020] =	vst v0;
	(pc) =	sbr.rel @p1 .LBB2_2-.Ltmp0, $4  }
0x29: {  	[tilespmem:s23+$0x4030] =	vst v0  }
0x2a: {  	[tilespmem:s23+$0x4040] =	vst v0  }
0x2b: {  	[tilespmem:s23+$0x4050] =	vst v0  }
0x2c: {  	[tilespmem:s23+$0x4060] =	vst v0;
	s23 =	sshra.s32 s24, $0x2;
	s24 =	sadd.s32 $0x200, s24  }
0x2d: {  	[tilespmem:s23+$0x4070] =	vst v0  }
0x2e: {  	[tilespmem:s23+$0x4000] =	vst v0  }
0x2f: {  	[tilespmem:s23+$0x4010] =	vst v0  }
0x30: {  	[tilespmem:s23+$0x4020] =	vst v0  }
0x31: {  	[tilespmem:s23+$0x4030] =	vst v0  }
0x32: {  	[tilespmem:s23+$0x4040] =	vst v0  }
0x33: {  	[tilespmem:s23+$0x4050] =	vst v0;
	s24 =	sshll.u32 s1, $0x6  }
0x34: {  	[tilespmem:s23+$0x4060] =	vst v0;
	s23 =	sor.u32 $0x1C03, s24;
	s24 =	sshrl.u32 s11, $0x3  }
0x35: {  	[spmem:s24], [sflag:s23] =	dma.local [hbm:s12], $0x2780  }
0x36: {  	_ =	swait.ge [sflag:s17], $0x2780  }
0x37: {  	p2 =	sne.s32 s5, $0x1;
	[sflag:s17] =	ssyncset.done $0x0  }
.Ltmp1:
0x38: {  	[sflag:s17] =	ssyncadd.s32 $0xFFFFD880;
	(pc) =	sbr.rel @!p2 .LBB2_5-.Ltmp1, $4  }
0x39: {  	s25 =	simm.s32 $0x2000;
	[bflag:$0x0] =	sbarrier.arrive $0xFFFF  }
0x3a: {  	[spmem:s2] =	stream.indirect.scatter.add.f32 [tilespmem:s19], [sflag:$0x3], $0x80, s25, s18, $0xb8;
	[tilespmem:$0x1FC00] =	vst v63  }
0x3b: {  	_ =	swait.ge [sflag:s17], $0x4000  }
0x3c: {  	s26 =	sadd.s32 $0xFFFFFFFF, s5;
	s28 =	simm.s32 $0x2000;
	[sflag:s17] =	ssyncset.done $0x0  }
.LBB2_4:
0x3d: {  	p1 =	sne.s32 s26, $0x1;
	[sflag:s17] =	ssyncadd.s32 $0xFFFFC000;
	s28 =	sadd.s32 $0x80, s28  }
.Ltmp2:
0x3e: {  	s26 =	sadd.s32 $0xFFFFFFFF, s26;
	(pc) =	sbr.rel @p1 .LBB2_4-.Ltmp2, $4  }
0x3f: {  	_ = 	snop  }
0x40: {  	[spmem:s2] =	stream.indirect.scatter.add.f32 [tilespmem:s19], [sflag:$0x3], $0x80, s28, s18, $0xb8;
	[tilespmem:$0x1FC00] =	vst v63  }
0x41: {  	_ =	swait.ge [sflag:s17], $0x4000  }
0x42: {  	[sflag:s17] =	ssyncset.done $0x0  }
.LBB2_5:
0x43: {  	[sflag:s17] =	ssyncadd.s32 $0xFFFFC000  }
0x44: {  	[bflag:$0x0] =	sbarrier.arrive $0xFFFF  }
0x45: {  	[hbm:s13], [sflag:s23] =	dma.local [spmem:s24], $0x2780  }
0x46: {  	_ =	swait.ge [sflag:s17], $0x2780  }
0x47: {  	[sflag:s17] =	ssyncset.done $0x0  }
0x48: {  	[sflag:s17] =	ssyncadd.s32 $0xFFFFD880  }
0x49: {  	[bflag:$0x0] =	sbarrier.arrive $0xFFFF  }
0x4a: {  	_ =	strace $0x80000048  }
0x4b: {  	[spmem:s24], [sflag:s23] =	dma.local [hbm:s12], $0x2780  }
0x4c: {  	_ =	swait.ge [sflag:s17], $0x2780  }
0x4d: {  	[sflag:s17] =	ssyncset.done $0x0  }
0x4e: {  	[sflag:s17] =	ssyncadd.s32 $0xFFFFD880  }
0x4f: {  	[bflag:$0x0] =	sbarrier.arrive $0xFFFF  }
0x50: {  	_ =	strace $0x90000048  }
0x51: {  	s26 =	simm.s32 $0x0;
	_ =	strace $0x80000049  }
0x52: {  	[tilespmem:s19], [sflag:$0x1] =	stream.indirect.gather [hbm4b:s4+s18], $0x80, s26, s18, $0x2000b8;
	[tilespmem:$0x1FC00] =	vst v63  }
0x53: {  	s28 =	simm.s32 $0x80  }
0x54: {  	[tilespmem:s20], [sflag:$0x2] =	stream.indirect.gather [hbm4b:s4+s18], $0x80, s28, s18, $0x2000b8;
	[tilespmem:$0x1FC00] =	vst v63  }
0x55: {  	_ =	swait.ge [sflag:s21], $0x4000  }
0x56: {  	[sflag:s21] =	ssyncset.done $0x0  }
0x57: {  	[sflag:s21] =	ssyncadd.s32 $0xFFFFC000  }
0x58: {  	[spmem:s2] =	stream.indirect.scatter.add.f32 [tilespmem:s19], [sflag:$0x3], $0x80, s25, s18, $0x2000b8;
	[tilespmem:$0x1FC00] =	vst v63  }
0x59: {  	_ =	swait.ge [sflag:s17], $0x4000  }
0x5a: {  	[sflag:s17] =	ssyncset.done $0x0  }
0x5b: {  	[sflag:s17] =	ssyncadd.s32 $0xFFFFC000  }
0x5c: {  	p1 =	sne.s32 s6, $0x1;
	_ =	swait.ge [sflag:s22], $0x4000  }
.Ltmp3:
0x5d: {  	[sflag:s22] =	ssyncset.done $0x0;
	(pc) =	sbr.rel @!p1 .LBB2_7-.Ltmp3, $4  }
0x5e: {  	s28 =	simm.s32 $0x2080;
	[sflag:s22] =	ssyncadd.s32 $0xFFFFC000  }
0x5f: {  	[spmem:s2] =	stream.indirect.scatter.add.f32 [tilespmem:s20], [sflag:$0x3], $0x80, s28, s18, $0x2000b8;
	[tilespmem:$0x1FC00] =	vst v63  }
0x60: {  	_ =	swait.ge [sflag:s17], $0x4000  }
0x61: {  	s28 =	sadd.s32 $0xFFFFFFFF, s6;
	[sflag:s17] =	ssyncset.done $0x0  }
.LBB2_6:
0x62: {  	[sflag:s17] =	ssyncadd.s32 $0xFFFFC000;
	s26 =	sadd.s32 $0x100, s26;
	s25 =	sadd.s32 $0x100, s25  }
0x63: {  	[tilespmem:s19], [sflag:$0x1] =	stream.indirect.gather [hbm4b:s4+s18], $0x80, s26, s18, $0x2000b8;
	[tilespmem:$0x1FC00] =	vst v63  }
0x64: {  	p3 =	sne.s32 s28, $0x1;
	s28 =	sadd.s32 $0xFFFFFFFF, s28;
	s29 =	sadd.s32 $0x80, s26  }
0x65: {  	[tilespmem:s20], [sflag:$0x2] =	stream.indirect.gather [hbm4b:s4+s18], $0x80, s29, s18, $0x2000b8;
	[tilespmem:$0x1FC00] =	vst v63  }
0x66: {  	_ =	swait.ge [sflag:s21], $0x4000  }
0x67: {  	[sflag:s21] =	ssyncset.done $0x0  }
0x68: {  	[sflag:s21] =	ssyncadd.s32 $0xFFFFC000  }
0x69: {  	[spmem:s2] =	stream.indirect.scatter.add.f32 [tilespmem:s19], [sflag:$0x3], $0x80, s25, s18, $0x2000b8;
	[tilespmem:$0x1FC00] =	vst v63  }
0x6a: {  	_ =	swait.ge [sflag:s17], $0x4000  }
0x6b: {  	[sflag:s17] =	ssyncset.done $0x0  }
0x6c: {  	[sflag:s17] =	ssyncadd.s32 $0xFFFFC000  }
0x6d: {  	_ =	swait.ge [sflag:s22], $0x4000  }
.Ltmp4:
0x6e: {  	[sflag:s22] =	ssyncset.done $0x0;
	(pc) =	sbr.rel @p3 .LBB2_6-.Ltmp4, $4  }
0x6f: {  	s29 =	sadd.s32 $0x80, s25;
	[sflag:s22] =	ssyncadd.s32 $0xFFFFC000  }
0x70: {  	[spmem:s2] =	stream.indirect.scatter.add.f32 [tilespmem:s20], [sflag:$0x3], $0x80, s29, s18, $0x2000b8;
	[tilespmem:$0x1FC00] =	vst v63  }
0x71: {  	_ =	swait.ge [sflag:s17], $0x4000  }
0x72: {  	[sflag:s17] =	ssyncset.done $0x0  }
.LBB2_7:
0x73: {  	[sflag:s17] =	ssyncadd.s32 $0xFFFFC000  }
0x74: {  	[bflag:$0x0] =	sbarrier.arrive $0xFFFF  }
0x75: {  	_ =	strace $0x90000049  }
0x76: {  	_ =	strace $0x8000004A  }
0x77: {  	[hbm:s14], [sflag:s23] =	dma.local [spmem:s24], $0x2780  }
0x78: {  	_ =	swait.ge [sflag:s17], $0x2780  }
0x79: {  	[sflag:s17] =	ssyncset.done $0x0  }
0x7a: {  	[sflag:s17] =	ssyncadd.s32 $0xFFFFD880  }
0x7b: {  	_ =	strace $0x9000004A  }
0x7c: {  	s25 =	simm.s32 $0x40;
	[bflag:$0x0] =	sbarrier.arrive $0xFFFF  }
0x7d: {  	v3 =	vld [tilespmem:s25+$0xFFFFFFC0]  }
0x7e: {  	v4 =	vld [tilespmem:s25+$0xFFFFFFD0]  }
.Ltmp5:
0x7f: {  	v5 =	vld [tilespmem:s25+$0xFFFFFFE0];
	(pc) =	sbr.rel @!p2 .LBB2_9-.Ltmp5, $4  }
0x80: {  	v2 =	vld [tilespmem:s25+$0x0]  }
0x81: {  	v1 =	vld [tilespmem:s25+$0x10]  }
0x82: {  	v6 =	vadd.s32 $0x2710, v3;
	v3 =	vld [tilespmem:s25+$0x20]  }
0x83: {  	s26 =	sadd.s32 $0xFFFFFFFF, s5;
	s28 =	simm.s32 $0x40;
	[tilespmem:s25+$0xFFFFFFC0] =	vst v6;
	v6 =	vadd.s32 $0x2710, v4;
	v4 =	vld [tilespmem:s25+$0x30]  }
.LBB2_8:
0x84: {  	p2 =	sne.s32 s26, $0x1;
	[tilespmem:s25+$0xFFFFFFD0] =	vst v6;
	v5 =	vadd.s32 $0x2710, v5;
	v6 =	vld [tilespmem:s25+$0xFFFFFFF0];
	s28 =	sadd.s32 $0x80, s28  }
0x85: {  	v7 =	vld [tilespmem:s28+$0xFFFFFFC0];
	[tilespmem:s25+$0xFFFFFFE0] =	vst v5;
	v2 =	vadd.s32 $0x2710, v2  }
0x86: {  	v8 =	vld [tilespmem:s28+$0xFFFFFFD0];
	[tilespmem:s25+$0x0] =	vst v2;
	v1 =	vadd.s32 $0x2710, v1  }
.Ltmp6:
0x87: {  	v5 =	vld [tilespmem:s28+$0xFFFFFFE0];
	[tilespmem:s25+$0x10] =	vst v1;
	v1 =	vadd.s32 $0x2710, v3;
	(pc) =	sbr.rel @p2 .LBB2_8-.Ltmp6, $4  }
0x88: {  	v2 =	vld [tilespmem:s28+$0x0];
	[tilespmem:s25+$0x20] =	vst v1;
	v3 =	vadd.s32 $0x2710, v4  }
0x89: {  	v1 =	vld [tilespmem:s28+$0x10];
	v4 =	vadd.s32 $0x2710, v6;
	[tilespmem:s25+$0x30] =	vst v3  }
0x8a: {  	v6 =	vadd.s32 $0x2710, v7;
	v3 =	vld [tilespmem:s28+$0x20];
	[tilespmem:s25+$0xFFFFFFF0] =	vst v4;
	s25 =	smov.u32 s28  }
0x8b: {  	s26 =	sadd.s32 $0xFFFFFFFF, s26;
	[tilespmem:s28+$0xFFFFFFC0] =	vst v6;
	v6 =	vadd.s32 $0x2710, v8;
	v4 =	vld [tilespmem:s28+$0x30]  }
.LBB2_9:
0x8c: {  	[tilespmem:s25+$0xFFFFFFD0] =	vst v6;
	v5 =	vadd.s32 $0x2710, v5;
	v63 =	vld [tilespmem:s25+$0xFFFFFFF0]  }
0x8d: {  	[tilespmem:s25+$0xFFFFFFE0] =	vst v5;
	v2 =	vadd.s32 $0x2710, v2  }
0x8e: {  	[tilespmem:s25+$0x0] =	vst v2;
	v1 =	vadd.s32 $0x2710, v1  }
0x8f: {  	[tilespmem:s25+$0x10] =	vst v1;
	v1 =	vadd.s32 $0x2710, v3  }
0x90: {  	[tilespmem:s25+$0x20] =	vst v1;
	v1 =	vadd.s32 $0x2710, v4  }
0x91: {  	v2 =	vadd.s32 $0x2710, v63;
	[tilespmem:s25+$0x30] =	vst v1  }
0x92: {  	[tilespmem:s25+$0xFFFFFFF0] =	vst v2  }
0x93: {  	_ =	strace $0x8000004B  }
0x94: {  	[spmem:s24], [sflag:s23] =	dma.local [hbm:s12], $0x2780  }
0x95: {  	_ =	swait.ge [sflag:s17], $0x2780  }
0x96: {  	[sflag:s17] =	ssyncset.done $0x0  }
0x97: {  	[sflag:s17] =	ssyncadd.s32 $0xFFFFD880  }
0x98: {  	[bflag:$0x0] =	sbarrier.arrive $0xFFFF  }
0x99: {  	_ =	strace $0x9000004B  }
0x9a: {  	s25 =	simm.s32 $0x0;
	_ =	strace $0x8000004C  }
0x9b: {  	[tilespmem:s19], [sflag:$0x1] =	stream.indirect.gather [hbm4b:s4+s18], $0x80, s25, s18, $0x2000b8;
	[tilespmem:$0x1FC00] =	vst v63  }
0x9c: {  	s26 =	simm.s32 $0x80  }
0x9d: {  	[tilespmem:s20], [sflag:$0x2] =	stream.indirect.gather [hbm4b:s4+s18], $0x80, s26, s18, $0x2000b8;
	[tilespmem:$0x1FC00] =	vst v63  }
0x9e: {  	_ =	swait.ge [sflag:s21], $0x4000  }
0x9f: {  	[sflag:s21] =	ssyncset.done $0x0  }
0xa0: {  	s26 =	simm.s32 $0x2000;
	[sflag:s21] =	ssyncadd.s32 $0xFFFFC000  }
0xa1: {  	[spmem:s2] =	stream.indirect.scatter.add.f32 [tilespmem:s19], [sflag:$0x3], $0x80, s26, s18, $0x2000b8;
	[tilespmem:$0x1FC00] =	vst v63  }
0xa2: {  	_ =	swait.ge [sflag:s17], $0x4000  }
0xa3: {  	[sflag:s17] =	ssyncset.done $0x0  }
0xa4: {  	[sflag:s17] =	ssyncadd.s32 $0xFFFFC000  }
0xa5: {  	_ =	swait.ge [sflag:s22], $0x4000  }
.Ltmp7:
0xa6: {  	[sflag:s22] =	ssyncset.done $0x0;
	(pc) =	sbr.rel @!p1 .LBB2_11-.Ltmp7, $4  }
0xa7: {  	s28 =	simm.s32 $0x2080;
	[sflag:s22] =	ssyncadd.s32 $0xFFFFC000  }
0xa8: {  	[spmem:s2] =	stream.indirect.scatter.add.f32 [tilespmem:s20], [sflag:$0x3], $0x80, s28, s18, $0x2000b8;
	[tilespmem:$0x1FC00] =	vst v63  }
0xa9: {  	_ =	swait.ge [sflag:s17], $0x4000  }
0xaa: {  	s28 =	sadd.s32 $0xFFFFFFFF, s6;
	[sflag:s17] =	ssyncset.done $0x0  }
.LBB2_10:
0xab: {  	[sflag:s17] =	ssyncadd.s32 $0xFFFFC000;
	s25 =	sadd.s32 $0x100, s25;
	s26 =	sadd.s32 $0x100, s26  }
0xac: {  	[tilespmem:s19], [sflag:$0x1] =	stream.indirect.gather [hbm4b:s4+s18], $0x80, s25, s18, $0x2000b8;
	[tilespmem:$0x1FC00] =	vst v63  }
0xad: {  	p1 =	sne.s32 s28, $0x1;
	s28 =	sadd.s32 $0xFFFFFFFF, s28;
	s29 =	sadd.s32 $0x80, s25  }
0xae: {  	[tilespmem:s20], [sflag:$0x2] =	stream.indirect.gather [hbm4b:s4+s18], $0x80, s29, s18, $0x2000b8;
	[tilespmem:$0x1FC00] =	vst v63  }
0xaf: {  	_ =	swait.ge [sflag:s21], $0x4000  }
0xb0: {  	[sflag:s21] =	ssyncset.done $0x0  }
0xb1: {  	[sflag:s21] =	ssyncadd.s32 $0xFFFFC000  }
0xb2: {  	[spmem:s2] =	stream.indirect.scatter.add.f32 [tilespmem:s19], [sflag:$0x3], $0x80, s26, s18, $0x2000b8;
	[tilespmem:$0x1FC00] =	vst v63  }
0xb3: {  	_ =	swait.ge [sflag:s17], $0x4000  }
0xb4: {  	[sflag:s17] =	ssyncset.done $0x0  }
0xb5: {  	[sflag:s17] =	ssyncadd.s32 $0xFFFFC000  }
0xb6: {  	_ =	swait.ge [sflag:s22], $0x4000  }
.Ltmp8:
0xb7: {  	[sflag:s22] =	ssyncset.done $0x0;
	(pc) =	sbr.rel @p1 .LBB2_10-.Ltmp8, $4  }
0xb8: {  	s29 =	sadd.s32 $0x80, s26;
	[sflag:s22] =	ssyncadd.s32 $0xFFFFC000  }
0xb9: {  	[spmem:s2] =	stream.indirect.scatter.add.f32 [tilespmem:s20], [sflag:$0x3], $0x80, s29, s18, $0x2000b8;
	[tilespmem:$0x1FC00] =	vst v63  }
0xba: {  	_ =	swait.ge [sflag:s17], $0x4000  }
0xbb: {  	[sflag:s17] =	ssyncset.done $0x0  }
.LBB2_11:
0xbc: {  	[sflag:s17] =	ssyncadd.s32 $0xFFFFC000  }
0xbd: {  	[bflag:$0x0] =	sbarrier.arrive $0xFFFF  }
0xbe: {  	s3 =	sadd.s32 $0x1, s3;
	_ =	strace $0x9000004C  }
0xbf: {  	p1 =	sne.s32 s3, s16;
	_ =	strace $0x8000004D  }
0xc0: {  	[hbm:s15], [sflag:s23] =	dma.local [spmem:s24], $0x2780  }
.Ltmp9:
0xc1: {  	_ = 	snop;
	(pc) =	sbr.rel @p1 .LBB2_1-.Ltmp9, $4  }
0xc2: {  	_ =	swait.ge [sflag:s17], $0x2780  }
0xc3: {  	[sflag:s17] =	ssyncset.done $0x0  }
0xc4: {  	[sflag:s17] =	ssyncadd.s32 $0xFFFFD880  }
0xc5: {  	_ =	strace $0x9000004D  }
0xc6: {  	_ =	sfence.sel $0x180000  }
0xc7: {  	[bflag:$0x0] =	sbarrier.arrive $0xFFFF  }
0xc8: {  	p0 =	sne.s32 s1, $0x0;
	_ =	strace $0x90000047  }
0xc9: {  	s0 =	sadd.s32 @!p0 $0x100000, s0;
	[bflag:$0x2] =	sbarrier.arrive $0xFFFF  }
0xca: {  	[sflag:s0] =	ssyncadd.tile.s32 @!p0 $0x1;
	_ =	shalt  }
.Lfunc_end2:
_tile_overlayer_lowered:
.L_overlay_start_2:
0xcb: {  	(tag) =	ssettag $0x2  }
0xcc: {  	s0 =	rddreg [dreg:$0x0];
	s2 =	stileid.u32  }
0xcd: {  	s1 =	rddreg [dreg:$0x1];
	p0 =	sne.s32 s2, $0x0  }
0xce: {  	s3 =	rddreg [dreg:$0x2];
	[bflag:$0x3] =	sbarrier.arrive $0xFFFF;
	s2 =	simm.s32 @!p0 $0x1C03  }
0xcf: {  	[timem:s3], [sflag:s2] =	dma.local @!p0 [hbm:s0], s1  }
0xd0: {  	s0 =	simm.s32 @!p0 $0x3  }
0xd1: {  	_ =	swait.ge @!p0 [sflag:s0], s1  }
0xd2: {  	s1 =	ssub.s32 @!p0 $0x0, s1;
	[sflag:s0] =	ssyncset.done @!p0 $0x0  }
0xd3: {  	[sflag:s0] =	ssyncadd.s32 @!p0 s1  }
0xd4: {  	[bflag:$0x3] =	sbarrier.arrive $0xFFFF  }
0xd5: {  	_ =	shalt  }

</sc_bundles>
